<compile_context>
chip_gen: v7x
topology: tpu7x:2x2x1
jax: 0.10.2.dev20260603
libtpu: 0.0.44.dev20260713+nightly
codegen_flags: <defaults>
</compile_context>

<pallas_src>
import functools

import jax
import jax.numpy as jnp
from jax import lax
from jax.experimental import pallas as pl
from jax.experimental.pallas import tpu as pltpu
from jax.experimental.pallas import tpu_sc as plsc

TOPK_K = 128
LANES = 16
N_IMG = 36
N_IMG_TOT = 64
N_CHAN = 384
SPAT = 576
ROWS2 = N_IMG * SPAT
CB = 64
NGB = CB // LANES
CBLOCKS = N_CHAN // CB
N_WORKERS = 32
TASKS_TOT = N_IMG * CBLOCKS
TASKS_PER_W = -(-TASKS_TOT // N_WORKERS)
UNROLL = 16
SP_ITERS = SPAT // UNROLL
INT_MIN32 = -(2**31)


def _sc_body(x_hbm, o_hbm, buf):
    c = lax.axis_index("c")
    s = lax.axis_index("s")
    wid = s * 2 + c

    zeros = jnp.zeros((LANES,), jnp.int32)
    ones = jnp.full((LANES,), 1, jnp.int32)
    kvec = jnp.full((LANES,), TOPK_K, jnp.int32)

    def task_body(ti, carry):
        t = ti * N_WORKERS + wid

        @pl.when(t < TASKS_TOT)
        def _task():
            _run_task(t)

        return carry

    def _run_task(t):
        n = t // CBLOCKS
        cb = t - n * CBLOCKS
        r0 = n * SPAT
        c0 = cb * CB
        pltpu.sync_copy(x_hbm.at[pl.ds(r0, SPAT), pl.ds(c0, CB)], buf)

        def key_body(it, kc):
            sp0 = it * UNROLL
            for u in range(UNROLL):
                for g in range(NGB):
                    b = buf[sp0 + u, pl.ds(g * LANES, LANES)]
                    buf[sp0 + u, pl.ds(g * LANES, LANES)] = b ^ (
                        (b >> 31) & jnp.int32(0x7FFFFFFF)
                    )
            return kc

        lax.fori_loop(0, SP_ITERS, key_body, 0)

        def bit_body(i, tbs):
            cand_b = [tb | ones << (31 - i) for tb in tbs]
            cand = [cb_ ^ INT_MIN32 for cb_ in cand_b]

            def cnt_body(it, cnts):
                sp0 = it * UNROLL
                new = list(cnts)
                for u in range(UNROLL):
                    for g in range(NGB):
                        kj = buf[sp0 + u, pl.ds(g * LANES, LANES)]
                        new[g] = new[g] + jnp.where(
                            kj >= cand[g], ones, zeros
                        )
                return tuple(new)

            cnts = lax.fori_loop(
                0, SP_ITERS, cnt_body, (zeros,) * NGB
            )
            return tuple(
                jnp.where(cnts[g] >= kvec, cand_b[g], tbs[g])
                for g in range(NGB)
            )

        tbs = lax.fori_loop(0, 32, bit_body, (zeros,) * NGB)
        tsig = [tb ^ INT_MIN32 for tb in tbs]

        def apply_body(it, ac):
            sp0 = it * UNROLL
            for u in range(UNROLL):
                for g in range(NGB):
                    kj = buf[sp0 + u, pl.ds(g * LANES, LANES)]
                    b = kj ^ ((kj >> 31) & jnp.int32(0x7FFFFFFF))
                    keep = kj >= tsig[g]
                    buf[sp0 + u, pl.ds(g * LANES, LANES)] = jnp.where(
                        keep, b, zeros
                    )
            return ac

        lax.fori_loop(0, SP_ITERS, apply_body, 0)
        pltpu.sync_copy(buf, o_hbm.at[pl.ds(r0, SPAT), pl.ds(c0, CB)])

    lax.fori_loop(0, TASKS_PER_W, task_body, 0)


@jax.jit
def _sc_sparsify(xt):
    mesh = plsc.VectorSubcoreMesh(core_axis_name="c", subcore_axis_name="s")
    fn = pl.kernel(
        _sc_body,
        out_type=jax.ShapeDtypeStruct((ROWS2, N_CHAN), jnp.int32),
        mesh=mesh,
        compiler_params=pltpu.CompilerParams(
            needs_layout_passes=False, use_tc_tiling_on_sc=False
        ),
        scratch_types=[pltpu.VMEM((SPAT, CB), jnp.int32)],
    )
    return fn(xt)




def _tc_body(x_ref, o_ref):
    b = x_ref[...]
    ub = lax.bitcast_convert_type(b, jnp.uint32)
    ukey = jnp.where(b < 0, ~ub, ub | jnp.uint32(0x80000000))

    def bit_step(i, t):
        bit = jnp.uint32(31) - i.astype(jnp.uint32)
        cand = t | (jnp.uint32(1) << bit)
        cnt = jnp.sum((ukey >= cand).astype(jnp.int32), axis=0, keepdims=True)
        return jnp.where(cnt >= TOPK_K, cand, t)

    t0 = jnp.zeros((1, N_CHAN), jnp.uint32)
    t = lax.fori_loop(0, 32, bit_step, t0)
    o_ref[...] = jnp.where(ukey >= t, b, 0)


def _tc_sparsify(xt):
    rows = xt.shape[0]
    return pl.pallas_call(
        _tc_body,
        grid=(rows // SPAT,),
        in_specs=[pl.BlockSpec((SPAT, N_CHAN), lambda i: (i, 0))],
        out_specs=pl.BlockSpec((SPAT, N_CHAN), lambda i: (i, 0)),
        out_shape=jax.ShapeDtypeStruct((rows, N_CHAN), xt.dtype),
    )(xt)


def kernel(x):
    n, c, h, w = x.shape
    xi = lax.bitcast_convert_type(x, jnp.int32)
    xt = jnp.transpose(xi, (0, 2, 3, 1)).reshape(n * h * w, c)
    sc = _sc_sparsify(xt[: N_IMG * SPAT])
    tc = _tc_sparsify(xt[N_IMG * SPAT :])
    ot = jnp.concatenate([sc, tc], axis=0).reshape(n, h, w, c)
    out = jnp.transpose(ot, (0, 3, 1, 2))
    return lax.bitcast_convert_type(out, jnp.float32)

# --- scband reference (transcript-rebuilt; emitter-appended) ---
"""Pipeline reference for scband-sparsify-hw-16716012716142 (READ-ONLY COPY).

The authoritative reference and input builder live on the scoring server;
editing this copy changes nothing except your own understanding.
"""

import jax, jax.numpy as jnp
import numpy as np

TOPK = 128

def setup_inputs(seed: int = 0) -> dict:
    key = jax.random.key(seed)
    x = jax.random.normal(key, (64, 384, 24, 24), dtype=jnp.float32)
    return {"x": x}

def reference(x):
    n, c, h, w = x.shape
    x_reshape = x.reshape(n, c, h * w)
    # top-k over the flattened spatial dimension
    _, index = jax.lax.top_k(x_reshape, TOPK)
    # scatter 1.0 into a zero mask at the top-k positions along dim 2
    bi = jnp.arange(n)[:, None, None]
    ci = jnp.arange(c)[None, :, None]
    mask = jnp.zeros_like(x_reshape).at[bi, ci, index].set(1.0)
    sparse_x = mask * x_reshape
    return sparse_x.reshape(n, c, h, w)

if __name__ == "__main__":
    import jax
    _d = setup_inputs()
    print(jax.jit(kernel)(*tuple(_d.values())))

</pallas_src>

<mosaic_0001>
#map = affine_map<(d0, d1) -> (0, 0)>
module attributes {stable_mosaic.version = 14 : i64} {
  func.func @_sc_body(%arg0: i32, %arg1: i32, %arg2: memref<20736x384xi32, #tpu.memory_space<hbm>>, %arg3: memref<20736x384xi32, #tpu.memory_space<hbm>>, %arg4: memref<576x64xi32, #tpu.memory_space<vmem>>) attributes {dimension_semantics = [#tpu.dimension_semantics<core_parallel>, #tpu.dimension_semantics<subcore_parallel>], iteration_bounds = array<i64: 2, 16>, scalar_prefetch = 0 : i64, scratch_operands = 1 : i64, tpu.core_type = #tpu.core_type<sc_vector_subcore>, window_params = [{transform_indices = #map}, {transform_indices = #map}]} {
    %mul3A = arith.constant 2 : i32
    %mul3A_0 = arith.muli %arg1, %mul3A : i32
    %add3A = arith.addi %mul3A_0, %arg0 : i32
    %broadcast_in_dim3A = arith.constant 0 : i32
    %broadcast_in_dim3A_1 = vector.broadcast %broadcast_in_dim3A : i32 to vector<16xi32>
    %broadcast_in_dim3A_2 = arith.constant 1 : i32
    %broadcast_in_dim3A_3 = vector.broadcast %broadcast_in_dim3A_2 : i32 to vector<16xi32>
    %broadcast_in_dim3A_4 = arith.constant 128 : i32
    %broadcast_in_dim3A_5 = vector.broadcast %broadcast_in_dim3A_4 : i32 to vector<16xi32>
    %scan3A = arith.constant 0 : i32
    %scan3A_6 = arith.constant 0 : i32
    %scan3A_7 = arith.constant 7 : i32
    %scan3A_8 = arith.addi %scan3A_6, %scan3A_7 : i32
    %scan3A_9 = arith.constant 1 : i32
    scf.for %scan3A_11 = %scan3A_6 to %scan3A_8 step %scan3A_9  : i32 {
      %mul3A_12 = arith.constant 32 : i32
      %mul3A_13 = arith.muli %scan3A_11, %mul3A_12 : i32
      %add3A_14 = arith.addi %mul3A_13, %add3A : i32
      %lt3A = arith.constant 216 : i32
      %lt3A_15 = arith.cmpi slt, %add3A_14, %lt3A : i32
      %convert_element_type3A = arith.extui %lt3A_15 : i1 to i32
      %cond3A = arith.constant 0 : i32
      %cond3A_16 = arith.cmpi ne, %convert_element_type3A, %cond3A : i32
      scf.if %cond3A_16 {
        %jit3A = arith.constant 6 : i32
        %div3A = arith.divsi %add3A_14, %jit3A : i32
        %sign3A = arith.constant 0 : i32
        %sign3A_17 = arith.cmpi sgt, %add3A_14, %sign3A : i32
        %sign3A_18 = arith.extui %sign3A_17 : i1 to i32
        %sign3A_19 = arith.constant 0 : i32
        %sign3A_20 = arith.cmpi slt, %add3A_14, %sign3A_19 : i32
        %sign3A_21 = arith.extui %sign3A_20 : i1 to i32
        %sign3A_22 = arith.subi %sign3A_18, %sign3A_21 : i32
        %sign3A_23 = arith.constant 0 : i32
        %sign3A_24 = arith.cmpi sgt, %jit3A, %sign3A_23 : i32
        %sign3A_25 = arith.extui %sign3A_24 : i1 to i32
        %sign3A_26 = arith.constant 0 : i32
        %sign3A_27 = arith.cmpi slt, %jit3A, %sign3A_26 : i32
        %sign3A_28 = arith.extui %sign3A_27 : i1 to i32
        %sign3A_29 = arith.subi %sign3A_25, %sign3A_28 : i32
        %ne3A = arith.cmpi ne, %sign3A_22, %sign3A_29 : i32
        %rem3A = arith.remsi %add3A_14, %jit3A : i32
        %ne3A_30 = arith.constant 0 : i32
        %ne3A_31 = arith.cmpi ne, %rem3A, %ne3A_30 : i32
        %and3A = arith.andi %ne3A, %ne3A_31 : i1
        %sub3A = arith.constant 1 : i32
        %sub3A_32 = arith.subi %div3A, %sub3A : i32
        %select_n3A = arith.select %and3A, %sub3A_32, %div3A : i32
        %mul3A_33 = arith.constant 6 : i32
        %mul3A_34 = arith.muli %select_n3A, %mul3A_33 : i32
        %sub3A_35 = arith.subi %add3A_14, %mul3A_34 : i32
        %mul3A_36 = arith.constant 576 : i32
        %mul3A_37 = arith.muli %select_n3A, %mul3A_36 : i32
        %mul3A_38 = arith.constant 64 : i32
        %mul3A_39 = arith.muli %sub3A_35, %mul3A_38 : i32
        "tpu.region"() ({
          %run_scoped3A = tpu.sem_alloc : memref<!tpu.dma_semaphore, #tpu.memory_space<semaphore_mem>>
          %dma_start3A = tpu.memref_slice %arg2[%mul3A_37, %mul3A_39] : memref<20736x384xi32, #tpu.memory_space<hbm>> -> memref<576x64xi32, #tpu.memory_space<hbm>>
          %dma_start3A_69 = tpu.memref_slice %arg2[%mul3A_37, %mul3A_39] : memref<20736x384xi32, #tpu.memory_space<hbm>> -> memref<576x64xi32, #tpu.memory_space<hbm>>
          tpu.enqueue_dma source(%dma_start3A_69 : memref<576x64xi32, #tpu.memory_space<hbm>>) target(%arg4 : memref<576x64xi32, #tpu.memory_space<vmem>>) target_semaphore(%run_scoped3A : memref<!tpu.dma_semaphore, #tpu.memory_space<semaphore_mem>>)
          %dma_wait3A = tpu.memref_slice %arg2[%mul3A_37, %mul3A_39] : memref<20736x384xi32, #tpu.memory_space<hbm>> -> memref<576x64xi32, #tpu.memory_space<hbm>>
          %dma_wait3A_70 = tpu.memref_slice %arg2[%mul3A_37, %mul3A_39] : memref<20736x384xi32, #tpu.memory_space<hbm>> -> memref<576x64xi32, #tpu.memory_space<hbm>>
          tpu.wait_dma2 semaphore(%run_scoped3A : memref<!tpu.dma_semaphore, #tpu.memory_space<semaphore_mem>>) src(%dma_wait3A_70 : memref<576x64xi32, #tpu.memory_space<hbm>>) dst(%arg4 : memref<576x64xi32, #tpu.memory_space<vmem>>)
          tpu.yield
        }) : () -> ()
        %scan3A_40 = arith.constant 0 : i32
        %scan3A_41 = arith.constant 0 : i32
        %scan3A_42 = arith.constant 36 : i32
        %scan3A_43 = arith.addi %scan3A_41, %scan3A_42 : i32
        %scan3A_44 = arith.constant 1 : i32
        scf.for %scan3A_69 = %scan3A_41 to %scan3A_43 step %scan3A_44  : i32 {
          %mul3A_70 = arith.constant 16 : i32
          %mul3A_71 = arith.muli %scan3A_69, %mul3A_70 : i32
          %add3A_72 = arith.constant 0 : i32
          %add3A_73 = arith.addi %mul3A_71, %add3A_72 : i32
          %get3A = arith.index_cast %add3A_73 : i32 to index
          %get3A_74 = arith.constant 0 : index
          %get3A_75 = tpu.vector_load %arg4[%get3A, %get3A_74] {strides = array<i32>} : memref<576x64xi32, #tpu.memory_space<vmem>>, vector<16xi32>,
          %shift_right_arithmetic3A = arith.constant 31 : i32
          %shift_right_arithmetic3A_76 = vector.broadcast %shift_right_arithmetic3A : i32 to vector<16xi32>
          %shift_right_arithmetic3A_77 = arith.shrsi %get3A_75, %shift_right_arithmetic3A_76 : vector<16xi32>
          %and3A_78 = arith.constant 2147483647 : i32
          %and3A_79 = vector.broadcast %and3A_78 : i32 to vector<16xi32>
          %and3A_80 = arith.andi %shift_right_arithmetic3A_77, %and3A_79 : vector<16xi32>
          %xor3A_81 = arith.xori %get3A_75, %and3A_80 : vector<16xi32>
          %add3A_82 = arith.constant 0 : i32
          %add3A_83 = arith.addi %mul3A_71, %add3A_82 : i32
          %swap3A = arith.index_cast %add3A_83 : i32 to index
          %swap3A_84 = arith.constant 0 : index
          %swap3A_85 = tpu.vector_load %arg4[%swap3A, %swap3A_84] {strides = array<i32>} : memref<576x64xi32, #tpu.memory_space<vmem>>, vector<16xi32>,
          tpu.vector_store %arg4[%swap3A, %swap3A_84], %xor3A_81 {strides = array<i32>} : memref<576x64xi32, #tpu.memory_space<vmem>>, vector<16xi32>,
          %add3A_86 = arith.constant 0 : i32
          %add3A_87 = arith.addi %mul3A_71, %add3A_86 : i32
          %get3A_88 = arith.index_cast %add3A_87 : i32 to index
          %get3A_89 = arith.constant 16 : index
          %get3A_90 = tpu.vector_load %arg4[%get3A_88, %get3A_89] {strides = array<i32>} : memref<576x64xi32, #tpu.memory_space<vmem>>, vector<16xi32>,
          %shift_right_arithmetic3A_91 = arith.constant 31 : i32
          %shift_right_arithmetic3A_92 = vector.broadcast %shift_right_arithmetic3A_91 : i32 to vector<16xi32>
          %shift_right_arithmetic3A_93 = arith.shrsi %get3A_90, %shift_right_arithmetic3A_92 : vector<16xi32>
          %and3A_94 = arith.constant 2147483647 : i32
          %and3A_95 = vector.broadcast %and3A_94 : i32 to vector<16xi32>
          %and3A_96 = arith.andi %shift_right_arithmetic3A_93, %and3A_95 : vector<16xi32>
          %xor3A_97 = arith.xori %get3A_90, %and3A_96 : vector<16xi32>
          %add3A_98 = arith.constant 0 : i32
          %add3A_99 = arith.addi %mul3A_71, %add3A_98 : i32
          %swap3A_100 = arith.index_cast %add3A_99 : i32 to index
          %swap3A_101 = arith.constant 16 : index
          %swap3A_102 = tpu.vector_load %arg4[%swap3A_100, %swap3A_101] {strides = array<i32>} : memref<576x64xi32, #tpu.memory_space<vmem>>, vector<16xi32>,
          tpu.vector_store %arg4[%swap3A_100, %swap3A_101], %xor3A_97 {strides = array<i32>} : memref<576x64xi32, #tpu.memory_space<vmem>>, vector<16xi32>,
          %add3A_103 = arith.constant 0 : i32
          %add3A_104 = arith.addi %mul3A_71, %add3A_103 : i32
          %get3A_105 = arith.index_cast %add3A_104 : i32 to index
          %get3A_106 = arith.constant 32 : index
          %get3A_107 = tpu.vector_load %arg4[%get3A_105, %get3A_106] {strides = array<i32>} : memref<576x64xi32, #tpu.memory_space<vmem>>, vector<16xi32>,
          %shift_right_arithmetic3A_108 = arith.constant 31 : i32
          %shift_right_arithmetic3A_109 = vector.broadcast %shift_right_arithmetic3A_108 : i32 to vector<16xi32>
          %shift_right_arithmetic3A_110 = arith.shrsi %get3A_107, %shift_right_arithmetic3A_109 : vector<16xi32>
          %and3A_111 = arith.constant 2147483647 : i32
          %and3A_112 = vector.broadcast %and3A_111 : i32 to vector<16xi32>
          %and3A_113 = arith.andi %shift_right_arithmetic3A_110, %and3A_112 : vector<16xi32>
          %xor3A_114 = arith.xori %get3A_107, %and3A_113 : vector<16xi32>
          %add3A_115 = arith.constant 0 : i32
          %add3A_116 = arith.addi %mul3A_71, %add3A_115 : i32
          %swap3A_117 = arith.index_cast %add3A_116 : i32 to index
          %swap3A_118 = arith.constant 32 : index
          %swap3A_119 = tpu.vector_load %arg4[%swap3A_117, %swap3A_118] {strides = array<i32>} : memref<576x64xi32, #tpu.memory_space<vmem>>, vector<16xi32>,
          tpu.vector_store %arg4[%swap3A_117, %swap3A_118], %xor3A_114 {strides = array<i32>} : memref<576x64xi32, #tpu.memory_space<vmem>>, vector<16xi32>,
          %add3A_120 = arith.constant 0 : i32
          %add3A_121 = arith.addi %mul3A_71, %add3A_120 : i32
          %get3A_122 = arith.index_cast %add3A_121 : i32 to index
          %get3A_123 = arith.constant 48 : index
          %get3A_124 = tpu.vector_load %arg4[%get3A_122, %get3A_123] {strides = array<i32>} : memref<576x64xi32, #tpu.memory_space<vmem>>, vector<16xi32>,
          %shift_right_arithmetic3A_125 = arith.constant 31 : i32
          %shift_right_arithmetic3A_126 = vector.broadcast %shift_right_arithmetic3A_125 : i32 to vector<16xi32>
          %shift_right_arithmetic3A_127 = arith.shrsi %get3A_124, %shift_right_arithmetic3A_126 : vector<16xi32>
          %and3A_128 = arith.constant 2147483647 : i32
          %and3A_129 = vector.broadcast %and3A_128 : i32 to vector<16xi32>
          %and3A_130 = arith.andi %shift_right_arithmetic3A_127, %and3A_129 : vector<16xi32>
          %xor3A_131 = arith.xori %get3A_124, %and3A_130 : vector<16xi32>
          %add3A_132 = arith.constant 0 : i32
          %add3A_133 = arith.addi %mul3A_71, %add3A_132 : i32
          %swap3A_134 = arith.index_cast %add3A_133 : i32 to index
          %swap3A_135 = arith.constant 48 : index
          %swap3A_136 = tpu.vector_load %arg4[%swap3A_134, %swap3A_135] {strides = array<i32>} : memref<576x64xi32, #tpu.memory_space<vmem>>, vector<16xi32>,
          tpu.vector_store %arg4[%swap3A_134, %swap3A_135], %xor3A_131 {strides = array<i32>} : memref<576x64xi32, #tpu.memory_space<vmem>>, vector<16xi32>,
          %add3A_137 = arith.constant 1 : i32
          %add3A_138 = arith.addi %mul3A_71, %add3A_137 : i32
          %get3A_139 = arith.index_cast %add3A_138 : i32 to index
          %get3A_140 = arith.constant 0 : index
          %get3A_141 = tpu.vector_load %arg4[%get3A_139, %get3A_140] {strides = array<i32>} : memref<576x64xi32, #tpu.memory_space<vmem>>, vector<16xi32>,
          %shift_right_arithmetic3A_142 = arith.constant 31 : i32
          %shift_right_arithmetic3A_143 = vector.broadcast %shift_right_arithmetic3A_142 : i32 to vector<16xi32>
          %shift_right_arithmetic3A_144 = arith.shrsi %get3A_141, %shift_right_arithmetic3A_143 : vector<16xi32>
          %and3A_145 = arith.constant 2147483647 : i32
          %and3A_146 = vector.broadcast %and3A_145 : i32 to vector<16xi32>
          %and3A_147 = arith.andi %shift_right_arithmetic3A_144, %and3A_146 : vector<16xi32>
          %xor3A_148 = arith.xori %get3A_141, %and3A_147 : vector<16xi32>
          %add3A_149 = arith.constant 1 : i32
          %add3A_150 = arith.addi %mul3A_71, %add3A_149 : i32
          %swap3A_151 = arith.index_cast %add3A_150 : i32 to index
          %swap3A_152 = arith.constant 0 : index
          %swap3A_153 = tpu.vector_load %arg4[%swap3A_151, %swap3A_152] {strides = array<i32>} : memref<576x64xi32, #tpu.memory_space<vmem>>, vector<16xi32>,
          tpu.vector_store %arg4[%swap3A_151, %swap3A_152], %xor3A_148 {strides = array<i32>} : memref<576x64xi32, #tpu.memory_space<vmem>>, vector<16xi32>,
          %add3A_154 = arith.constant 1 : i32
          %add3A_155 = arith.addi %mul3A_71, %add3A_154 : i32
          %get3A_156 = arith.index_cast %add3A_155 : i32 to index
          %get3A_157 = arith.constant 16 : index
          %get3A_158 = tpu.vector_load %arg4[%get3A_156, %get3A_157] {strides = array<i32>} : memref<576x64xi32, #tpu.memory_space<vmem>>, vector<16xi32>,
          %shift_right_arithmetic3A_159 = arith.constant 31 : i32
          %shift_right_arithmetic3A_160 = vector.broadcast %shift_right_arithmetic3A_159 : i32 to vector<16xi32>
          %shift_right_arithmetic3A_161 = arith.shrsi %get3A_158, %shift_right_arithmetic3A_160 : vector<16xi32>
          %and3A_162 = arith.constant 2147483647 : i32
          %and3A_163 = vector.broadcast %and3A_162 : i32 to vector<16xi32>
          %and3A_164 = arith.andi %shift_right_arithmetic3A_161, %and3A_163 : vector<16xi32>
          %xor3A_165 = arith.xori %get3A_158, %and3A_164 : vector<16xi32>
          %add3A_166 = arith.constant 1 : i32
          %add3A_167 = arith.addi %mul3A_71, %add3A_166 : i32
          %swap3A_168 = arith.index_cast %add3A_167 : i32 to index
          %swap3A_169 = arith.constant 16 : index
          %swap3A_170 = tpu.vector_load %arg4[%swap3A_168, %swap3A_169] {strides = array<i32>} : memref<576x64xi32, #tpu.memory_space<vmem>>, vector<16xi32>,
          tpu.vector_store %arg4[%swap3A_168, %swap3A_169], %xor3A_165 {strides = array<i32>} : memref<576x64xi32, #tpu.memory_space<vmem>>, vector<16xi32>,
          %add3A_171 = arith.constant 1 : i32
          %add3A_172 = arith.addi %mul3A_71, %add3A_171 : i32
          %get3A_173 = arith.index_cast %add3A_172 : i32 to index
          %get3A_174 = arith.constant 32 : index
          %get3A_175 = tpu.vector_load %arg4[%get3A_173, %get3A_174] {strides = array<i32>} : memref<576x64xi32, #tpu.memory_space<vmem>>, vector<16xi32>,
          %shift_right_arithmetic3A_176 = arith.constant 31 : i32
          %shift_right_arithmetic3A_177 = vector.broadcast %shift_right_arithmetic3A_176 : i32 to vector<16xi32>
          %shift_right_arithmetic3A_178 = arith.shrsi %get3A_175, %shift_right_arithmetic3A_177 : vector<16xi32>
          %and3A_179 = arith.constant 2147483647 : i32
          %and3A_180 = vector.broadcast %and3A_179 : i32 to vector<16xi32>
          %and3A_181 = arith.andi %shift_right_arithmetic3A_178, %and3A_180 : vector<16xi32>
          %xor3A_182 = arith.xori %get3A_175, %and3A_181 : vector<16xi32>
          %add3A_183 = arith.constant 1 : i32
          %add3A_184 = arith.addi %mul3A_71, %add3A_183 : i32
          %swap3A_185 = arith.index_cast %add3A_184 : i32 to index
          %swap3A_186 = arith.constant 32 : index
          %swap3A_187 = tpu.vector_load %arg4[%swap3A_185, %swap3A_186] {strides = array<i32>} : memref<576x64xi32, #tpu.memory_space<vmem>>, vector<16xi32>,
          tpu.vector_store %arg4[%swap3A_185, %swap3A_186], %xor3A_182 {strides = array<i32>} : memref<576x64xi32, #tpu.memory_space<vmem>>, vector<16xi32>,
          %add3A_188 = arith.constant 1 : i32
          %add3A_189 = arith.addi %mul3A_71, %add3A_188 : i32
          %get3A_190 = arith.index_cast %add3A_189 : i32 to index
          %get3A_191 = arith.constant 48 : index
          %get3A_192 = tpu.vector_load %arg4[%get3A_190, %get3A_191] {strides = array<i32>} : memref<576x64xi32, #tpu.memory_space<vmem>>, vector<16xi32>,
          %shift_right_arithmetic3A_193 = arith.constant 31 : i32
          %shift_right_arithmetic3A_194 = vector.broadcast %shift_right_arithmetic3A_193 : i32 to vector<16xi32>
          %shift_right_arithmetic3A_195 = arith.shrsi %get3A_192, %shift_right_arithmetic3A_194 : vector<16xi32>
          %and3A_196 = arith.constant 2147483647 : i32
          %and3A_197 = vector.broadcast %and3A_196 : i32 to vector<16xi32>
          %and3A_198 = arith.andi %shift_right_arithmetic3A_195, %and3A_197 : vector<16xi32>
          %xor3A_199 = arith.xori %get3A_192, %and3A_198 : vector<16xi32>
          %add3A_200 = arith.constant 1 : i32
          %add3A_201 = arith.addi %mul3A_71, %add3A_200 : i32
          %swap3A_202 = arith.index_cast %add3A_201 : i32 to index
          %swap3A_203 = arith.constant 48 : index
          %swap3A_204 = tpu.vector_load %arg4[%swap3A_202, %swap3A_203] {strides = array<i32>} : memref<576x64xi32, #tpu.memory_space<vmem>>, vector<16xi32>,
          tpu.vector_store %arg4[%swap3A_202, %swap3A_203], %xor3A_199 {strides = array<i32>} : memref<576x64xi32, #tpu.memory_space<vmem>>, vector<16xi32>,
          %add3A_205 = arith.constant 2 : i32
          %add3A_206 = arith.addi %mul3A_71, %add3A_205 : i32
          %get3A_207 = arith.index_cast %add3A_206 : i32 to index
          %get3A_208 = arith.constant 0 : index
          %get3A_209 = tpu.vector_load %arg4[%get3A_207, %get3A_208] {strides = array<i32>} : memref<576x64xi32, #tpu.memory_space<vmem>>, vector<16xi32>,
          %shift_right_arithmetic3A_210 = arith.constant 31 : i32
          %shift_right_arithmetic3A_211 = vector.broadcast %shift_right_arithmetic3A_210 : i32 to vector<16xi32>
          %shift_right_arithmetic3A_212 = arith.shrsi %get3A_209, %shift_right_arithmetic3A_211 : vector<16xi32>
          %and3A_213 = arith.constant 2147483647 : i32
          %and3A_214 = vector.broadcast %and3A_213 : i32 to vector<16xi32>
          %and3A_215 = arith.andi %shift_right_arithmetic3A_212, %and3A_214 : vector<16xi32>
          %xor3A_216 = arith.xori %get3A_209, %and3A_215 : vector<16xi32>
          %add3A_217 = arith.constant 2 : i32
          %add3A_218 = arith.addi %mul3A_71, %add3A_217 : i32
          %swap3A_219 = arith.index_cast %add3A_218 : i32 to index
          %swap3A_220 = arith.constant 0 : index
          %swap3A_221 = tpu.vector_load %arg4[%swap3A_219, %swap3A_220] {strides = array<i32>} : memref<576x64xi32, #tpu.memory_space<vmem>>, vector<16xi32>,
          tpu.vector_store %arg4[%swap3A_219, %swap3A_220], %xor3A_216 {strides = array<i32>} : memref<576x64xi32, #tpu.memory_space<vmem>>, vector<16xi32>,
          %add3A_222 = arith.constant 2 : i32
          %add3A_223 = arith.addi %mul3A_71, %add3A_222 : i32
          %get3A_224 = arith.index_cast %add3A_223 : i32 to index
          %get3A_225 = arith.constant 16 : index
          %get3A_226 = tpu.vector_load %arg4[%get3A_224, %get3A_225] {strides = array<i32>} : memref<576x64xi32, #tpu.memory_space<vmem>>, vector<16xi32>,
          %shift_right_arithmetic3A_227 = arith.constant 31 : i32
          %shift_right_arithmetic3A_228 = vector.broadcast %shift_right_arithmetic3A_227 : i32 to vector<16xi32>
          %shift_right_arithmetic3A_229 = arith.shrsi %get3A_226, %shift_right_arithmetic3A_228 : vector<16xi32>
          %and3A_230 = arith.constant 2147483647 : i32
          %and3A_231 = vector.broadcast %and3A_230 : i32 to vector<16xi32>
          %and3A_232 = arith.andi %shift_right_arithmetic3A_229, %and3A_231 : vector<16xi32>
          %xor3A_233 = arith.xori %get3A_226, %and3A_232 : vector<16xi32>
          %add3A_234 = arith.constant 2 : i32
          %add3A_235 = arith.addi %mul3A_71, %add3A_234 : i32
          %swap3A_236 = arith.index_cast %add3A_235 : i32 to index
          %swap3A_237 = arith.constant 16 : index
          %swap3A_238 = tpu.vector_load %arg4[%swap3A_236, %swap3A_237] {strides = array<i32>} : memref<576x64xi32, #tpu.memory_space<vmem>>, vector<16xi32>,
          tpu.vector_store %arg4[%swap3A_236, %swap3A_237], %xor3A_233 {strides = array<i32>} : memref<576x64xi32, #tpu.memory_space<vmem>>, vector<16xi32>,
          %add3A_239 = arith.constant 2 : i32
          %add3A_240 = arith.addi %mul3A_71, %add3A_239 : i32
          %get3A_241 = arith.index_cast %add3A_240 : i32 to index
          %get3A_242 = arith.constant 32 : index
          %get3A_243 = tpu.vector_load %arg4[%get3A_241, %get3A_242] {strides = array<i32>} : memref<576x64xi32, #tpu.memory_space<vmem>>, vector<16xi32>,
          %shift_right_arithmetic3A_244 = arith.constant 31 : i32
          %shift_right_arithmetic3A_245 = vector.broadcast %shift_right_arithmetic3A_244 : i32 to vector<16xi32>
          %shift_right_arithmetic3A_246 = arith.shrsi %get3A_243, %shift_right_arithmetic3A_245 : vector<16xi32>
          %and3A_247 = arith.constant 2147483647 : i32
          %and3A_248 = vector.broadcast %and3A_247 : i32 to vector<16xi32>
          %and3A_249 = arith.andi %shift_right_arithmetic3A_246, %and3A_248 : vector<16xi32>
          %xor3A_250 = arith.xori %get3A_243, %and3A_249 : vector<16xi32>
          %add3A_251 = arith.constant 2 : i32
          %add3A_252 = arith.addi %mul3A_71, %add3A_251 : i32
          %swap3A_253 = arith.index_cast %add3A_252 : i32 to index
          %swap3A_254 = arith.constant 32 : index
          %swap3A_255 = tpu.vector_load %arg4[%swap3A_253, %swap3A_254] {strides = array<i32>} : memref<576x64xi32, #tpu.memory_space<vmem>>, vector<16xi32>,
          tpu.vector_store %arg4[%swap3A_253, %swap3A_254], %xor3A_250 {strides = array<i32>} : memref<576x64xi32, #tpu.memory_space<vmem>>, vector<16xi32>,
          %add3A_256 = arith.constant 2 : i32
          %add3A_257 = arith.addi %mul3A_71, %add3A_256 : i32
          %get3A_258 = arith.index_cast %add3A_257 : i32 to index
          %get3A_259 = arith.constant 48 : index
          %get3A_260 = tpu.vector_load %arg4[%get3A_258, %get3A_259] {strides = array<i32>} : memref<576x64xi32, #tpu.memory_space<vmem>>, vector<16xi32>,
          %shift_right_arithmetic3A_261 = arith.constant 31 : i32
          %shift_right_arithmetic3A_262 = vector.broadcast %shift_right_arithmetic3A_261 : i32 to vector<16xi32>
          %shift_right_arithmetic3A_263 = arith.shrsi %get3A_260, %shift_right_arithmetic3A_262 : vector<16xi32>
          %and3A_264 = arith.constant 2147483647 : i32
          %and3A_265 = vector.broadcast %and3A_264 : i32 to vector<16xi32>
          %and3A_266 = arith.andi %shift_right_arithmetic3A_263, %and3A_265 : vector<16xi32>
          %xor3A_267 = arith.xori %get3A_260, %and3A_266 : vector<16xi32>
          %add3A_268 = arith.constant 2 : i32
          %add3A_269 = arith.addi %mul3A_71, %add3A_268 : i32
          %swap3A_270 = arith.index_cast %add3A_269 : i32 to index
          %swap3A_271 = arith.constant 48 : index
          %swap3A_272 = tpu.vector_load %arg4[%swap3A_270, %swap3A_271] {strides = array<i32>} : memref<576x64xi32, #tpu.memory_space<vmem>>, vector<16xi32>,
          tpu.vector_store %arg4[%swap3A_270, %swap3A_271], %xor3A_267 {strides = array<i32>} : memref<576x64xi32, #tpu.memory_space<vmem>>, vector<16xi32>,
          %add3A_273 = arith.constant 3 : i32
          %add3A_274 = arith.addi %mul3A_71, %add3A_273 : i32
          %get3A_275 = arith.index_cast %add3A_274 : i32 to index
          %get3A_276 = arith.constant 0 : index
          %get3A_277 = tpu.vector_load %arg4[%get3A_275, %get3A_276] {strides = array<i32>} : memref<576x64xi32, #tpu.memory_space<vmem>>, vector<16xi32>,
          %shift_right_arithmetic3A_278 = arith.constant 31 : i32
          %shift_right_arithmetic3A_279 = vector.broadcast %shift_right_arithmetic3A_278 : i32 to vector<16xi32>
          %shift_right_arithmetic3A_280 = arith.shrsi %get3A_277, %shift_right_arithmetic3A_279 : vector<16xi32>
          %and3A_281 = arith.constant 2147483647 : i32
          %and3A_282 = vector.broadcast %and3A_281 : i32 to vector<16xi32>
          %and3A_283 = arith.andi %shift_right_arithmetic3A_280, %and3A_282 : vector<16xi32>
          %xor3A_284 = arith.xori %get3A_277, %and3A_283 : vector<16xi32>
          %add3A_285 = arith.constant 3 : i32
          %add3A_286 = arith.addi %mul3A_71, %add3A_285 : i32
          %swap3A_287 = arith.index_cast %add3A_286 : i32 to index
          %swap3A_288 = arith.constant 0 : index
          %swap3A_289 = tpu.vector_load %arg4[%swap3A_287, %swap3A_288] {strides = array<i32>} : memref<576x64xi32, #tpu.memory_space<vmem>>, vector<16xi32>,
          tpu.vector_store %arg4[%swap3A_287, %swap3A_288], %xor3A_284 {strides = array<i32>} : memref<576x64xi32, #tpu.memory_space<vmem>>, vector<16xi32>,
          %add3A_290 = arith.constant 3 : i32
          %add3A_291 = arith.addi %mul3A_71, %add3A_290 : i32
          %get3A_292 = arith.index_cast %add3A_291 : i32 to index
          %get3A_293 = arith.constant 16 : index
          %get3A_294 = tpu.vector_load %arg4[%get3A_292, %get3A_293] {strides = array<i32>} : memref<576x64xi32, #tpu.memory_space<vmem>>, vector<16xi32>,
          %shift_right_arithmetic3A_295 = arith.constant 31 : i32
          %shift_right_arithmetic3A_296 = vector.broadcast %shift_right_arithmetic3A_295 : i32 to vector<16xi32>
          %shift_right_arithmetic3A_297 = arith.shrsi %get3A_294, %shift_right_arithmetic3A_296 : vector<16xi32>
          %and3A_298 = arith.constant 2147483647 : i32
          %and3A_299 = vector.broadcast %and3A_298 : i32 to vector<16xi32>
          %and3A_300 = arith.andi %shift_right_arithmetic3A_297, %and3A_299 : vector<16xi32>
          %xor3A_301 = arith.xori %get3A_294, %and3A_300 : vector<16xi32>
          %add3A_302 = arith.constant 3 : i32
          %add3A_303 = arith.addi %mul3A_71, %add3A_302 : i32
          %swap3A_304 = arith.index_cast %add3A_303 : i32 to index
          %swap3A_305 = arith.constant 16 : index
          %swap3A_306 = tpu.vector_load %arg4[%swap3A_304, %swap3A_305] {strides = array<i32>} : memref<576x64xi32, #tpu.memory_space<vmem>>, vector<16xi32>,
          tpu.vector_store %arg4[%swap3A_304, %swap3A_305], %xor3A_301 {strides = array<i32>} : memref<576x64xi32, #tpu.memory_space<vmem>>, vector<16xi32>,
          %add3A_307 = arith.constant 3 : i32
          %add3A_308 = arith.addi %mul3A_71, %add3A_307 : i32
          %get3A_309 = arith.index_cast %add3A_308 : i32 to index
          %get3A_310 = arith.constant 32 : index
          %get3A_311 = tpu.vector_load %arg4[%get3A_309, %get3A_310] {strides = array<i32>} : memref<576x64xi32, #tpu.memory_space<vmem>>, vector<16xi32>,
          %shift_right_arithmetic3A_312 = arith.constant 31 : i32
          %shift_right_arithmetic3A_313 = vector.broadcast %shift_right_arithmetic3A_312 : i32 to vector<16xi32>
          %shift_right_arithmetic3A_314 = arith.shrsi %get3A_311, %shift_right_arithmetic3A_313 : vector<16xi32>
          %and3A_315 = arith.constant 2147483647 : i32
          %and3A_316 = vector.broadcast %and3A_315 : i32 to vector<16xi32>
          %and3A_317 = arith.andi %shift_right_arithmetic3A_314, %and3A_316 : vector<16xi32>
          %xor3A_318 = arith.xori %get3A_311, %and3A_317 : vector<16xi32>
          %add3A_319 = arith.constant 3 : i32
          %add3A_320 = arith.addi %mul3A_71, %add3A_319 : i32
          %swap3A_321 = arith.index_cast %add3A_320 : i32 to index
          %swap3A_322 = arith.constant 32 : index
          %swap3A_323 = tpu.vector_load %arg4[%swap3A_321, %swap3A_322] {strides = array<i32>} : memref<576x64xi32, #tpu.memory_space<vmem>>, vector<16xi32>,
          tpu.vector_store %arg4[%swap3A_321, %swap3A_322], %xor3A_318 {strides = array<i32>} : memref<576x64xi32, #tpu.memory_space<vmem>>, vector<16xi32>,
          %add3A_324 = arith.constant 3 : i32
          %add3A_325 = arith.addi %mul3A_71, %add3A_324 : i32
          %get3A_326 = arith.index_cast %add3A_325 : i32 to index
          %get3A_327 = arith.constant 48 : index
          %get3A_328 = tpu.vector_load %arg4[%get3A_326, %get3A_327] {strides = array<i32>} : memref<576x64xi32, #tpu.memory_space<vmem>>, vector<16xi32>,
          %shift_right_arithmetic3A_329 = arith.constant 31 : i32
          %shift_right_arithmetic3A_330 = vector.broadcast %shift_right_arithmetic3A_329 : i32 to vector<16xi32>
          %shift_right_arithmetic3A_331 = arith.shrsi %get3A_328, %shift_right_arithmetic3A_330 : vector<16xi32>
          %and3A_332 = arith.constant 2147483647 : i32
          %and3A_333 = vector.broadcast %and3A_332 : i32 to vector<16xi32>
          %and3A_334 = arith.andi %shift_right_arithmetic3A_331, %and3A_333 : vector<16xi32>
          %xor3A_335 = arith.xori %get3A_328, %and3A_334 : vector<16xi32>
          %add3A_336 = arith.constant 3 : i32
          %add3A_337 = arith.addi %mul3A_71, %add3A_336 : i32
          %swap3A_338 = arith.index_cast %add3A_337 : i32 to index
          %swap3A_339 = arith.constant 48 : index
          %swap3A_340 = tpu.vector_load %arg4[%swap3A_338, %swap3A_339] {strides = array<i32>} : memref<576x64xi32, #tpu.memory_space<vmem>>, vector<16xi32>,
          tpu.vector_store %arg4[%swap3A_338, %swap3A_339], %xor3A_335 {strides = array<i32>} : memref<576x64xi32, #tpu.memory_space<vmem>>, vector<16xi32>,
          %add3A_341 = arith.constant 4 : i32
          %add3A_342 = arith.addi %mul3A_71, %add3A_341 : i32
          %get3A_343 = arith.index_cast %add3A_342 : i32 to index
          %get3A_344 = arith.constant 0 : index
          %get3A_345 = tpu.vector_load %arg4[%get3A_343, %get3A_344] {strides = array<i32>} : memref<576x64xi32, #tpu.memory_space<vmem>>, vector<16xi32>,
          %shift_right_arithmetic3A_346 = arith.constant 31 : i32
          %shift_right_arithmetic3A_347 = vector.broadcast %shift_right_arithmetic3A_346 : i32 to vector<16xi32>
          %shift_right_arithmetic3A_348 = arith.shrsi %get3A_345, %shift_right_arithmetic3A_347 : vector<16xi32>
          %and3A_349 = arith.constant 2147483647 : i32
          %and3A_350 = vector.broadcast %and3A_349 : i32 to vector<16xi32>
          %and3A_351 = arith.andi %shift_right_arithmetic3A_348, %and3A_350 : vector<16xi32>
          %xor3A_352 = arith.xori %get3A_345, %and3A_351 : vector<16xi32>
          %add3A_353 = arith.constant 4 : i32
          %add3A_354 = arith.addi %mul3A_71, %add3A_353 : i32
          %swap3A_355 = arith.index_cast %add3A_354 : i32 to index
          %swap3A_356 = arith.constant 0 : index
          %swap3A_357 = tpu.vector_load %arg4[%swap3A_355, %swap3A_356] {strides = array<i32>} : memref<576x64xi32, #tpu.memory_space<vmem>>, vector<16xi32>,
          tpu.vector_store %arg4[%swap3A_355, %swap3A_356], %xor3A_352 {strides = array<i32>} : memref<576x64xi32, #tpu.memory_space<vmem>>, vector<16xi32>,
          %add3A_358 = arith.constant 4 : i32
          %add3A_359 = arith.addi %mul3A_71, %add3A_358 : i32
          %get3A_360 = arith.index_cast %add3A_359 : i32 to index
          %get3A_361 = arith.constant 16 : index
          %get3A_362 = tpu.vector_load %arg4[%get3A_360, %get3A_361] {strides = array<i32>} : memref<576x64xi32, #tpu.memory_space<vmem>>, vector<16xi32>,
          %shift_right_arithmetic3A_363 = arith.constant 31 : i32
          %shift_right_arithmetic3A_364 = vector.broadcast %shift_right_arithmetic3A_363 : i32 to vector<16xi32>
          %shift_right_arithmetic3A_365 = arith.shrsi %get3A_362, %shift_right_arithmetic3A_364 : vector<16xi32>
          %and3A_366 = arith.constant 2147483647 : i32
          %and3A_367 = vector.broadcast %and3A_366 : i32 to vector<16xi32>
          %and3A_368 = arith.andi %shift_right_arithmetic3A_365, %and3A_367 : vector<16xi32>
          %xor3A_369 = arith.xori %get3A_362, %and3A_368 : vector<16xi32>
          %add3A_370 = arith.constant 4 : i32
          %add3A_371 = arith.addi %mul3A_71, %add3A_370 : i32
          %swap3A_372 = arith.index_cast %add3A_371 : i32 to index
          %swap3A_373 = arith.constant 16 : index
          %swap3A_374 = tpu.vector_load %arg4[%swap3A_372, %swap3A_373] {strides = array<i32>} : memref<576x64xi32, #tpu.memory_space<vmem>>, vector<16xi32>,
          tpu.vector_store %arg4[%swap3A_372, %swap3A_373], %xor3A_369 {strides = array<i32>} : memref<576x64xi32, #tpu.memory_space<vmem>>, vector<16xi32>,
          %add3A_375 = arith.constant 4 : i32
          %add3A_376 = arith.addi %mul3A_71, %add3A_375 : i32
          %get3A_377 = arith.index_cast %add3A_376 : i32 to index
          %get3A_378 = arith.constant 32 : index
          %get3A_379 = tpu.vector_load %arg4[%get3A_377, %get3A_378] {strides = array<i32>} : memref<576x64xi32, #tpu.memory_space<vmem>>, vector<16xi32>,
          %shift_right_arithmetic3A_380 = arith.constant 31 : i32
          %shift_right_arithmetic3A_381 = vector.broadcast %shift_right_arithmetic3A_380 : i32 to vector<16xi32>
          %shift_right_arithmetic3A_382 = arith.shrsi %get3A_379, %shift_right_arithmetic3A_381 : vector<16xi32>
          %and3A_383 = arith.constant 2147483647 : i32
          %and3A_384 = vector.broadcast %and3A_383 : i32 to vector<16xi32>
          %and3A_385 = arith.andi %shift_right_arithmetic3A_382, %and3A_384 : vector<16xi32>
          %xor3A_386 = arith.xori %get3A_379, %and3A_385 : vector<16xi32>
          %add3A_387 = arith.constant 4 : i32
          %add3A_388 = arith.addi %mul3A_71, %add3A_387 : i32
          %swap3A_389 = arith.index_cast %add3A_388 : i32 to index
          %swap3A_390 = arith.constant 32 : index
          %swap3A_391 = tpu.vector_load %arg4[%swap3A_389, %swap3A_390] {strides = array<i32>} : memref<576x64xi32, #tpu.memory_space<vmem>>, vector<16xi32>,
          tpu.vector_store %arg4[%swap3A_389, %swap3A_390], %xor3A_386 {strides = array<i32>} : memref<576x64xi32, #tpu.memory_space<vmem>>, vector<16xi32>,
          %add3A_392 = arith.constant 4 : i32
          %add3A_393 = arith.addi %mul3A_71, %add3A_392 : i32
          %get3A_394 = arith.index_cast %add3A_393 : i32 to index
          %get3A_395 = arith.constant 48 : index
          %get3A_396 = tpu.vector_load %arg4[%get3A_394, %get3A_395] {strides = array<i32>} : memref<576x64xi32, #tpu.memory_space<vmem>>, vector<16xi32>,
          %shift_right_arithmetic3A_397 = arith.constant 31 : i32
          %shift_right_arithmetic3A_398 = vector.broadcast %shift_right_arithmetic3A_397 : i32 to vector<16xi32>
          %shift_right_arithmetic3A_399 = arith.shrsi %get3A_396, %shift_right_arithmetic3A_398 : vector<16xi32>
          %and3A_400 = arith.constant 2147483647 : i32
          %and3A_401 = vector.broadcast %and3A_400 : i32 to vector<16xi32>
          %and3A_402 = arith.andi %shift_right_arithmetic3A_399, %and3A_401 : vector<16xi32>
          %xor3A_403 = arith.xori %get3A_396, %and3A_402 : vector<16xi32>
          %add3A_404 = arith.constant 4 : i32
          %add3A_405 = arith.addi %mul3A_71, %add3A_404 : i32
          %swap3A_406 = arith.index_cast %add3A_405 : i32 to index
          %swap3A_407 = arith.constant 48 : index
          %swap3A_408 = tpu.vector_load %arg4[%swap3A_406, %swap3A_407] {strides = array<i32>} : memref<576x64xi32, #tpu.memory_space<vmem>>, vector<16xi32>,
          tpu.vector_store %arg4[%swap3A_406, %swap3A_407], %xor3A_403 {strides = array<i32>} : memref<576x64xi32, #tpu.memory_space<vmem>>, vector<16xi32>,
          %add3A_409 = arith.constant 5 : i32
          %add3A_410 = arith.addi %mul3A_71, %add3A_409 : i32
          %get3A_411 = arith.index_cast %add3A_410 : i32 to index
          %get3A_412 = arith.constant 0 : index
          %get3A_413 = tpu.vector_load %arg4[%get3A_411, %get3A_412] {strides = array<i32>} : memref<576x64xi32, #tpu.memory_space<vmem>>, vector<16xi32>,
          %shift_right_arithmetic3A_414 = arith.constant 31 : i32
          %shift_right_arithmetic3A_415 = vector.broadcast %shift_right_arithmetic3A_414 : i32 to vector<16xi32>
          %shift_right_arithmetic3A_416 = arith.shrsi %get3A_413, %shift_right_arithmetic3A_415 : vector<16xi32>
          %and3A_417 = arith.constant 2147483647 : i32
          %and3A_418 = vector.broadcast %and3A_417 : i32 to vector<16xi32>
          %and3A_419 = arith.andi %shift_right_arithmetic3A_416, %and3A_418 : vector<16xi32>
          %xor3A_420 = arith.xori %get3A_413, %and3A_419 : vector<16xi32>
          %add3A_421 = arith.constant 5 : i32
          %add3A_422 = arith.addi %mul3A_71, %add3A_421 : i32
          %swap3A_423 = arith.index_cast %add3A_422 : i32 to index
          %swap3A_424 = arith.constant 0 : index
          %swap3A_425 = tpu.vector_load %arg4[%swap3A_423, %swap3A_424] {strides = array<i32>} : memref<576x64xi32, #tpu.memory_space<vmem>>, vector<16xi32>,
          tpu.vector_store %arg4[%swap3A_423, %swap3A_424], %xor3A_420 {strides = array<i32>} : memref<576x64xi32, #tpu.memory_space<vmem>>, vector<16xi32>,
          %add3A_426 = arith.constant 5 : i32
          %add3A_427 = arith.addi %mul3A_71, %add3A_426 : i32
          %get3A_428 = arith.index_cast %add3A_427 : i32 to index
          %get3A_429 = arith.constant 16 : index
          %get3A_430 = tpu.vector_load %arg4[%get3A_428, %get3A_429] {strides = array<i32>} : memref<576x64xi32, #tpu.memory_space<vmem>>, vector<16xi32>,
          %shift_right_arithmetic3A_431 = arith.constant 31 : i32
          %shift_right_arithmetic3A_432 = vector.broadcast %shift_right_arithmetic3A_431 : i32 to vector<16xi32>
          %shift_right_arithmetic3A_433 = arith.shrsi %get3A_430, %shift_right_arithmetic3A_432 : vector<16xi32>
          %and3A_434 = arith.constant 2147483647 : i32
          %and3A_435 = vector.broadcast %and3A_434 : i32 to vector<16xi32>
          %and3A_436 = arith.andi %shift_right_arithmetic3A_433, %and3A_435 : vector<16xi32>
          %xor3A_437 = arith.xori %get3A_430, %and3A_436 : vector<16xi32>
          %add3A_438 = arith.constant 5 : i32
          %add3A_439 = arith.addi %mul3A_71, %add3A_438 : i32
          %swap3A_440 = arith.index_cast %add3A_439 : i32 to index
          %swap3A_441 = arith.constant 16 : index
          %swap3A_442 = tpu.vector_load %arg4[%swap3A_440, %swap3A_441] {strides = array<i32>} : memref<576x64xi32, #tpu.memory_space<vmem>>, vector<16xi32>,
          tpu.vector_store %arg4[%swap3A_440, %swap3A_441], %xor3A_437 {strides = array<i32>} : memref<576x64xi32, #tpu.memory_space<vmem>>, vector<16xi32>,
          %add3A_443 = arith.constant 5 : i32
          %add3A_444 = arith.addi %mul3A_71, %add3A_443 : i32
          %get3A_445 = arith.index_cast %add3A_444 : i32 to index
          %get3A_446 = arith.constant 32 : index
          %get3A_447 = tpu.vector_load %arg4[%get3A_445, %get3A_446] {strides = array<i32>} : memref<576x64xi32, #tpu.memory_space<vmem>>, vector<16xi32>,
          %shift_right_arithmetic3A_448 = arith.constant 31 : i32
          %shift_right_arithmetic3A_449 = vector.broadcast %shift_right_arithmetic3A_448 : i32 to vector<16xi32>
          %shift_right_arithmetic3A_450 = arith.shrsi %get3A_447, %shift_right_arithmetic3A_449 : vector<16xi32>
          %and3A_451 = arith.constant 2147483647 : i32
          %and3A_452 = vector.broadcast %and3A_451 : i32 to vector<16xi32>
          %and3A_453 = arith.andi %shift_right_arithmetic3A_450, %and3A_452 : vector<16xi32>
          %xor3A_454 = arith.xori %get3A_447, %and3A_453 : vector<16xi32>
          %add3A_455 = arith.constant 5 : i32
          %add3A_456 = arith.addi %mul3A_71, %add3A_455 : i32
          %swap3A_457 = arith.index_cast %add3A_456 : i32 to index
          %swap3A_458 = arith.constant 32 : index
          %swap3A_459 = tpu.vector_load %arg4[%swap3A_457, %swap3A_458] {strides = array<i32>} : memref<576x64xi32, #tpu.memory_space<vmem>>, vector<16xi32>,
          tpu.vector_store %arg4[%swap3A_457, %swap3A_458], %xor3A_454 {strides = array<i32>} : memref<576x64xi32, #tpu.memory_space<vmem>>, vector<16xi32>,
          %add3A_460 = arith.constant 5 : i32
          %add3A_461 = arith.addi %mul3A_71, %add3A_460 : i32
          %get3A_462 = arith.index_cast %add3A_461 : i32 to index
          %get3A_463 = arith.constant 48 : index
          %get3A_464 = tpu.vector_load %arg4[%get3A_462, %get3A_463] {strides = array<i32>} : memref<576x64xi32, #tpu.memory_space<vmem>>, vector<16xi32>,
          %shift_right_arithmetic3A_465 = arith.constant 31 : i32
          %shift_right_arithmetic3A_466 = vector.broadcast %shift_right_arithmetic3A_465 : i32 to vector<16xi32>
          %shift_right_arithmetic3A_467 = arith.shrsi %get3A_464, %shift_right_arithmetic3A_466 : vector<16xi32>
          %and3A_468 = arith.constant 2147483647 : i32
          %and3A_469 = vector.broadcast %and3A_468 : i32 to vector<16xi32>
          %and3A_470 = arith.andi %shift_right_arithmetic3A_467, %and3A_469 : vector<16xi32>
          %xor3A_471 = arith.xori %get3A_464, %and3A_470 : vector<16xi32>
          %add3A_472 = arith.constant 5 : i32
          %add3A_473 = arith.addi %mul3A_71, %add3A_472 : i32
          %swap3A_474 = arith.index_cast %add3A_473 : i32 to index
          %swap3A_475 = arith.constant 48 : index
          %swap3A_476 = tpu.vector_load %arg4[%swap3A_474, %swap3A_475] {strides = array<i32>} : memref<576x64xi32, #tpu.memory_space<vmem>>, vector<16xi32>,
          tpu.vector_store %arg4[%swap3A_474, %swap3A_475], %xor3A_471 {strides = array<i32>} : memref<576x64xi32, #tpu.memory_space<vmem>>, vector<16xi32>,
          %add3A_477 = arith.constant 6 : i32
          %add3A_478 = arith.addi %mul3A_71, %add3A_477 : i32
          %get3A_479 = arith.index_cast %add3A_478 : i32 to index
          %get3A_480 = arith.constant 0 : index
          %get3A_481 = tpu.vector_load %arg4[%get3A_479, %get3A_480] {strides = array<i32>} : memref<576x64xi32, #tpu.memory_space<vmem>>, vector<16xi32>,
          %shift_right_arithmetic3A_482 = arith.constant 31 : i32
          %shift_right_arithmetic3A_483 = vector.broadcast %shift_right_arithmetic3A_482 : i32 to vector<16xi32>
          %shift_right_arithmetic3A_484 = arith.shrsi %get3A_481, %shift_right_arithmetic3A_483 : vector<16xi32>
          %and3A_485 = arith.constant 2147483647 : i32
          %and3A_486 = vector.broadcast %and3A_485 : i32 to vector<16xi32>
          %and3A_487 = arith.andi %shift_right_arithmetic3A_484, %and3A_486 : vector<16xi32>
          %xor3A_488 = arith.xori %get3A_481, %and3A_487 : vector<16xi32>
          %add3A_489 = arith.constant 6 : i32
          %add3A_490 = arith.addi %mul3A_71, %add3A_489 : i32
          %swap3A_491 = arith.index_cast %add3A_490 : i32 to index
          %swap3A_492 = arith.constant 0 : index
          %swap3A_493 = tpu.vector_load %arg4[%swap3A_491, %swap3A_492] {strides = array<i32>} : memref<576x64xi32, #tpu.memory_space<vmem>>, vector<16xi32>,
          tpu.vector_store %arg4[%swap3A_491, %swap3A_492], %xor3A_488 {strides = array<i32>} : memref<576x64xi32, #tpu.memory_space<vmem>>, vector<16xi32>,
          %add3A_494 = arith.constant 6 : i32
          %add3A_495 = arith.addi %mul3A_71, %add3A_494 : i32
          %get3A_496 = arith.index_cast %add3A_495 : i32 to index
          %get3A_497 = arith.constant 16 : index
          %get3A_498 = tpu.vector_load %arg4[%get3A_496, %get3A_497] {strides = array<i32>} : memref<576x64xi32, #tpu.memory_space<vmem>>, vector<16xi32>,
          %shift_right_arithmetic3A_499 = arith.constant 31 : i32
          %shift_right_arithmetic3A_500 = vector.broadcast %shift_right_arithmetic3A_499 : i32 to vector<16xi32>
          %shift_right_arithmetic3A_501 = arith.shrsi %get3A_498, %shift_right_arithmetic3A_500 : vector<16xi32>
          %and3A_502 = arith.constant 2147483647 : i32
          %and3A_503 = vector.broadcast %and3A_502 : i32 to vector<16xi32>
          %and3A_504 = arith.andi %shift_right_arithmetic3A_501, %and3A_503 : vector<16xi32>
          %xor3A_505 = arith.xori %get3A_498, %and3A_504 : vector<16xi32>
          %add3A_506 = arith.constant 6 : i32
          %add3A_507 = arith.addi %mul3A_71, %add3A_506 : i32
          %swap3A_508 = arith.index_cast %add3A_507 : i32 to index
          %swap3A_509 = arith.constant 16 : index
          %swap3A_510 = tpu.vector_load %arg4[%swap3A_508, %swap3A_509] {strides = array<i32>} : memref<576x64xi32, #tpu.memory_space<vmem>>, vector<16xi32>,
          tpu.vector_store %arg4[%swap3A_508, %swap3A_509], %xor3A_505 {strides = array<i32>} : memref<576x64xi32, #tpu.memory_space<vmem>>, vector<16xi32>,
          %add3A_511 = arith.constant 6 : i32
          %add3A_512 = arith.addi %mul3A_71, %add3A_511 : i32
          %get3A_513 = arith.index_cast %add3A_512 : i32 to index
          %get3A_514 = arith.constant 32 : index
          %get3A_515 = tpu.vector_load %arg4[%get3A_513, %get3A_514] {strides = array<i32>} : memref<576x64xi32, #tpu.memory_space<vmem>>, vector<16xi32>,
          %shift_right_arithmetic3A_516 = arith.constant 31 : i32
          %shift_right_arithmetic3A_517 = vector.broadcast %shift_right_arithmetic3A_516 : i32 to vector<16xi32>
          %shift_right_arithmetic3A_518 = arith.shrsi %get3A_515, %shift_right_arithmetic3A_517 : vector<16xi32>
          %and3A_519 = arith.constant 2147483647 : i32
          %and3A_520 = vector.broadcast %and3A_519 : i32 to vector<16xi32>
          %and3A_521 = arith.andi %shift_right_arithmetic3A_518, %and3A_520 : vector<16xi32>
          %xor3A_522 = arith.xori %get3A_515, %and3A_521 : vector<16xi32>
          %add3A_523 = arith.constant 6 : i32
          %add3A_524 = arith.addi %mul3A_71, %add3A_523 : i32
          %swap3A_525 = arith.index_cast %add3A_524 : i32 to index
          %swap3A_526 = arith.constant 32 : index
          %swap3A_527 = tpu.vector_load %arg4[%swap3A_525, %swap3A_526] {strides = array<i32>} : memref<576x64xi32, #tpu.memory_space<vmem>>, vector<16xi32>,
          tpu.vector_store %arg4[%swap3A_525, %swap3A_526], %xor3A_522 {strides = array<i32>} : memref<576x64xi32, #tpu.memory_space<vmem>>, vector<16xi32>,
          %add3A_528 = arith.constant 6 : i32
          %add3A_529 = arith.addi %mul3A_71, %add3A_528 : i32
          %get3A_530 = arith.index_cast %add3A_529 : i32 to index
          %get3A_531 = arith.constant 48 : index
          %get3A_532 = tpu.vector_load %arg4[%get3A_530, %get3A_531] {strides = array<i32>} : memref<576x64xi32, #tpu.memory_space<vmem>>, vector<16xi32>,
          %shift_right_arithmetic3A_533 = arith.constant 31 : i32
          %shift_right_arithmetic3A_534 = vector.broadcast %shift_right_arithmetic3A_533 : i32 to vector<16xi32>
          %shift_right_arithmetic3A_535 = arith.shrsi %get3A_532, %shift_right_arithmetic3A_534 : vector<16xi32>
          %and3A_536 = arith.constant 2147483647 : i32
          %and3A_537 = vector.broadcast %and3A_536 : i32 to vector<16xi32>
          %and3A_538 = arith.andi %shift_right_arithmetic3A_535, %and3A_537 : vector<16xi32>
          %xor3A_539 = arith.xori %get3A_532, %and3A_538 : vector<16xi32>
          %add3A_540 = arith.constant 6 : i32
          %add3A_541 = arith.addi %mul3A_71, %add3A_540 : i32
          %swap3A_542 = arith.index_cast %add3A_541 : i32 to index
          %swap3A_543 = arith.constant 48 : index
          %swap3A_544 = tpu.vector_load %arg4[%swap3A_542, %swap3A_543] {strides = array<i32>} : memref<576x64xi32, #tpu.memory_space<vmem>>, vector<16xi32>,
          tpu.vector_store %arg4[%swap3A_542, %swap3A_543], %xor3A_539 {strides = array<i32>} : memref<576x64xi32, #tpu.memory_space<vmem>>, vector<16xi32>,
          %add3A_545 = arith.constant 7 : i32
          %add3A_546 = arith.addi %mul3A_71, %add3A_545 : i32
          %get3A_547 = arith.index_cast %add3A_546 : i32 to index
          %get3A_548 = arith.constant 0 : index
          %get3A_549 = tpu.vector_load %arg4[%get3A_547, %get3A_548] {strides = array<i32>} : memref<576x64xi32, #tpu.memory_space<vmem>>, vector<16xi32>,
          %shift_right_arithmetic3A_550 = arith.constant 31 : i32
          %shift_right_arithmetic3A_551 = vector.broadcast %shift_right_arithmetic3A_550 : i32 to vector<16xi32>
          %shift_right_arithmetic3A_552 = arith.shrsi %get3A_549, %shift_right_arithmetic3A_551 : vector<16xi32>
          %and3A_553 = arith.constant 2147483647 : i32
          %and3A_554 = vector.broadcast %and3A_553 : i32 to vector<16xi32>
          %and3A_555 = arith.andi %shift_right_arithmetic3A_552, %and3A_554 : vector<16xi32>
          %xor3A_556 = arith.xori %get3A_549, %and3A_555 : vector<16xi32>
          %add3A_557 = arith.constant 7 : i32
          %add3A_558 = arith.addi %mul3A_71, %add3A_557 : i32
          %swap3A_559 = arith.index_cast %add3A_558 : i32 to index
          %swap3A_560 = arith.constant 0 : index
          %swap3A_561 = tpu.vector_load %arg4[%swap3A_559, %swap3A_560] {strides = array<i32>} : memref<576x64xi32, #tpu.memory_space<vmem>>, vector<16xi32>,
          tpu.vector_store %arg4[%swap3A_559, %swap3A_560], %xor3A_556 {strides = array<i32>} : memref<576x64xi32, #tpu.memory_space<vmem>>, vector<16xi32>,
          %add3A_562 = arith.constant 7 : i32
          %add3A_563 = arith.addi %mul3A_71, %add3A_562 : i32
          %get3A_564 = arith.index_cast %add3A_563 : i32 to index
          %get3A_565 = arith.constant 16 : index
          %get3A_566 = tpu.vector_load %arg4[%get3A_564, %get3A_565] {strides = array<i32>} : memref<576x64xi32, #tpu.memory_space<vmem>>, vector<16xi32>,
          %shift_right_arithmetic3A_567 = arith.constant 31 : i32
          %shift_right_arithmetic3A_568 = vector.broadcast %shift_right_arithmetic3A_567 : i32 to vector<16xi32>
          %shift_right_arithmetic3A_569 = arith.shrsi %get3A_566, %shift_right_arithmetic3A_568 : vector<16xi32>
          %and3A_570 = arith.constant 2147483647 : i32
          %and3A_571 = vector.broadcast %and3A_570 : i32 to vector<16xi32>
          %and3A_572 = arith.andi %shift_right_arithmetic3A_569, %and3A_571 : vector<16xi32>
          %xor3A_573 = arith.xori %get3A_566, %and3A_572 : vector<16xi32>
          %add3A_574 = arith.constant 7 : i32
          %add3A_575 = arith.addi %mul3A_71, %add3A_574 : i32
          %swap3A_576 = arith.index_cast %add3A_575 : i32 to index
          %swap3A_577 = arith.constant 16 : index
          %swap3A_578 = tpu.vector_load %arg4[%swap3A_576, %swap3A_577] {strides = array<i32>} : memref<576x64xi32, #tpu.memory_space<vmem>>, vector<16xi32>,
          tpu.vector_store %arg4[%swap3A_576, %swap3A_577], %xor3A_573 {strides = array<i32>} : memref<576x64xi32, #tpu.memory_space<vmem>>, vector<16xi32>,
          %add3A_579 = arith.constant 7 : i32
          %add3A_580 = arith.addi %mul3A_71, %add3A_579 : i32
          %get3A_581 = arith.index_cast %add3A_580 : i32 to index
          %get3A_582 = arith.constant 32 : index
          %get3A_583 = tpu.vector_load %arg4[%get3A_581, %get3A_582] {strides = array<i32>} : memref<576x64xi32, #tpu.memory_space<vmem>>, vector<16xi32>,
          %shift_right_arithmetic3A_584 = arith.constant 31 : i32
          %shift_right_arithmetic3A_585 = vector.broadcast %shift_right_arithmetic3A_584 : i32 to vector<16xi32>
          %shift_right_arithmetic3A_586 = arith.shrsi %get3A_583, %shift_right_arithmetic3A_585 : vector<16xi32>
          %and3A_587 = arith.constant 2147483647 : i32
          %and3A_588 = vector.broadcast %and3A_587 : i32 to vector<16xi32>
          %and3A_589 = arith.andi %shift_right_arithmetic3A_586, %and3A_588 : vector<16xi32>
          %xor3A_590 = arith.xori %get3A_583, %and3A_589 : vector<16xi32>
          %add3A_591 = arith.constant 7 : i32
          %add3A_592 = arith.addi %mul3A_71, %add3A_591 : i32
          %swap3A_593 = arith.index_cast %add3A_592 : i32 to index
          %swap3A_594 = arith.constant 32 : index
          %swap3A_595 = tpu.vector_load %arg4[%swap3A_593, %swap3A_594] {strides = array<i32>} : memref<576x64xi32, #tpu.memory_space<vmem>>, vector<16xi32>,
          tpu.vector_store %arg4[%swap3A_593, %swap3A_594], %xor3A_590 {strides = array<i32>} : memref<576x64xi32, #tpu.memory_space<vmem>>, vector<16xi32>,
          %add3A_596 = arith.constant 7 : i32
          %add3A_597 = arith.addi %mul3A_71, %add3A_596 : i32
          %get3A_598 = arith.index_cast %add3A_597 : i32 to index
          %get3A_599 = arith.constant 48 : index
          %get3A_600 = tpu.vector_load %arg4[%get3A_598, %get3A_599] {strides = array<i32>} : memref<576x64xi32, #tpu.memory_space<vmem>>, vector<16xi32>,
          %shift_right_arithmetic3A_601 = arith.constant 31 : i32
          %shift_right_arithmetic3A_602 = vector.broadcast %shift_right_arithmetic3A_601 : i32 to vector<16xi32>
          %shift_right_arithmetic3A_603 = arith.shrsi %get3A_600, %shift_right_arithmetic3A_602 : vector<16xi32>
          %and3A_604 = arith.constant 2147483647 : i32
          %and3A_605 = vector.broadcast %and3A_604 : i32 to vector<16xi32>
          %and3A_606 = arith.andi %shift_right_arithmetic3A_603, %and3A_605 : vector<16xi32>
          %xor3A_607 = arith.xori %get3A_600, %and3A_606 : vector<16xi32>
          %add3A_608 = arith.constant 7 : i32
          %add3A_609 = arith.addi %mul3A_71, %add3A_608 : i32
          %swap3A_610 = arith.index_cast %add3A_609 : i32 to index
          %swap3A_611 = arith.constant 48 : index
          %swap3A_612 = tpu.vector_load %arg4[%swap3A_610, %swap3A_611] {strides = array<i32>} : memref<576x64xi32, #tpu.memory_space<vmem>>, vector<16xi32>,
          tpu.vector_store %arg4[%swap3A_610, %swap3A_611], %xor3A_607 {strides = array<i32>} : memref<576x64xi32, #tpu.memory_space<vmem>>, vector<16xi32>,
          %add3A_613 = arith.constant 8 : i32
          %add3A_614 = arith.addi %mul3A_71, %add3A_613 : i32
          %get3A_615 = arith.index_cast %add3A_614 : i32 to index
          %get3A_616 = arith.constant 0 : index
          %get3A_617 = tpu.vector_load %arg4[%get3A_615, %get3A_616] {strides = array<i32>} : memref<576x64xi32, #tpu.memory_space<vmem>>, vector<16xi32>,
          %shift_right_arithmetic3A_618 = arith.constant 31 : i32
          %shift_right_arithmetic3A_619 = vector.broadcast %shift_right_arithmetic3A_618 : i32 to vector<16xi32>
          %shift_right_arithmetic3A_620 = arith.shrsi %get3A_617, %shift_right_arithmetic3A_619 : vector<16xi32>
          %and3A_621 = arith.constant 2147483647 : i32
          %and3A_622 = vector.broadcast %and3A_621 : i32 to vector<16xi32>
          %and3A_623 = arith.andi %shift_right_arithmetic3A_620, %and3A_622 : vector<16xi32>
          %xor3A_624 = arith.xori %get3A_617, %and3A_623 : vector<16xi32>
          %add3A_625 = arith.constant 8 : i32
          %add3A_626 = arith.addi %mul3A_71, %add3A_625 : i32
          %swap3A_627 = arith.index_cast %add3A_626 : i32 to index
          %swap3A_628 = arith.constant 0 : index
          %swap3A_629 = tpu.vector_load %arg4[%swap3A_627, %swap3A_628] {strides = array<i32>} : memref<576x64xi32, #tpu.memory_space<vmem>>, vector<16xi32>,
          tpu.vector_store %arg4[%swap3A_627, %swap3A_628], %xor3A_624 {strides = array<i32>} : memref<576x64xi32, #tpu.memory_space<vmem>>, vector<16xi32>,
          %add3A_630 = arith.constant 8 : i32
          %add3A_631 = arith.addi %mul3A_71, %add3A_630 : i32
          %get3A_632 = arith.index_cast %add3A_631 : i32 to index
          %get3A_633 = arith.constant 16 : index
          %get3A_634 = tpu.vector_load %arg4[%get3A_632, %get3A_633] {strides = array<i32>} : memref<576x64xi32, #tpu.memory_space<vmem>>, vector<16xi32>,
          %shift_right_arithmetic3A_635 = arith.constant 31 : i32
          %shift_right_arithmetic3A_636 = vector.broadcast %shift_right_arithmetic3A_635 : i32 to vector<16xi32>
          %shift_right_arithmetic3A_637 = arith.shrsi %get3A_634, %shift_right_arithmetic3A_636 : vector<16xi32>
          %and3A_638 = arith.constant 2147483647 : i32
          %and3A_639 = vector.broadcast %and3A_638 : i32 to vector<16xi32>
          %and3A_640 = arith.andi %shift_right_arithmetic3A_637, %and3A_639 : vector<16xi32>
          %xor3A_641 = arith.xori %get3A_634, %and3A_640 : vector<16xi32>
          %add3A_642 = arith.constant 8 : i32
          %add3A_643 = arith.addi %mul3A_71, %add3A_642 : i32
          %swap3A_644 = arith.index_cast %add3A_643 : i32 to index
          %swap3A_645 = arith.constant 16 : index
          %swap3A_646 = tpu.vector_load %arg4[%swap3A_644, %swap3A_645] {strides = array<i32>} : memref<576x64xi32, #tpu.memory_space<vmem>>, vector<16xi32>,
          tpu.vector_store %arg4[%swap3A_644, %swap3A_645], %xor3A_641 {strides = array<i32>} : memref<576x64xi32, #tpu.memory_space<vmem>>, vector<16xi32>,
          %add3A_647 = arith.constant 8 : i32
          %add3A_648 = arith.addi %mul3A_71, %add3A_647 : i32
          %get3A_649 = arith.index_cast %add3A_648 : i32 to index
          %get3A_650 = arith.constant 32 : index
          %get3A_651 = tpu.vector_load %arg4[%get3A_649, %get3A_650] {strides = array<i32>} : memref<576x64xi32, #tpu.memory_space<vmem>>, vector<16xi32>,
          %shift_right_arithmetic3A_652 = arith.constant 31 : i32
          %shift_right_arithmetic3A_653 = vector.broadcast %shift_right_arithmetic3A_652 : i32 to vector<16xi32>
          %shift_right_arithmetic3A_654 = arith.shrsi %get3A_651, %shift_right_arithmetic3A_653 : vector<16xi32>
          %and3A_655 = arith.constant 2147483647 : i32
          %and3A_656 = vector.broadcast %and3A_655 : i32 to vector<16xi32>
          %and3A_657 = arith.andi %shift_right_arithmetic3A_654, %and3A_656 : vector<16xi32>
          %xor3A_658 = arith.xori %get3A_651, %and3A_657 : vector<16xi32>
          %add3A_659 = arith.constant 8 : i32
          %add3A_660 = arith.addi %mul3A_71, %add3A_659 : i32
          %swap3A_661 = arith.index_cast %add3A_660 : i32 to index
          %swap3A_662 = arith.constant 32 : index
          %swap3A_663 = tpu.vector_load %arg4[%swap3A_661, %swap3A_662] {strides = array<i32>} : memref<576x64xi32, #tpu.memory_space<vmem>>, vector<16xi32>,
          tpu.vector_store %arg4[%swap3A_661, %swap3A_662], %xor3A_658 {strides = array<i32>} : memref<576x64xi32, #tpu.memory_space<vmem>>, vector<16xi32>,
          %add3A_664 = arith.constant 8 : i32
          %add3A_665 = arith.addi %mul3A_71, %add3A_664 : i32
          %get3A_666 = arith.index_cast %add3A_665 : i32 to index
          %get3A_667 = arith.constant 48 : index
          %get3A_668 = tpu.vector_load %arg4[%get3A_666, %get3A_667] {strides = array<i32>} : memref<576x64xi32, #tpu.memory_space<vmem>>, vector<16xi32>,
          %shift_right_arithmetic3A_669 = arith.constant 31 : i32
          %shift_right_arithmetic3A_670 = vector.broadcast %shift_right_arithmetic3A_669 : i32 to vector<16xi32>
          %shift_right_arithmetic3A_671 = arith.shrsi %get3A_668, %shift_right_arithmetic3A_670 : vector<16xi32>
          %and3A_672 = arith.constant 2147483647 : i32
          %and3A_673 = vector.broadcast %and3A_672 : i32 to vector<16xi32>
          %and3A_674 = arith.andi %shift_right_arithmetic3A_671, %and3A_673 : vector<16xi32>
          %xor3A_675 = arith.xori %get3A_668, %and3A_674 : vector<16xi32>
          %add3A_676 = arith.constant 8 : i32
          %add3A_677 = arith.addi %mul3A_71, %add3A_676 : i32
          %swap3A_678 = arith.index_cast %add3A_677 : i32 to index
          %swap3A_679 = arith.constant 48 : index
          %swap3A_680 = tpu.vector_load %arg4[%swap3A_678, %swap3A_679] {strides = array<i32>} : memref<576x64xi32, #tpu.memory_space<vmem>>, vector<16xi32>,
          tpu.vector_store %arg4[%swap3A_678, %swap3A_679], %xor3A_675 {strides = array<i32>} : memref<576x64xi32, #tpu.memory_space<vmem>>, vector<16xi32>,
          %add3A_681 = arith.constant 9 : i32
          %add3A_682 = arith.addi %mul3A_71, %add3A_681 : i32
          %get3A_683 = arith.index_cast %add3A_682 : i32 to index
          %get3A_684 = arith.constant 0 : index
          %get3A_685 = tpu.vector_load %arg4[%get3A_683, %get3A_684] {strides = array<i32>} : memref<576x64xi32, #tpu.memory_space<vmem>>, vector<16xi32>,
          %shift_right_arithmetic3A_686 = arith.constant 31 : i32
          %shift_right_arithmetic3A_687 = vector.broadcast %shift_right_arithmetic3A_686 : i32 to vector<16xi32>
          %shift_right_arithmetic3A_688 = arith.shrsi %get3A_685, %shift_right_arithmetic3A_687 : vector<16xi32>
          %and3A_689 = arith.constant 2147483647 : i32
          %and3A_690 = vector.broadcast %and3A_689 : i32 to vector<16xi32>
          %and3A_691 = arith.andi %shift_right_arithmetic3A_688, %and3A_690 : vector<16xi32>
          %xor3A_692 = arith.xori %get3A_685, %and3A_691 : vector<16xi32>
          %add3A_693 = arith.constant 9 : i32
          %add3A_694 = arith.addi %mul3A_71, %add3A_693 : i32
          %swap3A_695 = arith.index_cast %add3A_694 : i32 to index
          %swap3A_696 = arith.constant 0 : index
          %swap3A_697 = tpu.vector_load %arg4[%swap3A_695, %swap3A_696] {strides = array<i32>} : memref<576x64xi32, #tpu.memory_space<vmem>>, vector<16xi32>,
          tpu.vector_store %arg4[%swap3A_695, %swap3A_696], %xor3A_692 {strides = array<i32>} : memref<576x64xi32, #tpu.memory_space<vmem>>, vector<16xi32>,
          %add3A_698 = arith.constant 9 : i32
          %add3A_699 = arith.addi %mul3A_71, %add3A_698 : i32
          %get3A_700 = arith.index_cast %add3A_699 : i32 to index
          %get3A_701 = arith.constant 16 : index
          %get3A_702 = tpu.vector_load %arg4[%get3A_700, %get3A_701] {strides = array<i32>} : memref<576x64xi32, #tpu.memory_space<vmem>>, vector<16xi32>,
          %shift_right_arithmetic3A_703 = arith.constant 31 : i32
          %shift_right_arithmetic3A_704 = vector.broadcast %shift_right_arithmetic3A_703 : i32 to vector<16xi32>
          %shift_right_arithmetic3A_705 = arith.shrsi %get3A_702, %shift_right_arithmetic3A_704 : vector<16xi32>
          %and3A_706 = arith.constant 2147483647 : i32
          %and3A_707 = vector.broadcast %and3A_706 : i32 to vector<16xi32>
          %and3A_708 = arith.andi %shift_right_arithmetic3A_705, %and3A_707 : vector<16xi32>
          %xor3A_709 = arith.xori %get3A_702, %and3A_708 : vector<16xi32>
          %add3A_710 = arith.constant 9 : i32
          %add3A_711 = arith.addi %mul3A_71, %add3A_710 : i32
          %swap3A_712 = arith.index_cast %add3A_711 : i32 to index
          %swap3A_713 = arith.constant 16 : index
          %swap3A_714 = tpu.vector_load %arg4[%swap3A_712, %swap3A_713] {strides = array<i32>} : memref<576x64xi32, #tpu.memory_space<vmem>>, vector<16xi32>,
          tpu.vector_store %arg4[%swap3A_712, %swap3A_713], %xor3A_709 {strides = array<i32>} : memref<576x64xi32, #tpu.memory_space<vmem>>, vector<16xi32>,
          %add3A_715 = arith.constant 9 : i32
          %add3A_716 = arith.addi %mul3A_71, %add3A_715 : i32
          %get3A_717 = arith.index_cast %add3A_716 : i32 to index
          %get3A_718 = arith.constant 32 : index
          %get3A_719 = tpu.vector_load %arg4[%get3A_717, %get3A_718] {strides = array<i32>} : memref<576x64xi32, #tpu.memory_space<vmem>>, vector<16xi32>,
          %shift_right_arithmetic3A_720 = arith.constant 31 : i32
          %shift_right_arithmetic3A_721 = vector.broadcast %shift_right_arithmetic3A_720 : i32 to vector<16xi32>
          %shift_right_arithmetic3A_722 = arith.shrsi %get3A_719, %shift_right_arithmetic3A_721 : vector<16xi32>
          %and3A_723 = arith.constant 2147483647 : i32
          %and3A_724 = vector.broadcast %and3A_723 : i32 to vector<16xi32>
          %and3A_725 = arith.andi %shift_right_arithmetic3A_722, %and3A_724 : vector<16xi32>
          %xor3A_726 = arith.xori %get3A_719, %and3A_725 : vector<16xi32>
          %add3A_727 = arith.constant 9 : i32
          %add3A_728 = arith.addi %mul3A_71, %add3A_727 : i32
          %swap3A_729 = arith.index_cast %add3A_728 : i32 to index
          %swap3A_730 = arith.constant 32 : index
          %swap3A_731 = tpu.vector_load %arg4[%swap3A_729, %swap3A_730] {strides = array<i32>} : memref<576x64xi32, #tpu.memory_space<vmem>>, vector<16xi32>,
          tpu.vector_store %arg4[%swap3A_729, %swap3A_730], %xor3A_726 {strides = array<i32>} : memref<576x64xi32, #tpu.memory_space<vmem>>, vector<16xi32>,
          %add3A_732 = arith.constant 9 : i32
          %add3A_733 = arith.addi %mul3A_71, %add3A_732 : i32
          %get3A_734 = arith.index_cast %add3A_733 : i32 to index
          %get3A_735 = arith.constant 48 : index
          %get3A_736 = tpu.vector_load %arg4[%get3A_734, %get3A_735] {strides = array<i32>} : memref<576x64xi32, #tpu.memory_space<vmem>>, vector<16xi32>,
          %shift_right_arithmetic3A_737 = arith.constant 31 : i32
          %shift_right_arithmetic3A_738 = vector.broadcast %shift_right_arithmetic3A_737 : i32 to vector<16xi32>
          %shift_right_arithmetic3A_739 = arith.shrsi %get3A_736, %shift_right_arithmetic3A_738 : vector<16xi32>
          %and3A_740 = arith.constant 2147483647 : i32
          %and3A_741 = vector.broadcast %and3A_740 : i32 to vector<16xi32>
          %and3A_742 = arith.andi %shift_right_arithmetic3A_739, %and3A_741 : vector<16xi32>
          %xor3A_743 = arith.xori %get3A_736, %and3A_742 : vector<16xi32>
          %add3A_744 = arith.constant 9 : i32
          %add3A_745 = arith.addi %mul3A_71, %add3A_744 : i32
          %swap3A_746 = arith.index_cast %add3A_745 : i32 to index
          %swap3A_747 = arith.constant 48 : index
          %swap3A_748 = tpu.vector_load %arg4[%swap3A_746, %swap3A_747] {strides = array<i32>} : memref<576x64xi32, #tpu.memory_space<vmem>>, vector<16xi32>,
          tpu.vector_store %arg4[%swap3A_746, %swap3A_747], %xor3A_743 {strides = array<i32>} : memref<576x64xi32, #tpu.memory_space<vmem>>, vector<16xi32>,
          %add3A_749 = arith.constant 10 : i32
          %add3A_750 = arith.addi %mul3A_71, %add3A_749 : i32
          %get3A_751 = arith.index_cast %add3A_750 : i32 to index
          %get3A_752 = arith.constant 0 : index
          %get3A_753 = tpu.vector_load %arg4[%get3A_751, %get3A_752] {strides = array<i32>} : memref<576x64xi32, #tpu.memory_space<vmem>>, vector<16xi32>,
          %shift_right_arithmetic3A_754 = arith.constant 31 : i32
          %shift_right_arithmetic3A_755 = vector.broadcast %shift_right_arithmetic3A_754 : i32 to vector<16xi32>
          %shift_right_arithmetic3A_756 = arith.shrsi %get3A_753, %shift_right_arithmetic3A_755 : vector<16xi32>
          %and3A_757 = arith.constant 2147483647 : i32
          %and3A_758 = vector.broadcast %and3A_757 : i32 to vector<16xi32>
          %and3A_759 = arith.andi %shift_right_arithmetic3A_756, %and3A_758 : vector<16xi32>
          %xor3A_760 = arith.xori %get3A_753, %and3A_759 : vector<16xi32>
          %add3A_761 = arith.constant 10 : i32
          %add3A_762 = arith.addi %mul3A_71, %add3A_761 : i32
          %swap3A_763 = arith.index_cast %add3A_762 : i32 to index
          %swap3A_764 = arith.constant 0 : index
          %swap3A_765 = tpu.vector_load %arg4[%swap3A_763, %swap3A_764] {strides = array<i32>} : memref<576x64xi32, #tpu.memory_space<vmem>>, vector<16xi32>,
          tpu.vector_store %arg4[%swap3A_763, %swap3A_764], %xor3A_760 {strides = array<i32>} : memref<576x64xi32, #tpu.memory_space<vmem>>, vector<16xi32>,
          %add3A_766 = arith.constant 10 : i32
          %add3A_767 = arith.addi %mul3A_71, %add3A_766 : i32
          %get3A_768 = arith.index_cast %add3A_767 : i32 to index
          %get3A_769 = arith.constant 16 : index
          %get3A_770 = tpu.vector_load %arg4[%get3A_768, %get3A_769] {strides = array<i32>} : memref<576x64xi32, #tpu.memory_space<vmem>>, vector<16xi32>,
          %shift_right_arithmetic3A_771 = arith.constant 31 : i32
          %shift_right_arithmetic3A_772 = vector.broadcast %shift_right_arithmetic3A_771 : i32 to vector<16xi32>
          %shift_right_arithmetic3A_773 = arith.shrsi %get3A_770, %shift_right_arithmetic3A_772 : vector<16xi32>
          %and3A_774 = arith.constant 2147483647 : i32
          %and3A_775 = vector.broadcast %and3A_774 : i32 to vector<16xi32>
          %and3A_776 = arith.andi %shift_right_arithmetic3A_773, %and3A_775 : vector<16xi32>
          %xor3A_777 = arith.xori %get3A_770, %and3A_776 : vector<16xi32>
          %add3A_778 = arith.constant 10 : i32
          %add3A_779 = arith.addi %mul3A_71, %add3A_778 : i32
          %swap3A_780 = arith.index_cast %add3A_779 : i32 to index
          %swap3A_781 = arith.constant 16 : index
          %swap3A_782 = tpu.vector_load %arg4[%swap3A_780, %swap3A_781] {strides = array<i32>} : memref<576x64xi32, #tpu.memory_space<vmem>>, vector<16xi32>,
          tpu.vector_store %arg4[%swap3A_780, %swap3A_781], %xor3A_777 {strides = array<i32>} : memref<576x64xi32, #tpu.memory_space<vmem>>, vector<16xi32>,
          %add3A_783 = arith.constant 10 : i32
          %add3A_784 = arith.addi %mul3A_71, %add3A_783 : i32
          %get3A_785 = arith.index_cast %add3A_784 : i32 to index
          %get3A_786 = arith.constant 32 : index
          %get3A_787 = tpu.vector_load %arg4[%get3A_785, %get3A_786] {strides = array<i32>} : memref<576x64xi32, #tpu.memory_space<vmem>>, vector<16xi32>,
          %shift_right_arithmetic3A_788 = arith.constant 31 : i32
          %shift_right_arithmetic3A_789 = vector.broadcast %shift_right_arithmetic3A_788 : i32 to vector<16xi32>
          %shift_right_arithmetic3A_790 = arith.shrsi %get3A_787, %shift_right_arithmetic3A_789 : vector<16xi32>
          %and3A_791 = arith.constant 2147483647 : i32
          %and3A_792 = vector.broadcast %and3A_791 : i32 to vector<16xi32>
          %and3A_793 = arith.andi %shift_right_arithmetic3A_790, %and3A_792 : vector<16xi32>
          %xor3A_794 = arith.xori %get3A_787, %and3A_793 : vector<16xi32>
          %add3A_795 = arith.constant 10 : i32
          %add3A_796 = arith.addi %mul3A_71, %add3A_795 : i32
          %swap3A_797 = arith.index_cast %add3A_796 : i32 to index
          %swap3A_798 = arith.constant 32 : index
          %swap3A_799 = tpu.vector_load %arg4[%swap3A_797, %swap3A_798] {strides = array<i32>} : memref<576x64xi32, #tpu.memory_space<vmem>>, vector<16xi32>,
          tpu.vector_store %arg4[%swap3A_797, %swap3A_798], %xor3A_794 {strides = array<i32>} : memref<576x64xi32, #tpu.memory_space<vmem>>, vector<16xi32>,
          %add3A_800 = arith.constant 10 : i32
          %add3A_801 = arith.addi %mul3A_71, %add3A_800 : i32
          %get3A_802 = arith.index_cast %add3A_801 : i32 to index
          %get3A_803 = arith.constant 48 : index
          %get3A_804 = tpu.vector_load %arg4[%get3A_802, %get3A_803] {strides = array<i32>} : memref<576x64xi32, #tpu.memory_space<vmem>>, vector<16xi32>,
          %shift_right_arithmetic3A_805 = arith.constant 31 : i32
          %shift_right_arithmetic3A_806 = vector.broadcast %shift_right_arithmetic3A_805 : i32 to vector<16xi32>
          %shift_right_arithmetic3A_807 = arith.shrsi %get3A_804, %shift_right_arithmetic3A_806 : vector<16xi32>
          %and3A_808 = arith.constant 2147483647 : i32
          %and3A_809 = vector.broadcast %and3A_808 : i32 to vector<16xi32>
          %and3A_810 = arith.andi %shift_right_arithmetic3A_807, %and3A_809 : vector<16xi32>
          %xor3A_811 = arith.xori %get3A_804, %and3A_810 : vector<16xi32>
          %add3A_812 = arith.constant 10 : i32
          %add3A_813 = arith.addi %mul3A_71, %add3A_812 : i32
          %swap3A_814 = arith.index_cast %add3A_813 : i32 to index
          %swap3A_815 = arith.constant 48 : index
          %swap3A_816 = tpu.vector_load %arg4[%swap3A_814, %swap3A_815] {strides = array<i32>} : memref<576x64xi32, #tpu.memory_space<vmem>>, vector<16xi32>,
          tpu.vector_store %arg4[%swap3A_814, %swap3A_815], %xor3A_811 {strides = array<i32>} : memref<576x64xi32, #tpu.memory_space<vmem>>, vector<16xi32>,
          %add3A_817 = arith.constant 11 : i32
          %add3A_818 = arith.addi %mul3A_71, %add3A_817 : i32
          %get3A_819 = arith.index_cast %add3A_818 : i32 to index
          %get3A_820 = arith.constant 0 : index
          %get3A_821 = tpu.vector_load %arg4[%get3A_819, %get3A_820] {strides = array<i32>} : memref<576x64xi32, #tpu.memory_space<vmem>>, vector<16xi32>,
          %shift_right_arithmetic3A_822 = arith.constant 31 : i32
          %shift_right_arithmetic3A_823 = vector.broadcast %shift_right_arithmetic3A_822 : i32 to vector<16xi32>
          %shift_right_arithmetic3A_824 = arith.shrsi %get3A_821, %shift_right_arithmetic3A_823 : vector<16xi32>
          %and3A_825 = arith.constant 2147483647 : i32
          %and3A_826 = vector.broadcast %and3A_825 : i32 to vector<16xi32>
          %and3A_827 = arith.andi %shift_right_arithmetic3A_824, %and3A_826 : vector<16xi32>
          %xor3A_828 = arith.xori %get3A_821, %and3A_827 : vector<16xi32>
          %add3A_829 = arith.constant 11 : i32
          %add3A_830 = arith.addi %mul3A_71, %add3A_829 : i32
          %swap3A_831 = arith.index_cast %add3A_830 : i32 to index
          %swap3A_832 = arith.constant 0 : index
          %swap3A_833 = tpu.vector_load %arg4[%swap3A_831, %swap3A_832] {strides = array<i32>} : memref<576x64xi32, #tpu.memory_space<vmem>>, vector<16xi32>,
          tpu.vector_store %arg4[%swap3A_831, %swap3A_832], %xor3A_828 {strides = array<i32>} : memref<576x64xi32, #tpu.memory_space<vmem>>, vector<16xi32>,
          %add3A_834 = arith.constant 11 : i32
          %add3A_835 = arith.addi %mul3A_71, %add3A_834 : i32
          %get3A_836 = arith.index_cast %add3A_835 : i32 to index
          %get3A_837 = arith.constant 16 : index
          %get3A_838 = tpu.vector_load %arg4[%get3A_836, %get3A_837] {strides = array<i32>} : memref<576x64xi32, #tpu.memory_space<vmem>>, vector<16xi32>,
          %shift_right_arithmetic3A_839 = arith.constant 31 : i32
          %shift_right_arithmetic3A_840 = vector.broadcast %shift_right_arithmetic3A_839 : i32 to vector<16xi32>
          %shift_right_arithmetic3A_841 = arith.shrsi %get3A_838, %shift_right_arithmetic3A_840 : vector<16xi32>
          %and3A_842 = arith.constant 2147483647 : i32
          %and3A_843 = vector.broadcast %and3A_842 : i32 to vector<16xi32>
          %and3A_844 = arith.andi %shift_right_arithmetic3A_841, %and3A_843 : vector<16xi32>
          %xor3A_845 = arith.xori %get3A_838, %and3A_844 : vector<16xi32>
          %add3A_846 = arith.constant 11 : i32
          %add3A_847 = arith.addi %mul3A_71, %add3A_846 : i32
          %swap3A_848 = arith.index_cast %add3A_847 : i32 to index
          %swap3A_849 = arith.constant 16 : index
          %swap3A_850 = tpu.vector_load %arg4[%swap3A_848, %swap3A_849] {strides = array<i32>} : memref<576x64xi32, #tpu.memory_space<vmem>>, vector<16xi32>,
          tpu.vector_store %arg4[%swap3A_848, %swap3A_849], %xor3A_845 {strides = array<i32>} : memref<576x64xi32, #tpu.memory_space<vmem>>, vector<16xi32>,
          %add3A_851 = arith.constant 11 : i32
          %add3A_852 = arith.addi %mul3A_71, %add3A_851 : i32
          %get3A_853 = arith.index_cast %add3A_852 : i32 to index
          %get3A_854 = arith.constant 32 : index
          %get3A_855 = tpu.vector_load %arg4[%get3A_853, %get3A_854] {strides = array<i32>} : memref<576x64xi32, #tpu.memory_space<vmem>>, vector<16xi32>,
          %shift_right_arithmetic3A_856 = arith.constant 31 : i32
          %shift_right_arithmetic3A_857 = vector.broadcast %shift_right_arithmetic3A_856 : i32 to vector<16xi32>
          %shift_right_arithmetic3A_858 = arith.shrsi %get3A_855, %shift_right_arithmetic3A_857 : vector<16xi32>
          %and3A_859 = arith.constant 2147483647 : i32
          %and3A_860 = vector.broadcast %and3A_859 : i32 to vector<16xi32>
          %and3A_861 = arith.andi %shift_right_arithmetic3A_858, %and3A_860 : vector<16xi32>
          %xor3A_862 = arith.xori %get3A_855, %and3A_861 : vector<16xi32>
          %add3A_863 = arith.constant 11 : i32
          %add3A_864 = arith.addi %mul3A_71, %add3A_863 : i32
          %swap3A_865 = arith.index_cast %add3A_864 : i32 to index
          %swap3A_866 = arith.constant 32 : index
          %swap3A_867 = tpu.vector_load %arg4[%swap3A_865, %swap3A_866] {strides = array<i32>} : memref<576x64xi32, #tpu.memory_space<vmem>>, vector<16xi32>,
          tpu.vector_store %arg4[%swap3A_865, %swap3A_866], %xor3A_862 {strides = array<i32>} : memref<576x64xi32, #tpu.memory_space<vmem>>, vector<16xi32>,
          %add3A_868 = arith.constant 11 : i32
          %add3A_869 = arith.addi %mul3A_71, %add3A_868 : i32
          %get3A_870 = arith.index_cast %add3A_869 : i32 to index
          %get3A_871 = arith.constant 48 : index
          %get3A_872 = tpu.vector_load %arg4[%get3A_870, %get3A_871] {strides = array<i32>} : memref<576x64xi32, #tpu.memory_space<vmem>>, vector<16xi32>,
          %shift_right_arithmetic3A_873 = arith.constant 31 : i32
          %shift_right_arithmetic3A_874 = vector.broadcast %shift_right_arithmetic3A_873 : i32 to vector<16xi32>
          %shift_right_arithmetic3A_875 = arith.shrsi %get3A_872, %shift_right_arithmetic3A_874 : vector<16xi32>
          %and3A_876 = arith.constant 2147483647 : i32
          %and3A_877 = vector.broadcast %and3A_876 : i32 to vector<16xi32>
          %and3A_878 = arith.andi %shift_right_arithmetic3A_875, %and3A_877 : vector<16xi32>
          %xor3A_879 = arith.xori %get3A_872, %and3A_878 : vector<16xi32>
          %add3A_880 = arith.constant 11 : i32
          %add3A_881 = arith.addi %mul3A_71, %add3A_880 : i32
          %swap3A_882 = arith.index_cast %add3A_881 : i32 to index
          %swap3A_883 = arith.constant 48 : index
          %swap3A_884 = tpu.vector_load %arg4[%swap3A_882, %swap3A_883] {strides = array<i32>} : memref<576x64xi32, #tpu.memory_space<vmem>>, vector<16xi32>,
          tpu.vector_store %arg4[%swap3A_882, %swap3A_883], %xor3A_879 {strides = array<i32>} : memref<576x64xi32, #tpu.memory_space<vmem>>, vector<16xi32>,
          %add3A_885 = arith.constant 12 : i32
          %add3A_886 = arith.addi %mul3A_71, %add3A_885 : i32
          %get3A_887 = arith.index_cast %add3A_886 : i32 to index
          %get3A_888 = arith.constant 0 : index
          %get3A_889 = tpu.vector_load %arg4[%get3A_887, %get3A_888] {strides = array<i32>} : memref<576x64xi32, #tpu.memory_space<vmem>>, vector<16xi32>,
          %shift_right_arithmetic3A_890 = arith.constant 31 : i32
          %shift_right_arithmetic3A_891 = vector.broadcast %shift_right_arithmetic3A_890 : i32 to vector<16xi32>
          %shift_right_arithmetic3A_892 = arith.shrsi %get3A_889, %shift_right_arithmetic3A_891 : vector<16xi32>
          %and3A_893 = arith.constant 2147483647 : i32
          %and3A_894 = vector.broadcast %and3A_893 : i32 to vector<16xi32>
          %and3A_895 = arith.andi %shift_right_arithmetic3A_892, %and3A_894 : vector<16xi32>
          %xor3A_896 = arith.xori %get3A_889, %and3A_895 : vector<16xi32>
          %add3A_897 = arith.constant 12 : i32
          %add3A_898 = arith.addi %mul3A_71, %add3A_897 : i32
          %swap3A_899 = arith.index_cast %add3A_898 : i32 to index
          %swap3A_900 = arith.constant 0 : index
          %swap3A_901 = tpu.vector_load %arg4[%swap3A_899, %swap3A_900] {strides = array<i32>} : memref<576x64xi32, #tpu.memory_space<vmem>>, vector<16xi32>,
          tpu.vector_store %arg4[%swap3A_899, %swap3A_900], %xor3A_896 {strides = array<i32>} : memref<576x64xi32, #tpu.memory_space<vmem>>, vector<16xi32>,
          %add3A_902 = arith.constant 12 : i32
          %add3A_903 = arith.addi %mul3A_71, %add3A_902 : i32
          %get3A_904 = arith.index_cast %add3A_903 : i32 to index
          %get3A_905 = arith.constant 16 : index
          %get3A_906 = tpu.vector_load %arg4[%get3A_904, %get3A_905] {strides = array<i32>} : memref<576x64xi32, #tpu.memory_space<vmem>>, vector<16xi32>,
          %shift_right_arithmetic3A_907 = arith.constant 31 : i32
          %shift_right_arithmetic3A_908 = vector.broadcast %shift_right_arithmetic3A_907 : i32 to vector<16xi32>
          %shift_right_arithmetic3A_909 = arith.shrsi %get3A_906, %shift_right_arithmetic3A_908 : vector<16xi32>
          %and3A_910 = arith.constant 2147483647 : i32
          %and3A_911 = vector.broadcast %and3A_910 : i32 to vector<16xi32>
          %and3A_912 = arith.andi %shift_right_arithmetic3A_909, %and3A_911 : vector<16xi32>
          %xor3A_913 = arith.xori %get3A_906, %and3A_912 : vector<16xi32>
          %add3A_914 = arith.constant 12 : i32
          %add3A_915 = arith.addi %mul3A_71, %add3A_914 : i32
          %swap3A_916 = arith.index_cast %add3A_915 : i32 to index
          %swap3A_917 = arith.constant 16 : index
          %swap3A_918 = tpu.vector_load %arg4[%swap3A_916, %swap3A_917] {strides = array<i32>} : memref<576x64xi32, #tpu.memory_space<vmem>>, vector<16xi32>,
          tpu.vector_store %arg4[%swap3A_916, %swap3A_917], %xor3A_913 {strides = array<i32>} : memref<576x64xi32, #tpu.memory_space<vmem>>, vector<16xi32>,
          %add3A_919 = arith.constant 12 : i32
          %add3A_920 = arith.addi %mul3A_71, %add3A_919 : i32
          %get3A_921 = arith.index_cast %add3A_920 : i32 to index
          %get3A_922 = arith.constant 32 : index
          %get3A_923 = tpu.vector_load %arg4[%get3A_921, %get3A_922] {strides = array<i32>} : memref<576x64xi32, #tpu.memory_space<vmem>>, vector<16xi32>,
          %shift_right_arithmetic3A_924 = arith.constant 31 : i32
          %shift_right_arithmetic3A_925 = vector.broadcast %shift_right_arithmetic3A_924 : i32 to vector<16xi32>
          %shift_right_arithmetic3A_926 = arith.shrsi %get3A_923, %shift_right_arithmetic3A_925 : vector<16xi32>
          %and3A_927 = arith.constant 2147483647 : i32
          %and3A_928 = vector.broadcast %and3A_927 : i32 to vector<16xi32>
          %and3A_929 = arith.andi %shift_right_arithmetic3A_926, %and3A_928 : vector<16xi32>
          %xor3A_930 = arith.xori %get3A_923, %and3A_929 : vector<16xi32>
          %add3A_931 = arith.constant 12 : i32
          %add3A_932 = arith.addi %mul3A_71, %add3A_931 : i32
          %swap3A_933 = arith.index_cast %add3A_932 : i32 to index
          %swap3A_934 = arith.constant 32 : index
          %swap3A_935 = tpu.vector_load %arg4[%swap3A_933, %swap3A_934] {strides = array<i32>} : memref<576x64xi32, #tpu.memory_space<vmem>>, vector<16xi32>,
          tpu.vector_store %arg4[%swap3A_933, %swap3A_934], %xor3A_930 {strides = array<i32>} : memref<576x64xi32, #tpu.memory_space<vmem>>, vector<16xi32>,
          %add3A_936 = arith.constant 12 : i32
          %add3A_937 = arith.addi %mul3A_71, %add3A_936 : i32
          %get3A_938 = arith.index_cast %add3A_937 : i32 to index
          %get3A_939 = arith.constant 48 : index
          %get3A_940 = tpu.vector_load %arg4[%get3A_938, %get3A_939] {strides = array<i32>} : memref<576x64xi32, #tpu.memory_space<vmem>>, vector<16xi32>,
          %shift_right_arithmetic3A_941 = arith.constant 31 : i32
          %shift_right_arithmetic3A_942 = vector.broadcast %shift_right_arithmetic3A_941 : i32 to vector<16xi32>
          %shift_right_arithmetic3A_943 = arith.shrsi %get3A_940, %shift_right_arithmetic3A_942 : vector<16xi32>
          %and3A_944 = arith.constant 2147483647 : i32
          %and3A_945 = vector.broadcast %and3A_944 : i32 to vector<16xi32>
          %and3A_946 = arith.andi %shift_right_arithmetic3A_943, %and3A_945 : vector<16xi32>
          %xor3A_947 = arith.xori %get3A_940, %and3A_946 : vector<16xi32>
          %add3A_948 = arith.constant 12 : i32
          %add3A_949 = arith.addi %mul3A_71, %add3A_948 : i32
          %swap3A_950 = arith.index_cast %add3A_949 : i32 to index
          %swap3A_951 = arith.constant 48 : index
          %swap3A_952 = tpu.vector_load %arg4[%swap3A_950, %swap3A_951] {strides = array<i32>} : memref<576x64xi32, #tpu.memory_space<vmem>>, vector<16xi32>,
          tpu.vector_store %arg4[%swap3A_950, %swap3A_951], %xor3A_947 {strides = array<i32>} : memref<576x64xi32, #tpu.memory_space<vmem>>, vector<16xi32>,
          %add3A_953 = arith.constant 13 : i32
          %add3A_954 = arith.addi %mul3A_71, %add3A_953 : i32
          %get3A_955 = arith.index_cast %add3A_954 : i32 to index
          %get3A_956 = arith.constant 0 : index
          %get3A_957 = tpu.vector_load %arg4[%get3A_955, %get3A_956] {strides = array<i32>} : memref<576x64xi32, #tpu.memory_space<vmem>>, vector<16xi32>,
          %shift_right_arithmetic3A_958 = arith.constant 31 : i32
          %shift_right_arithmetic3A_959 = vector.broadcast %shift_right_arithmetic3A_958 : i32 to vector<16xi32>
          %shift_right_arithmetic3A_960 = arith.shrsi %get3A_957, %shift_right_arithmetic3A_959 : vector<16xi32>
          %and3A_961 = arith.constant 2147483647 : i32
          %and3A_962 = vector.broadcast %and3A_961 : i32 to vector<16xi32>
          %and3A_963 = arith.andi %shift_right_arithmetic3A_960, %and3A_962 : vector<16xi32>
          %xor3A_964 = arith.xori %get3A_957, %and3A_963 : vector<16xi32>
          %add3A_965 = arith.constant 13 : i32
          %add3A_966 = arith.addi %mul3A_71, %add3A_965 : i32
          %swap3A_967 = arith.index_cast %add3A_966 : i32 to index
          %swap3A_968 = arith.constant 0 : index
          %swap3A_969 = tpu.vector_load %arg4[%swap3A_967, %swap3A_968] {strides = array<i32>} : memref<576x64xi32, #tpu.memory_space<vmem>>, vector<16xi32>,
          tpu.vector_store %arg4[%swap3A_967, %swap3A_968], %xor3A_964 {strides = array<i32>} : memref<576x64xi32, #tpu.memory_space<vmem>>, vector<16xi32>,
          %add3A_970 = arith.constant 13 : i32
          %add3A_971 = arith.addi %mul3A_71, %add3A_970 : i32
          %get3A_972 = arith.index_cast %add3A_971 : i32 to index
          %get3A_973 = arith.constant 16 : index
          %get3A_974 = tpu.vector_load %arg4[%get3A_972, %get3A_973] {strides = array<i32>} : memref<576x64xi32, #tpu.memory_space<vmem>>, vector<16xi32>,
          %shift_right_arithmetic3A_975 = arith.constant 31 : i32
          %shift_right_arithmetic3A_976 = vector.broadcast %shift_right_arithmetic3A_975 : i32 to vector<16xi32>
          %shift_right_arithmetic3A_977 = arith.shrsi %get3A_974, %shift_right_arithmetic3A_976 : vector<16xi32>
          %and3A_978 = arith.constant 2147483647 : i32
          %and3A_979 = vector.broadcast %and3A_978 : i32 to vector<16xi32>
          %and3A_980 = arith.andi %shift_right_arithmetic3A_977, %and3A_979 : vector<16xi32>
          %xor3A_981 = arith.xori %get3A_974, %and3A_980 : vector<16xi32>
          %add3A_982 = arith.constant 13 : i32
          %add3A_983 = arith.addi %mul3A_71, %add3A_982 : i32
          %swap3A_984 = arith.index_cast %add3A_983 : i32 to index
          %swap3A_985 = arith.constant 16 : index
          %swap3A_986 = tpu.vector_load %arg4[%swap3A_984, %swap3A_985] {strides = array<i32>} : memref<576x64xi32, #tpu.memory_space<vmem>>, vector<16xi32>,
          tpu.vector_store %arg4[%swap3A_984, %swap3A_985], %xor3A_981 {strides = array<i32>} : memref<576x64xi32, #tpu.memory_space<vmem>>, vector<16xi32>,
          %add3A_987 = arith.constant 13 : i32
          %add3A_988 = arith.addi %mul3A_71, %add3A_987 : i32
          %get3A_989 = arith.index_cast %add3A_988 : i32 to index
          %get3A_990 = arith.constant 32 : index
          %get3A_991 = tpu.vector_load %arg4[%get3A_989, %get3A_990] {strides = array<i32>} : memref<576x64xi32, #tpu.memory_space<vmem>>, vector<16xi32>,
          %shift_right_arithmetic3A_992 = arith.constant 31 : i32
          %shift_right_arithmetic3A_993 = vector.broadcast %shift_right_arithmetic3A_992 : i32 to vector<16xi32>
          %shift_right_arithmetic3A_994 = arith.shrsi %get3A_991, %shift_right_arithmetic3A_993 : vector<16xi32>
          %and3A_995 = arith.constant 2147483647 : i32
          %and3A_996 = vector.broadcast %and3A_995 : i32 to vector<16xi32>
          %and3A_997 = arith.andi %shift_right_arithmetic3A_994, %and3A_996 : vector<16xi32>
          %xor3A_998 = arith.xori %get3A_991, %and3A_997 : vector<16xi32>
          %add3A_999 = arith.constant 13 : i32
          %add3A_1000 = arith.addi %mul3A_71, %add3A_999 : i32
          %swap3A_1001 = arith.index_cast %add3A_1000 : i32 to index
          %swap3A_1002 = arith.constant 32 : index
          %swap3A_1003 = tpu.vector_load %arg4[%swap3A_1001, %swap3A_1002] {strides = array<i32>} : memref<576x64xi32, #tpu.memory_space<vmem>>, vector<16xi32>,
          tpu.vector_store %arg4[%swap3A_1001, %swap3A_1002], %xor3A_998 {strides = array<i32>} : memref<576x64xi32, #tpu.memory_space<vmem>>, vector<16xi32>,
          %add3A_1004 = arith.constant 13 : i32
          %add3A_1005 = arith.addi %mul3A_71, %add3A_1004 : i32
          %get3A_1006 = arith.index_cast %add3A_1005 : i32 to index
          %get3A_1007 = arith.constant 48 : index
          %get3A_1008 = tpu.vector_load %arg4[%get3A_1006, %get3A_1007] {strides = array<i32>} : memref<576x64xi32, #tpu.memory_space<vmem>>, vector<16xi32>,
          %shift_right_arithmetic3A_1009 = arith.constant 31 : i32
          %shift_right_arithmetic3A_1010 = vector.broadcast %shift_right_arithmetic3A_1009 : i32 to vector<16xi32>
          %shift_right_arithmetic3A_1011 = arith.shrsi %get3A_1008, %shift_right_arithmetic3A_1010 : vector<16xi32>
          %and3A_1012 = arith.constant 2147483647 : i32
          %and3A_1013 = vector.broadcast %and3A_1012 : i32 to vector<16xi32>
          %and3A_1014 = arith.andi %shift_right_arithmetic3A_1011, %and3A_1013 : vector<16xi32>
          %xor3A_1015 = arith.xori %get3A_1008, %and3A_1014 : vector<16xi32>
          %add3A_1016 = arith.constant 13 : i32
          %add3A_1017 = arith.addi %mul3A_71, %add3A_1016 : i32
          %swap3A_1018 = arith.index_cast %add3A_1017 : i32 to index
          %swap3A_1019 = arith.constant 48 : index
          %swap3A_1020 = tpu.vector_load %arg4[%swap3A_1018, %swap3A_1019] {strides = array<i32>} : memref<576x64xi32, #tpu.memory_space<vmem>>, vector<16xi32>,
          tpu.vector_store %arg4[%swap3A_1018, %swap3A_1019], %xor3A_1015 {strides = array<i32>} : memref<576x64xi32, #tpu.memory_space<vmem>>, vector<16xi32>,
          %add3A_1021 = arith.constant 14 : i32
          %add3A_1022 = arith.addi %mul3A_71, %add3A_1021 : i32
          %get3A_1023 = arith.index_cast %add3A_1022 : i32 to index
          %get3A_1024 = arith.constant 0 : index
          %get3A_1025 = tpu.vector_load %arg4[%get3A_1023, %get3A_1024] {strides = array<i32>} : memref<576x64xi32, #tpu.memory_space<vmem>>, vector<16xi32>,
          %shift_right_arithmetic3A_1026 = arith.constant 31 : i32
          %shift_right_arithmetic3A_1027 = vector.broadcast %shift_right_arithmetic3A_1026 : i32 to vector<16xi32>
          %shift_right_arithmetic3A_1028 = arith.shrsi %get3A_1025, %shift_right_arithmetic3A_1027 : vector<16xi32>
          %and3A_1029 = arith.constant 2147483647 : i32
          %and3A_1030 = vector.broadcast %and3A_1029 : i32 to vector<16xi32>
          %and3A_1031 = arith.andi %shift_right_arithmetic3A_1028, %and3A_1030 : vector<16xi32>
          %xor3A_1032 = arith.xori %get3A_1025, %and3A_1031 : vector<16xi32>
          %add3A_1033 = arith.constant 14 : i32
          %add3A_1034 = arith.addi %mul3A_71, %add3A_1033 : i32
          %swap3A_1035 = arith.index_cast %add3A_1034 : i32 to index
          %swap3A_1036 = arith.constant 0 : index
          %swap3A_1037 = tpu.vector_load %arg4[%swap3A_1035, %swap3A_1036] {strides = array<i32>} : memref<576x64xi32, #tpu.memory_space<vmem>>, vector<16xi32>,
          tpu.vector_store %arg4[%swap3A_1035, %swap3A_1036], %xor3A_1032 {strides = array<i32>} : memref<576x64xi32, #tpu.memory_space<vmem>>, vector<16xi32>,
          %add3A_1038 = arith.constant 14 : i32
          %add3A_1039 = arith.addi %mul3A_71, %add3A_1038 : i32
          %get3A_1040 = arith.index_cast %add3A_1039 : i32 to index
          %get3A_1041 = arith.constant 16 : index
          %get3A_1042 = tpu.vector_load %arg4[%get3A_1040, %get3A_1041] {strides = array<i32>} : memref<576x64xi32, #tpu.memory_space<vmem>>, vector<16xi32>,
          %shift_right_arithmetic3A_1043 = arith.constant 31 : i32
          %shift_right_arithmetic3A_1044 = vector.broadcast %shift_right_arithmetic3A_1043 : i32 to vector<16xi32>
          %shift_right_arithmetic3A_1045 = arith.shrsi %get3A_1042, %shift_right_arithmetic3A_1044 : vector<16xi32>
          %and3A_1046 = arith.constant 2147483647 : i32
          %and3A_1047 = vector.broadcast %and3A_1046 : i32 to vector<16xi32>
          %and3A_1048 = arith.andi %shift_right_arithmetic3A_1045, %and3A_1047 : vector<16xi32>
          %xor3A_1049 = arith.xori %get3A_1042, %and3A_1048 : vector<16xi32>
          %add3A_1050 = arith.constant 14 : i32
          %add3A_1051 = arith.addi %mul3A_71, %add3A_1050 : i32
          %swap3A_1052 = arith.index_cast %add3A_1051 : i32 to index
          %swap3A_1053 = arith.constant 16 : index
          %swap3A_1054 = tpu.vector_load %arg4[%swap3A_1052, %swap3A_1053] {strides = array<i32>} : memref<576x64xi32, #tpu.memory_space<vmem>>, vector<16xi32>,
          tpu.vector_store %arg4[%swap3A_1052, %swap3A_1053], %xor3A_1049 {strides = array<i32>} : memref<576x64xi32, #tpu.memory_space<vmem>>, vector<16xi32>,
          %add3A_1055 = arith.constant 14 : i32
          %add3A_1056 = arith.addi %mul3A_71, %add3A_1055 : i32
          %get3A_1057 = arith.index_cast %add3A_1056 : i32 to index
          %get3A_1058 = arith.constant 32 : index
          %get3A_1059 = tpu.vector_load %arg4[%get3A_1057, %get3A_1058] {strides = array<i32>} : memref<576x64xi32, #tpu.memory_space<vmem>>, vector<16xi32>,
          %shift_right_arithmetic3A_1060 = arith.constant 31 : i32
          %shift_right_arithmetic3A_1061 = vector.broadcast %shift_right_arithmetic3A_1060 : i32 to vector<16xi32>
          %shift_right_arithmetic3A_1062 = arith.shrsi %get3A_1059, %shift_right_arithmetic3A_1061 : vector<16xi32>
          %and3A_1063 = arith.constant 2147483647 : i32
          %and3A_1064 = vector.broadcast %and3A_1063 : i32 to vector<16xi32>
          %and3A_1065 = arith.andi %shift_right_arithmetic3A_1062, %and3A_1064 : vector<16xi32>
          %xor3A_1066 = arith.xori %get3A_1059, %and3A_1065 : vector<16xi32>
          %add3A_1067 = arith.constant 14 : i32
          %add3A_1068 = arith.addi %mul3A_71, %add3A_1067 : i32
          %swap3A_1069 = arith.index_cast %add3A_1068 : i32 to index
          %swap3A_1070 = arith.constant 32 : index
          %swap3A_1071 = tpu.vector_load %arg4[%swap3A_1069, %swap3A_1070] {strides = array<i32>} : memref<576x64xi32, #tpu.memory_space<vmem>>, vector<16xi32>,
          tpu.vector_store %arg4[%swap3A_1069, %swap3A_1070], %xor3A_1066 {strides = array<i32>} : memref<576x64xi32, #tpu.memory_space<vmem>>, vector<16xi32>,
          %add3A_1072 = arith.constant 14 : i32
          %add3A_1073 = arith.addi %mul3A_71, %add3A_1072 : i32
          %get3A_1074 = arith.index_cast %add3A_1073 : i32 to index
          %get3A_1075 = arith.constant 48 : index
          %get3A_1076 = tpu.vector_load %arg4[%get3A_1074, %get3A_1075] {strides = array<i32>} : memref<576x64xi32, #tpu.memory_space<vmem>>, vector<16xi32>,
          %shift_right_arithmetic3A_1077 = arith.constant 31 : i32
          %shift_right_arithmetic3A_1078 = vector.broadcast %shift_right_arithmetic3A_1077 : i32 to vector<16xi32>
          %shift_right_arithmetic3A_1079 = arith.shrsi %get3A_1076, %shift_right_arithmetic3A_1078 : vector<16xi32>
          %and3A_1080 = arith.constant 2147483647 : i32
          %and3A_1081 = vector.broadcast %and3A_1080 : i32 to vector<16xi32>
          %and3A_1082 = arith.andi %shift_right_arithmetic3A_1079, %and3A_1081 : vector<16xi32>
          %xor3A_1083 = arith.xori %get3A_1076, %and3A_1082 : vector<16xi32>
          %add3A_1084 = arith.constant 14 : i32
          %add3A_1085 = arith.addi %mul3A_71, %add3A_1084 : i32
          %swap3A_1086 = arith.index_cast %add3A_1085 : i32 to index
          %swap3A_1087 = arith.constant 48 : index
          %swap3A_1088 = tpu.vector_load %arg4[%swap3A_1086, %swap3A_1087] {strides = array<i32>} : memref<576x64xi32, #tpu.memory_space<vmem>>, vector<16xi32>,
          tpu.vector_store %arg4[%swap3A_1086, %swap3A_1087], %xor3A_1083 {strides = array<i32>} : memref<576x64xi32, #tpu.memory_space<vmem>>, vector<16xi32>,
          %add3A_1089 = arith.constant 15 : i32
          %add3A_1090 = arith.addi %mul3A_71, %add3A_1089 : i32
          %get3A_1091 = arith.index_cast %add3A_1090 : i32 to index
          %get3A_1092 = arith.constant 0 : index
          %get3A_1093 = tpu.vector_load %arg4[%get3A_1091, %get3A_1092] {strides = array<i32>} : memref<576x64xi32, #tpu.memory_space<vmem>>, vector<16xi32>,
          %shift_right_arithmetic3A_1094 = arith.constant 31 : i32
          %shift_right_arithmetic3A_1095 = vector.broadcast %shift_right_arithmetic3A_1094 : i32 to vector<16xi32>
          %shift_right_arithmetic3A_1096 = arith.shrsi %get3A_1093, %shift_right_arithmetic3A_1095 : vector<16xi32>
          %and3A_1097 = arith.constant 2147483647 : i32
          %and3A_1098 = vector.broadcast %and3A_1097 : i32 to vector<16xi32>
          %and3A_1099 = arith.andi %shift_right_arithmetic3A_1096, %and3A_1098 : vector<16xi32>
          %xor3A_1100 = arith.xori %get3A_1093, %and3A_1099 : vector<16xi32>
          %add3A_1101 = arith.constant 15 : i32
          %add3A_1102 = arith.addi %mul3A_71, %add3A_1101 : i32
          %swap3A_1103 = arith.index_cast %add3A_1102 : i32 to index
          %swap3A_1104 = arith.constant 0 : index
          %swap3A_1105 = tpu.vector_load %arg4[%swap3A_1103, %swap3A_1104] {strides = array<i32>} : memref<576x64xi32, #tpu.memory_space<vmem>>, vector<16xi32>,
          tpu.vector_store %arg4[%swap3A_1103, %swap3A_1104], %xor3A_1100 {strides = array<i32>} : memref<576x64xi32, #tpu.memory_space<vmem>>, vector<16xi32>,
          %add3A_1106 = arith.constant 15 : i32
          %add3A_1107 = arith.addi %mul3A_71, %add3A_1106 : i32
          %get3A_1108 = arith.index_cast %add3A_1107 : i32 to index
          %get3A_1109 = arith.constant 16 : index
          %get3A_1110 = tpu.vector_load %arg4[%get3A_1108, %get3A_1109] {strides = array<i32>} : memref<576x64xi32, #tpu.memory_space<vmem>>, vector<16xi32>,
          %shift_right_arithmetic3A_1111 = arith.constant 31 : i32
          %shift_right_arithmetic3A_1112 = vector.broadcast %shift_right_arithmetic3A_1111 : i32 to vector<16xi32>
          %shift_right_arithmetic3A_1113 = arith.shrsi %get3A_1110, %shift_right_arithmetic3A_1112 : vector<16xi32>
          %and3A_1114 = arith.constant 2147483647 : i32
          %and3A_1115 = vector.broadcast %and3A_1114 : i32 to vector<16xi32>
          %and3A_1116 = arith.andi %shift_right_arithmetic3A_1113, %and3A_1115 : vector<16xi32>
          %xor3A_1117 = arith.xori %get3A_1110, %and3A_1116 : vector<16xi32>
          %add3A_1118 = arith.constant 15 : i32
          %add3A_1119 = arith.addi %mul3A_71, %add3A_1118 : i32
          %swap3A_1120 = arith.index_cast %add3A_1119 : i32 to index
          %swap3A_1121 = arith.constant 16 : index
          %swap3A_1122 = tpu.vector_load %arg4[%swap3A_1120, %swap3A_1121] {strides = array<i32>} : memref<576x64xi32, #tpu.memory_space<vmem>>, vector<16xi32>,
          tpu.vector_store %arg4[%swap3A_1120, %swap3A_1121], %xor3A_1117 {strides = array<i32>} : memref<576x64xi32, #tpu.memory_space<vmem>>, vector<16xi32>,
          %add3A_1123 = arith.constant 15 : i32
          %add3A_1124 = arith.addi %mul3A_71, %add3A_1123 : i32
          %get3A_1125 = arith.index_cast %add3A_1124 : i32 to index
          %get3A_1126 = arith.constant 32 : index
          %get3A_1127 = tpu.vector_load %arg4[%get3A_1125, %get3A_1126] {strides = array<i32>} : memref<576x64xi32, #tpu.memory_space<vmem>>, vector<16xi32>,
          %shift_right_arithmetic3A_1128 = arith.constant 31 : i32
          %shift_right_arithmetic3A_1129 = vector.broadcast %shift_right_arithmetic3A_1128 : i32 to vector<16xi32>
          %shift_right_arithmetic3A_1130 = arith.shrsi %get3A_1127, %shift_right_arithmetic3A_1129 : vector<16xi32>
          %and3A_1131 = arith.constant 2147483647 : i32
          %and3A_1132 = vector.broadcast %and3A_1131 : i32 to vector<16xi32>
          %and3A_1133 = arith.andi %shift_right_arithmetic3A_1130, %and3A_1132 : vector<16xi32>
          %xor3A_1134 = arith.xori %get3A_1127, %and3A_1133 : vector<16xi32>
          %add3A_1135 = arith.constant 15 : i32
          %add3A_1136 = arith.addi %mul3A_71, %add3A_1135 : i32
          %swap3A_1137 = arith.index_cast %add3A_1136 : i32 to index
          %swap3A_1138 = arith.constant 32 : index
          %swap3A_1139 = tpu.vector_load %arg4[%swap3A_1137, %swap3A_1138] {strides = array<i32>} : memref<576x64xi32, #tpu.memory_space<vmem>>, vector<16xi32>,
          tpu.vector_store %arg4[%swap3A_1137, %swap3A_1138], %xor3A_1134 {strides = array<i32>} : memref<576x64xi32, #tpu.memory_space<vmem>>, vector<16xi32>,
          %add3A_1140 = arith.constant 15 : i32
          %add3A_1141 = arith.addi %mul3A_71, %add3A_1140 : i32
          %get3A_1142 = arith.index_cast %add3A_1141 : i32 to index
          %get3A_1143 = arith.constant 48 : index
          %get3A_1144 = tpu.vector_load %arg4[%get3A_1142, %get3A_1143] {strides = array<i32>} : memref<576x64xi32, #tpu.memory_space<vmem>>, vector<16xi32>,
          %shift_right_arithmetic3A_1145 = arith.constant 31 : i32
          %shift_right_arithmetic3A_1146 = vector.broadcast %shift_right_arithmetic3A_1145 : i32 to vector<16xi32>
          %shift_right_arithmetic3A_1147 = arith.shrsi %get3A_1144, %shift_right_arithmetic3A_1146 : vector<16xi32>
          %and3A_1148 = arith.constant 2147483647 : i32
          %and3A_1149 = vector.broadcast %and3A_1148 : i32 to vector<16xi32>
          %and3A_1150 = arith.andi %shift_right_arithmetic3A_1147, %and3A_1149 : vector<16xi32>
          %xor3A_1151 = arith.xori %get3A_1144, %and3A_1150 : vector<16xi32>
          %add3A_1152 = arith.constant 15 : i32
          %add3A_1153 = arith.addi %mul3A_71, %add3A_1152 : i32
          %swap3A_1154 = arith.index_cast %add3A_1153 : i32 to index
          %swap3A_1155 = arith.constant 48 : index
          %swap3A_1156 = tpu.vector_load %arg4[%swap3A_1154, %swap3A_1155] {strides = array<i32>} : memref<576x64xi32, #tpu.memory_space<vmem>>, vector<16xi32>,
          tpu.vector_store %arg4[%swap3A_1154, %swap3A_1155], %xor3A_1151 {strides = array<i32>} : memref<576x64xi32, #tpu.memory_space<vmem>>, vector<16xi32>,
        }
        %scan3A_45 = arith.constant 36 : i32
        %scan3A_46 = arith.constant 0 : i32
        %scan3A_47 = arith.constant 32 : i32
        %scan3A_48 = arith.addi %scan3A_46, %scan3A_47 : i32
        %scan3A_49 = arith.constant 1 : i32
        %scan3A_50:4 = scf.for %scan3A_69 = %scan3A_46 to %scan3A_48 step %scan3A_49 iter_args(%scan3A_70 = %broadcast_in_dim3A_1, %scan3A_71 = %broadcast_in_dim3A_1, %scan3A_72 = %broadcast_in_dim3A_1, %scan3A_73 = %broadcast_in_dim3A_1) -> (vector<16xi32>, vector<16xi32>, vector<16xi32>, vector<16xi32>)  : i32 {
          %sub3A_74 = arith.constant 31 : i32
          %sub3A_75 = arith.subi %sub3A_74, %scan3A_69 : i32
          %shift_left3A = vector.broadcast %sub3A_75 : i32 to vector<16xi32>
          %shift_left3A_76 = arith.shli %broadcast_in_dim3A_3, %shift_left3A : vector<16xi32>
          %or3A = arith.ori %scan3A_70, %shift_left3A_76 : vector<16xi32>
          %sub3A_77 = arith.constant 31 : i32
          %sub3A_78 = arith.subi %sub3A_77, %scan3A_69 : i32
          %shift_left3A_79 = vector.broadcast %sub3A_78 : i32 to vector<16xi32>
          %shift_left3A_80 = arith.shli %broadcast_in_dim3A_3, %shift_left3A_79 : vector<16xi32>
          %or3A_81 = arith.ori %scan3A_71, %shift_left3A_80 : vector<16xi32>
          %sub3A_82 = arith.constant 31 : i32
          %sub3A_83 = arith.subi %sub3A_82, %scan3A_69 : i32
          %shift_left3A_84 = vector.broadcast %sub3A_83 : i32 to vector<16xi32>
          %shift_left3A_85 = arith.shli %broadcast_in_dim3A_3, %shift_left3A_84 : vector<16xi32>
          %or3A_86 = arith.ori %scan3A_72, %shift_left3A_85 : vector<16xi32>
          %sub3A_87 = arith.constant 31 : i32
          %sub3A_88 = arith.subi %sub3A_87, %scan3A_69 : i32
          %shift_left3A_89 = vector.broadcast %sub3A_88 : i32 to vector<16xi32>
          %shift_left3A_90 = arith.shli %broadcast_in_dim3A_3, %shift_left3A_89 : vector<16xi32>
          %or3A_91 = arith.ori %scan3A_73, %shift_left3A_90 : vector<16xi32>
          %xor3A_92 = arith.constant -2147483648 : i32
          %xor3A_93 = vector.broadcast %xor3A_92 : i32 to vector<16xi32>
          %xor3A_94 = arith.xori %or3A, %xor3A_93 : vector<16xi32>
          %xor3A_95 = arith.constant -2147483648 : i32
          %xor3A_96 = vector.broadcast %xor3A_95 : i32 to vector<16xi32>
          %xor3A_97 = arith.xori %or3A_81, %xor3A_96 : vector<16xi32>
          %xor3A_98 = arith.constant -2147483648 : i32
          %xor3A_99 = vector.broadcast %xor3A_98 : i32 to vector<16xi32>
          %xor3A_100 = arith.xori %or3A_86, %xor3A_99 : vector<16xi32>
          %xor3A_101 = arith.constant -2147483648 : i32
          %xor3A_102 = vector.broadcast %xor3A_101 : i32 to vector<16xi32>
          %xor3A_103 = arith.xori %or3A_91, %xor3A_102 : vector<16xi32>
          %scan3A_104 = arith.constant 0 : i32
          %scan3A_105 = arith.constant 36 : i32
          %scan3A_106 = arith.addi %scan3A_104, %scan3A_105 : i32
          %scan3A_107 = arith.constant 1 : i32
          %scan3A_108:4 = scf.for %scan3A_117 = %scan3A_104 to %scan3A_106 step %scan3A_107 iter_args(%scan3A_118 = %broadcast_in_dim3A_1, %scan3A_119 = %broadcast_in_dim3A_1, %scan3A_120 = %broadcast_in_dim3A_1, %scan3A_121 = %broadcast_in_dim3A_1) -> (vector<16xi32>, vector<16xi32>, vector<16xi32>, vector<16xi32>)  : i32 {
            %mul3A_122 = arith.constant 16 : i32
            %mul3A_123 = arith.muli %scan3A_117, %mul3A_122 : i32
            %add3A_124 = arith.constant 0 : i32
            %add3A_125 = arith.addi %mul3A_123, %add3A_124 : i32
            %get3A = arith.index_cast %add3A_125 : i32 to index
            %get3A_126 = arith.constant 0 : index
            %get3A_127 = tpu.vector_load %arg4[%get3A, %get3A_126] {strides = array<i32>} : memref<576x64xi32, #tpu.memory_space<vmem>>, vector<16xi32>,
            %ge3A_128 = arith.cmpi sge, %get3A_127, %xor3A_94 : vector<16xi32>
            %select_n3A_129 = arith.select %ge3A_128, %broadcast_in_dim3A_3, %broadcast_in_dim3A_1 : vector<16xi1>, vector<16xi32>
            %add3A_130 = arith.addi %scan3A_118, %select_n3A_129 : vector<16xi32>
            %add3A_131 = arith.constant 0 : i32
            %add3A_132 = arith.addi %mul3A_123, %add3A_131 : i32
            %get3A_133 = arith.index_cast %add3A_132 : i32 to index
            %get3A_134 = arith.constant 16 : index
            %get3A_135 = tpu.vector_load %arg4[%get3A_133, %get3A_134] {strides = array<i32>} : memref<576x64xi32, #tpu.memory_space<vmem>>, vector<16xi32>,
            %ge3A_136 = arith.cmpi sge, %get3A_135, %xor3A_97 : vector<16xi32>
            %select_n3A_137 = arith.select %ge3A_136, %broadcast_in_dim3A_3, %broadcast_in_dim3A_1 : vector<16xi1>, vector<16xi32>
            %add3A_138 = arith.addi %scan3A_119, %select_n3A_137 : vector<16xi32>
            %add3A_139 = arith.constant 0 : i32
            %add3A_140 = arith.addi %mul3A_123, %add3A_139 : i32
            %get3A_141 = arith.index_cast %add3A_140 : i32 to index
            %get3A_142 = arith.constant 32 : index
            %get3A_143 = tpu.vector_load %arg4[%get3A_141, %get3A_142] {strides = array<i32>} : memref<576x64xi32, #tpu.memory_space<vmem>>, vector<16xi32>,
            %ge3A_144 = arith.cmpi sge, %get3A_143, %xor3A_100 : vector<16xi32>
            %select_n3A_145 = arith.select %ge3A_144, %broadcast_in_dim3A_3, %broadcast_in_dim3A_1 : vector<16xi1>, vector<16xi32>
            %add3A_146 = arith.addi %scan3A_120, %select_n3A_145 : vector<16xi32>
            %add3A_147 = arith.constant 0 : i32
            %add3A_148 = arith.addi %mul3A_123, %add3A_147 : i32
            %get3A_149 = arith.index_cast %add3A_148 : i32 to index
            %get3A_150 = arith.constant 48 : index
            %get3A_151 = tpu.vector_load %arg4[%get3A_149, %get3A_150] {strides = array<i32>} : memref<576x64xi32, #tpu.memory_space<vmem>>, vector<16xi32>,
            %ge3A_152 = arith.cmpi sge, %get3A_151, %xor3A_103 : vector<16xi32>
            %select_n3A_153 = arith.select %ge3A_152, %broadcast_in_dim3A_3, %broadcast_in_dim3A_1 : vector<16xi1>, vector<16xi32>
            %add3A_154 = arith.addi %scan3A_121, %select_n3A_153 : vector<16xi32>
            %add3A_155 = arith.constant 1 : i32
            %add3A_156 = arith.addi %mul3A_123, %add3A_155 : i32
            %get3A_157 = arith.index_cast %add3A_156 : i32 to index
            %get3A_158 = arith.constant 0 : index
            %get3A_159 = tpu.vector_load %arg4[%get3A_157, %get3A_158] {strides = array<i32>} : memref<576x64xi32, #tpu.memory_space<vmem>>, vector<16xi32>,
            %ge3A_160 = arith.cmpi sge, %get3A_159, %xor3A_94 : vector<16xi32>
            %select_n3A_161 = arith.select %ge3A_160, %broadcast_in_dim3A_3, %broadcast_in_dim3A_1 : vector<16xi1>, vector<16xi32>
            %add3A_162 = arith.addi %add3A_130, %select_n3A_161 : vector<16xi32>
            %add3A_163 = arith.constant 1 : i32
            %add3A_164 = arith.addi %mul3A_123, %add3A_163 : i32
            %get3A_165 = arith.index_cast %add3A_164 : i32 to index
            %get3A_166 = arith.constant 16 : index
            %get3A_167 = tpu.vector_load %arg4[%get3A_165, %get3A_166] {strides = array<i32>} : memref<576x64xi32, #tpu.memory_space<vmem>>, vector<16xi32>,
            %ge3A_168 = arith.cmpi sge, %get3A_167, %xor3A_97 : vector<16xi32>
            %select_n3A_169 = arith.select %ge3A_168, %broadcast_in_dim3A_3, %broadcast_in_dim3A_1 : vector<16xi1>, vector<16xi32>
            %add3A_170 = arith.addi %add3A_138, %select_n3A_169 : vector<16xi32>
            %add3A_171 = arith.constant 1 : i32
            %add3A_172 = arith.addi %mul3A_123, %add3A_171 : i32
            %get3A_173 = arith.index_cast %add3A_172 : i32 to index
            %get3A_174 = arith.constant 32 : index
            %get3A_175 = tpu.vector_load %arg4[%get3A_173, %get3A_174] {strides = array<i32>} : memref<576x64xi32, #tpu.memory_space<vmem>>, vector<16xi32>,
            %ge3A_176 = arith.cmpi sge, %get3A_175, %xor3A_100 : vector<16xi32>
            %select_n3A_177 = arith.select %ge3A_176, %broadcast_in_dim3A_3, %broadcast_in_dim3A_1 : vector<16xi1>, vector<16xi32>
            %add3A_178 = arith.addi %add3A_146, %select_n3A_177 : vector<16xi32>
            %add3A_179 = arith.constant 1 : i32
            %add3A_180 = arith.addi %mul3A_123, %add3A_179 : i32
            %get3A_181 = arith.index_cast %add3A_180 : i32 to index
            %get3A_182 = arith.constant 48 : index
            %get3A_183 = tpu.vector_load %arg4[%get3A_181, %get3A_182] {strides = array<i32>} : memref<576x64xi32, #tpu.memory_space<vmem>>, vector<16xi32>,
            %ge3A_184 = arith.cmpi sge, %get3A_183, %xor3A_103 : vector<16xi32>
            %select_n3A_185 = arith.select %ge3A_184, %broadcast_in_dim3A_3, %broadcast_in_dim3A_1 : vector<16xi1>, vector<16xi32>
            %add3A_186 = arith.addi %add3A_154, %select_n3A_185 : vector<16xi32>
            %add3A_187 = arith.constant 2 : i32
            %add3A_188 = arith.addi %mul3A_123, %add3A_187 : i32
            %get3A_189 = arith.index_cast %add3A_188 : i32 to index
            %get3A_190 = arith.constant 0 : index
            %get3A_191 = tpu.vector_load %arg4[%get3A_189, %get3A_190] {strides = array<i32>} : memref<576x64xi32, #tpu.memory_space<vmem>>, vector<16xi32>,
            %ge3A_192 = arith.cmpi sge, %get3A_191, %xor3A_94 : vector<16xi32>
            %select_n3A_193 = arith.select %ge3A_192, %broadcast_in_dim3A_3, %broadcast_in_dim3A_1 : vector<16xi1>, vector<16xi32>
            %add3A_194 = arith.addi %add3A_162, %select_n3A_193 : vector<16xi32>
            %add3A_195 = arith.constant 2 : i32
            %add3A_196 = arith.addi %mul3A_123, %add3A_195 : i32
            %get3A_197 = arith.index_cast %add3A_196 : i32 to index
            %get3A_198 = arith.constant 16 : index
            %get3A_199 = tpu.vector_load %arg4[%get3A_197, %get3A_198] {strides = array<i32>} : memref<576x64xi32, #tpu.memory_space<vmem>>, vector<16xi32>,
            %ge3A_200 = arith.cmpi sge, %get3A_199, %xor3A_97 : vector<16xi32>
            %select_n3A_201 = arith.select %ge3A_200, %broadcast_in_dim3A_3, %broadcast_in_dim3A_1 : vector<16xi1>, vector<16xi32>
            %add3A_202 = arith.addi %add3A_170, %select_n3A_201 : vector<16xi32>
            %add3A_203 = arith.constant 2 : i32
            %add3A_204 = arith.addi %mul3A_123, %add3A_203 : i32
            %get3A_205 = arith.index_cast %add3A_204 : i32 to index
            %get3A_206 = arith.constant 32 : index
            %get3A_207 = tpu.vector_load %arg4[%get3A_205, %get3A_206] {strides = array<i32>} : memref<576x64xi32, #tpu.memory_space<vmem>>, vector<16xi32>,
            %ge3A_208 = arith.cmpi sge, %get3A_207, %xor3A_100 : vector<16xi32>
            %select_n3A_209 = arith.select %ge3A_208, %broadcast_in_dim3A_3, %broadcast_in_dim3A_1 : vector<16xi1>, vector<16xi32>
            %add3A_210 = arith.addi %add3A_178, %select_n3A_209 : vector<16xi32>
            %add3A_211 = arith.constant 2 : i32
            %add3A_212 = arith.addi %mul3A_123, %add3A_211 : i32
            %get3A_213 = arith.index_cast %add3A_212 : i32 to index
            %get3A_214 = arith.constant 48 : index
            %get3A_215 = tpu.vector_load %arg4[%get3A_213, %get3A_214] {strides = array<i32>} : memref<576x64xi32, #tpu.memory_space<vmem>>, vector<16xi32>,
            %ge3A_216 = arith.cmpi sge, %get3A_215, %xor3A_103 : vector<16xi32>
            %select_n3A_217 = arith.select %ge3A_216, %broadcast_in_dim3A_3, %broadcast_in_dim3A_1 : vector<16xi1>, vector<16xi32>
            %add3A_218 = arith.addi %add3A_186, %select_n3A_217 : vector<16xi32>
            %add3A_219 = arith.constant 3 : i32
            %add3A_220 = arith.addi %mul3A_123, %add3A_219 : i32
            %get3A_221 = arith.index_cast %add3A_220 : i32 to index
            %get3A_222 = arith.constant 0 : index
            %get3A_223 = tpu.vector_load %arg4[%get3A_221, %get3A_222] {strides = array<i32>} : memref<576x64xi32, #tpu.memory_space<vmem>>, vector<16xi32>,
            %ge3A_224 = arith.cmpi sge, %get3A_223, %xor3A_94 : vector<16xi32>
            %select_n3A_225 = arith.select %ge3A_224, %broadcast_in_dim3A_3, %broadcast_in_dim3A_1 : vector<16xi1>, vector<16xi32>
            %add3A_226 = arith.addi %add3A_194, %select_n3A_225 : vector<16xi32>
            %add3A_227 = arith.constant 3 : i32
            %add3A_228 = arith.addi %mul3A_123, %add3A_227 : i32
            %get3A_229 = arith.index_cast %add3A_228 : i32 to index
            %get3A_230 = arith.constant 16 : index
            %get3A_231 = tpu.vector_load %arg4[%get3A_229, %get3A_230] {strides = array<i32>} : memref<576x64xi32, #tpu.memory_space<vmem>>, vector<16xi32>,
            %ge3A_232 = arith.cmpi sge, %get3A_231, %xor3A_97 : vector<16xi32>
            %select_n3A_233 = arith.select %ge3A_232, %broadcast_in_dim3A_3, %broadcast_in_dim3A_1 : vector<16xi1>, vector<16xi32>
            %add3A_234 = arith.addi %add3A_202, %select_n3A_233 : vector<16xi32>
            %add3A_235 = arith.constant 3 : i32
            %add3A_236 = arith.addi %mul3A_123, %add3A_235 : i32
            %get3A_237 = arith.index_cast %add3A_236 : i32 to index
            %get3A_238 = arith.constant 32 : index
            %get3A_239 = tpu.vector_load %arg4[%get3A_237, %get3A_238] {strides = array<i32>} : memref<576x64xi32, #tpu.memory_space<vmem>>, vector<16xi32>,
            %ge3A_240 = arith.cmpi sge, %get3A_239, %xor3A_100 : vector<16xi32>
            %select_n3A_241 = arith.select %ge3A_240, %broadcast_in_dim3A_3, %broadcast_in_dim3A_1 : vector<16xi1>, vector<16xi32>
            %add3A_242 = arith.addi %add3A_210, %select_n3A_241 : vector<16xi32>
            %add3A_243 = arith.constant 3 : i32
            %add3A_244 = arith.addi %mul3A_123, %add3A_243 : i32
            %get3A_245 = arith.index_cast %add3A_244 : i32 to index
            %get3A_246 = arith.constant 48 : index
            %get3A_247 = tpu.vector_load %arg4[%get3A_245, %get3A_246] {strides = array<i32>} : memref<576x64xi32, #tpu.memory_space<vmem>>, vector<16xi32>,
            %ge3A_248 = arith.cmpi sge, %get3A_247, %xor3A_103 : vector<16xi32>
            %select_n3A_249 = arith.select %ge3A_248, %broadcast_in_dim3A_3, %broadcast_in_dim3A_1 : vector<16xi1>, vector<16xi32>
            %add3A_250 = arith.addi %add3A_218, %select_n3A_249 : vector<16xi32>
            %add3A_251 = arith.constant 4 : i32
            %add3A_252 = arith.addi %mul3A_123, %add3A_251 : i32
            %get3A_253 = arith.index_cast %add3A_252 : i32 to index
            %get3A_254 = arith.constant 0 : index
            %get3A_255 = tpu.vector_load %arg4[%get3A_253, %get3A_254] {strides = array<i32>} : memref<576x64xi32, #tpu.memory_space<vmem>>, vector<16xi32>,
            %ge3A_256 = arith.cmpi sge, %get3A_255, %xor3A_94 : vector<16xi32>
            %select_n3A_257 = arith.select %ge3A_256, %broadcast_in_dim3A_3, %broadcast_in_dim3A_1 : vector<16xi1>, vector<16xi32>
            %add3A_258 = arith.addi %add3A_226, %select_n3A_257 : vector<16xi32>
            %add3A_259 = arith.constant 4 : i32
            %add3A_260 = arith.addi %mul3A_123, %add3A_259 : i32
            %get3A_261 = arith.index_cast %add3A_260 : i32 to index
            %get3A_262 = arith.constant 16 : index
            %get3A_263 = tpu.vector_load %arg4[%get3A_261, %get3A_262] {strides = array<i32>} : memref<576x64xi32, #tpu.memory_space<vmem>>, vector<16xi32>,
            %ge3A_264 = arith.cmpi sge, %get3A_263, %xor3A_97 : vector<16xi32>
            %select_n3A_265 = arith.select %ge3A_264, %broadcast_in_dim3A_3, %broadcast_in_dim3A_1 : vector<16xi1>, vector<16xi32>
            %add3A_266 = arith.addi %add3A_234, %select_n3A_265 : vector<16xi32>
            %add3A_267 = arith.constant 4 : i32
            %add3A_268 = arith.addi %mul3A_123, %add3A_267 : i32
            %get3A_269 = arith.index_cast %add3A_268 : i32 to index
            %get3A_270 = arith.constant 32 : index
            %get3A_271 = tpu.vector_load %arg4[%get3A_269, %get3A_270] {strides = array<i32>} : memref<576x64xi32, #tpu.memory_space<vmem>>, vector<16xi32>,
            %ge3A_272 = arith.cmpi sge, %get3A_271, %xor3A_100 : vector<16xi32>
            %select_n3A_273 = arith.select %ge3A_272, %broadcast_in_dim3A_3, %broadcast_in_dim3A_1 : vector<16xi1>, vector<16xi32>
            %add3A_274 = arith.addi %add3A_242, %select_n3A_273 : vector<16xi32>
            %add3A_275 = arith.constant 4 : i32
            %add3A_276 = arith.addi %mul3A_123, %add3A_275 : i32
            %get3A_277 = arith.index_cast %add3A_276 : i32 to index
            %get3A_278 = arith.constant 48 : index
            %get3A_279 = tpu.vector_load %arg4[%get3A_277, %get3A_278] {strides = array<i32>} : memref<576x64xi32, #tpu.memory_space<vmem>>, vector<16xi32>,
            %ge3A_280 = arith.cmpi sge, %get3A_279, %xor3A_103 : vector<16xi32>
            %select_n3A_281 = arith.select %ge3A_280, %broadcast_in_dim3A_3, %broadcast_in_dim3A_1 : vector<16xi1>, vector<16xi32>
            %add3A_282 = arith.addi %add3A_250, %select_n3A_281 : vector<16xi32>
            %add3A_283 = arith.constant 5 : i32
            %add3A_284 = arith.addi %mul3A_123, %add3A_283 : i32
            %get3A_285 = arith.index_cast %add3A_284 : i32 to index
            %get3A_286 = arith.constant 0 : index
            %get3A_287 = tpu.vector_load %arg4[%get3A_285, %get3A_286] {strides = array<i32>} : memref<576x64xi32, #tpu.memory_space<vmem>>, vector<16xi32>,
            %ge3A_288 = arith.cmpi sge, %get3A_287, %xor3A_94 : vector<16xi32>
            %select_n3A_289 = arith.select %ge3A_288, %broadcast_in_dim3A_3, %broadcast_in_dim3A_1 : vector<16xi1>, vector<16xi32>
            %add3A_290 = arith.addi %add3A_258, %select_n3A_289 : vector<16xi32>
            %add3A_291 = arith.constant 5 : i32
            %add3A_292 = arith.addi %mul3A_123, %add3A_291 : i32
            %get3A_293 = arith.index_cast %add3A_292 : i32 to index
            %get3A_294 = arith.constant 16 : index
            %get3A_295 = tpu.vector_load %arg4[%get3A_293, %get3A_294] {strides = array<i32>} : memref<576x64xi32, #tpu.memory_space<vmem>>, vector<16xi32>,
            %ge3A_296 = arith.cmpi sge, %get3A_295, %xor3A_97 : vector<16xi32>
            %select_n3A_297 = arith.select %ge3A_296, %broadcast_in_dim3A_3, %broadcast_in_dim3A_1 : vector<16xi1>, vector<16xi32>
            %add3A_298 = arith.addi %add3A_266, %select_n3A_297 : vector<16xi32>
            %add3A_299 = arith.constant 5 : i32
            %add3A_300 = arith.addi %mul3A_123, %add3A_299 : i32
            %get3A_301 = arith.index_cast %add3A_300 : i32 to index
            %get3A_302 = arith.constant 32 : index
            %get3A_303 = tpu.vector_load %arg4[%get3A_301, %get3A_302] {strides = array<i32>} : memref<576x64xi32, #tpu.memory_space<vmem>>, vector<16xi32>,
            %ge3A_304 = arith.cmpi sge, %get3A_303, %xor3A_100 : vector<16xi32>
            %select_n3A_305 = arith.select %ge3A_304, %broadcast_in_dim3A_3, %broadcast_in_dim3A_1 : vector<16xi1>, vector<16xi32>
            %add3A_306 = arith.addi %add3A_274, %select_n3A_305 : vector<16xi32>
            %add3A_307 = arith.constant 5 : i32
            %add3A_308 = arith.addi %mul3A_123, %add3A_307 : i32
            %get3A_309 = arith.index_cast %add3A_308 : i32 to index
            %get3A_310 = arith.constant 48 : index
            %get3A_311 = tpu.vector_load %arg4[%get3A_309, %get3A_310] {strides = array<i32>} : memref<576x64xi32, #tpu.memory_space<vmem>>, vector<16xi32>,
            %ge3A_312 = arith.cmpi sge, %get3A_311, %xor3A_103 : vector<16xi32>
            %select_n3A_313 = arith.select %ge3A_312, %broadcast_in_dim3A_3, %broadcast_in_dim3A_1 : vector<16xi1>, vector<16xi32>
            %add3A_314 = arith.addi %add3A_282, %select_n3A_313 : vector<16xi32>
            %add3A_315 = arith.constant 6 : i32
            %add3A_316 = arith.addi %mul3A_123, %add3A_315 : i32
            %get3A_317 = arith.index_cast %add3A_316 : i32 to index
            %get3A_318 = arith.constant 0 : index
            %get3A_319 = tpu.vector_load %arg4[%get3A_317, %get3A_318] {strides = array<i32>} : memref<576x64xi32, #tpu.memory_space<vmem>>, vector<16xi32>,
            %ge3A_320 = arith.cmpi sge, %get3A_319, %xor3A_94 : vector<16xi32>
            %select_n3A_321 = arith.select %ge3A_320, %broadcast_in_dim3A_3, %broadcast_in_dim3A_1 : vector<16xi1>, vector<16xi32>
            %add3A_322 = arith.addi %add3A_290, %select_n3A_321 : vector<16xi32>
            %add3A_323 = arith.constant 6 : i32
            %add3A_324 = arith.addi %mul3A_123, %add3A_323 : i32
            %get3A_325 = arith.index_cast %add3A_324 : i32 to index
            %get3A_326 = arith.constant 16 : index
            %get3A_327 = tpu.vector_load %arg4[%get3A_325, %get3A_326] {strides = array<i32>} : memref<576x64xi32, #tpu.memory_space<vmem>>, vector<16xi32>,
            %ge3A_328 = arith.cmpi sge, %get3A_327, %xor3A_97 : vector<16xi32>
            %select_n3A_329 = arith.select %ge3A_328, %broadcast_in_dim3A_3, %broadcast_in_dim3A_1 : vector<16xi1>, vector<16xi32>
            %add3A_330 = arith.addi %add3A_298, %select_n3A_329 : vector<16xi32>
            %add3A_331 = arith.constant 6 : i32
            %add3A_332 = arith.addi %mul3A_123, %add3A_331 : i32
            %get3A_333 = arith.index_cast %add3A_332 : i32 to index
            %get3A_334 = arith.constant 32 : index
            %get3A_335 = tpu.vector_load %arg4[%get3A_333, %get3A_334] {strides = array<i32>} : memref<576x64xi32, #tpu.memory_space<vmem>>, vector<16xi32>,
            %ge3A_336 = arith.cmpi sge, %get3A_335, %xor3A_100 : vector<16xi32>
            %select_n3A_337 = arith.select %ge3A_336, %broadcast_in_dim3A_3, %broadcast_in_dim3A_1 : vector<16xi1>, vector<16xi32>
            %add3A_338 = arith.addi %add3A_306, %select_n3A_337 : vector<16xi32>
            %add3A_339 = arith.constant 6 : i32
            %add3A_340 = arith.addi %mul3A_123, %add3A_339 : i32
            %get3A_341 = arith.index_cast %add3A_340 : i32 to index
            %get3A_342 = arith.constant 48 : index
            %get3A_343 = tpu.vector_load %arg4[%get3A_341, %get3A_342] {strides = array<i32>} : memref<576x64xi32, #tpu.memory_space<vmem>>, vector<16xi32>,
            %ge3A_344 = arith.cmpi sge, %get3A_343, %xor3A_103 : vector<16xi32>
            %select_n3A_345 = arith.select %ge3A_344, %broadcast_in_dim3A_3, %broadcast_in_dim3A_1 : vector<16xi1>, vector<16xi32>
            %add3A_346 = arith.addi %add3A_314, %select_n3A_345 : vector<16xi32>
            %add3A_347 = arith.constant 7 : i32
            %add3A_348 = arith.addi %mul3A_123, %add3A_347 : i32
            %get3A_349 = arith.index_cast %add3A_348 : i32 to index
            %get3A_350 = arith.constant 0 : index
            %get3A_351 = tpu.vector_load %arg4[%get3A_349, %get3A_350] {strides = array<i32>} : memref<576x64xi32, #tpu.memory_space<vmem>>, vector<16xi32>,
            %ge3A_352 = arith.cmpi sge, %get3A_351, %xor3A_94 : vector<16xi32>
            %select_n3A_353 = arith.select %ge3A_352, %broadcast_in_dim3A_3, %broadcast_in_dim3A_1 : vector<16xi1>, vector<16xi32>
            %add3A_354 = arith.addi %add3A_322, %select_n3A_353 : vector<16xi32>
            %add3A_355 = arith.constant 7 : i32
            %add3A_356 = arith.addi %mul3A_123, %add3A_355 : i32
            %get3A_357 = arith.index_cast %add3A_356 : i32 to index
            %get3A_358 = arith.constant 16 : index
            %get3A_359 = tpu.vector_load %arg4[%get3A_357, %get3A_358] {strides = array<i32>} : memref<576x64xi32, #tpu.memory_space<vmem>>, vector<16xi32>,
            %ge3A_360 = arith.cmpi sge, %get3A_359, %xor3A_97 : vector<16xi32>
            %select_n3A_361 = arith.select %ge3A_360, %broadcast_in_dim3A_3, %broadcast_in_dim3A_1 : vector<16xi1>, vector<16xi32>
            %add3A_362 = arith.addi %add3A_330, %select_n3A_361 : vector<16xi32>
            %add3A_363 = arith.constant 7 : i32
            %add3A_364 = arith.addi %mul3A_123, %add3A_363 : i32
            %get3A_365 = arith.index_cast %add3A_364 : i32 to index
            %get3A_366 = arith.constant 32 : index
            %get3A_367 = tpu.vector_load %arg4[%get3A_365, %get3A_366] {strides = array<i32>} : memref<576x64xi32, #tpu.memory_space<vmem>>, vector<16xi32>,
            %ge3A_368 = arith.cmpi sge, %get3A_367, %xor3A_100 : vector<16xi32>
            %select_n3A_369 = arith.select %ge3A_368, %broadcast_in_dim3A_3, %broadcast_in_dim3A_1 : vector<16xi1>, vector<16xi32>
            %add3A_370 = arith.addi %add3A_338, %select_n3A_369 : vector<16xi32>
            %add3A_371 = arith.constant 7 : i32
            %add3A_372 = arith.addi %mul3A_123, %add3A_371 : i32
            %get3A_373 = arith.index_cast %add3A_372 : i32 to index
            %get3A_374 = arith.constant 48 : index
            %get3A_375 = tpu.vector_load %arg4[%get3A_373, %get3A_374] {strides = array<i32>} : memref<576x64xi32, #tpu.memory_space<vmem>>, vector<16xi32>,
            %ge3A_376 = arith.cmpi sge, %get3A_375, %xor3A_103 : vector<16xi32>
            %select_n3A_377 = arith.select %ge3A_376, %broadcast_in_dim3A_3, %broadcast_in_dim3A_1 : vector<16xi1>, vector<16xi32>
            %add3A_378 = arith.addi %add3A_346, %select_n3A_377 : vector<16xi32>
            %add3A_379 = arith.constant 8 : i32
            %add3A_380 = arith.addi %mul3A_123, %add3A_379 : i32
            %get3A_381 = arith.index_cast %add3A_380 : i32 to index
            %get3A_382 = arith.constant 0 : index
            %get3A_383 = tpu.vector_load %arg4[%get3A_381, %get3A_382] {strides = array<i32>} : memref<576x64xi32, #tpu.memory_space<vmem>>, vector<16xi32>,
            %ge3A_384 = arith.cmpi sge, %get3A_383, %xor3A_94 : vector<16xi32>
            %select_n3A_385 = arith.select %ge3A_384, %broadcast_in_dim3A_3, %broadcast_in_dim3A_1 : vector<16xi1>, vector<16xi32>
            %add3A_386 = arith.addi %add3A_354, %select_n3A_385 : vector<16xi32>
            %add3A_387 = arith.constant 8 : i32
            %add3A_388 = arith.addi %mul3A_123, %add3A_387 : i32
            %get3A_389 = arith.index_cast %add3A_388 : i32 to index
            %get3A_390 = arith.constant 16 : index
            %get3A_391 = tpu.vector_load %arg4[%get3A_389, %get3A_390] {strides = array<i32>} : memref<576x64xi32, #tpu.memory_space<vmem>>, vector<16xi32>,
            %ge3A_392 = arith.cmpi sge, %get3A_391, %xor3A_97 : vector<16xi32>
            %select_n3A_393 = arith.select %ge3A_392, %broadcast_in_dim3A_3, %broadcast_in_dim3A_1 : vector<16xi1>, vector<16xi32>
            %add3A_394 = arith.addi %add3A_362, %select_n3A_393 : vector<16xi32>
            %add3A_395 = arith.constant 8 : i32
            %add3A_396 = arith.addi %mul3A_123, %add3A_395 : i32
            %get3A_397 = arith.index_cast %add3A_396 : i32 to index
            %get3A_398 = arith.constant 32 : index
            %get3A_399 = tpu.vector_load %arg4[%get3A_397, %get3A_398] {strides = array<i32>} : memref<576x64xi32, #tpu.memory_space<vmem>>, vector<16xi32>,
            %ge3A_400 = arith.cmpi sge, %get3A_399, %xor3A_100 : vector<16xi32>
            %select_n3A_401 = arith.select %ge3A_400, %broadcast_in_dim3A_3, %broadcast_in_dim3A_1 : vector<16xi1>, vector<16xi32>
            %add3A_402 = arith.addi %add3A_370, %select_n3A_401 : vector<16xi32>
            %add3A_403 = arith.constant 8 : i32
            %add3A_404 = arith.addi %mul3A_123, %add3A_403 : i32
            %get3A_405 = arith.index_cast %add3A_404 : i32 to index
            %get3A_406 = arith.constant 48 : index
            %get3A_407 = tpu.vector_load %arg4[%get3A_405, %get3A_406] {strides = array<i32>} : memref<576x64xi32, #tpu.memory_space<vmem>>, vector<16xi32>,
            %ge3A_408 = arith.cmpi sge, %get3A_407, %xor3A_103 : vector<16xi32>
            %select_n3A_409 = arith.select %ge3A_408, %broadcast_in_dim3A_3, %broadcast_in_dim3A_1 : vector<16xi1>, vector<16xi32>
            %add3A_410 = arith.addi %add3A_378, %select_n3A_409 : vector<16xi32>
            %add3A_411 = arith.constant 9 : i32
            %add3A_412 = arith.addi %mul3A_123, %add3A_411 : i32
            %get3A_413 = arith.index_cast %add3A_412 : i32 to index
            %get3A_414 = arith.constant 0 : index
            %get3A_415 = tpu.vector_load %arg4[%get3A_413, %get3A_414] {strides = array<i32>} : memref<576x64xi32, #tpu.memory_space<vmem>>, vector<16xi32>,
            %ge3A_416 = arith.cmpi sge, %get3A_415, %xor3A_94 : vector<16xi32>
            %select_n3A_417 = arith.select %ge3A_416, %broadcast_in_dim3A_3, %broadcast_in_dim3A_1 : vector<16xi1>, vector<16xi32>
            %add3A_418 = arith.addi %add3A_386, %select_n3A_417 : vector<16xi32>
            %add3A_419 = arith.constant 9 : i32
            %add3A_420 = arith.addi %mul3A_123, %add3A_419 : i32
            %get3A_421 = arith.index_cast %add3A_420 : i32 to index
            %get3A_422 = arith.constant 16 : index
            %get3A_423 = tpu.vector_load %arg4[%get3A_421, %get3A_422] {strides = array<i32>} : memref<576x64xi32, #tpu.memory_space<vmem>>, vector<16xi32>,
            %ge3A_424 = arith.cmpi sge, %get3A_423, %xor3A_97 : vector<16xi32>
            %select_n3A_425 = arith.select %ge3A_424, %broadcast_in_dim3A_3, %broadcast_in_dim3A_1 : vector<16xi1>, vector<16xi32>
            %add3A_426 = arith.addi %add3A_394, %select_n3A_425 : vector<16xi32>
            %add3A_427 = arith.constant 9 : i32
            %add3A_428 = arith.addi %mul3A_123, %add3A_427 : i32
            %get3A_429 = arith.index_cast %add3A_428 : i32 to index
            %get3A_430 = arith.constant 32 : index
            %get3A_431 = tpu.vector_load %arg4[%get3A_429, %get3A_430] {strides = array<i32>} : memref<576x64xi32, #tpu.memory_space<vmem>>, vector<16xi32>,
            %ge3A_432 = arith.cmpi sge, %get3A_431, %xor3A_100 : vector<16xi32>
            %select_n3A_433 = arith.select %ge3A_432, %broadcast_in_dim3A_3, %broadcast_in_dim3A_1 : vector<16xi1>, vector<16xi32>
            %add3A_434 = arith.addi %add3A_402, %select_n3A_433 : vector<16xi32>
            %add3A_435 = arith.constant 9 : i32
            %add3A_436 = arith.addi %mul3A_123, %add3A_435 : i32
            %get3A_437 = arith.index_cast %add3A_436 : i32 to index
            %get3A_438 = arith.constant 48 : index
            %get3A_439 = tpu.vector_load %arg4[%get3A_437, %get3A_438] {strides = array<i32>} : memref<576x64xi32, #tpu.memory_space<vmem>>, vector<16xi32>,
            %ge3A_440 = arith.cmpi sge, %get3A_439, %xor3A_103 : vector<16xi32>
            %select_n3A_441 = arith.select %ge3A_440, %broadcast_in_dim3A_3, %broadcast_in_dim3A_1 : vector<16xi1>, vector<16xi32>
            %add3A_442 = arith.addi %add3A_410, %select_n3A_441 : vector<16xi32>
            %add3A_443 = arith.constant 10 : i32
            %add3A_444 = arith.addi %mul3A_123, %add3A_443 : i32
            %get3A_445 = arith.index_cast %add3A_444 : i32 to index
            %get3A_446 = arith.constant 0 : index
            %get3A_447 = tpu.vector_load %arg4[%get3A_445, %get3A_446] {strides = array<i32>} : memref<576x64xi32, #tpu.memory_space<vmem>>, vector<16xi32>,
            %ge3A_448 = arith.cmpi sge, %get3A_447, %xor3A_94 : vector<16xi32>
            %select_n3A_449 = arith.select %ge3A_448, %broadcast_in_dim3A_3, %broadcast_in_dim3A_1 : vector<16xi1>, vector<16xi32>
            %add3A_450 = arith.addi %add3A_418, %select_n3A_449 : vector<16xi32>
            %add3A_451 = arith.constant 10 : i32
            %add3A_452 = arith.addi %mul3A_123, %add3A_451 : i32
            %get3A_453 = arith.index_cast %add3A_452 : i32 to index
            %get3A_454 = arith.constant 16 : index
            %get3A_455 = tpu.vector_load %arg4[%get3A_453, %get3A_454] {strides = array<i32>} : memref<576x64xi32, #tpu.memory_space<vmem>>, vector<16xi32>,
            %ge3A_456 = arith.cmpi sge, %get3A_455, %xor3A_97 : vector<16xi32>
            %select_n3A_457 = arith.select %ge3A_456, %broadcast_in_dim3A_3, %broadcast_in_dim3A_1 : vector<16xi1>, vector<16xi32>
            %add3A_458 = arith.addi %add3A_426, %select_n3A_457 : vector<16xi32>
            %add3A_459 = arith.constant 10 : i32
            %add3A_460 = arith.addi %mul3A_123, %add3A_459 : i32
            %get3A_461 = arith.index_cast %add3A_460 : i32 to index
            %get3A_462 = arith.constant 32 : index
            %get3A_463 = tpu.vector_load %arg4[%get3A_461, %get3A_462] {strides = array<i32>} : memref<576x64xi32, #tpu.memory_space<vmem>>, vector<16xi32>,
            %ge3A_464 = arith.cmpi sge, %get3A_463, %xor3A_100 : vector<16xi32>
            %select_n3A_465 = arith.select %ge3A_464, %broadcast_in_dim3A_3, %broadcast_in_dim3A_1 : vector<16xi1>, vector<16xi32>
            %add3A_466 = arith.addi %add3A_434, %select_n3A_465 : vector<16xi32>
            %add3A_467 = arith.constant 10 : i32
            %add3A_468 = arith.addi %mul3A_123, %add3A_467 : i32
            %get3A_469 = arith.index_cast %add3A_468 : i32 to index
            %get3A_470 = arith.constant 48 : index
            %get3A_471 = tpu.vector_load %arg4[%get3A_469, %get3A_470] {strides = array<i32>} : memref<576x64xi32, #tpu.memory_space<vmem>>, vector<16xi32>,
            %ge3A_472 = arith.cmpi sge, %get3A_471, %xor3A_103 : vector<16xi32>
            %select_n3A_473 = arith.select %ge3A_472, %broadcast_in_dim3A_3, %broadcast_in_dim3A_1 : vector<16xi1>, vector<16xi32>
            %add3A_474 = arith.addi %add3A_442, %select_n3A_473 : vector<16xi32>
            %add3A_475 = arith.constant 11 : i32
            %add3A_476 = arith.addi %mul3A_123, %add3A_475 : i32
            %get3A_477 = arith.index_cast %add3A_476 : i32 to index
            %get3A_478 = arith.constant 0 : index
            %get3A_479 = tpu.vector_load %arg4[%get3A_477, %get3A_478] {strides = array<i32>} : memref<576x64xi32, #tpu.memory_space<vmem>>, vector<16xi32>,
            %ge3A_480 = arith.cmpi sge, %get3A_479, %xor3A_94 : vector<16xi32>
            %select_n3A_481 = arith.select %ge3A_480, %broadcast_in_dim3A_3, %broadcast_in_dim3A_1 : vector<16xi1>, vector<16xi32>
            %add3A_482 = arith.addi %add3A_450, %select_n3A_481 : vector<16xi32>
            %add3A_483 = arith.constant 11 : i32
            %add3A_484 = arith.addi %mul3A_123, %add3A_483 : i32
            %get3A_485 = arith.index_cast %add3A_484 : i32 to index
            %get3A_486 = arith.constant 16 : index
            %get3A_487 = tpu.vector_load %arg4[%get3A_485, %get3A_486] {strides = array<i32>} : memref<576x64xi32, #tpu.memory_space<vmem>>, vector<16xi32>,
            %ge3A_488 = arith.cmpi sge, %get3A_487, %xor3A_97 : vector<16xi32>
            %select_n3A_489 = arith.select %ge3A_488, %broadcast_in_dim3A_3, %broadcast_in_dim3A_1 : vector<16xi1>, vector<16xi32>
            %add3A_490 = arith.addi %add3A_458, %select_n3A_489 : vector<16xi32>
            %add3A_491 = arith.constant 11 : i32
            %add3A_492 = arith.addi %mul3A_123, %add3A_491 : i32
            %get3A_493 = arith.index_cast %add3A_492 : i32 to index
            %get3A_494 = arith.constant 32 : index
            %get3A_495 = tpu.vector_load %arg4[%get3A_493, %get3A_494] {strides = array<i32>} : memref<576x64xi32, #tpu.memory_space<vmem>>, vector<16xi32>,
            %ge3A_496 = arith.cmpi sge, %get3A_495, %xor3A_100 : vector<16xi32>
            %select_n3A_497 = arith.select %ge3A_496, %broadcast_in_dim3A_3, %broadcast_in_dim3A_1 : vector<16xi1>, vector<16xi32>
            %add3A_498 = arith.addi %add3A_466, %select_n3A_497 : vector<16xi32>
            %add3A_499 = arith.constant 11 : i32
            %add3A_500 = arith.addi %mul3A_123, %add3A_499 : i32
            %get3A_501 = arith.index_cast %add3A_500 : i32 to index
            %get3A_502 = arith.constant 48 : index
            %get3A_503 = tpu.vector_load %arg4[%get3A_501, %get3A_502] {strides = array<i32>} : memref<576x64xi32, #tpu.memory_space<vmem>>, vector<16xi32>,
            %ge3A_504 = arith.cmpi sge, %get3A_503, %xor3A_103 : vector<16xi32>
            %select_n3A_505 = arith.select %ge3A_504, %broadcast_in_dim3A_3, %broadcast_in_dim3A_1 : vector<16xi1>, vector<16xi32>
            %add3A_506 = arith.addi %add3A_474, %select_n3A_505 : vector<16xi32>
            %add3A_507 = arith.constant 12 : i32
            %add3A_508 = arith.addi %mul3A_123, %add3A_507 : i32
            %get3A_509 = arith.index_cast %add3A_508 : i32 to index
            %get3A_510 = arith.constant 0 : index
            %get3A_511 = tpu.vector_load %arg4[%get3A_509, %get3A_510] {strides = array<i32>} : memref<576x64xi32, #tpu.memory_space<vmem>>, vector<16xi32>,
            %ge3A_512 = arith.cmpi sge, %get3A_511, %xor3A_94 : vector<16xi32>
            %select_n3A_513 = arith.select %ge3A_512, %broadcast_in_dim3A_3, %broadcast_in_dim3A_1 : vector<16xi1>, vector<16xi32>
            %add3A_514 = arith.addi %add3A_482, %select_n3A_513 : vector<16xi32>
            %add3A_515 = arith.constant 12 : i32
            %add3A_516 = arith.addi %mul3A_123, %add3A_515 : i32
            %get3A_517 = arith.index_cast %add3A_516 : i32 to index
            %get3A_518 = arith.constant 16 : index
            %get3A_519 = tpu.vector_load %arg4[%get3A_517, %get3A_518] {strides = array<i32>} : memref<576x64xi32, #tpu.memory_space<vmem>>, vector<16xi32>,
            %ge3A_520 = arith.cmpi sge, %get3A_519, %xor3A_97 : vector<16xi32>
            %select_n3A_521 = arith.select %ge3A_520, %broadcast_in_dim3A_3, %broadcast_in_dim3A_1 : vector<16xi1>, vector<16xi32>
            %add3A_522 = arith.addi %add3A_490, %select_n3A_521 : vector<16xi32>
            %add3A_523 = arith.constant 12 : i32
            %add3A_524 = arith.addi %mul3A_123, %add3A_523 : i32
            %get3A_525 = arith.index_cast %add3A_524 : i32 to index
            %get3A_526 = arith.constant 32 : index
            %get3A_527 = tpu.vector_load %arg4[%get3A_525, %get3A_526] {strides = array<i32>} : memref<576x64xi32, #tpu.memory_space<vmem>>, vector<16xi32>,
            %ge3A_528 = arith.cmpi sge, %get3A_527, %xor3A_100 : vector<16xi32>
            %select_n3A_529 = arith.select %ge3A_528, %broadcast_in_dim3A_3, %broadcast_in_dim3A_1 : vector<16xi1>, vector<16xi32>
            %add3A_530 = arith.addi %add3A_498, %select_n3A_529 : vector<16xi32>
            %add3A_531 = arith.constant 12 : i32
            %add3A_532 = arith.addi %mul3A_123, %add3A_531 : i32
            %get3A_533 = arith.index_cast %add3A_532 : i32 to index
            %get3A_534 = arith.constant 48 : index
            %get3A_535 = tpu.vector_load %arg4[%get3A_533, %get3A_534] {strides = array<i32>} : memref<576x64xi32, #tpu.memory_space<vmem>>, vector<16xi32>,
            %ge3A_536 = arith.cmpi sge, %get3A_535, %xor3A_103 : vector<16xi32>
            %select_n3A_537 = arith.select %ge3A_536, %broadcast_in_dim3A_3, %broadcast_in_dim3A_1 : vector<16xi1>, vector<16xi32>
            %add3A_538 = arith.addi %add3A_506, %select_n3A_537 : vector<16xi32>
            %add3A_539 = arith.constant 13 : i32
            %add3A_540 = arith.addi %mul3A_123, %add3A_539 : i32
            %get3A_541 = arith.index_cast %add3A_540 : i32 to index
            %get3A_542 = arith.constant 0 : index
            %get3A_543 = tpu.vector_load %arg4[%get3A_541, %get3A_542] {strides = array<i32>} : memref<576x64xi32, #tpu.memory_space<vmem>>, vector<16xi32>,
            %ge3A_544 = arith.cmpi sge, %get3A_543, %xor3A_94 : vector<16xi32>
            %select_n3A_545 = arith.select %ge3A_544, %broadcast_in_dim3A_3, %broadcast_in_dim3A_1 : vector<16xi1>, vector<16xi32>
            %add3A_546 = arith.addi %add3A_514, %select_n3A_545 : vector<16xi32>
            %add3A_547 = arith.constant 13 : i32
            %add3A_548 = arith.addi %mul3A_123, %add3A_547 : i32
            %get3A_549 = arith.index_cast %add3A_548 : i32 to index
            %get3A_550 = arith.constant 16 : index
            %get3A_551 = tpu.vector_load %arg4[%get3A_549, %get3A_550] {strides = array<i32>} : memref<576x64xi32, #tpu.memory_space<vmem>>, vector<16xi32>,
            %ge3A_552 = arith.cmpi sge, %get3A_551, %xor3A_97 : vector<16xi32>
            %select_n3A_553 = arith.select %ge3A_552, %broadcast_in_dim3A_3, %broadcast_in_dim3A_1 : vector<16xi1>, vector<16xi32>
            %add3A_554 = arith.addi %add3A_522, %select_n3A_553 : vector<16xi32>
            %add3A_555 = arith.constant 13 : i32
            %add3A_556 = arith.addi %mul3A_123, %add3A_555 : i32
            %get3A_557 = arith.index_cast %add3A_556 : i32 to index
            %get3A_558 = arith.constant 32 : index
            %get3A_559 = tpu.vector_load %arg4[%get3A_557, %get3A_558] {strides = array<i32>} : memref<576x64xi32, #tpu.memory_space<vmem>>, vector<16xi32>,
            %ge3A_560 = arith.cmpi sge, %get3A_559, %xor3A_100 : vector<16xi32>
            %select_n3A_561 = arith.select %ge3A_560, %broadcast_in_dim3A_3, %broadcast_in_dim3A_1 : vector<16xi1>, vector<16xi32>
            %add3A_562 = arith.addi %add3A_530, %select_n3A_561 : vector<16xi32>
            %add3A_563 = arith.constant 13 : i32
            %add3A_564 = arith.addi %mul3A_123, %add3A_563 : i32
            %get3A_565 = arith.index_cast %add3A_564 : i32 to index
            %get3A_566 = arith.constant 48 : index
            %get3A_567 = tpu.vector_load %arg4[%get3A_565, %get3A_566] {strides = array<i32>} : memref<576x64xi32, #tpu.memory_space<vmem>>, vector<16xi32>,
            %ge3A_568 = arith.cmpi sge, %get3A_567, %xor3A_103 : vector<16xi32>
            %select_n3A_569 = arith.select %ge3A_568, %broadcast_in_dim3A_3, %broadcast_in_dim3A_1 : vector<16xi1>, vector<16xi32>
            %add3A_570 = arith.addi %add3A_538, %select_n3A_569 : vector<16xi32>
            %add3A_571 = arith.constant 14 : i32
            %add3A_572 = arith.addi %mul3A_123, %add3A_571 : i32
            %get3A_573 = arith.index_cast %add3A_572 : i32 to index
            %get3A_574 = arith.constant 0 : index
            %get3A_575 = tpu.vector_load %arg4[%get3A_573, %get3A_574] {strides = array<i32>} : memref<576x64xi32, #tpu.memory_space<vmem>>, vector<16xi32>,
            %ge3A_576 = arith.cmpi sge, %get3A_575, %xor3A_94 : vector<16xi32>
            %select_n3A_577 = arith.select %ge3A_576, %broadcast_in_dim3A_3, %broadcast_in_dim3A_1 : vector<16xi1>, vector<16xi32>
            %add3A_578 = arith.addi %add3A_546, %select_n3A_577 : vector<16xi32>
            %add3A_579 = arith.constant 14 : i32
            %add3A_580 = arith.addi %mul3A_123, %add3A_579 : i32
            %get3A_581 = arith.index_cast %add3A_580 : i32 to index
            %get3A_582 = arith.constant 16 : index
            %get3A_583 = tpu.vector_load %arg4[%get3A_581, %get3A_582] {strides = array<i32>} : memref<576x64xi32, #tpu.memory_space<vmem>>, vector<16xi32>,
            %ge3A_584 = arith.cmpi sge, %get3A_583, %xor3A_97 : vector<16xi32>
            %select_n3A_585 = arith.select %ge3A_584, %broadcast_in_dim3A_3, %broadcast_in_dim3A_1 : vector<16xi1>, vector<16xi32>
            %add3A_586 = arith.addi %add3A_554, %select_n3A_585 : vector<16xi32>
            %add3A_587 = arith.constant 14 : i32
            %add3A_588 = arith.addi %mul3A_123, %add3A_587 : i32
            %get3A_589 = arith.index_cast %add3A_588 : i32 to index
            %get3A_590 = arith.constant 32 : index
            %get3A_591 = tpu.vector_load %arg4[%get3A_589, %get3A_590] {strides = array<i32>} : memref<576x64xi32, #tpu.memory_space<vmem>>, vector<16xi32>,
            %ge3A_592 = arith.cmpi sge, %get3A_591, %xor3A_100 : vector<16xi32>
            %select_n3A_593 = arith.select %ge3A_592, %broadcast_in_dim3A_3, %broadcast_in_dim3A_1 : vector<16xi1>, vector<16xi32>
            %add3A_594 = arith.addi %add3A_562, %select_n3A_593 : vector<16xi32>
            %add3A_595 = arith.constant 14 : i32
            %add3A_596 = arith.addi %mul3A_123, %add3A_595 : i32
            %get3A_597 = arith.index_cast %add3A_596 : i32 to index
            %get3A_598 = arith.constant 48 : index
            %get3A_599 = tpu.vector_load %arg4[%get3A_597, %get3A_598] {strides = array<i32>} : memref<576x64xi32, #tpu.memory_space<vmem>>, vector<16xi32>,
            %ge3A_600 = arith.cmpi sge, %get3A_599, %xor3A_103 : vector<16xi32>
            %select_n3A_601 = arith.select %ge3A_600, %broadcast_in_dim3A_3, %broadcast_in_dim3A_1 : vector<16xi1>, vector<16xi32>
            %add3A_602 = arith.addi %add3A_570, %select_n3A_601 : vector<16xi32>
            %add3A_603 = arith.constant 15 : i32
            %add3A_604 = arith.addi %mul3A_123, %add3A_603 : i32
            %get3A_605 = arith.index_cast %add3A_604 : i32 to index
            %get3A_606 = arith.constant 0 : index
            %get3A_607 = tpu.vector_load %arg4[%get3A_605, %get3A_606] {strides = array<i32>} : memref<576x64xi32, #tpu.memory_space<vmem>>, vector<16xi32>,
            %ge3A_608 = arith.cmpi sge, %get3A_607, %xor3A_94 : vector<16xi32>
            %select_n3A_609 = arith.select %ge3A_608, %broadcast_in_dim3A_3, %broadcast_in_dim3A_1 : vector<16xi1>, vector<16xi32>
            %add3A_610 = arith.addi %add3A_578, %select_n3A_609 : vector<16xi32>
            %add3A_611 = arith.constant 15 : i32
            %add3A_612 = arith.addi %mul3A_123, %add3A_611 : i32
            %get3A_613 = arith.index_cast %add3A_612 : i32 to index
            %get3A_614 = arith.constant 16 : index
            %get3A_615 = tpu.vector_load %arg4[%get3A_613, %get3A_614] {strides = array<i32>} : memref<576x64xi32, #tpu.memory_space<vmem>>, vector<16xi32>,
            %ge3A_616 = arith.cmpi sge, %get3A_615, %xor3A_97 : vector<16xi32>
            %select_n3A_617 = arith.select %ge3A_616, %broadcast_in_dim3A_3, %broadcast_in_dim3A_1 : vector<16xi1>, vector<16xi32>
            %add3A_618 = arith.addi %add3A_586, %select_n3A_617 : vector<16xi32>
            %add3A_619 = arith.constant 15 : i32
            %add3A_620 = arith.addi %mul3A_123, %add3A_619 : i32
            %get3A_621 = arith.index_cast %add3A_620 : i32 to index
            %get3A_622 = arith.constant 32 : index
            %get3A_623 = tpu.vector_load %arg4[%get3A_621, %get3A_622] {strides = array<i32>} : memref<576x64xi32, #tpu.memory_space<vmem>>, vector<16xi32>,
            %ge3A_624 = arith.cmpi sge, %get3A_623, %xor3A_100 : vector<16xi32>
            %select_n3A_625 = arith.select %ge3A_624, %broadcast_in_dim3A_3, %broadcast_in_dim3A_1 : vector<16xi1>, vector<16xi32>
            %add3A_626 = arith.addi %add3A_594, %select_n3A_625 : vector<16xi32>
            %add3A_627 = arith.constant 15 : i32
            %add3A_628 = arith.addi %mul3A_123, %add3A_627 : i32
            %get3A_629 = arith.index_cast %add3A_628 : i32 to index
            %get3A_630 = arith.constant 48 : index
            %get3A_631 = tpu.vector_load %arg4[%get3A_629, %get3A_630] {strides = array<i32>} : memref<576x64xi32, #tpu.memory_space<vmem>>, vector<16xi32>,
            %ge3A_632 = arith.cmpi sge, %get3A_631, %xor3A_103 : vector<16xi32>
            %select_n3A_633 = arith.select %ge3A_632, %broadcast_in_dim3A_3, %broadcast_in_dim3A_1 : vector<16xi1>, vector<16xi32>
            %add3A_634 = arith.addi %add3A_602, %select_n3A_633 : vector<16xi32>
            scf.yield %add3A_610, %add3A_618, %add3A_626, %add3A_634 : vector<16xi32>, vector<16xi32>, vector<16xi32>, vector<16xi32>
          }
          %scan3A_109 = arith.constant 36 : i32
          %ge3A = arith.cmpi sge, %scan3A_108#0, %broadcast_in_dim3A_5 : vector<16xi32>
          %select_n3A_110 = arith.select %ge3A, %or3A, %scan3A_70 : vector<16xi1>, vector<16xi32>
          %ge3A_111 = arith.cmpi sge, %scan3A_108#1, %broadcast_in_dim3A_5 : vector<16xi32>
          %select_n3A_112 = arith.select %ge3A_111, %or3A_81, %scan3A_71 : vector<16xi1>, vector<16xi32>
          %ge3A_113 = arith.cmpi sge, %scan3A_108#2, %broadcast_in_dim3A_5 : vector<16xi32>
          %select_n3A_114 = arith.select %ge3A_113, %or3A_86, %scan3A_72 : vector<16xi1>, vector<16xi32>
          %ge3A_115 = arith.cmpi sge, %scan3A_108#3, %broadcast_in_dim3A_5 : vector<16xi32>
          %select_n3A_116 = arith.select %ge3A_115, %or3A_91, %scan3A_73 : vector<16xi1>, vector<16xi32>
          scf.yield %select_n3A_110, %select_n3A_112, %select_n3A_114, %select_n3A_116 : vector<16xi32>, vector<16xi32>, vector<16xi32>, vector<16xi32>
        }
        %scan3A_51 = arith.constant 32 : i32
        %xor3A = arith.constant -2147483648 : i32
        %xor3A_52 = vector.broadcast %xor3A : i32 to vector<16xi32>
        %xor3A_53 = arith.xori %scan3A_50#0, %xor3A_52 : vector<16xi32>
        %xor3A_54 = arith.constant -2147483648 : i32
        %xor3A_55 = vector.broadcast %xor3A_54 : i32 to vector<16xi32>
        %xor3A_56 = arith.xori %scan3A_50#1, %xor3A_55 : vector<16xi32>
        %xor3A_57 = arith.constant -2147483648 : i32
        %xor3A_58 = vector.broadcast %xor3A_57 : i32 to vector<16xi32>
        %xor3A_59 = arith.xori %scan3A_50#2, %xor3A_58 : vector<16xi32>
        %xor3A_60 = arith.constant -2147483648 : i32
        %xor3A_61 = vector.broadcast %xor3A_60 : i32 to vector<16xi32>
        %xor3A_62 = arith.xori %scan3A_50#3, %xor3A_61 : vector<16xi32>
        %scan3A_63 = arith.constant 0 : i32
        %scan3A_64 = arith.constant 0 : i32
        %scan3A_65 = arith.constant 36 : i32
        %scan3A_66 = arith.addi %scan3A_64, %scan3A_65 : i32
        %scan3A_67 = arith.constant 1 : i32
        scf.for %scan3A_69 = %scan3A_64 to %scan3A_66 step %scan3A_67  : i32 {
          %mul3A_70 = arith.constant 16 : i32
          %mul3A_71 = arith.muli %scan3A_69, %mul3A_70 : i32
          %add3A_72 = arith.constant 0 : i32
          %add3A_73 = arith.addi %mul3A_71, %add3A_72 : i32
          %get3A = arith.index_cast %add3A_73 : i32 to index
          %get3A_74 = arith.constant 0 : index
          %get3A_75 = tpu.vector_load %arg4[%get3A, %get3A_74] {strides = array<i32>} : memref<576x64xi32, #tpu.memory_space<vmem>>, vector<16xi32>,
          %shift_right_arithmetic3A = arith.constant 31 : i32
          %shift_right_arithmetic3A_76 = vector.broadcast %shift_right_arithmetic3A : i32 to vector<16xi32>
          %shift_right_arithmetic3A_77 = arith.shrsi %get3A_75, %shift_right_arithmetic3A_76 : vector<16xi32>
          %and3A_78 = arith.constant 2147483647 : i32
          %and3A_79 = vector.broadcast %and3A_78 : i32 to vector<16xi32>
          %and3A_80 = arith.andi %shift_right_arithmetic3A_77, %and3A_79 : vector<16xi32>
          %xor3A_81 = arith.xori %get3A_75, %and3A_80 : vector<16xi32>
          %ge3A = arith.cmpi sge, %get3A_75, %xor3A_53 : vector<16xi32>
          %select_n3A_82 = arith.select %ge3A, %xor3A_81, %broadcast_in_dim3A_1 : vector<16xi1>, vector<16xi32>
          %add3A_83 = arith.constant 0 : i32
          %add3A_84 = arith.addi %mul3A_71, %add3A_83 : i32
          %swap3A = arith.index_cast %add3A_84 : i32 to index
          %swap3A_85 = arith.constant 0 : index
          %swap3A_86 = tpu.vector_load %arg4[%swap3A, %swap3A_85] {strides = array<i32>} : memref<576x64xi32, #tpu.memory_space<vmem>>, vector<16xi32>,
          tpu.vector_store %arg4[%swap3A, %swap3A_85], %select_n3A_82 {strides = array<i32>} : memref<576x64xi32, #tpu.memory_space<vmem>>, vector<16xi32>,
          %add3A_87 = arith.constant 0 : i32
          %add3A_88 = arith.addi %mul3A_71, %add3A_87 : i32
          %get3A_89 = arith.index_cast %add3A_88 : i32 to index
          %get3A_90 = arith.constant 16 : index
          %get3A_91 = tpu.vector_load %arg4[%get3A_89, %get3A_90] {strides = array<i32>} : memref<576x64xi32, #tpu.memory_space<vmem>>, vector<16xi32>,
          %shift_right_arithmetic3A_92 = arith.constant 31 : i32
          %shift_right_arithmetic3A_93 = vector.broadcast %shift_right_arithmetic3A_92 : i32 to vector<16xi32>
          %shift_right_arithmetic3A_94 = arith.shrsi %get3A_91, %shift_right_arithmetic3A_93 : vector<16xi32>
          %and3A_95 = arith.constant 2147483647 : i32
          %and3A_96 = vector.broadcast %and3A_95 : i32 to vector<16xi32>
          %and3A_97 = arith.andi %shift_right_arithmetic3A_94, %and3A_96 : vector<16xi32>
          %xor3A_98 = arith.xori %get3A_91, %and3A_97 : vector<16xi32>
          %ge3A_99 = arith.cmpi sge, %get3A_91, %xor3A_56 : vector<16xi32>
          %select_n3A_100 = arith.select %ge3A_99, %xor3A_98, %broadcast_in_dim3A_1 : vector<16xi1>, vector<16xi32>
          %add3A_101 = arith.constant 0 : i32
          %add3A_102 = arith.addi %mul3A_71, %add3A_101 : i32
          %swap3A_103 = arith.index_cast %add3A_102 : i32 to index
          %swap3A_104 = arith.constant 16 : index
          %swap3A_105 = tpu.vector_load %arg4[%swap3A_103, %swap3A_104] {strides = array<i32>} : memref<576x64xi32, #tpu.memory_space<vmem>>, vector<16xi32>,
          tpu.vector_store %arg4[%swap3A_103, %swap3A_104], %select_n3A_100 {strides = array<i32>} : memref<576x64xi32, #tpu.memory_space<vmem>>, vector<16xi32>,
          %add3A_106 = arith.constant 0 : i32
          %add3A_107 = arith.addi %mul3A_71, %add3A_106 : i32
          %get3A_108 = arith.index_cast %add3A_107 : i32 to index
          %get3A_109 = arith.constant 32 : index
          %get3A_110 = tpu.vector_load %arg4[%get3A_108, %get3A_109] {strides = array<i32>} : memref<576x64xi32, #tpu.memory_space<vmem>>, vector<16xi32>,
          %shift_right_arithmetic3A_111 = arith.constant 31 : i32
          %shift_right_arithmetic3A_112 = vector.broadcast %shift_right_arithmetic3A_111 : i32 to vector<16xi32>
          %shift_right_arithmetic3A_113 = arith.shrsi %get3A_110, %shift_right_arithmetic3A_112 : vector<16xi32>
          %and3A_114 = arith.constant 2147483647 : i32
          %and3A_115 = vector.broadcast %and3A_114 : i32 to vector<16xi32>
          %and3A_116 = arith.andi %shift_right_arithmetic3A_113, %and3A_115 : vector<16xi32>
          %xor3A_117 = arith.xori %get3A_110, %and3A_116 : vector<16xi32>
          %ge3A_118 = arith.cmpi sge, %get3A_110, %xor3A_59 : vector<16xi32>
          %select_n3A_119 = arith.select %ge3A_118, %xor3A_117, %broadcast_in_dim3A_1 : vector<16xi1>, vector<16xi32>
          %add3A_120 = arith.constant 0 : i32
          %add3A_121 = arith.addi %mul3A_71, %add3A_120 : i32
          %swap3A_122 = arith.index_cast %add3A_121 : i32 to index
          %swap3A_123 = arith.constant 32 : index
          %swap3A_124 = tpu.vector_load %arg4[%swap3A_122, %swap3A_123] {strides = array<i32>} : memref<576x64xi32, #tpu.memory_space<vmem>>, vector<16xi32>,
          tpu.vector_store %arg4[%swap3A_122, %swap3A_123], %select_n3A_119 {strides = array<i32>} : memref<576x64xi32, #tpu.memory_space<vmem>>, vector<16xi32>,
          %add3A_125 = arith.constant 0 : i32
          %add3A_126 = arith.addi %mul3A_71, %add3A_125 : i32
          %get3A_127 = arith.index_cast %add3A_126 : i32 to index
          %get3A_128 = arith.constant 48 : index
          %get3A_129 = tpu.vector_load %arg4[%get3A_127, %get3A_128] {strides = array<i32>} : memref<576x64xi32, #tpu.memory_space<vmem>>, vector<16xi32>,
          %shift_right_arithmetic3A_130 = arith.constant 31 : i32
          %shift_right_arithmetic3A_131 = vector.broadcast %shift_right_arithmetic3A_130 : i32 to vector<16xi32>
          %shift_right_arithmetic3A_132 = arith.shrsi %get3A_129, %shift_right_arithmetic3A_131 : vector<16xi32>
          %and3A_133 = arith.constant 2147483647 : i32
          %and3A_134 = vector.broadcast %and3A_133 : i32 to vector<16xi32>
          %and3A_135 = arith.andi %shift_right_arithmetic3A_132, %and3A_134 : vector<16xi32>
          %xor3A_136 = arith.xori %get3A_129, %and3A_135 : vector<16xi32>
          %ge3A_137 = arith.cmpi sge, %get3A_129, %xor3A_62 : vector<16xi32>
          %select_n3A_138 = arith.select %ge3A_137, %xor3A_136, %broadcast_in_dim3A_1 : vector<16xi1>, vector<16xi32>
          %add3A_139 = arith.constant 0 : i32
          %add3A_140 = arith.addi %mul3A_71, %add3A_139 : i32
          %swap3A_141 = arith.index_cast %add3A_140 : i32 to index
          %swap3A_142 = arith.constant 48 : index
          %swap3A_143 = tpu.vector_load %arg4[%swap3A_141, %swap3A_142] {strides = array<i32>} : memref<576x64xi32, #tpu.memory_space<vmem>>, vector<16xi32>,
          tpu.vector_store %arg4[%swap3A_141, %swap3A_142], %select_n3A_138 {strides = array<i32>} : memref<576x64xi32, #tpu.memory_space<vmem>>, vector<16xi32>,
          %add3A_144 = arith.constant 1 : i32
          %add3A_145 = arith.addi %mul3A_71, %add3A_144 : i32
          %get3A_146 = arith.index_cast %add3A_145 : i32 to index
          %get3A_147 = arith.constant 0 : index
          %get3A_148 = tpu.vector_load %arg4[%get3A_146, %get3A_147] {strides = array<i32>} : memref<576x64xi32, #tpu.memory_space<vmem>>, vector<16xi32>,
          %shift_right_arithmetic3A_149 = arith.constant 31 : i32
          %shift_right_arithmetic3A_150 = vector.broadcast %shift_right_arithmetic3A_149 : i32 to vector<16xi32>
          %shift_right_arithmetic3A_151 = arith.shrsi %get3A_148, %shift_right_arithmetic3A_150 : vector<16xi32>
          %and3A_152 = arith.constant 2147483647 : i32
          %and3A_153 = vector.broadcast %and3A_152 : i32 to vector<16xi32>
          %and3A_154 = arith.andi %shift_right_arithmetic3A_151, %and3A_153 : vector<16xi32>
          %xor3A_155 = arith.xori %get3A_148, %and3A_154 : vector<16xi32>
          %ge3A_156 = arith.cmpi sge, %get3A_148, %xor3A_53 : vector<16xi32>
          %select_n3A_157 = arith.select %ge3A_156, %xor3A_155, %broadcast_in_dim3A_1 : vector<16xi1>, vector<16xi32>
          %add3A_158 = arith.constant 1 : i32
          %add3A_159 = arith.addi %mul3A_71, %add3A_158 : i32
          %swap3A_160 = arith.index_cast %add3A_159 : i32 to index
          %swap3A_161 = arith.constant 0 : index
          %swap3A_162 = tpu.vector_load %arg4[%swap3A_160, %swap3A_161] {strides = array<i32>} : memref<576x64xi32, #tpu.memory_space<vmem>>, vector<16xi32>,
          tpu.vector_store %arg4[%swap3A_160, %swap3A_161], %select_n3A_157 {strides = array<i32>} : memref<576x64xi32, #tpu.memory_space<vmem>>, vector<16xi32>,
          %add3A_163 = arith.constant 1 : i32
          %add3A_164 = arith.addi %mul3A_71, %add3A_163 : i32
          %get3A_165 = arith.index_cast %add3A_164 : i32 to index
          %get3A_166 = arith.constant 16 : index
          %get3A_167 = tpu.vector_load %arg4[%get3A_165, %get3A_166] {strides = array<i32>} : memref<576x64xi32, #tpu.memory_space<vmem>>, vector<16xi32>,
          %shift_right_arithmetic3A_168 = arith.constant 31 : i32
          %shift_right_arithmetic3A_169 = vector.broadcast %shift_right_arithmetic3A_168 : i32 to vector<16xi32>
          %shift_right_arithmetic3A_170 = arith.shrsi %get3A_167, %shift_right_arithmetic3A_169 : vector<16xi32>
          %and3A_171 = arith.constant 2147483647 : i32
          %and3A_172 = vector.broadcast %and3A_171 : i32 to vector<16xi32>
          %and3A_173 = arith.andi %shift_right_arithmetic3A_170, %and3A_172 : vector<16xi32>
          %xor3A_174 = arith.xori %get3A_167, %and3A_173 : vector<16xi32>
          %ge3A_175 = arith.cmpi sge, %get3A_167, %xor3A_56 : vector<16xi32>
          %select_n3A_176 = arith.select %ge3A_175, %xor3A_174, %broadcast_in_dim3A_1 : vector<16xi1>, vector<16xi32>
          %add3A_177 = arith.constant 1 : i32
          %add3A_178 = arith.addi %mul3A_71, %add3A_177 : i32
          %swap3A_179 = arith.index_cast %add3A_178 : i32 to index
          %swap3A_180 = arith.constant 16 : index
          %swap3A_181 = tpu.vector_load %arg4[%swap3A_179, %swap3A_180] {strides = array<i32>} : memref<576x64xi32, #tpu.memory_space<vmem>>, vector<16xi32>,
          tpu.vector_store %arg4[%swap3A_179, %swap3A_180], %select_n3A_176 {strides = array<i32>} : memref<576x64xi32, #tpu.memory_space<vmem>>, vector<16xi32>,
          %add3A_182 = arith.constant 1 : i32
          %add3A_183 = arith.addi %mul3A_71, %add3A_182 : i32
          %get3A_184 = arith.index_cast %add3A_183 : i32 to index
          %get3A_185 = arith.constant 32 : index
          %get3A_186 = tpu.vector_load %arg4[%get3A_184, %get3A_185] {strides = array<i32>} : memref<576x64xi32, #tpu.memory_space<vmem>>, vector<16xi32>,
          %shift_right_arithmetic3A_187 = arith.constant 31 : i32
          %shift_right_arithmetic3A_188 = vector.broadcast %shift_right_arithmetic3A_187 : i32 to vector<16xi32>
          %shift_right_arithmetic3A_189 = arith.shrsi %get3A_186, %shift_right_arithmetic3A_188 : vector<16xi32>
          %and3A_190 = arith.constant 2147483647 : i32
          %and3A_191 = vector.broadcast %and3A_190 : i32 to vector<16xi32>
          %and3A_192 = arith.andi %shift_right_arithmetic3A_189, %and3A_191 : vector<16xi32>
          %xor3A_193 = arith.xori %get3A_186, %and3A_192 : vector<16xi32>
          %ge3A_194 = arith.cmpi sge, %get3A_186, %xor3A_59 : vector<16xi32>
          %select_n3A_195 = arith.select %ge3A_194, %xor3A_193, %broadcast_in_dim3A_1 : vector<16xi1>, vector<16xi32>
          %add3A_196 = arith.constant 1 : i32
          %add3A_197 = arith.addi %mul3A_71, %add3A_196 : i32
          %swap3A_198 = arith.index_cast %add3A_197 : i32 to index
          %swap3A_199 = arith.constant 32 : index
          %swap3A_200 = tpu.vector_load %arg4[%swap3A_198, %swap3A_199] {strides = array<i32>} : memref<576x64xi32, #tpu.memory_space<vmem>>, vector<16xi32>,
          tpu.vector_store %arg4[%swap3A_198, %swap3A_199], %select_n3A_195 {strides = array<i32>} : memref<576x64xi32, #tpu.memory_space<vmem>>, vector<16xi32>,
          %add3A_201 = arith.constant 1 : i32
          %add3A_202 = arith.addi %mul3A_71, %add3A_201 : i32
          %get3A_203 = arith.index_cast %add3A_202 : i32 to index
          %get3A_204 = arith.constant 48 : index
          %get3A_205 = tpu.vector_load %arg4[%get3A_203, %get3A_204] {strides = array<i32>} : memref<576x64xi32, #tpu.memory_space<vmem>>, vector<16xi32>,
          %shift_right_arithmetic3A_206 = arith.constant 31 : i32
          %shift_right_arithmetic3A_207 = vector.broadcast %shift_right_arithmetic3A_206 : i32 to vector<16xi32>
          %shift_right_arithmetic3A_208 = arith.shrsi %get3A_205, %shift_right_arithmetic3A_207 : vector<16xi32>
          %and3A_209 = arith.constant 2147483647 : i32
          %and3A_210 = vector.broadcast %and3A_209 : i32 to vector<16xi32>
          %and3A_211 = arith.andi %shift_right_arithmetic3A_208, %and3A_210 : vector<16xi32>
          %xor3A_212 = arith.xori %get3A_205, %and3A_211 : vector<16xi32>
          %ge3A_213 = arith.cmpi sge, %get3A_205, %xor3A_62 : vector<16xi32>
          %select_n3A_214 = arith.select %ge3A_213, %xor3A_212, %broadcast_in_dim3A_1 : vector<16xi1>, vector<16xi32>
          %add3A_215 = arith.constant 1 : i32
          %add3A_216 = arith.addi %mul3A_71, %add3A_215 : i32
          %swap3A_217 = arith.index_cast %add3A_216 : i32 to index
          %swap3A_218 = arith.constant 48 : index
          %swap3A_219 = tpu.vector_load %arg4[%swap3A_217, %swap3A_218] {strides = array<i32>} : memref<576x64xi32, #tpu.memory_space<vmem>>, vector<16xi32>,
          tpu.vector_store %arg4[%swap3A_217, %swap3A_218], %select_n3A_214 {strides = array<i32>} : memref<576x64xi32, #tpu.memory_space<vmem>>, vector<16xi32>,
          %add3A_220 = arith.constant 2 : i32
          %add3A_221 = arith.addi %mul3A_71, %add3A_220 : i32
          %get3A_222 = arith.index_cast %add3A_221 : i32 to index
          %get3A_223 = arith.constant 0 : index
          %get3A_224 = tpu.vector_load %arg4[%get3A_222, %get3A_223] {strides = array<i32>} : memref<576x64xi32, #tpu.memory_space<vmem>>, vector<16xi32>,
          %shift_right_arithmetic3A_225 = arith.constant 31 : i32
          %shift_right_arithmetic3A_226 = vector.broadcast %shift_right_arithmetic3A_225 : i32 to vector<16xi32>
          %shift_right_arithmetic3A_227 = arith.shrsi %get3A_224, %shift_right_arithmetic3A_226 : vector<16xi32>
          %and3A_228 = arith.constant 2147483647 : i32
          %and3A_229 = vector.broadcast %and3A_228 : i32 to vector<16xi32>
          %and3A_230 = arith.andi %shift_right_arithmetic3A_227, %and3A_229 : vector<16xi32>
          %xor3A_231 = arith.xori %get3A_224, %and3A_230 : vector<16xi32>
          %ge3A_232 = arith.cmpi sge, %get3A_224, %xor3A_53 : vector<16xi32>
          %select_n3A_233 = arith.select %ge3A_232, %xor3A_231, %broadcast_in_dim3A_1 : vector<16xi1>, vector<16xi32>
          %add3A_234 = arith.constant 2 : i32
          %add3A_235 = arith.addi %mul3A_71, %add3A_234 : i32
          %swap3A_236 = arith.index_cast %add3A_235 : i32 to index
          %swap3A_237 = arith.constant 0 : index
          %swap3A_238 = tpu.vector_load %arg4[%swap3A_236, %swap3A_237] {strides = array<i32>} : memref<576x64xi32, #tpu.memory_space<vmem>>, vector<16xi32>,
          tpu.vector_store %arg4[%swap3A_236, %swap3A_237], %select_n3A_233 {strides = array<i32>} : memref<576x64xi32, #tpu.memory_space<vmem>>, vector<16xi32>,
          %add3A_239 = arith.constant 2 : i32
          %add3A_240 = arith.addi %mul3A_71, %add3A_239 : i32
          %get3A_241 = arith.index_cast %add3A_240 : i32 to index
          %get3A_242 = arith.constant 16 : index
          %get3A_243 = tpu.vector_load %arg4[%get3A_241, %get3A_242] {strides = array<i32>} : memref<576x64xi32, #tpu.memory_space<vmem>>, vector<16xi32>,
          %shift_right_arithmetic3A_244 = arith.constant 31 : i32
          %shift_right_arithmetic3A_245 = vector.broadcast %shift_right_arithmetic3A_244 : i32 to vector<16xi32>
          %shift_right_arithmetic3A_246 = arith.shrsi %get3A_243, %shift_right_arithmetic3A_245 : vector<16xi32>
          %and3A_247 = arith.constant 2147483647 : i32
          %and3A_248 = vector.broadcast %and3A_247 : i32 to vector<16xi32>
          %and3A_249 = arith.andi %shift_right_arithmetic3A_246, %and3A_248 : vector<16xi32>
          %xor3A_250 = arith.xori %get3A_243, %and3A_249 : vector<16xi32>
          %ge3A_251 = arith.cmpi sge, %get3A_243, %xor3A_56 : vector<16xi32>
          %select_n3A_252 = arith.select %ge3A_251, %xor3A_250, %broadcast_in_dim3A_1 : vector<16xi1>, vector<16xi32>
          %add3A_253 = arith.constant 2 : i32
          %add3A_254 = arith.addi %mul3A_71, %add3A_253 : i32
          %swap3A_255 = arith.index_cast %add3A_254 : i32 to index
          %swap3A_256 = arith.constant 16 : index
          %swap3A_257 = tpu.vector_load %arg4[%swap3A_255, %swap3A_256] {strides = array<i32>} : memref<576x64xi32, #tpu.memory_space<vmem>>, vector<16xi32>,
          tpu.vector_store %arg4[%swap3A_255, %swap3A_256], %select_n3A_252 {strides = array<i32>} : memref<576x64xi32, #tpu.memory_space<vmem>>, vector<16xi32>,
          %add3A_258 = arith.constant 2 : i32
          %add3A_259 = arith.addi %mul3A_71, %add3A_258 : i32
          %get3A_260 = arith.index_cast %add3A_259 : i32 to index
          %get3A_261 = arith.constant 32 : index
          %get3A_262 = tpu.vector_load %arg4[%get3A_260, %get3A_261] {strides = array<i32>} : memref<576x64xi32, #tpu.memory_space<vmem>>, vector<16xi32>,
          %shift_right_arithmetic3A_263 = arith.constant 31 : i32
          %shift_right_arithmetic3A_264 = vector.broadcast %shift_right_arithmetic3A_263 : i32 to vector<16xi32>
          %shift_right_arithmetic3A_265 = arith.shrsi %get3A_262, %shift_right_arithmetic3A_264 : vector<16xi32>
          %and3A_266 = arith.constant 2147483647 : i32
          %and3A_267 = vector.broadcast %and3A_266 : i32 to vector<16xi32>
          %and3A_268 = arith.andi %shift_right_arithmetic3A_265, %and3A_267 : vector<16xi32>
          %xor3A_269 = arith.xori %get3A_262, %and3A_268 : vector<16xi32>
          %ge3A_270 = arith.cmpi sge, %get3A_262, %xor3A_59 : vector<16xi32>
          %select_n3A_271 = arith.select %ge3A_270, %xor3A_269, %broadcast_in_dim3A_1 : vector<16xi1>, vector<16xi32>
          %add3A_272 = arith.constant 2 : i32
          %add3A_273 = arith.addi %mul3A_71, %add3A_272 : i32
          %swap3A_274 = arith.index_cast %add3A_273 : i32 to index
          %swap3A_275 = arith.constant 32 : index
          %swap3A_276 = tpu.vector_load %arg4[%swap3A_274, %swap3A_275] {strides = array<i32>} : memref<576x64xi32, #tpu.memory_space<vmem>>, vector<16xi32>,
          tpu.vector_store %arg4[%swap3A_274, %swap3A_275], %select_n3A_271 {strides = array<i32>} : memref<576x64xi32, #tpu.memory_space<vmem>>, vector<16xi32>,
          %add3A_277 = arith.constant 2 : i32
          %add3A_278 = arith.addi %mul3A_71, %add3A_277 : i32
          %get3A_279 = arith.index_cast %add3A_278 : i32 to index
          %get3A_280 = arith.constant 48 : index
          %get3A_281 = tpu.vector_load %arg4[%get3A_279, %get3A_280] {strides = array<i32>} : memref<576x64xi32, #tpu.memory_space<vmem>>, vector<16xi32>,
          %shift_right_arithmetic3A_282 = arith.constant 31 : i32
          %shift_right_arithmetic3A_283 = vector.broadcast %shift_right_arithmetic3A_282 : i32 to vector<16xi32>
          %shift_right_arithmetic3A_284 = arith.shrsi %get3A_281, %shift_right_arithmetic3A_283 : vector<16xi32>
          %and3A_285 = arith.constant 2147483647 : i32
          %and3A_286 = vector.broadcast %and3A_285 : i32 to vector<16xi32>
          %and3A_287 = arith.andi %shift_right_arithmetic3A_284, %and3A_286 : vector<16xi32>
          %xor3A_288 = arith.xori %get3A_281, %and3A_287 : vector<16xi32>
          %ge3A_289 = arith.cmpi sge, %get3A_281, %xor3A_62 : vector<16xi32>
          %select_n3A_290 = arith.select %ge3A_289, %xor3A_288, %broadcast_in_dim3A_1 : vector<16xi1>, vector<16xi32>
          %add3A_291 = arith.constant 2 : i32
          %add3A_292 = arith.addi %mul3A_71, %add3A_291 : i32
          %swap3A_293 = arith.index_cast %add3A_292 : i32 to index
          %swap3A_294 = arith.constant 48 : index
          %swap3A_295 = tpu.vector_load %arg4[%swap3A_293, %swap3A_294] {strides = array<i32>} : memref<576x64xi32, #tpu.memory_space<vmem>>, vector<16xi32>,
          tpu.vector_store %arg4[%swap3A_293, %swap3A_294], %select_n3A_290 {strides = array<i32>} : memref<576x64xi32, #tpu.memory_space<vmem>>, vector<16xi32>,
          %add3A_296 = arith.constant 3 : i32
          %add3A_297 = arith.addi %mul3A_71, %add3A_296 : i32
          %get3A_298 = arith.index_cast %add3A_297 : i32 to index
          %get3A_299 = arith.constant 0 : index
          %get3A_300 = tpu.vector_load %arg4[%get3A_298, %get3A_299] {strides = array<i32>} : memref<576x64xi32, #tpu.memory_space<vmem>>, vector<16xi32>,
          %shift_right_arithmetic3A_301 = arith.constant 31 : i32
          %shift_right_arithmetic3A_302 = vector.broadcast %shift_right_arithmetic3A_301 : i32 to vector<16xi32>
          %shift_right_arithmetic3A_303 = arith.shrsi %get3A_300, %shift_right_arithmetic3A_302 : vector<16xi32>
          %and3A_304 = arith.constant 2147483647 : i32
          %and3A_305 = vector.broadcast %and3A_304 : i32 to vector<16xi32>
          %and3A_306 = arith.andi %shift_right_arithmetic3A_303, %and3A_305 : vector<16xi32>
          %xor3A_307 = arith.xori %get3A_300, %and3A_306 : vector<16xi32>
          %ge3A_308 = arith.cmpi sge, %get3A_300, %xor3A_53 : vector<16xi32>
          %select_n3A_309 = arith.select %ge3A_308, %xor3A_307, %broadcast_in_dim3A_1 : vector<16xi1>, vector<16xi32>
          %add3A_310 = arith.constant 3 : i32
          %add3A_311 = arith.addi %mul3A_71, %add3A_310 : i32
          %swap3A_312 = arith.index_cast %add3A_311 : i32 to index
          %swap3A_313 = arith.constant 0 : index
          %swap3A_314 = tpu.vector_load %arg4[%swap3A_312, %swap3A_313] {strides = array<i32>} : memref<576x64xi32, #tpu.memory_space<vmem>>, vector<16xi32>,
          tpu.vector_store %arg4[%swap3A_312, %swap3A_313], %select_n3A_309 {strides = array<i32>} : memref<576x64xi32, #tpu.memory_space<vmem>>, vector<16xi32>,
          %add3A_315 = arith.constant 3 : i32
          %add3A_316 = arith.addi %mul3A_71, %add3A_315 : i32
          %get3A_317 = arith.index_cast %add3A_316 : i32 to index
          %get3A_318 = arith.constant 16 : index
          %get3A_319 = tpu.vector_load %arg4[%get3A_317, %get3A_318] {strides = array<i32>} : memref<576x64xi32, #tpu.memory_space<vmem>>, vector<16xi32>,
          %shift_right_arithmetic3A_320 = arith.constant 31 : i32
          %shift_right_arithmetic3A_321 = vector.broadcast %shift_right_arithmetic3A_320 : i32 to vector<16xi32>
          %shift_right_arithmetic3A_322 = arith.shrsi %get3A_319, %shift_right_arithmetic3A_321 : vector<16xi32>
          %and3A_323 = arith.constant 2147483647 : i32
          %and3A_324 = vector.broadcast %and3A_323 : i32 to vector<16xi32>
          %and3A_325 = arith.andi %shift_right_arithmetic3A_322, %and3A_324 : vector<16xi32>
          %xor3A_326 = arith.xori %get3A_319, %and3A_325 : vector<16xi32>
          %ge3A_327 = arith.cmpi sge, %get3A_319, %xor3A_56 : vector<16xi32>
          %select_n3A_328 = arith.select %ge3A_327, %xor3A_326, %broadcast_in_dim3A_1 : vector<16xi1>, vector<16xi32>
          %add3A_329 = arith.constant 3 : i32
          %add3A_330 = arith.addi %mul3A_71, %add3A_329 : i32
          %swap3A_331 = arith.index_cast %add3A_330 : i32 to index
          %swap3A_332 = arith.constant 16 : index
          %swap3A_333 = tpu.vector_load %arg4[%swap3A_331, %swap3A_332] {strides = array<i32>} : memref<576x64xi32, #tpu.memory_space<vmem>>, vector<16xi32>,
          tpu.vector_store %arg4[%swap3A_331, %swap3A_332], %select_n3A_328 {strides = array<i32>} : memref<576x64xi32, #tpu.memory_space<vmem>>, vector<16xi32>,
          %add3A_334 = arith.constant 3 : i32
          %add3A_335 = arith.addi %mul3A_71, %add3A_334 : i32
          %get3A_336 = arith.index_cast %add3A_335 : i32 to index
          %get3A_337 = arith.constant 32 : index
          %get3A_338 = tpu.vector_load %arg4[%get3A_336, %get3A_337] {strides = array<i32>} : memref<576x64xi32, #tpu.memory_space<vmem>>, vector<16xi32>,
          %shift_right_arithmetic3A_339 = arith.constant 31 : i32
          %shift_right_arithmetic3A_340 = vector.broadcast %shift_right_arithmetic3A_339 : i32 to vector<16xi32>
          %shift_right_arithmetic3A_341 = arith.shrsi %get3A_338, %shift_right_arithmetic3A_340 : vector<16xi32>
          %and3A_342 = arith.constant 2147483647 : i32
          %and3A_343 = vector.broadcast %and3A_342 : i32 to vector<16xi32>
          %and3A_344 = arith.andi %shift_right_arithmetic3A_341, %and3A_343 : vector<16xi32>
          %xor3A_345 = arith.xori %get3A_338, %and3A_344 : vector<16xi32>
          %ge3A_346 = arith.cmpi sge, %get3A_338, %xor3A_59 : vector<16xi32>
          %select_n3A_347 = arith.select %ge3A_346, %xor3A_345, %broadcast_in_dim3A_1 : vector<16xi1>, vector<16xi32>
          %add3A_348 = arith.constant 3 : i32
          %add3A_349 = arith.addi %mul3A_71, %add3A_348 : i32
          %swap3A_350 = arith.index_cast %add3A_349 : i32 to index
          %swap3A_351 = arith.constant 32 : index
          %swap3A_352 = tpu.vector_load %arg4[%swap3A_350, %swap3A_351] {strides = array<i32>} : memref<576x64xi32, #tpu.memory_space<vmem>>, vector<16xi32>,
          tpu.vector_store %arg4[%swap3A_350, %swap3A_351], %select_n3A_347 {strides = array<i32>} : memref<576x64xi32, #tpu.memory_space<vmem>>, vector<16xi32>,
          %add3A_353 = arith.constant 3 : i32
          %add3A_354 = arith.addi %mul3A_71, %add3A_353 : i32
          %get3A_355 = arith.index_cast %add3A_354 : i32 to index
          %get3A_356 = arith.constant 48 : index
          %get3A_357 = tpu.vector_load %arg4[%get3A_355, %get3A_356] {strides = array<i32>} : memref<576x64xi32, #tpu.memory_space<vmem>>, vector<16xi32>,
          %shift_right_arithmetic3A_358 = arith.constant 31 : i32
          %shift_right_arithmetic3A_359 = vector.broadcast %shift_right_arithmetic3A_358 : i32 to vector<16xi32>
          %shift_right_arithmetic3A_360 = arith.shrsi %get3A_357, %shift_right_arithmetic3A_359 : vector<16xi32>
          %and3A_361 = arith.constant 2147483647 : i32
          %and3A_362 = vector.broadcast %and3A_361 : i32 to vector<16xi32>
          %and3A_363 = arith.andi %shift_right_arithmetic3A_360, %and3A_362 : vector<16xi32>
          %xor3A_364 = arith.xori %get3A_357, %and3A_363 : vector<16xi32>
          %ge3A_365 = arith.cmpi sge, %get3A_357, %xor3A_62 : vector<16xi32>
          %select_n3A_366 = arith.select %ge3A_365, %xor3A_364, %broadcast_in_dim3A_1 : vector<16xi1>, vector<16xi32>
          %add3A_367 = arith.constant 3 : i32
          %add3A_368 = arith.addi %mul3A_71, %add3A_367 : i32
          %swap3A_369 = arith.index_cast %add3A_368 : i32 to index
          %swap3A_370 = arith.constant 48 : index
          %swap3A_371 = tpu.vector_load %arg4[%swap3A_369, %swap3A_370] {strides = array<i32>} : memref<576x64xi32, #tpu.memory_space<vmem>>, vector<16xi32>,
          tpu.vector_store %arg4[%swap3A_369, %swap3A_370], %select_n3A_366 {strides = array<i32>} : memref<576x64xi32, #tpu.memory_space<vmem>>, vector<16xi32>,
          %add3A_372 = arith.constant 4 : i32
          %add3A_373 = arith.addi %mul3A_71, %add3A_372 : i32
          %get3A_374 = arith.index_cast %add3A_373 : i32 to index
          %get3A_375 = arith.constant 0 : index
          %get3A_376 = tpu.vector_load %arg4[%get3A_374, %get3A_375] {strides = array<i32>} : memref<576x64xi32, #tpu.memory_space<vmem>>, vector<16xi32>,
          %shift_right_arithmetic3A_377 = arith.constant 31 : i32
          %shift_right_arithmetic3A_378 = vector.broadcast %shift_right_arithmetic3A_377 : i32 to vector<16xi32>
          %shift_right_arithmetic3A_379 = arith.shrsi %get3A_376, %shift_right_arithmetic3A_378 : vector<16xi32>
          %and3A_380 = arith.constant 2147483647 : i32
          %and3A_381 = vector.broadcast %and3A_380 : i32 to vector<16xi32>
          %and3A_382 = arith.andi %shift_right_arithmetic3A_379, %and3A_381 : vector<16xi32>
          %xor3A_383 = arith.xori %get3A_376, %and3A_382 : vector<16xi32>
          %ge3A_384 = arith.cmpi sge, %get3A_376, %xor3A_53 : vector<16xi32>
          %select_n3A_385 = arith.select %ge3A_384, %xor3A_383, %broadcast_in_dim3A_1 : vector<16xi1>, vector<16xi32>
          %add3A_386 = arith.constant 4 : i32
          %add3A_387 = arith.addi %mul3A_71, %add3A_386 : i32
          %swap3A_388 = arith.index_cast %add3A_387 : i32 to index
          %swap3A_389 = arith.constant 0 : index
          %swap3A_390 = tpu.vector_load %arg4[%swap3A_388, %swap3A_389] {strides = array<i32>} : memref<576x64xi32, #tpu.memory_space<vmem>>, vector<16xi32>,
          tpu.vector_store %arg4[%swap3A_388, %swap3A_389], %select_n3A_385 {strides = array<i32>} : memref<576x64xi32, #tpu.memory_space<vmem>>, vector<16xi32>,
          %add3A_391 = arith.constant 4 : i32
          %add3A_392 = arith.addi %mul3A_71, %add3A_391 : i32
          %get3A_393 = arith.index_cast %add3A_392 : i32 to index
          %get3A_394 = arith.constant 16 : index
          %get3A_395 = tpu.vector_load %arg4[%get3A_393, %get3A_394] {strides = array<i32>} : memref<576x64xi32, #tpu.memory_space<vmem>>, vector<16xi32>,
          %shift_right_arithmetic3A_396 = arith.constant 31 : i32
          %shift_right_arithmetic3A_397 = vector.broadcast %shift_right_arithmetic3A_396 : i32 to vector<16xi32>
          %shift_right_arithmetic3A_398 = arith.shrsi %get3A_395, %shift_right_arithmetic3A_397 : vector<16xi32>
          %and3A_399 = arith.constant 2147483647 : i32
          %and3A_400 = vector.broadcast %and3A_399 : i32 to vector<16xi32>
          %and3A_401 = arith.andi %shift_right_arithmetic3A_398, %and3A_400 : vector<16xi32>
          %xor3A_402 = arith.xori %get3A_395, %and3A_401 : vector<16xi32>
          %ge3A_403 = arith.cmpi sge, %get3A_395, %xor3A_56 : vector<16xi32>
          %select_n3A_404 = arith.select %ge3A_403, %xor3A_402, %broadcast_in_dim3A_1 : vector<16xi1>, vector<16xi32>
          %add3A_405 = arith.constant 4 : i32
          %add3A_406 = arith.addi %mul3A_71, %add3A_405 : i32
          %swap3A_407 = arith.index_cast %add3A_406 : i32 to index
          %swap3A_408 = arith.constant 16 : index
          %swap3A_409 = tpu.vector_load %arg4[%swap3A_407, %swap3A_408] {strides = array<i32>} : memref<576x64xi32, #tpu.memory_space<vmem>>, vector<16xi32>,
          tpu.vector_store %arg4[%swap3A_407, %swap3A_408], %select_n3A_404 {strides = array<i32>} : memref<576x64xi32, #tpu.memory_space<vmem>>, vector<16xi32>,
          %add3A_410 = arith.constant 4 : i32
          %add3A_411 = arith.addi %mul3A_71, %add3A_410 : i32
          %get3A_412 = arith.index_cast %add3A_411 : i32 to index
          %get3A_413 = arith.constant 32 : index
          %get3A_414 = tpu.vector_load %arg4[%get3A_412, %get3A_413] {strides = array<i32>} : memref<576x64xi32, #tpu.memory_space<vmem>>, vector<16xi32>,
          %shift_right_arithmetic3A_415 = arith.constant 31 : i32
          %shift_right_arithmetic3A_416 = vector.broadcast %shift_right_arithmetic3A_415 : i32 to vector<16xi32>
          %shift_right_arithmetic3A_417 = arith.shrsi %get3A_414, %shift_right_arithmetic3A_416 : vector<16xi32>
          %and3A_418 = arith.constant 2147483647 : i32
          %and3A_419 = vector.broadcast %and3A_418 : i32 to vector<16xi32>
          %and3A_420 = arith.andi %shift_right_arithmetic3A_417, %and3A_419 : vector<16xi32>
          %xor3A_421 = arith.xori %get3A_414, %and3A_420 : vector<16xi32>
          %ge3A_422 = arith.cmpi sge, %get3A_414, %xor3A_59 : vector<16xi32>
          %select_n3A_423 = arith.select %ge3A_422, %xor3A_421, %broadcast_in_dim3A_1 : vector<16xi1>, vector<16xi32>
          %add3A_424 = arith.constant 4 : i32
          %add3A_425 = arith.addi %mul3A_71, %add3A_424 : i32
          %swap3A_426 = arith.index_cast %add3A_425 : i32 to index
          %swap3A_427 = arith.constant 32 : index
          %swap3A_428 = tpu.vector_load %arg4[%swap3A_426, %swap3A_427] {strides = array<i32>} : memref<576x64xi32, #tpu.memory_space<vmem>>, vector<16xi32>,
          tpu.vector_store %arg4[%swap3A_426, %swap3A_427], %select_n3A_423 {strides = array<i32>} : memref<576x64xi32, #tpu.memory_space<vmem>>, vector<16xi32>,
          %add3A_429 = arith.constant 4 : i32
          %add3A_430 = arith.addi %mul3A_71, %add3A_429 : i32
          %get3A_431 = arith.index_cast %add3A_430 : i32 to index
          %get3A_432 = arith.constant 48 : index
          %get3A_433 = tpu.vector_load %arg4[%get3A_431, %get3A_432] {strides = array<i32>} : memref<576x64xi32, #tpu.memory_space<vmem>>, vector<16xi32>,
          %shift_right_arithmetic3A_434 = arith.constant 31 : i32
          %shift_right_arithmetic3A_435 = vector.broadcast %shift_right_arithmetic3A_434 : i32 to vector<16xi32>
          %shift_right_arithmetic3A_436 = arith.shrsi %get3A_433, %shift_right_arithmetic3A_435 : vector<16xi32>
          %and3A_437 = arith.constant 2147483647 : i32
          %and3A_438 = vector.broadcast %and3A_437 : i32 to vector<16xi32>
          %and3A_439 = arith.andi %shift_right_arithmetic3A_436, %and3A_438 : vector<16xi32>
          %xor3A_440 = arith.xori %get3A_433, %and3A_439 : vector<16xi32>
          %ge3A_441 = arith.cmpi sge, %get3A_433, %xor3A_62 : vector<16xi32>
          %select_n3A_442 = arith.select %ge3A_441, %xor3A_440, %broadcast_in_dim3A_1 : vector<16xi1>, vector<16xi32>
          %add3A_443 = arith.constant 4 : i32
          %add3A_444 = arith.addi %mul3A_71, %add3A_443 : i32
          %swap3A_445 = arith.index_cast %add3A_444 : i32 to index
          %swap3A_446 = arith.constant 48 : index
          %swap3A_447 = tpu.vector_load %arg4[%swap3A_445, %swap3A_446] {strides = array<i32>} : memref<576x64xi32, #tpu.memory_space<vmem>>, vector<16xi32>,
          tpu.vector_store %arg4[%swap3A_445, %swap3A_446], %select_n3A_442 {strides = array<i32>} : memref<576x64xi32, #tpu.memory_space<vmem>>, vector<16xi32>,
          %add3A_448 = arith.constant 5 : i32
          %add3A_449 = arith.addi %mul3A_71, %add3A_448 : i32
          %get3A_450 = arith.index_cast %add3A_449 : i32 to index
          %get3A_451 = arith.constant 0 : index
          %get3A_452 = tpu.vector_load %arg4[%get3A_450, %get3A_451] {strides = array<i32>} : memref<576x64xi32, #tpu.memory_space<vmem>>, vector<16xi32>,
          %shift_right_arithmetic3A_453 = arith.constant 31 : i32
          %shift_right_arithmetic3A_454 = vector.broadcast %shift_right_arithmetic3A_453 : i32 to vector<16xi32>
          %shift_right_arithmetic3A_455 = arith.shrsi %get3A_452, %shift_right_arithmetic3A_454 : vector<16xi32>
          %and3A_456 = arith.constant 2147483647 : i32
          %and3A_457 = vector.broadcast %and3A_456 : i32 to vector<16xi32>
          %and3A_458 = arith.andi %shift_right_arithmetic3A_455, %and3A_457 : vector<16xi32>
          %xor3A_459 = arith.xori %get3A_452, %and3A_458 : vector<16xi32>
          %ge3A_460 = arith.cmpi sge, %get3A_452, %xor3A_53 : vector<16xi32>
          %select_n3A_461 = arith.select %ge3A_460, %xor3A_459, %broadcast_in_dim3A_1 : vector<16xi1>, vector<16xi32>
          %add3A_462 = arith.constant 5 : i32
          %add3A_463 = arith.addi %mul3A_71, %add3A_462 : i32
          %swap3A_464 = arith.index_cast %add3A_463 : i32 to index
          %swap3A_465 = arith.constant 0 : index
          %swap3A_466 = tpu.vector_load %arg4[%swap3A_464, %swap3A_465] {strides = array<i32>} : memref<576x64xi32, #tpu.memory_space<vmem>>, vector<16xi32>,
          tpu.vector_store %arg4[%swap3A_464, %swap3A_465], %select_n3A_461 {strides = array<i32>} : memref<576x64xi32, #tpu.memory_space<vmem>>, vector<16xi32>,
          %add3A_467 = arith.constant 5 : i32
          %add3A_468 = arith.addi %mul3A_71, %add3A_467 : i32
          %get3A_469 = arith.index_cast %add3A_468 : i32 to index
          %get3A_470 = arith.constant 16 : index
          %get3A_471 = tpu.vector_load %arg4[%get3A_469, %get3A_470] {strides = array<i32>} : memref<576x64xi32, #tpu.memory_space<vmem>>, vector<16xi32>,
          %shift_right_arithmetic3A_472 = arith.constant 31 : i32
          %shift_right_arithmetic3A_473 = vector.broadcast %shift_right_arithmetic3A_472 : i32 to vector<16xi32>
          %shift_right_arithmetic3A_474 = arith.shrsi %get3A_471, %shift_right_arithmetic3A_473 : vector<16xi32>
          %and3A_475 = arith.constant 2147483647 : i32
          %and3A_476 = vector.broadcast %and3A_475 : i32 to vector<16xi32>
          %and3A_477 = arith.andi %shift_right_arithmetic3A_474, %and3A_476 : vector<16xi32>
          %xor3A_478 = arith.xori %get3A_471, %and3A_477 : vector<16xi32>
          %ge3A_479 = arith.cmpi sge, %get3A_471, %xor3A_56 : vector<16xi32>
          %select_n3A_480 = arith.select %ge3A_479, %xor3A_478, %broadcast_in_dim3A_1 : vector<16xi1>, vector<16xi32>
          %add3A_481 = arith.constant 5 : i32
          %add3A_482 = arith.addi %mul3A_71, %add3A_481 : i32
          %swap3A_483 = arith.index_cast %add3A_482 : i32 to index
          %swap3A_484 = arith.constant 16 : index
          %swap3A_485 = tpu.vector_load %arg4[%swap3A_483, %swap3A_484] {strides = array<i32>} : memref<576x64xi32, #tpu.memory_space<vmem>>, vector<16xi32>,
          tpu.vector_store %arg4[%swap3A_483, %swap3A_484], %select_n3A_480 {strides = array<i32>} : memref<576x64xi32, #tpu.memory_space<vmem>>, vector<16xi32>,
          %add3A_486 = arith.constant 5 : i32
          %add3A_487 = arith.addi %mul3A_71, %add3A_486 : i32
          %get3A_488 = arith.index_cast %add3A_487 : i32 to index
          %get3A_489 = arith.constant 32 : index
          %get3A_490 = tpu.vector_load %arg4[%get3A_488, %get3A_489] {strides = array<i32>} : memref<576x64xi32, #tpu.memory_space<vmem>>, vector<16xi32>,
          %shift_right_arithmetic3A_491 = arith.constant 31 : i32
          %shift_right_arithmetic3A_492 = vector.broadcast %shift_right_arithmetic3A_491 : i32 to vector<16xi32>
          %shift_right_arithmetic3A_493 = arith.shrsi %get3A_490, %shift_right_arithmetic3A_492 : vector<16xi32>
          %and3A_494 = arith.constant 2147483647 : i32
          %and3A_495 = vector.broadcast %and3A_494 : i32 to vector<16xi32>
          %and3A_496 = arith.andi %shift_right_arithmetic3A_493, %and3A_495 : vector<16xi32>
          %xor3A_497 = arith.xori %get3A_490, %and3A_496 : vector<16xi32>
          %ge3A_498 = arith.cmpi sge, %get3A_490, %xor3A_59 : vector<16xi32>
          %select_n3A_499 = arith.select %ge3A_498, %xor3A_497, %broadcast_in_dim3A_1 : vector<16xi1>, vector<16xi32>
          %add3A_500 = arith.constant 5 : i32
          %add3A_501 = arith.addi %mul3A_71, %add3A_500 : i32
          %swap3A_502 = arith.index_cast %add3A_501 : i32 to index
          %swap3A_503 = arith.constant 32 : index
          %swap3A_504 = tpu.vector_load %arg4[%swap3A_502, %swap3A_503] {strides = array<i32>} : memref<576x64xi32, #tpu.memory_space<vmem>>, vector<16xi32>,
          tpu.vector_store %arg4[%swap3A_502, %swap3A_503], %select_n3A_499 {strides = array<i32>} : memref<576x64xi32, #tpu.memory_space<vmem>>, vector<16xi32>,
          %add3A_505 = arith.constant 5 : i32
          %add3A_506 = arith.addi %mul3A_71, %add3A_505 : i32
          %get3A_507 = arith.index_cast %add3A_506 : i32 to index
          %get3A_508 = arith.constant 48 : index
          %get3A_509 = tpu.vector_load %arg4[%get3A_507, %get3A_508] {strides = array<i32>} : memref<576x64xi32, #tpu.memory_space<vmem>>, vector<16xi32>,
          %shift_right_arithmetic3A_510 = arith.constant 31 : i32
          %shift_right_arithmetic3A_511 = vector.broadcast %shift_right_arithmetic3A_510 : i32 to vector<16xi32>
          %shift_right_arithmetic3A_512 = arith.shrsi %get3A_509, %shift_right_arithmetic3A_511 : vector<16xi32>
          %and3A_513 = arith.constant 2147483647 : i32
          %and3A_514 = vector.broadcast %and3A_513 : i32 to vector<16xi32>
          %and3A_515 = arith.andi %shift_right_arithmetic3A_512, %and3A_514 : vector<16xi32>
          %xor3A_516 = arith.xori %get3A_509, %and3A_515 : vector<16xi32>
          %ge3A_517 = arith.cmpi sge, %get3A_509, %xor3A_62 : vector<16xi32>
          %select_n3A_518 = arith.select %ge3A_517, %xor3A_516, %broadcast_in_dim3A_1 : vector<16xi1>, vector<16xi32>
          %add3A_519 = arith.constant 5 : i32
          %add3A_520 = arith.addi %mul3A_71, %add3A_519 : i32
          %swap3A_521 = arith.index_cast %add3A_520 : i32 to index
          %swap3A_522 = arith.constant 48 : index
          %swap3A_523 = tpu.vector_load %arg4[%swap3A_521, %swap3A_522] {strides = array<i32>} : memref<576x64xi32, #tpu.memory_space<vmem>>, vector<16xi32>,
          tpu.vector_store %arg4[%swap3A_521, %swap3A_522], %select_n3A_518 {strides = array<i32>} : memref<576x64xi32, #tpu.memory_space<vmem>>, vector<16xi32>,
          %add3A_524 = arith.constant 6 : i32
          %add3A_525 = arith.addi %mul3A_71, %add3A_524 : i32
          %get3A_526 = arith.index_cast %add3A_525 : i32 to index
          %get3A_527 = arith.constant 0 : index
          %get3A_528 = tpu.vector_load %arg4[%get3A_526, %get3A_527] {strides = array<i32>} : memref<576x64xi32, #tpu.memory_space<vmem>>, vector<16xi32>,
          %shift_right_arithmetic3A_529 = arith.constant 31 : i32
          %shift_right_arithmetic3A_530 = vector.broadcast %shift_right_arithmetic3A_529 : i32 to vector<16xi32>
          %shift_right_arithmetic3A_531 = arith.shrsi %get3A_528, %shift_right_arithmetic3A_530 : vector<16xi32>
          %and3A_532 = arith.constant 2147483647 : i32
          %and3A_533 = vector.broadcast %and3A_532 : i32 to vector<16xi32>
          %and3A_534 = arith.andi %shift_right_arithmetic3A_531, %and3A_533 : vector<16xi32>
          %xor3A_535 = arith.xori %get3A_528, %and3A_534 : vector<16xi32>
          %ge3A_536 = arith.cmpi sge, %get3A_528, %xor3A_53 : vector<16xi32>
          %select_n3A_537 = arith.select %ge3A_536, %xor3A_535, %broadcast_in_dim3A_1 : vector<16xi1>, vector<16xi32>
          %add3A_538 = arith.constant 6 : i32
          %add3A_539 = arith.addi %mul3A_71, %add3A_538 : i32
          %swap3A_540 = arith.index_cast %add3A_539 : i32 to index
          %swap3A_541 = arith.constant 0 : index
          %swap3A_542 = tpu.vector_load %arg4[%swap3A_540, %swap3A_541] {strides = array<i32>} : memref<576x64xi32, #tpu.memory_space<vmem>>, vector<16xi32>,
          tpu.vector_store %arg4[%swap3A_540, %swap3A_541], %select_n3A_537 {strides = array<i32>} : memref<576x64xi32, #tpu.memory_space<vmem>>, vector<16xi32>,
          %add3A_543 = arith.constant 6 : i32
          %add3A_544 = arith.addi %mul3A_71, %add3A_543 : i32
          %get3A_545 = arith.index_cast %add3A_544 : i32 to index
          %get3A_546 = arith.constant 16 : index
          %get3A_547 = tpu.vector_load %arg4[%get3A_545, %get3A_546] {strides = array<i32>} : memref<576x64xi32, #tpu.memory_space<vmem>>, vector<16xi32>,
          %shift_right_arithmetic3A_548 = arith.constant 31 : i32
          %shift_right_arithmetic3A_549 = vector.broadcast %shift_right_arithmetic3A_548 : i32 to vector<16xi32>
          %shift_right_arithmetic3A_550 = arith.shrsi %get3A_547, %shift_right_arithmetic3A_549 : vector<16xi32>
          %and3A_551 = arith.constant 2147483647 : i32
          %and3A_552 = vector.broadcast %and3A_551 : i32 to vector<16xi32>
          %and3A_553 = arith.andi %shift_right_arithmetic3A_550, %and3A_552 : vector<16xi32>
          %xor3A_554 = arith.xori %get3A_547, %and3A_553 : vector<16xi32>
          %ge3A_555 = arith.cmpi sge, %get3A_547, %xor3A_56 : vector<16xi32>
          %select_n3A_556 = arith.select %ge3A_555, %xor3A_554, %broadcast_in_dim3A_1 : vector<16xi1>, vector<16xi32>
          %add3A_557 = arith.constant 6 : i32
          %add3A_558 = arith.addi %mul3A_71, %add3A_557 : i32
          %swap3A_559 = arith.index_cast %add3A_558 : i32 to index
          %swap3A_560 = arith.constant 16 : index
          %swap3A_561 = tpu.vector_load %arg4[%swap3A_559, %swap3A_560] {strides = array<i32>} : memref<576x64xi32, #tpu.memory_space<vmem>>, vector<16xi32>,
          tpu.vector_store %arg4[%swap3A_559, %swap3A_560], %select_n3A_556 {strides = array<i32>} : memref<576x64xi32, #tpu.memory_space<vmem>>, vector<16xi32>,
          %add3A_562 = arith.constant 6 : i32
          %add3A_563 = arith.addi %mul3A_71, %add3A_562 : i32
          %get3A_564 = arith.index_cast %add3A_563 : i32 to index
          %get3A_565 = arith.constant 32 : index
          %get3A_566 = tpu.vector_load %arg4[%get3A_564, %get3A_565] {strides = array<i32>} : memref<576x64xi32, #tpu.memory_space<vmem>>, vector<16xi32>,
          %shift_right_arithmetic3A_567 = arith.constant 31 : i32
          %shift_right_arithmetic3A_568 = vector.broadcast %shift_right_arithmetic3A_567 : i32 to vector<16xi32>
          %shift_right_arithmetic3A_569 = arith.shrsi %get3A_566, %shift_right_arithmetic3A_568 : vector<16xi32>
          %and3A_570 = arith.constant 2147483647 : i32
          %and3A_571 = vector.broadcast %and3A_570 : i32 to vector<16xi32>
          %and3A_572 = arith.andi %shift_right_arithmetic3A_569, %and3A_571 : vector<16xi32>
          %xor3A_573 = arith.xori %get3A_566, %and3A_572 : vector<16xi32>
          %ge3A_574 = arith.cmpi sge, %get3A_566, %xor3A_59 : vector<16xi32>
          %select_n3A_575 = arith.select %ge3A_574, %xor3A_573, %broadcast_in_dim3A_1 : vector<16xi1>, vector<16xi32>
          %add3A_576 = arith.constant 6 : i32
          %add3A_577 = arith.addi %mul3A_71, %add3A_576 : i32
          %swap3A_578 = arith.index_cast %add3A_577 : i32 to index
          %swap3A_579 = arith.constant 32 : index
          %swap3A_580 = tpu.vector_load %arg4[%swap3A_578, %swap3A_579] {strides = array<i32>} : memref<576x64xi32, #tpu.memory_space<vmem>>, vector<16xi32>,
          tpu.vector_store %arg4[%swap3A_578, %swap3A_579], %select_n3A_575 {strides = array<i32>} : memref<576x64xi32, #tpu.memory_space<vmem>>, vector<16xi32>,
          %add3A_581 = arith.constant 6 : i32
          %add3A_582 = arith.addi %mul3A_71, %add3A_581 : i32
          %get3A_583 = arith.index_cast %add3A_582 : i32 to index
          %get3A_584 = arith.constant 48 : index
          %get3A_585 = tpu.vector_load %arg4[%get3A_583, %get3A_584] {strides = array<i32>} : memref<576x64xi32, #tpu.memory_space<vmem>>, vector<16xi32>,
          %shift_right_arithmetic3A_586 = arith.constant 31 : i32
          %shift_right_arithmetic3A_587 = vector.broadcast %shift_right_arithmetic3A_586 : i32 to vector<16xi32>
          %shift_right_arithmetic3A_588 = arith.shrsi %get3A_585, %shift_right_arithmetic3A_587 : vector<16xi32>
          %and3A_589 = arith.constant 2147483647 : i32
          %and3A_590 = vector.broadcast %and3A_589 : i32 to vector<16xi32>
          %and3A_591 = arith.andi %shift_right_arithmetic3A_588, %and3A_590 : vector<16xi32>
          %xor3A_592 = arith.xori %get3A_585, %and3A_591 : vector<16xi32>
          %ge3A_593 = arith.cmpi sge, %get3A_585, %xor3A_62 : vector<16xi32>
          %select_n3A_594 = arith.select %ge3A_593, %xor3A_592, %broadcast_in_dim3A_1 : vector<16xi1>, vector<16xi32>
          %add3A_595 = arith.constant 6 : i32
          %add3A_596 = arith.addi %mul3A_71, %add3A_595 : i32
          %swap3A_597 = arith.index_cast %add3A_596 : i32 to index
          %swap3A_598 = arith.constant 48 : index
          %swap3A_599 = tpu.vector_load %arg4[%swap3A_597, %swap3A_598] {strides = array<i32>} : memref<576x64xi32, #tpu.memory_space<vmem>>, vector<16xi32>,
          tpu.vector_store %arg4[%swap3A_597, %swap3A_598], %select_n3A_594 {strides = array<i32>} : memref<576x64xi32, #tpu.memory_space<vmem>>, vector<16xi32>,
          %add3A_600 = arith.constant 7 : i32
          %add3A_601 = arith.addi %mul3A_71, %add3A_600 : i32
          %get3A_602 = arith.index_cast %add3A_601 : i32 to index
          %get3A_603 = arith.constant 0 : index
          %get3A_604 = tpu.vector_load %arg4[%get3A_602, %get3A_603] {strides = array<i32>} : memref<576x64xi32, #tpu.memory_space<vmem>>, vector<16xi32>,
          %shift_right_arithmetic3A_605 = arith.constant 31 : i32
          %shift_right_arithmetic3A_606 = vector.broadcast %shift_right_arithmetic3A_605 : i32 to vector<16xi32>
          %shift_right_arithmetic3A_607 = arith.shrsi %get3A_604, %shift_right_arithmetic3A_606 : vector<16xi32>
          %and3A_608 = arith.constant 2147483647 : i32
          %and3A_609 = vector.broadcast %and3A_608 : i32 to vector<16xi32>
          %and3A_610 = arith.andi %shift_right_arithmetic3A_607, %and3A_609 : vector<16xi32>
          %xor3A_611 = arith.xori %get3A_604, %and3A_610 : vector<16xi32>
          %ge3A_612 = arith.cmpi sge, %get3A_604, %xor3A_53 : vector<16xi32>
          %select_n3A_613 = arith.select %ge3A_612, %xor3A_611, %broadcast_in_dim3A_1 : vector<16xi1>, vector<16xi32>
          %add3A_614 = arith.constant 7 : i32
          %add3A_615 = arith.addi %mul3A_71, %add3A_614 : i32
          %swap3A_616 = arith.index_cast %add3A_615 : i32 to index
          %swap3A_617 = arith.constant 0 : index
          %swap3A_618 = tpu.vector_load %arg4[%swap3A_616, %swap3A_617] {strides = array<i32>} : memref<576x64xi32, #tpu.memory_space<vmem>>, vector<16xi32>,
          tpu.vector_store %arg4[%swap3A_616, %swap3A_617], %select_n3A_613 {strides = array<i32>} : memref<576x64xi32, #tpu.memory_space<vmem>>, vector<16xi32>,
          %add3A_619 = arith.constant 7 : i32
          %add3A_620 = arith.addi %mul3A_71, %add3A_619 : i32
          %get3A_621 = arith.index_cast %add3A_620 : i32 to index
          %get3A_622 = arith.constant 16 : index
          %get3A_623 = tpu.vector_load %arg4[%get3A_621, %get3A_622] {strides = array<i32>} : memref<576x64xi32, #tpu.memory_space<vmem>>, vector<16xi32>,
          %shift_right_arithmetic3A_624 = arith.constant 31 : i32
          %shift_right_arithmetic3A_625 = vector.broadcast %shift_right_arithmetic3A_624 : i32 to vector<16xi32>
          %shift_right_arithmetic3A_626 = arith.shrsi %get3A_623, %shift_right_arithmetic3A_625 : vector<16xi32>
          %and3A_627 = arith.constant 2147483647 : i32
          %and3A_628 = vector.broadcast %and3A_627 : i32 to vector<16xi32>
          %and3A_629 = arith.andi %shift_right_arithmetic3A_626, %and3A_628 : vector<16xi32>
          %xor3A_630 = arith.xori %get3A_623, %and3A_629 : vector<16xi32>
          %ge3A_631 = arith.cmpi sge, %get3A_623, %xor3A_56 : vector<16xi32>
          %select_n3A_632 = arith.select %ge3A_631, %xor3A_630, %broadcast_in_dim3A_1 : vector<16xi1>, vector<16xi32>
          %add3A_633 = arith.constant 7 : i32
          %add3A_634 = arith.addi %mul3A_71, %add3A_633 : i32
          %swap3A_635 = arith.index_cast %add3A_634 : i32 to index
          %swap3A_636 = arith.constant 16 : index
          %swap3A_637 = tpu.vector_load %arg4[%swap3A_635, %swap3A_636] {strides = array<i32>} : memref<576x64xi32, #tpu.memory_space<vmem>>, vector<16xi32>,
          tpu.vector_store %arg4[%swap3A_635, %swap3A_636], %select_n3A_632 {strides = array<i32>} : memref<576x64xi32, #tpu.memory_space<vmem>>, vector<16xi32>,
          %add3A_638 = arith.constant 7 : i32
          %add3A_639 = arith.addi %mul3A_71, %add3A_638 : i32
          %get3A_640 = arith.index_cast %add3A_639 : i32 to index
          %get3A_641 = arith.constant 32 : index
          %get3A_642 = tpu.vector_load %arg4[%get3A_640, %get3A_641] {strides = array<i32>} : memref<576x64xi32, #tpu.memory_space<vmem>>, vector<16xi32>,
          %shift_right_arithmetic3A_643 = arith.constant 31 : i32
          %shift_right_arithmetic3A_644 = vector.broadcast %shift_right_arithmetic3A_643 : i32 to vector<16xi32>
          %shift_right_arithmetic3A_645 = arith.shrsi %get3A_642, %shift_right_arithmetic3A_644 : vector<16xi32>
          %and3A_646 = arith.constant 2147483647 : i32
          %and3A_647 = vector.broadcast %and3A_646 : i32 to vector<16xi32>
          %and3A_648 = arith.andi %shift_right_arithmetic3A_645, %and3A_647 : vector<16xi32>
          %xor3A_649 = arith.xori %get3A_642, %and3A_648 : vector<16xi32>
          %ge3A_650 = arith.cmpi sge, %get3A_642, %xor3A_59 : vector<16xi32>
          %select_n3A_651 = arith.select %ge3A_650, %xor3A_649, %broadcast_in_dim3A_1 : vector<16xi1>, vector<16xi32>
          %add3A_652 = arith.constant 7 : i32
          %add3A_653 = arith.addi %mul3A_71, %add3A_652 : i32
          %swap3A_654 = arith.index_cast %add3A_653 : i32 to index
          %swap3A_655 = arith.constant 32 : index
          %swap3A_656 = tpu.vector_load %arg4[%swap3A_654, %swap3A_655] {strides = array<i32>} : memref<576x64xi32, #tpu.memory_space<vmem>>, vector<16xi32>,
          tpu.vector_store %arg4[%swap3A_654, %swap3A_655], %select_n3A_651 {strides = array<i32>} : memref<576x64xi32, #tpu.memory_space<vmem>>, vector<16xi32>,
          %add3A_657 = arith.constant 7 : i32
          %add3A_658 = arith.addi %mul3A_71, %add3A_657 : i32
          %get3A_659 = arith.index_cast %add3A_658 : i32 to index
          %get3A_660 = arith.constant 48 : index
          %get3A_661 = tpu.vector_load %arg4[%get3A_659, %get3A_660] {strides = array<i32>} : memref<576x64xi32, #tpu.memory_space<vmem>>, vector<16xi32>,
          %shift_right_arithmetic3A_662 = arith.constant 31 : i32
          %shift_right_arithmetic3A_663 = vector.broadcast %shift_right_arithmetic3A_662 : i32 to vector<16xi32>
          %shift_right_arithmetic3A_664 = arith.shrsi %get3A_661, %shift_right_arithmetic3A_663 : vector<16xi32>
          %and3A_665 = arith.constant 2147483647 : i32
          %and3A_666 = vector.broadcast %and3A_665 : i32 to vector<16xi32>
          %and3A_667 = arith.andi %shift_right_arithmetic3A_664, %and3A_666 : vector<16xi32>
          %xor3A_668 = arith.xori %get3A_661, %and3A_667 : vector<16xi32>
          %ge3A_669 = arith.cmpi sge, %get3A_661, %xor3A_62 : vector<16xi32>
          %select_n3A_670 = arith.select %ge3A_669, %xor3A_668, %broadcast_in_dim3A_1 : vector<16xi1>, vector<16xi32>
          %add3A_671 = arith.constant 7 : i32
          %add3A_672 = arith.addi %mul3A_71, %add3A_671 : i32
          %swap3A_673 = arith.index_cast %add3A_672 : i32 to index
          %swap3A_674 = arith.constant 48 : index
          %swap3A_675 = tpu.vector_load %arg4[%swap3A_673, %swap3A_674] {strides = array<i32>} : memref<576x64xi32, #tpu.memory_space<vmem>>, vector<16xi32>,
          tpu.vector_store %arg4[%swap3A_673, %swap3A_674], %select_n3A_670 {strides = array<i32>} : memref<576x64xi32, #tpu.memory_space<vmem>>, vector<16xi32>,
          %add3A_676 = arith.constant 8 : i32
          %add3A_677 = arith.addi %mul3A_71, %add3A_676 : i32
          %get3A_678 = arith.index_cast %add3A_677 : i32 to index
          %get3A_679 = arith.constant 0 : index
          %get3A_680 = tpu.vector_load %arg4[%get3A_678, %get3A_679] {strides = array<i32>} : memref<576x64xi32, #tpu.memory_space<vmem>>, vector<16xi32>,
          %shift_right_arithmetic3A_681 = arith.constant 31 : i32
          %shift_right_arithmetic3A_682 = vector.broadcast %shift_right_arithmetic3A_681 : i32 to vector<16xi32>
          %shift_right_arithmetic3A_683 = arith.shrsi %get3A_680, %shift_right_arithmetic3A_682 : vector<16xi32>
          %and3A_684 = arith.constant 2147483647 : i32
          %and3A_685 = vector.broadcast %and3A_684 : i32 to vector<16xi32>
          %and3A_686 = arith.andi %shift_right_arithmetic3A_683, %and3A_685 : vector<16xi32>
          %xor3A_687 = arith.xori %get3A_680, %and3A_686 : vector<16xi32>
          %ge3A_688 = arith.cmpi sge, %get3A_680, %xor3A_53 : vector<16xi32>
          %select_n3A_689 = arith.select %ge3A_688, %xor3A_687, %broadcast_in_dim3A_1 : vector<16xi1>, vector<16xi32>
          %add3A_690 = arith.constant 8 : i32
          %add3A_691 = arith.addi %mul3A_71, %add3A_690 : i32
          %swap3A_692 = arith.index_cast %add3A_691 : i32 to index
          %swap3A_693 = arith.constant 0 : index
          %swap3A_694 = tpu.vector_load %arg4[%swap3A_692, %swap3A_693] {strides = array<i32>} : memref<576x64xi32, #tpu.memory_space<vmem>>, vector<16xi32>,
          tpu.vector_store %arg4[%swap3A_692, %swap3A_693], %select_n3A_689 {strides = array<i32>} : memref<576x64xi32, #tpu.memory_space<vmem>>, vector<16xi32>,
          %add3A_695 = arith.constant 8 : i32
          %add3A_696 = arith.addi %mul3A_71, %add3A_695 : i32
          %get3A_697 = arith.index_cast %add3A_696 : i32 to index
          %get3A_698 = arith.constant 16 : index
          %get3A_699 = tpu.vector_load %arg4[%get3A_697, %get3A_698] {strides = array<i32>} : memref<576x64xi32, #tpu.memory_space<vmem>>, vector<16xi32>,
          %shift_right_arithmetic3A_700 = arith.constant 31 : i32
          %shift_right_arithmetic3A_701 = vector.broadcast %shift_right_arithmetic3A_700 : i32 to vector<16xi32>
          %shift_right_arithmetic3A_702 = arith.shrsi %get3A_699, %shift_right_arithmetic3A_701 : vector<16xi32>
          %and3A_703 = arith.constant 2147483647 : i32
          %and3A_704 = vector.broadcast %and3A_703 : i32 to vector<16xi32>
          %and3A_705 = arith.andi %shift_right_arithmetic3A_702, %and3A_704 : vector<16xi32>
          %xor3A_706 = arith.xori %get3A_699, %and3A_705 : vector<16xi32>
          %ge3A_707 = arith.cmpi sge, %get3A_699, %xor3A_56 : vector<16xi32>
          %select_n3A_708 = arith.select %ge3A_707, %xor3A_706, %broadcast_in_dim3A_1 : vector<16xi1>, vector<16xi32>
          %add3A_709 = arith.constant 8 : i32
          %add3A_710 = arith.addi %mul3A_71, %add3A_709 : i32
          %swap3A_711 = arith.index_cast %add3A_710 : i32 to index
          %swap3A_712 = arith.constant 16 : index
          %swap3A_713 = tpu.vector_load %arg4[%swap3A_711, %swap3A_712] {strides = array<i32>} : memref<576x64xi32, #tpu.memory_space<vmem>>, vector<16xi32>,
          tpu.vector_store %arg4[%swap3A_711, %swap3A_712], %select_n3A_708 {strides = array<i32>} : memref<576x64xi32, #tpu.memory_space<vmem>>, vector<16xi32>,
          %add3A_714 = arith.constant 8 : i32
          %add3A_715 = arith.addi %mul3A_71, %add3A_714 : i32
          %get3A_716 = arith.index_cast %add3A_715 : i32 to index
          %get3A_717 = arith.constant 32 : index
          %get3A_718 = tpu.vector_load %arg4[%get3A_716, %get3A_717] {strides = array<i32>} : memref<576x64xi32, #tpu.memory_space<vmem>>, vector<16xi32>,
          %shift_right_arithmetic3A_719 = arith.constant 31 : i32
          %shift_right_arithmetic3A_720 = vector.broadcast %shift_right_arithmetic3A_719 : i32 to vector<16xi32>
          %shift_right_arithmetic3A_721 = arith.shrsi %get3A_718, %shift_right_arithmetic3A_720 : vector<16xi32>
          %and3A_722 = arith.constant 2147483647 : i32
          %and3A_723 = vector.broadcast %and3A_722 : i32 to vector<16xi32>
          %and3A_724 = arith.andi %shift_right_arithmetic3A_721, %and3A_723 : vector<16xi32>
          %xor3A_725 = arith.xori %get3A_718, %and3A_724 : vector<16xi32>
          %ge3A_726 = arith.cmpi sge, %get3A_718, %xor3A_59 : vector<16xi32>
          %select_n3A_727 = arith.select %ge3A_726, %xor3A_725, %broadcast_in_dim3A_1 : vector<16xi1>, vector<16xi32>
          %add3A_728 = arith.constant 8 : i32
          %add3A_729 = arith.addi %mul3A_71, %add3A_728 : i32
          %swap3A_730 = arith.index_cast %add3A_729 : i32 to index
          %swap3A_731 = arith.constant 32 : index
          %swap3A_732 = tpu.vector_load %arg4[%swap3A_730, %swap3A_731] {strides = array<i32>} : memref<576x64xi32, #tpu.memory_space<vmem>>, vector<16xi32>,
          tpu.vector_store %arg4[%swap3A_730, %swap3A_731], %select_n3A_727 {strides = array<i32>} : memref<576x64xi32, #tpu.memory_space<vmem>>, vector<16xi32>,
          %add3A_733 = arith.constant 8 : i32
          %add3A_734 = arith.addi %mul3A_71, %add3A_733 : i32
          %get3A_735 = arith.index_cast %add3A_734 : i32 to index
          %get3A_736 = arith.constant 48 : index
          %get3A_737 = tpu.vector_load %arg4[%get3A_735, %get3A_736] {strides = array<i32>} : memref<576x64xi32, #tpu.memory_space<vmem>>, vector<16xi32>,
          %shift_right_arithmetic3A_738 = arith.constant 31 : i32
          %shift_right_arithmetic3A_739 = vector.broadcast %shift_right_arithmetic3A_738 : i32 to vector<16xi32>
          %shift_right_arithmetic3A_740 = arith.shrsi %get3A_737, %shift_right_arithmetic3A_739 : vector<16xi32>
          %and3A_741 = arith.constant 2147483647 : i32
          %and3A_742 = vector.broadcast %and3A_741 : i32 to vector<16xi32>
          %and3A_743 = arith.andi %shift_right_arithmetic3A_740, %and3A_742 : vector<16xi32>
          %xor3A_744 = arith.xori %get3A_737, %and3A_743 : vector<16xi32>
          %ge3A_745 = arith.cmpi sge, %get3A_737, %xor3A_62 : vector<16xi32>
          %select_n3A_746 = arith.select %ge3A_745, %xor3A_744, %broadcast_in_dim3A_1 : vector<16xi1>, vector<16xi32>
          %add3A_747 = arith.constant 8 : i32
          %add3A_748 = arith.addi %mul3A_71, %add3A_747 : i32
          %swap3A_749 = arith.index_cast %add3A_748 : i32 to index
          %swap3A_750 = arith.constant 48 : index
          %swap3A_751 = tpu.vector_load %arg4[%swap3A_749, %swap3A_750] {strides = array<i32>} : memref<576x64xi32, #tpu.memory_space<vmem>>, vector<16xi32>,
          tpu.vector_store %arg4[%swap3A_749, %swap3A_750], %select_n3A_746 {strides = array<i32>} : memref<576x64xi32, #tpu.memory_space<vmem>>, vector<16xi32>,
          %add3A_752 = arith.constant 9 : i32
          %add3A_753 = arith.addi %mul3A_71, %add3A_752 : i32
          %get3A_754 = arith.index_cast %add3A_753 : i32 to index
          %get3A_755 = arith.constant 0 : index
          %get3A_756 = tpu.vector_load %arg4[%get3A_754, %get3A_755] {strides = array<i32>} : memref<576x64xi32, #tpu.memory_space<vmem>>, vector<16xi32>,
          %shift_right_arithmetic3A_757 = arith.constant 31 : i32
          %shift_right_arithmetic3A_758 = vector.broadcast %shift_right_arithmetic3A_757 : i32 to vector<16xi32>
          %shift_right_arithmetic3A_759 = arith.shrsi %get3A_756, %shift_right_arithmetic3A_758 : vector<16xi32>
          %and3A_760 = arith.constant 2147483647 : i32
          %and3A_761 = vector.broadcast %and3A_760 : i32 to vector<16xi32>
          %and3A_762 = arith.andi %shift_right_arithmetic3A_759, %and3A_761 : vector<16xi32>
          %xor3A_763 = arith.xori %get3A_756, %and3A_762 : vector<16xi32>
          %ge3A_764 = arith.cmpi sge, %get3A_756, %xor3A_53 : vector<16xi32>
          %select_n3A_765 = arith.select %ge3A_764, %xor3A_763, %broadcast_in_dim3A_1 : vector<16xi1>, vector<16xi32>
          %add3A_766 = arith.constant 9 : i32
          %add3A_767 = arith.addi %mul3A_71, %add3A_766 : i32
          %swap3A_768 = arith.index_cast %add3A_767 : i32 to index
          %swap3A_769 = arith.constant 0 : index
          %swap3A_770 = tpu.vector_load %arg4[%swap3A_768, %swap3A_769] {strides = array<i32>} : memref<576x64xi32, #tpu.memory_space<vmem>>, vector<16xi32>,
          tpu.vector_store %arg4[%swap3A_768, %swap3A_769], %select_n3A_765 {strides = array<i32>} : memref<576x64xi32, #tpu.memory_space<vmem>>, vector<16xi32>,
          %add3A_771 = arith.constant 9 : i32
          %add3A_772 = arith.addi %mul3A_71, %add3A_771 : i32
          %get3A_773 = arith.index_cast %add3A_772 : i32 to index
          %get3A_774 = arith.constant 16 : index
          %get3A_775 = tpu.vector_load %arg4[%get3A_773, %get3A_774] {strides = array<i32>} : memref<576x64xi32, #tpu.memory_space<vmem>>, vector<16xi32>,
          %shift_right_arithmetic3A_776 = arith.constant 31 : i32
          %shift_right_arithmetic3A_777 = vector.broadcast %shift_right_arithmetic3A_776 : i32 to vector<16xi32>
          %shift_right_arithmetic3A_778 = arith.shrsi %get3A_775, %shift_right_arithmetic3A_777 : vector<16xi32>
          %and3A_779 = arith.constant 2147483647 : i32
          %and3A_780 = vector.broadcast %and3A_779 : i32 to vector<16xi32>
          %and3A_781 = arith.andi %shift_right_arithmetic3A_778, %and3A_780 : vector<16xi32>
          %xor3A_782 = arith.xori %get3A_775, %and3A_781 : vector<16xi32>
          %ge3A_783 = arith.cmpi sge, %get3A_775, %xor3A_56 : vector<16xi32>
          %select_n3A_784 = arith.select %ge3A_783, %xor3A_782, %broadcast_in_dim3A_1 : vector<16xi1>, vector<16xi32>
          %add3A_785 = arith.constant 9 : i32
          %add3A_786 = arith.addi %mul3A_71, %add3A_785 : i32
          %swap3A_787 = arith.index_cast %add3A_786 : i32 to index
          %swap3A_788 = arith.constant 16 : index
          %swap3A_789 = tpu.vector_load %arg4[%swap3A_787, %swap3A_788] {strides = array<i32>} : memref<576x64xi32, #tpu.memory_space<vmem>>, vector<16xi32>,
          tpu.vector_store %arg4[%swap3A_787, %swap3A_788], %select_n3A_784 {strides = array<i32>} : memref<576x64xi32, #tpu.memory_space<vmem>>, vector<16xi32>,
          %add3A_790 = arith.constant 9 : i32
          %add3A_791 = arith.addi %mul3A_71, %add3A_790 : i32
          %get3A_792 = arith.index_cast %add3A_791 : i32 to index
          %get3A_793 = arith.constant 32 : index
          %get3A_794 = tpu.vector_load %arg4[%get3A_792, %get3A_793] {strides = array<i32>} : memref<576x64xi32, #tpu.memory_space<vmem>>, vector<16xi32>,
          %shift_right_arithmetic3A_795 = arith.constant 31 : i32
          %shift_right_arithmetic3A_796 = vector.broadcast %shift_right_arithmetic3A_795 : i32 to vector<16xi32>
          %shift_right_arithmetic3A_797 = arith.shrsi %get3A_794, %shift_right_arithmetic3A_796 : vector<16xi32>
          %and3A_798 = arith.constant 2147483647 : i32
          %and3A_799 = vector.broadcast %and3A_798 : i32 to vector<16xi32>
          %and3A_800 = arith.andi %shift_right_arithmetic3A_797, %and3A_799 : vector<16xi32>
          %xor3A_801 = arith.xori %get3A_794, %and3A_800 : vector<16xi32>
          %ge3A_802 = arith.cmpi sge, %get3A_794, %xor3A_59 : vector<16xi32>
          %select_n3A_803 = arith.select %ge3A_802, %xor3A_801, %broadcast_in_dim3A_1 : vector<16xi1>, vector<16xi32>
          %add3A_804 = arith.constant 9 : i32
          %add3A_805 = arith.addi %mul3A_71, %add3A_804 : i32
          %swap3A_806 = arith.index_cast %add3A_805 : i32 to index
          %swap3A_807 = arith.constant 32 : index
          %swap3A_808 = tpu.vector_load %arg4[%swap3A_806, %swap3A_807] {strides = array<i32>} : memref<576x64xi32, #tpu.memory_space<vmem>>, vector<16xi32>,
          tpu.vector_store %arg4[%swap3A_806, %swap3A_807], %select_n3A_803 {strides = array<i32>} : memref<576x64xi32, #tpu.memory_space<vmem>>, vector<16xi32>,
          %add3A_809 = arith.constant 9 : i32
          %add3A_810 = arith.addi %mul3A_71, %add3A_809 : i32
          %get3A_811 = arith.index_cast %add3A_810 : i32 to index
          %get3A_812 = arith.constant 48 : index
          %get3A_813 = tpu.vector_load %arg4[%get3A_811, %get3A_812] {strides = array<i32>} : memref<576x64xi32, #tpu.memory_space<vmem>>, vector<16xi32>,
          %shift_right_arithmetic3A_814 = arith.constant 31 : i32
          %shift_right_arithmetic3A_815 = vector.broadcast %shift_right_arithmetic3A_814 : i32 to vector<16xi32>
          %shift_right_arithmetic3A_816 = arith.shrsi %get3A_813, %shift_right_arithmetic3A_815 : vector<16xi32>
          %and3A_817 = arith.constant 2147483647 : i32
          %and3A_818 = vector.broadcast %and3A_817 : i32 to vector<16xi32>
          %and3A_819 = arith.andi %shift_right_arithmetic3A_816, %and3A_818 : vector<16xi32>
          %xor3A_820 = arith.xori %get3A_813, %and3A_819 : vector<16xi32>
          %ge3A_821 = arith.cmpi sge, %get3A_813, %xor3A_62 : vector<16xi32>
          %select_n3A_822 = arith.select %ge3A_821, %xor3A_820, %broadcast_in_dim3A_1 : vector<16xi1>, vector<16xi32>
          %add3A_823 = arith.constant 9 : i32
          %add3A_824 = arith.addi %mul3A_71, %add3A_823 : i32
          %swap3A_825 = arith.index_cast %add3A_824 : i32 to index
          %swap3A_826 = arith.constant 48 : index
          %swap3A_827 = tpu.vector_load %arg4[%swap3A_825, %swap3A_826] {strides = array<i32>} : memref<576x64xi32, #tpu.memory_space<vmem>>, vector<16xi32>,
          tpu.vector_store %arg4[%swap3A_825, %swap3A_826], %select_n3A_822 {strides = array<i32>} : memref<576x64xi32, #tpu.memory_space<vmem>>, vector<16xi32>,
          %add3A_828 = arith.constant 10 : i32
          %add3A_829 = arith.addi %mul3A_71, %add3A_828 : i32
          %get3A_830 = arith.index_cast %add3A_829 : i32 to index
          %get3A_831 = arith.constant 0 : index
          %get3A_832 = tpu.vector_load %arg4[%get3A_830, %get3A_831] {strides = array<i32>} : memref<576x64xi32, #tpu.memory_space<vmem>>, vector<16xi32>,
          %shift_right_arithmetic3A_833 = arith.constant 31 : i32
          %shift_right_arithmetic3A_834 = vector.broadcast %shift_right_arithmetic3A_833 : i32 to vector<16xi32>
          %shift_right_arithmetic3A_835 = arith.shrsi %get3A_832, %shift_right_arithmetic3A_834 : vector<16xi32>
          %and3A_836 = arith.constant 2147483647 : i32
          %and3A_837 = vector.broadcast %and3A_836 : i32 to vector<16xi32>
          %and3A_838 = arith.andi %shift_right_arithmetic3A_835, %and3A_837 : vector<16xi32>
          %xor3A_839 = arith.xori %get3A_832, %and3A_838 : vector<16xi32>
          %ge3A_840 = arith.cmpi sge, %get3A_832, %xor3A_53 : vector<16xi32>
          %select_n3A_841 = arith.select %ge3A_840, %xor3A_839, %broadcast_in_dim3A_1 : vector<16xi1>, vector<16xi32>
          %add3A_842 = arith.constant 10 : i32
          %add3A_843 = arith.addi %mul3A_71, %add3A_842 : i32
          %swap3A_844 = arith.index_cast %add3A_843 : i32 to index
          %swap3A_845 = arith.constant 0 : index
          %swap3A_846 = tpu.vector_load %arg4[%swap3A_844, %swap3A_845] {strides = array<i32>} : memref<576x64xi32, #tpu.memory_space<vmem>>, vector<16xi32>,
          tpu.vector_store %arg4[%swap3A_844, %swap3A_845], %select_n3A_841 {strides = array<i32>} : memref<576x64xi32, #tpu.memory_space<vmem>>, vector<16xi32>,
          %add3A_847 = arith.constant 10 : i32
          %add3A_848 = arith.addi %mul3A_71, %add3A_847 : i32
          %get3A_849 = arith.index_cast %add3A_848 : i32 to index
          %get3A_850 = arith.constant 16 : index
          %get3A_851 = tpu.vector_load %arg4[%get3A_849, %get3A_850] {strides = array<i32>} : memref<576x64xi32, #tpu.memory_space<vmem>>, vector<16xi32>,
          %shift_right_arithmetic3A_852 = arith.constant 31 : i32
          %shift_right_arithmetic3A_853 = vector.broadcast %shift_right_arithmetic3A_852 : i32 to vector<16xi32>
          %shift_right_arithmetic3A_854 = arith.shrsi %get3A_851, %shift_right_arithmetic3A_853 : vector<16xi32>
          %and3A_855 = arith.constant 2147483647 : i32
          %and3A_856 = vector.broadcast %and3A_855 : i32 to vector<16xi32>
          %and3A_857 = arith.andi %shift_right_arithmetic3A_854, %and3A_856 : vector<16xi32>
          %xor3A_858 = arith.xori %get3A_851, %and3A_857 : vector<16xi32>
          %ge3A_859 = arith.cmpi sge, %get3A_851, %xor3A_56 : vector<16xi32>
          %select_n3A_860 = arith.select %ge3A_859, %xor3A_858, %broadcast_in_dim3A_1 : vector<16xi1>, vector<16xi32>
          %add3A_861 = arith.constant 10 : i32
          %add3A_862 = arith.addi %mul3A_71, %add3A_861 : i32
          %swap3A_863 = arith.index_cast %add3A_862 : i32 to index
          %swap3A_864 = arith.constant 16 : index
          %swap3A_865 = tpu.vector_load %arg4[%swap3A_863, %swap3A_864] {strides = array<i32>} : memref<576x64xi32, #tpu.memory_space<vmem>>, vector<16xi32>,
          tpu.vector_store %arg4[%swap3A_863, %swap3A_864], %select_n3A_860 {strides = array<i32>} : memref<576x64xi32, #tpu.memory_space<vmem>>, vector<16xi32>,
          %add3A_866 = arith.constant 10 : i32
          %add3A_867 = arith.addi %mul3A_71, %add3A_866 : i32
          %get3A_868 = arith.index_cast %add3A_867 : i32 to index
          %get3A_869 = arith.constant 32 : index
          %get3A_870 = tpu.vector_load %arg4[%get3A_868, %get3A_869] {strides = array<i32>} : memref<576x64xi32, #tpu.memory_space<vmem>>, vector<16xi32>,
          %shift_right_arithmetic3A_871 = arith.constant 31 : i32
          %shift_right_arithmetic3A_872 = vector.broadcast %shift_right_arithmetic3A_871 : i32 to vector<16xi32>
          %shift_right_arithmetic3A_873 = arith.shrsi %get3A_870, %shift_right_arithmetic3A_872 : vector<16xi32>
          %and3A_874 = arith.constant 2147483647 : i32
          %and3A_875 = vector.broadcast %and3A_874 : i32 to vector<16xi32>
          %and3A_876 = arith.andi %shift_right_arithmetic3A_873, %and3A_875 : vector<16xi32>
          %xor3A_877 = arith.xori %get3A_870, %and3A_876 : vector<16xi32>
          %ge3A_878 = arith.cmpi sge, %get3A_870, %xor3A_59 : vector<16xi32>
          %select_n3A_879 = arith.select %ge3A_878, %xor3A_877, %broadcast_in_dim3A_1 : vector<16xi1>, vector<16xi32>
          %add3A_880 = arith.constant 10 : i32
          %add3A_881 = arith.addi %mul3A_71, %add3A_880 : i32
          %swap3A_882 = arith.index_cast %add3A_881 : i32 to index
          %swap3A_883 = arith.constant 32 : index
          %swap3A_884 = tpu.vector_load %arg4[%swap3A_882, %swap3A_883] {strides = array<i32>} : memref<576x64xi32, #tpu.memory_space<vmem>>, vector<16xi32>,
          tpu.vector_store %arg4[%swap3A_882, %swap3A_883], %select_n3A_879 {strides = array<i32>} : memref<576x64xi32, #tpu.memory_space<vmem>>, vector<16xi32>,
          %add3A_885 = arith.constant 10 : i32
          %add3A_886 = arith.addi %mul3A_71, %add3A_885 : i32
          %get3A_887 = arith.index_cast %add3A_886 : i32 to index
          %get3A_888 = arith.constant 48 : index
          %get3A_889 = tpu.vector_load %arg4[%get3A_887, %get3A_888] {strides = array<i32>} : memref<576x64xi32, #tpu.memory_space<vmem>>, vector<16xi32>,
          %shift_right_arithmetic3A_890 = arith.constant 31 : i32
          %shift_right_arithmetic3A_891 = vector.broadcast %shift_right_arithmetic3A_890 : i32 to vector<16xi32>
          %shift_right_arithmetic3A_892 = arith.shrsi %get3A_889, %shift_right_arithmetic3A_891 : vector<16xi32>
          %and3A_893 = arith.constant 2147483647 : i32
          %and3A_894 = vector.broadcast %and3A_893 : i32 to vector<16xi32>
          %and3A_895 = arith.andi %shift_right_arithmetic3A_892, %and3A_894 : vector<16xi32>
          %xor3A_896 = arith.xori %get3A_889, %and3A_895 : vector<16xi32>
          %ge3A_897 = arith.cmpi sge, %get3A_889, %xor3A_62 : vector<16xi32>
          %select_n3A_898 = arith.select %ge3A_897, %xor3A_896, %broadcast_in_dim3A_1 : vector<16xi1>, vector<16xi32>
          %add3A_899 = arith.constant 10 : i32
          %add3A_900 = arith.addi %mul3A_71, %add3A_899 : i32
          %swap3A_901 = arith.index_cast %add3A_900 : i32 to index
          %swap3A_902 = arith.constant 48 : index
          %swap3A_903 = tpu.vector_load %arg4[%swap3A_901, %swap3A_902] {strides = array<i32>} : memref<576x64xi32, #tpu.memory_space<vmem>>, vector<16xi32>,
          tpu.vector_store %arg4[%swap3A_901, %swap3A_902], %select_n3A_898 {strides = array<i32>} : memref<576x64xi32, #tpu.memory_space<vmem>>, vector<16xi32>,
          %add3A_904 = arith.constant 11 : i32
          %add3A_905 = arith.addi %mul3A_71, %add3A_904 : i32
          %get3A_906 = arith.index_cast %add3A_905 : i32 to index
          %get3A_907 = arith.constant 0 : index
          %get3A_908 = tpu.vector_load %arg4[%get3A_906, %get3A_907] {strides = array<i32>} : memref<576x64xi32, #tpu.memory_space<vmem>>, vector<16xi32>,
          %shift_right_arithmetic3A_909 = arith.constant 31 : i32
          %shift_right_arithmetic3A_910 = vector.broadcast %shift_right_arithmetic3A_909 : i32 to vector<16xi32>
          %shift_right_arithmetic3A_911 = arith.shrsi %get3A_908, %shift_right_arithmetic3A_910 : vector<16xi32>
          %and3A_912 = arith.constant 2147483647 : i32
          %and3A_913 = vector.broadcast %and3A_912 : i32 to vector<16xi32>
          %and3A_914 = arith.andi %shift_right_arithmetic3A_911, %and3A_913 : vector<16xi32>
          %xor3A_915 = arith.xori %get3A_908, %and3A_914 : vector<16xi32>
          %ge3A_916 = arith.cmpi sge, %get3A_908, %xor3A_53 : vector<16xi32>
          %select_n3A_917 = arith.select %ge3A_916, %xor3A_915, %broadcast_in_dim3A_1 : vector<16xi1>, vector<16xi32>
          %add3A_918 = arith.constant 11 : i32
          %add3A_919 = arith.addi %mul3A_71, %add3A_918 : i32
          %swap3A_920 = arith.index_cast %add3A_919 : i32 to index
          %swap3A_921 = arith.constant 0 : index
          %swap3A_922 = tpu.vector_load %arg4[%swap3A_920, %swap3A_921] {strides = array<i32>} : memref<576x64xi32, #tpu.memory_space<vmem>>, vector<16xi32>,
          tpu.vector_store %arg4[%swap3A_920, %swap3A_921], %select_n3A_917 {strides = array<i32>} : memref<576x64xi32, #tpu.memory_space<vmem>>, vector<16xi32>,
          %add3A_923 = arith.constant 11 : i32
          %add3A_924 = arith.addi %mul3A_71, %add3A_923 : i32
          %get3A_925 = arith.index_cast %add3A_924 : i32 to index
          %get3A_926 = arith.constant 16 : index
          %get3A_927 = tpu.vector_load %arg4[%get3A_925, %get3A_926] {strides = array<i32>} : memref<576x64xi32, #tpu.memory_space<vmem>>, vector<16xi32>,
          %shift_right_arithmetic3A_928 = arith.constant 31 : i32
          %shift_right_arithmetic3A_929 = vector.broadcast %shift_right_arithmetic3A_928 : i32 to vector<16xi32>
          %shift_right_arithmetic3A_930 = arith.shrsi %get3A_927, %shift_right_arithmetic3A_929 : vector<16xi32>
          %and3A_931 = arith.constant 2147483647 : i32
          %and3A_932 = vector.broadcast %and3A_931 : i32 to vector<16xi32>
          %and3A_933 = arith.andi %shift_right_arithmetic3A_930, %and3A_932 : vector<16xi32>
          %xor3A_934 = arith.xori %get3A_927, %and3A_933 : vector<16xi32>
          %ge3A_935 = arith.cmpi sge, %get3A_927, %xor3A_56 : vector<16xi32>
          %select_n3A_936 = arith.select %ge3A_935, %xor3A_934, %broadcast_in_dim3A_1 : vector<16xi1>, vector<16xi32>
          %add3A_937 = arith.constant 11 : i32
          %add3A_938 = arith.addi %mul3A_71, %add3A_937 : i32
          %swap3A_939 = arith.index_cast %add3A_938 : i32 to index
          %swap3A_940 = arith.constant 16 : index
          %swap3A_941 = tpu.vector_load %arg4[%swap3A_939, %swap3A_940] {strides = array<i32>} : memref<576x64xi32, #tpu.memory_space<vmem>>, vector<16xi32>,
          tpu.vector_store %arg4[%swap3A_939, %swap3A_940], %select_n3A_936 {strides = array<i32>} : memref<576x64xi32, #tpu.memory_space<vmem>>, vector<16xi32>,
          %add3A_942 = arith.constant 11 : i32
          %add3A_943 = arith.addi %mul3A_71, %add3A_942 : i32
          %get3A_944 = arith.index_cast %add3A_943 : i32 to index
          %get3A_945 = arith.constant 32 : index
          %get3A_946 = tpu.vector_load %arg4[%get3A_944, %get3A_945] {strides = array<i32>} : memref<576x64xi32, #tpu.memory_space<vmem>>, vector<16xi32>,
          %shift_right_arithmetic3A_947 = arith.constant 31 : i32
          %shift_right_arithmetic3A_948 = vector.broadcast %shift_right_arithmetic3A_947 : i32 to vector<16xi32>
          %shift_right_arithmetic3A_949 = arith.shrsi %get3A_946, %shift_right_arithmetic3A_948 : vector<16xi32>
          %and3A_950 = arith.constant 2147483647 : i32
          %and3A_951 = vector.broadcast %and3A_950 : i32 to vector<16xi32>
          %and3A_952 = arith.andi %shift_right_arithmetic3A_949, %and3A_951 : vector<16xi32>
          %xor3A_953 = arith.xori %get3A_946, %and3A_952 : vector<16xi32>
          %ge3A_954 = arith.cmpi sge, %get3A_946, %xor3A_59 : vector<16xi32>
          %select_n3A_955 = arith.select %ge3A_954, %xor3A_953, %broadcast_in_dim3A_1 : vector<16xi1>, vector<16xi32>
          %add3A_956 = arith.constant 11 : i32
          %add3A_957 = arith.addi %mul3A_71, %add3A_956 : i32
          %swap3A_958 = arith.index_cast %add3A_957 : i32 to index
          %swap3A_959 = arith.constant 32 : index
          %swap3A_960 = tpu.vector_load %arg4[%swap3A_958, %swap3A_959] {strides = array<i32>} : memref<576x64xi32, #tpu.memory_space<vmem>>, vector<16xi32>,
          tpu.vector_store %arg4[%swap3A_958, %swap3A_959], %select_n3A_955 {strides = array<i32>} : memref<576x64xi32, #tpu.memory_space<vmem>>, vector<16xi32>,
          %add3A_961 = arith.constant 11 : i32
          %add3A_962 = arith.addi %mul3A_71, %add3A_961 : i32
          %get3A_963 = arith.index_cast %add3A_962 : i32 to index
          %get3A_964 = arith.constant 48 : index
          %get3A_965 = tpu.vector_load %arg4[%get3A_963, %get3A_964] {strides = array<i32>} : memref<576x64xi32, #tpu.memory_space<vmem>>, vector<16xi32>,
          %shift_right_arithmetic3A_966 = arith.constant 31 : i32
          %shift_right_arithmetic3A_967 = vector.broadcast %shift_right_arithmetic3A_966 : i32 to vector<16xi32>
          %shift_right_arithmetic3A_968 = arith.shrsi %get3A_965, %shift_right_arithmetic3A_967 : vector<16xi32>
          %and3A_969 = arith.constant 2147483647 : i32
          %and3A_970 = vector.broadcast %and3A_969 : i32 to vector<16xi32>
          %and3A_971 = arith.andi %shift_right_arithmetic3A_968, %and3A_970 : vector<16xi32>
          %xor3A_972 = arith.xori %get3A_965, %and3A_971 : vector<16xi32>
          %ge3A_973 = arith.cmpi sge, %get3A_965, %xor3A_62 : vector<16xi32>
          %select_n3A_974 = arith.select %ge3A_973, %xor3A_972, %broadcast_in_dim3A_1 : vector<16xi1>, vector<16xi32>
          %add3A_975 = arith.constant 11 : i32
          %add3A_976 = arith.addi %mul3A_71, %add3A_975 : i32
          %swap3A_977 = arith.index_cast %add3A_976 : i32 to index
          %swap3A_978 = arith.constant 48 : index
          %swap3A_979 = tpu.vector_load %arg4[%swap3A_977, %swap3A_978] {strides = array<i32>} : memref<576x64xi32, #tpu.memory_space<vmem>>, vector<16xi32>,
          tpu.vector_store %arg4[%swap3A_977, %swap3A_978], %select_n3A_974 {strides = array<i32>} : memref<576x64xi32, #tpu.memory_space<vmem>>, vector<16xi32>,
          %add3A_980 = arith.constant 12 : i32
          %add3A_981 = arith.addi %mul3A_71, %add3A_980 : i32
          %get3A_982 = arith.index_cast %add3A_981 : i32 to index
          %get3A_983 = arith.constant 0 : index
          %get3A_984 = tpu.vector_load %arg4[%get3A_982, %get3A_983] {strides = array<i32>} : memref<576x64xi32, #tpu.memory_space<vmem>>, vector<16xi32>,
          %shift_right_arithmetic3A_985 = arith.constant 31 : i32
          %shift_right_arithmetic3A_986 = vector.broadcast %shift_right_arithmetic3A_985 : i32 to vector<16xi32>
          %shift_right_arithmetic3A_987 = arith.shrsi %get3A_984, %shift_right_arithmetic3A_986 : vector<16xi32>
          %and3A_988 = arith.constant 2147483647 : i32
          %and3A_989 = vector.broadcast %and3A_988 : i32 to vector<16xi32>
          %and3A_990 = arith.andi %shift_right_arithmetic3A_987, %and3A_989 : vector<16xi32>
          %xor3A_991 = arith.xori %get3A_984, %and3A_990 : vector<16xi32>
          %ge3A_992 = arith.cmpi sge, %get3A_984, %xor3A_53 : vector<16xi32>
          %select_n3A_993 = arith.select %ge3A_992, %xor3A_991, %broadcast_in_dim3A_1 : vector<16xi1>, vector<16xi32>
          %add3A_994 = arith.constant 12 : i32
          %add3A_995 = arith.addi %mul3A_71, %add3A_994 : i32
          %swap3A_996 = arith.index_cast %add3A_995 : i32 to index
          %swap3A_997 = arith.constant 0 : index
          %swap3A_998 = tpu.vector_load %arg4[%swap3A_996, %swap3A_997] {strides = array<i32>} : memref<576x64xi32, #tpu.memory_space<vmem>>, vector<16xi32>,
          tpu.vector_store %arg4[%swap3A_996, %swap3A_997], %select_n3A_993 {strides = array<i32>} : memref<576x64xi32, #tpu.memory_space<vmem>>, vector<16xi32>,
          %add3A_999 = arith.constant 12 : i32
          %add3A_1000 = arith.addi %mul3A_71, %add3A_999 : i32
          %get3A_1001 = arith.index_cast %add3A_1000 : i32 to index
          %get3A_1002 = arith.constant 16 : index
          %get3A_1003 = tpu.vector_load %arg4[%get3A_1001, %get3A_1002] {strides = array<i32>} : memref<576x64xi32, #tpu.memory_space<vmem>>, vector<16xi32>,
          %shift_right_arithmetic3A_1004 = arith.constant 31 : i32
          %shift_right_arithmetic3A_1005 = vector.broadcast %shift_right_arithmetic3A_1004 : i32 to vector<16xi32>
          %shift_right_arithmetic3A_1006 = arith.shrsi %get3A_1003, %shift_right_arithmetic3A_1005 : vector<16xi32>
          %and3A_1007 = arith.constant 2147483647 : i32
          %and3A_1008 = vector.broadcast %and3A_1007 : i32 to vector<16xi32>
          %and3A_1009 = arith.andi %shift_right_arithmetic3A_1006, %and3A_1008 : vector<16xi32>
          %xor3A_1010 = arith.xori %get3A_1003, %and3A_1009 : vector<16xi32>
          %ge3A_1011 = arith.cmpi sge, %get3A_1003, %xor3A_56 : vector<16xi32>
          %select_n3A_1012 = arith.select %ge3A_1011, %xor3A_1010, %broadcast_in_dim3A_1 : vector<16xi1>, vector<16xi32>
          %add3A_1013 = arith.constant 12 : i32
          %add3A_1014 = arith.addi %mul3A_71, %add3A_1013 : i32
          %swap3A_1015 = arith.index_cast %add3A_1014 : i32 to index
          %swap3A_1016 = arith.constant 16 : index
          %swap3A_1017 = tpu.vector_load %arg4[%swap3A_1015, %swap3A_1016] {strides = array<i32>} : memref<576x64xi32, #tpu.memory_space<vmem>>, vector<16xi32>,
          tpu.vector_store %arg4[%swap3A_1015, %swap3A_1016], %select_n3A_1012 {strides = array<i32>} : memref<576x64xi32, #tpu.memory_space<vmem>>, vector<16xi32>,
          %add3A_1018 = arith.constant 12 : i32
          %add3A_1019 = arith.addi %mul3A_71, %add3A_1018 : i32
          %get3A_1020 = arith.index_cast %add3A_1019 : i32 to index
          %get3A_1021 = arith.constant 32 : index
          %get3A_1022 = tpu.vector_load %arg4[%get3A_1020, %get3A_1021] {strides = array<i32>} : memref<576x64xi32, #tpu.memory_space<vmem>>, vector<16xi32>,
          %shift_right_arithmetic3A_1023 = arith.constant 31 : i32
          %shift_right_arithmetic3A_1024 = vector.broadcast %shift_right_arithmetic3A_1023 : i32 to vector<16xi32>
          %shift_right_arithmetic3A_1025 = arith.shrsi %get3A_1022, %shift_right_arithmetic3A_1024 : vector<16xi32>
          %and3A_1026 = arith.constant 2147483647 : i32
          %and3A_1027 = vector.broadcast %and3A_1026 : i32 to vector<16xi32>
          %and3A_1028 = arith.andi %shift_right_arithmetic3A_1025, %and3A_1027 : vector<16xi32>
          %xor3A_1029 = arith.xori %get3A_1022, %and3A_1028 : vector<16xi32>
          %ge3A_1030 = arith.cmpi sge, %get3A_1022, %xor3A_59 : vector<16xi32>
          %select_n3A_1031 = arith.select %ge3A_1030, %xor3A_1029, %broadcast_in_dim3A_1 : vector<16xi1>, vector<16xi32>
          %add3A_1032 = arith.constant 12 : i32
          %add3A_1033 = arith.addi %mul3A_71, %add3A_1032 : i32
          %swap3A_1034 = arith.index_cast %add3A_1033 : i32 to index
          %swap3A_1035 = arith.constant 32 : index
          %swap3A_1036 = tpu.vector_load %arg4[%swap3A_1034, %swap3A_1035] {strides = array<i32>} : memref<576x64xi32, #tpu.memory_space<vmem>>, vector<16xi32>,
          tpu.vector_store %arg4[%swap3A_1034, %swap3A_1035], %select_n3A_1031 {strides = array<i32>} : memref<576x64xi32, #tpu.memory_space<vmem>>, vector<16xi32>,
          %add3A_1037 = arith.constant 12 : i32
          %add3A_1038 = arith.addi %mul3A_71, %add3A_1037 : i32
          %get3A_1039 = arith.index_cast %add3A_1038 : i32 to index
          %get3A_1040 = arith.constant 48 : index
          %get3A_1041 = tpu.vector_load %arg4[%get3A_1039, %get3A_1040] {strides = array<i32>} : memref<576x64xi32, #tpu.memory_space<vmem>>, vector<16xi32>,
          %shift_right_arithmetic3A_1042 = arith.constant 31 : i32
          %shift_right_arithmetic3A_1043 = vector.broadcast %shift_right_arithmetic3A_1042 : i32 to vector<16xi32>
          %shift_right_arithmetic3A_1044 = arith.shrsi %get3A_1041, %shift_right_arithmetic3A_1043 : vector<16xi32>
          %and3A_1045 = arith.constant 2147483647 : i32
          %and3A_1046 = vector.broadcast %and3A_1045 : i32 to vector<16xi32>
          %and3A_1047 = arith.andi %shift_right_arithmetic3A_1044, %and3A_1046 : vector<16xi32>
          %xor3A_1048 = arith.xori %get3A_1041, %and3A_1047 : vector<16xi32>
          %ge3A_1049 = arith.cmpi sge, %get3A_1041, %xor3A_62 : vector<16xi32>
          %select_n3A_1050 = arith.select %ge3A_1049, %xor3A_1048, %broadcast_in_dim3A_1 : vector<16xi1>, vector<16xi32>
          %add3A_1051 = arith.constant 12 : i32
          %add3A_1052 = arith.addi %mul3A_71, %add3A_1051 : i32
          %swap3A_1053 = arith.index_cast %add3A_1052 : i32 to index
          %swap3A_1054 = arith.constant 48 : index
          %swap3A_1055 = tpu.vector_load %arg4[%swap3A_1053, %swap3A_1054] {strides = array<i32>} : memref<576x64xi32, #tpu.memory_space<vmem>>, vector<16xi32>,
          tpu.vector_store %arg4[%swap3A_1053, %swap3A_1054], %select_n3A_1050 {strides = array<i32>} : memref<576x64xi32, #tpu.memory_space<vmem>>, vector<16xi32>,
          %add3A_1056 = arith.constant 13 : i32
          %add3A_1057 = arith.addi %mul3A_71, %add3A_1056 : i32
          %get3A_1058 = arith.index_cast %add3A_1057 : i32 to index
          %get3A_1059 = arith.constant 0 : index
          %get3A_1060 = tpu.vector_load %arg4[%get3A_1058, %get3A_1059] {strides = array<i32>} : memref<576x64xi32, #tpu.memory_space<vmem>>, vector<16xi32>,
          %shift_right_arithmetic3A_1061 = arith.constant 31 : i32
          %shift_right_arithmetic3A_1062 = vector.broadcast %shift_right_arithmetic3A_1061 : i32 to vector<16xi32>
          %shift_right_arithmetic3A_1063 = arith.shrsi %get3A_1060, %shift_right_arithmetic3A_1062 : vector<16xi32>
          %and3A_1064 = arith.constant 2147483647 : i32
          %and3A_1065 = vector.broadcast %and3A_1064 : i32 to vector<16xi32>
          %and3A_1066 = arith.andi %shift_right_arithmetic3A_1063, %and3A_1065 : vector<16xi32>
          %xor3A_1067 = arith.xori %get3A_1060, %and3A_1066 : vector<16xi32>
          %ge3A_1068 = arith.cmpi sge, %get3A_1060, %xor3A_53 : vector<16xi32>
          %select_n3A_1069 = arith.select %ge3A_1068, %xor3A_1067, %broadcast_in_dim3A_1 : vector<16xi1>, vector<16xi32>
          %add3A_1070 = arith.constant 13 : i32
          %add3A_1071 = arith.addi %mul3A_71, %add3A_1070 : i32
          %swap3A_1072 = arith.index_cast %add3A_1071 : i32 to index
          %swap3A_1073 = arith.constant 0 : index
          %swap3A_1074 = tpu.vector_load %arg4[%swap3A_1072, %swap3A_1073] {strides = array<i32>} : memref<576x64xi32, #tpu.memory_space<vmem>>, vector<16xi32>,
          tpu.vector_store %arg4[%swap3A_1072, %swap3A_1073], %select_n3A_1069 {strides = array<i32>} : memref<576x64xi32, #tpu.memory_space<vmem>>, vector<16xi32>,
          %add3A_1075 = arith.constant 13 : i32
          %add3A_1076 = arith.addi %mul3A_71, %add3A_1075 : i32
          %get3A_1077 = arith.index_cast %add3A_1076 : i32 to index
          %get3A_1078 = arith.constant 16 : index
          %get3A_1079 = tpu.vector_load %arg4[%get3A_1077, %get3A_1078] {strides = array<i32>} : memref<576x64xi32, #tpu.memory_space<vmem>>, vector<16xi32>,
          %shift_right_arithmetic3A_1080 = arith.constant 31 : i32
          %shift_right_arithmetic3A_1081 = vector.broadcast %shift_right_arithmetic3A_1080 : i32 to vector<16xi32>
          %shift_right_arithmetic3A_1082 = arith.shrsi %get3A_1079, %shift_right_arithmetic3A_1081 : vector<16xi32>
          %and3A_1083 = arith.constant 2147483647 : i32
          %and3A_1084 = vector.broadcast %and3A_1083 : i32 to vector<16xi32>
          %and3A_1085 = arith.andi %shift_right_arithmetic3A_1082, %and3A_1084 : vector<16xi32>
          %xor3A_1086 = arith.xori %get3A_1079, %and3A_1085 : vector<16xi32>
          %ge3A_1087 = arith.cmpi sge, %get3A_1079, %xor3A_56 : vector<16xi32>
          %select_n3A_1088 = arith.select %ge3A_1087, %xor3A_1086, %broadcast_in_dim3A_1 : vector<16xi1>, vector<16xi32>
          %add3A_1089 = arith.constant 13 : i32
          %add3A_1090 = arith.addi %mul3A_71, %add3A_1089 : i32
          %swap3A_1091 = arith.index_cast %add3A_1090 : i32 to index
          %swap3A_1092 = arith.constant 16 : index
          %swap3A_1093 = tpu.vector_load %arg4[%swap3A_1091, %swap3A_1092] {strides = array<i32>} : memref<576x64xi32, #tpu.memory_space<vmem>>, vector<16xi32>,
          tpu.vector_store %arg4[%swap3A_1091, %swap3A_1092], %select_n3A_1088 {strides = array<i32>} : memref<576x64xi32, #tpu.memory_space<vmem>>, vector<16xi32>,
          %add3A_1094 = arith.constant 13 : i32
          %add3A_1095 = arith.addi %mul3A_71, %add3A_1094 : i32
          %get3A_1096 = arith.index_cast %add3A_1095 : i32 to index
          %get3A_1097 = arith.constant 32 : index
          %get3A_1098 = tpu.vector_load %arg4[%get3A_1096, %get3A_1097] {strides = array<i32>} : memref<576x64xi32, #tpu.memory_space<vmem>>, vector<16xi32>,
          %shift_right_arithmetic3A_1099 = arith.constant 31 : i32
          %shift_right_arithmetic3A_1100 = vector.broadcast %shift_right_arithmetic3A_1099 : i32 to vector<16xi32>
          %shift_right_arithmetic3A_1101 = arith.shrsi %get3A_1098, %shift_right_arithmetic3A_1100 : vector<16xi32>
          %and3A_1102 = arith.constant 2147483647 : i32
          %and3A_1103 = vector.broadcast %and3A_1102 : i32 to vector<16xi32>
          %and3A_1104 = arith.andi %shift_right_arithmetic3A_1101, %and3A_1103 : vector<16xi32>
          %xor3A_1105 = arith.xori %get3A_1098, %and3A_1104 : vector<16xi32>
          %ge3A_1106 = arith.cmpi sge, %get3A_1098, %xor3A_59 : vector<16xi32>
          %select_n3A_1107 = arith.select %ge3A_1106, %xor3A_1105, %broadcast_in_dim3A_1 : vector<16xi1>, vector<16xi32>
          %add3A_1108 = arith.constant 13 : i32
          %add3A_1109 = arith.addi %mul3A_71, %add3A_1108 : i32
          %swap3A_1110 = arith.index_cast %add3A_1109 : i32 to index
          %swap3A_1111 = arith.constant 32 : index
          %swap3A_1112 = tpu.vector_load %arg4[%swap3A_1110, %swap3A_1111] {strides = array<i32>} : memref<576x64xi32, #tpu.memory_space<vmem>>, vector<16xi32>,
          tpu.vector_store %arg4[%swap3A_1110, %swap3A_1111], %select_n3A_1107 {strides = array<i32>} : memref<576x64xi32, #tpu.memory_space<vmem>>, vector<16xi32>,
          %add3A_1113 = arith.constant 13 : i32
          %add3A_1114 = arith.addi %mul3A_71, %add3A_1113 : i32
          %get3A_1115 = arith.index_cast %add3A_1114 : i32 to index
          %get3A_1116 = arith.constant 48 : index
          %get3A_1117 = tpu.vector_load %arg4[%get3A_1115, %get3A_1116] {strides = array<i32>} : memref<576x64xi32, #tpu.memory_space<vmem>>, vector<16xi32>,
          %shift_right_arithmetic3A_1118 = arith.constant 31 : i32
          %shift_right_arithmetic3A_1119 = vector.broadcast %shift_right_arithmetic3A_1118 : i32 to vector<16xi32>
          %shift_right_arithmetic3A_1120 = arith.shrsi %get3A_1117, %shift_right_arithmetic3A_1119 : vector<16xi32>
          %and3A_1121 = arith.constant 2147483647 : i32
          %and3A_1122 = vector.broadcast %and3A_1121 : i32 to vector<16xi32>
          %and3A_1123 = arith.andi %shift_right_arithmetic3A_1120, %and3A_1122 : vector<16xi32>
          %xor3A_1124 = arith.xori %get3A_1117, %and3A_1123 : vector<16xi32>
          %ge3A_1125 = arith.cmpi sge, %get3A_1117, %xor3A_62 : vector<16xi32>
          %select_n3A_1126 = arith.select %ge3A_1125, %xor3A_1124, %broadcast_in_dim3A_1 : vector<16xi1>, vector<16xi32>
          %add3A_1127 = arith.constant 13 : i32
          %add3A_1128 = arith.addi %mul3A_71, %add3A_1127 : i32
          %swap3A_1129 = arith.index_cast %add3A_1128 : i32 to index
          %swap3A_1130 = arith.constant 48 : index
          %swap3A_1131 = tpu.vector_load %arg4[%swap3A_1129, %swap3A_1130] {strides = array<i32>} : memref<576x64xi32, #tpu.memory_space<vmem>>, vector<16xi32>,
          tpu.vector_store %arg4[%swap3A_1129, %swap3A_1130], %select_n3A_1126 {strides = array<i32>} : memref<576x64xi32, #tpu.memory_space<vmem>>, vector<16xi32>,
          %add3A_1132 = arith.constant 14 : i32
          %add3A_1133 = arith.addi %mul3A_71, %add3A_1132 : i32
          %get3A_1134 = arith.index_cast %add3A_1133 : i32 to index
          %get3A_1135 = arith.constant 0 : index
          %get3A_1136 = tpu.vector_load %arg4[%get3A_1134, %get3A_1135] {strides = array<i32>} : memref<576x64xi32, #tpu.memory_space<vmem>>, vector<16xi32>,
          %shift_right_arithmetic3A_1137 = arith.constant 31 : i32
          %shift_right_arithmetic3A_1138 = vector.broadcast %shift_right_arithmetic3A_1137 : i32 to vector<16xi32>
          %shift_right_arithmetic3A_1139 = arith.shrsi %get3A_1136, %shift_right_arithmetic3A_1138 : vector<16xi32>
          %and3A_1140 = arith.constant 2147483647 : i32
          %and3A_1141 = vector.broadcast %and3A_1140 : i32 to vector<16xi32>
          %and3A_1142 = arith.andi %shift_right_arithmetic3A_1139, %and3A_1141 : vector<16xi32>
          %xor3A_1143 = arith.xori %get3A_1136, %and3A_1142 : vector<16xi32>
          %ge3A_1144 = arith.cmpi sge, %get3A_1136, %xor3A_53 : vector<16xi32>
          %select_n3A_1145 = arith.select %ge3A_1144, %xor3A_1143, %broadcast_in_dim3A_1 : vector<16xi1>, vector<16xi32>
          %add3A_1146 = arith.constant 14 : i32
          %add3A_1147 = arith.addi %mul3A_71, %add3A_1146 : i32
          %swap3A_1148 = arith.index_cast %add3A_1147 : i32 to index
          %swap3A_1149 = arith.constant 0 : index
          %swap3A_1150 = tpu.vector_load %arg4[%swap3A_1148, %swap3A_1149] {strides = array<i32>} : memref<576x64xi32, #tpu.memory_space<vmem>>, vector<16xi32>,
          tpu.vector_store %arg4[%swap3A_1148, %swap3A_1149], %select_n3A_1145 {strides = array<i32>} : memref<576x64xi32, #tpu.memory_space<vmem>>, vector<16xi32>,
          %add3A_1151 = arith.constant 14 : i32
          %add3A_1152 = arith.addi %mul3A_71, %add3A_1151 : i32
          %get3A_1153 = arith.index_cast %add3A_1152 : i32 to index
          %get3A_1154 = arith.constant 16 : index
          %get3A_1155 = tpu.vector_load %arg4[%get3A_1153, %get3A_1154] {strides = array<i32>} : memref<576x64xi32, #tpu.memory_space<vmem>>, vector<16xi32>,
          %shift_right_arithmetic3A_1156 = arith.constant 31 : i32
          %shift_right_arithmetic3A_1157 = vector.broadcast %shift_right_arithmetic3A_1156 : i32 to vector<16xi32>
          %shift_right_arithmetic3A_1158 = arith.shrsi %get3A_1155, %shift_right_arithmetic3A_1157 : vector<16xi32>
          %and3A_1159 = arith.constant 2147483647 : i32
          %and3A_1160 = vector.broadcast %and3A_1159 : i32 to vector<16xi32>
          %and3A_1161 = arith.andi %shift_right_arithmetic3A_1158, %and3A_1160 : vector<16xi32>
          %xor3A_1162 = arith.xori %get3A_1155, %and3A_1161 : vector<16xi32>
          %ge3A_1163 = arith.cmpi sge, %get3A_1155, %xor3A_56 : vector<16xi32>
          %select_n3A_1164 = arith.select %ge3A_1163, %xor3A_1162, %broadcast_in_dim3A_1 : vector<16xi1>, vector<16xi32>
          %add3A_1165 = arith.constant 14 : i32
          %add3A_1166 = arith.addi %mul3A_71, %add3A_1165 : i32
          %swap3A_1167 = arith.index_cast %add3A_1166 : i32 to index
          %swap3A_1168 = arith.constant 16 : index
          %swap3A_1169 = tpu.vector_load %arg4[%swap3A_1167, %swap3A_1168] {strides = array<i32>} : memref<576x64xi32, #tpu.memory_space<vmem>>, vector<16xi32>,
          tpu.vector_store %arg4[%swap3A_1167, %swap3A_1168], %select_n3A_1164 {strides = array<i32>} : memref<576x64xi32, #tpu.memory_space<vmem>>, vector<16xi32>,
          %add3A_1170 = arith.constant 14 : i32
          %add3A_1171 = arith.addi %mul3A_71, %add3A_1170 : i32
          %get3A_1172 = arith.index_cast %add3A_1171 : i32 to index
          %get3A_1173 = arith.constant 32 : index
          %get3A_1174 = tpu.vector_load %arg4[%get3A_1172, %get3A_1173] {strides = array<i32>} : memref<576x64xi32, #tpu.memory_space<vmem>>, vector<16xi32>,
          %shift_right_arithmetic3A_1175 = arith.constant 31 : i32
          %shift_right_arithmetic3A_1176 = vector.broadcast %shift_right_arithmetic3A_1175 : i32 to vector<16xi32>
          %shift_right_arithmetic3A_1177 = arith.shrsi %get3A_1174, %shift_right_arithmetic3A_1176 : vector<16xi32>
          %and3A_1178 = arith.constant 2147483647 : i32
          %and3A_1179 = vector.broadcast %and3A_1178 : i32 to vector<16xi32>
          %and3A_1180 = arith.andi %shift_right_arithmetic3A_1177, %and3A_1179 : vector<16xi32>
          %xor3A_1181 = arith.xori %get3A_1174, %and3A_1180 : vector<16xi32>
          %ge3A_1182 = arith.cmpi sge, %get3A_1174, %xor3A_59 : vector<16xi32>
          %select_n3A_1183 = arith.select %ge3A_1182, %xor3A_1181, %broadcast_in_dim3A_1 : vector<16xi1>, vector<16xi32>
          %add3A_1184 = arith.constant 14 : i32
          %add3A_1185 = arith.addi %mul3A_71, %add3A_1184 : i32
          %swap3A_1186 = arith.index_cast %add3A_1185 : i32 to index
          %swap3A_1187 = arith.constant 32 : index
          %swap3A_1188 = tpu.vector_load %arg4[%swap3A_1186, %swap3A_1187] {strides = array<i32>} : memref<576x64xi32, #tpu.memory_space<vmem>>, vector<16xi32>,
          tpu.vector_store %arg4[%swap3A_1186, %swap3A_1187], %select_n3A_1183 {strides = array<i32>} : memref<576x64xi32, #tpu.memory_space<vmem>>, vector<16xi32>,
          %add3A_1189 = arith.constant 14 : i32
          %add3A_1190 = arith.addi %mul3A_71, %add3A_1189 : i32
          %get3A_1191 = arith.index_cast %add3A_1190 : i32 to index
          %get3A_1192 = arith.constant 48 : index
          %get3A_1193 = tpu.vector_load %arg4[%get3A_1191, %get3A_1192] {strides = array<i32>} : memref<576x64xi32, #tpu.memory_space<vmem>>, vector<16xi32>,
          %shift_right_arithmetic3A_1194 = arith.constant 31 : i32
          %shift_right_arithmetic3A_1195 = vector.broadcast %shift_right_arithmetic3A_1194 : i32 to vector<16xi32>
          %shift_right_arithmetic3A_1196 = arith.shrsi %get3A_1193, %shift_right_arithmetic3A_1195 : vector<16xi32>
          %and3A_1197 = arith.constant 2147483647 : i32
          %and3A_1198 = vector.broadcast %and3A_1197 : i32 to vector<16xi32>
          %and3A_1199 = arith.andi %shift_right_arithmetic3A_1196, %and3A_1198 : vector<16xi32>
          %xor3A_1200 = arith.xori %get3A_1193, %and3A_1199 : vector<16xi32>
          %ge3A_1201 = arith.cmpi sge, %get3A_1193, %xor3A_62 : vector<16xi32>
          %select_n3A_1202 = arith.select %ge3A_1201, %xor3A_1200, %broadcast_in_dim3A_1 : vector<16xi1>, vector<16xi32>
          %add3A_1203 = arith.constant 14 : i32
          %add3A_1204 = arith.addi %mul3A_71, %add3A_1203 : i32
          %swap3A_1205 = arith.index_cast %add3A_1204 : i32 to index
          %swap3A_1206 = arith.constant 48 : index
          %swap3A_1207 = tpu.vector_load %arg4[%swap3A_1205, %swap3A_1206] {strides = array<i32>} : memref<576x64xi32, #tpu.memory_space<vmem>>, vector<16xi32>,
          tpu.vector_store %arg4[%swap3A_1205, %swap3A_1206], %select_n3A_1202 {strides = array<i32>} : memref<576x64xi32, #tpu.memory_space<vmem>>, vector<16xi32>,
          %add3A_1208 = arith.constant 15 : i32
          %add3A_1209 = arith.addi %mul3A_71, %add3A_1208 : i32
          %get3A_1210 = arith.index_cast %add3A_1209 : i32 to index
          %get3A_1211 = arith.constant 0 : index
          %get3A_1212 = tpu.vector_load %arg4[%get3A_1210, %get3A_1211] {strides = array<i32>} : memref<576x64xi32, #tpu.memory_space<vmem>>, vector<16xi32>,
          %shift_right_arithmetic3A_1213 = arith.constant 31 : i32
          %shift_right_arithmetic3A_1214 = vector.broadcast %shift_right_arithmetic3A_1213 : i32 to vector<16xi32>
          %shift_right_arithmetic3A_1215 = arith.shrsi %get3A_1212, %shift_right_arithmetic3A_1214 : vector<16xi32>
          %and3A_1216 = arith.constant 2147483647 : i32
          %and3A_1217 = vector.broadcast %and3A_1216 : i32 to vector<16xi32>
          %and3A_1218 = arith.andi %shift_right_arithmetic3A_1215, %and3A_1217 : vector<16xi32>
          %xor3A_1219 = arith.xori %get3A_1212, %and3A_1218 : vector<16xi32>
          %ge3A_1220 = arith.cmpi sge, %get3A_1212, %xor3A_53 : vector<16xi32>
          %select_n3A_1221 = arith.select %ge3A_1220, %xor3A_1219, %broadcast_in_dim3A_1 : vector<16xi1>, vector<16xi32>
          %add3A_1222 = arith.constant 15 : i32
          %add3A_1223 = arith.addi %mul3A_71, %add3A_1222 : i32
          %swap3A_1224 = arith.index_cast %add3A_1223 : i32 to index
          %swap3A_1225 = arith.constant 0 : index
          %swap3A_1226 = tpu.vector_load %arg4[%swap3A_1224, %swap3A_1225] {strides = array<i32>} : memref<576x64xi32, #tpu.memory_space<vmem>>, vector<16xi32>,
          tpu.vector_store %arg4[%swap3A_1224, %swap3A_1225], %select_n3A_1221 {strides = array<i32>} : memref<576x64xi32, #tpu.memory_space<vmem>>, vector<16xi32>,
          %add3A_1227 = arith.constant 15 : i32
          %add3A_1228 = arith.addi %mul3A_71, %add3A_1227 : i32
          %get3A_1229 = arith.index_cast %add3A_1228 : i32 to index
          %get3A_1230 = arith.constant 16 : index
          %get3A_1231 = tpu.vector_load %arg4[%get3A_1229, %get3A_1230] {strides = array<i32>} : memref<576x64xi32, #tpu.memory_space<vmem>>, vector<16xi32>,
          %shift_right_arithmetic3A_1232 = arith.constant 31 : i32
          %shift_right_arithmetic3A_1233 = vector.broadcast %shift_right_arithmetic3A_1232 : i32 to vector<16xi32>
          %shift_right_arithmetic3A_1234 = arith.shrsi %get3A_1231, %shift_right_arithmetic3A_1233 : vector<16xi32>
          %and3A_1235 = arith.constant 2147483647 : i32
          %and3A_1236 = vector.broadcast %and3A_1235 : i32 to vector<16xi32>
          %and3A_1237 = arith.andi %shift_right_arithmetic3A_1234, %and3A_1236 : vector<16xi32>
          %xor3A_1238 = arith.xori %get3A_1231, %and3A_1237 : vector<16xi32>
          %ge3A_1239 = arith.cmpi sge, %get3A_1231, %xor3A_56 : vector<16xi32>
          %select_n3A_1240 = arith.select %ge3A_1239, %xor3A_1238, %broadcast_in_dim3A_1 : vector<16xi1>, vector<16xi32>
          %add3A_1241 = arith.constant 15 : i32
          %add3A_1242 = arith.addi %mul3A_71, %add3A_1241 : i32
          %swap3A_1243 = arith.index_cast %add3A_1242 : i32 to index
          %swap3A_1244 = arith.constant 16 : index
          %swap3A_1245 = tpu.vector_load %arg4[%swap3A_1243, %swap3A_1244] {strides = array<i32>} : memref<576x64xi32, #tpu.memory_space<vmem>>, vector<16xi32>,
          tpu.vector_store %arg4[%swap3A_1243, %swap3A_1244], %select_n3A_1240 {strides = array<i32>} : memref<576x64xi32, #tpu.memory_space<vmem>>, vector<16xi32>,
          %add3A_1246 = arith.constant 15 : i32
          %add3A_1247 = arith.addi %mul3A_71, %add3A_1246 : i32
          %get3A_1248 = arith.index_cast %add3A_1247 : i32 to index
          %get3A_1249 = arith.constant 32 : index
          %get3A_1250 = tpu.vector_load %arg4[%get3A_1248, %get3A_1249] {strides = array<i32>} : memref<576x64xi32, #tpu.memory_space<vmem>>, vector<16xi32>,
          %shift_right_arithmetic3A_1251 = arith.constant 31 : i32
          %shift_right_arithmetic3A_1252 = vector.broadcast %shift_right_arithmetic3A_1251 : i32 to vector<16xi32>
          %shift_right_arithmetic3A_1253 = arith.shrsi %get3A_1250, %shift_right_arithmetic3A_1252 : vector<16xi32>
          %and3A_1254 = arith.constant 2147483647 : i32
          %and3A_1255 = vector.broadcast %and3A_1254 : i32 to vector<16xi32>
          %and3A_1256 = arith.andi %shift_right_arithmetic3A_1253, %and3A_1255 : vector<16xi32>
          %xor3A_1257 = arith.xori %get3A_1250, %and3A_1256 : vector<16xi32>
          %ge3A_1258 = arith.cmpi sge, %get3A_1250, %xor3A_59 : vector<16xi32>
          %select_n3A_1259 = arith.select %ge3A_1258, %xor3A_1257, %broadcast_in_dim3A_1 : vector<16xi1>, vector<16xi32>
          %add3A_1260 = arith.constant 15 : i32
          %add3A_1261 = arith.addi %mul3A_71, %add3A_1260 : i32
          %swap3A_1262 = arith.index_cast %add3A_1261 : i32 to index
          %swap3A_1263 = arith.constant 32 : index
          %swap3A_1264 = tpu.vector_load %arg4[%swap3A_1262, %swap3A_1263] {strides = array<i32>} : memref<576x64xi32, #tpu.memory_space<vmem>>, vector<16xi32>,
          tpu.vector_store %arg4[%swap3A_1262, %swap3A_1263], %select_n3A_1259 {strides = array<i32>} : memref<576x64xi32, #tpu.memory_space<vmem>>, vector<16xi32>,
          %add3A_1265 = arith.constant 15 : i32
          %add3A_1266 = arith.addi %mul3A_71, %add3A_1265 : i32
          %get3A_1267 = arith.index_cast %add3A_1266 : i32 to index
          %get3A_1268 = arith.constant 48 : index
          %get3A_1269 = tpu.vector_load %arg4[%get3A_1267, %get3A_1268] {strides = array<i32>} : memref<576x64xi32, #tpu.memory_space<vmem>>, vector<16xi32>,
          %shift_right_arithmetic3A_1270 = arith.constant 31 : i32
          %shift_right_arithmetic3A_1271 = vector.broadcast %shift_right_arithmetic3A_1270 : i32 to vector<16xi32>
          %shift_right_arithmetic3A_1272 = arith.shrsi %get3A_1269, %shift_right_arithmetic3A_1271 : vector<16xi32>
          %and3A_1273 = arith.constant 2147483647 : i32
          %and3A_1274 = vector.broadcast %and3A_1273 : i32 to vector<16xi32>
          %and3A_1275 = arith.andi %shift_right_arithmetic3A_1272, %and3A_1274 : vector<16xi32>
          %xor3A_1276 = arith.xori %get3A_1269, %and3A_1275 : vector<16xi32>
          %ge3A_1277 = arith.cmpi sge, %get3A_1269, %xor3A_62 : vector<16xi32>
          %select_n3A_1278 = arith.select %ge3A_1277, %xor3A_1276, %broadcast_in_dim3A_1 : vector<16xi1>, vector<16xi32>
          %add3A_1279 = arith.constant 15 : i32
          %add3A_1280 = arith.addi %mul3A_71, %add3A_1279 : i32
          %swap3A_1281 = arith.index_cast %add3A_1280 : i32 to index
          %swap3A_1282 = arith.constant 48 : index
          %swap3A_1283 = tpu.vector_load %arg4[%swap3A_1281, %swap3A_1282] {strides = array<i32>} : memref<576x64xi32, #tpu.memory_space<vmem>>, vector<16xi32>,
          tpu.vector_store %arg4[%swap3A_1281, %swap3A_1282], %select_n3A_1278 {strides = array<i32>} : memref<576x64xi32, #tpu.memory_space<vmem>>, vector<16xi32>,
        }
        %scan3A_68 = arith.constant 36 : i32
        "tpu.region"() ({
          %run_scoped3A = tpu.sem_alloc : memref<!tpu.dma_semaphore, #tpu.memory_space<semaphore_mem>>
          %dma_start3A = tpu.memref_slice %arg3[%mul3A_37, %mul3A_39] : memref<20736x384xi32, #tpu.memory_space<hbm>> -> memref<576x64xi32, #tpu.memory_space<hbm>>
          %dma_start3A_69 = tpu.memref_slice %arg3[%mul3A_37, %mul3A_39] : memref<20736x384xi32, #tpu.memory_space<hbm>> -> memref<576x64xi32, #tpu.memory_space<hbm>>
          tpu.enqueue_dma source(%arg4 : memref<576x64xi32, #tpu.memory_space<vmem>>) target(%dma_start3A_69 : memref<576x64xi32, #tpu.memory_space<hbm>>) target_semaphore(%run_scoped3A : memref<!tpu.dma_semaphore, #tpu.memory_space<semaphore_mem>>)
          %dma_wait3A = tpu.memref_slice %arg3[%mul3A_37, %mul3A_39] : memref<20736x384xi32, #tpu.memory_space<hbm>> -> memref<576x64xi32, #tpu.memory_space<hbm>>
          %dma_wait3A_70 = tpu.memref_slice %arg3[%mul3A_37, %mul3A_39] : memref<20736x384xi32, #tpu.memory_space<hbm>> -> memref<576x64xi32, #tpu.memory_space<hbm>>
          tpu.wait_dma2 semaphore(%run_scoped3A : memref<!tpu.dma_semaphore, #tpu.memory_space<semaphore_mem>>) src(%arg4 : memref<576x64xi32, #tpu.memory_space<vmem>>) dst(%dma_wait3A_70 : memref<576x64xi32, #tpu.memory_space<hbm>>)
          tpu.yield
        }) : () -> ()
      } else {
      }
    }
    %scan3A_10 = arith.constant 7 : i32
    return
  }
}

</mosaic_0001>

<sc_bundles>
// kernel: _sc_sparsify.3.cloned.1.call-start
scs
__scs_entry_jumppad:
0x0: {  	(pc) =	sbr.rel $0x88, $3  }
0x1: {  	(tag) =	ssettag $0x0;
	lr =	simm.s32 $0x1  }
0x2: {  	[smem:$0x3FA0] =	sst lr;
	_ =	strace $0xD0000000  }
0x3: {  	_ = 	snop  }
0x4: {  	_ = 	snop  }
0x5: {  	_ = 	snop  }
0x6: {  	_ = 	snop  }
0x7: {  	_ = 	snop  }
__scs_overlays_trampoline_lowered:
0x8: {  	[smem:$0x3FAF] =	sst s0  }
0x9: {  	[smem:$0x3FB0] =	sst s1  }
0xa: {  	[smem:$0x3FB1] =	sst s2  }
0xb: {  	[smem:$0x3FB2] =	sst s3  }
0xc: {  	[smem:$0x3FB3] =	sst s4  }
0xd: {  	[smem:$0x3FB4] =	sst s5  }
0xe: {  	[smem:$0x3FB5] =	sst s6  }
0xf: {  	[smem:$0x3FB6] =	sst s7  }
0x10: {  	[smem:$0x3FB7] =	sst s8  }
0x11: {  	[smem:$0x3FB8] =	sst s9;
	s0 =	simm.s32 @!p0 $0x0  }
0x12: {  	s1 =	sld [smem:$0x3F9E];
	s0 =	simm.s32 @p0 $0x1  }
0x13: {  	[smem:$0x3FB9] =	sst s0;
	s0 =	simm.s32 @!p1 $0x0  }
0x14: {  	s2 =	sld [smem:$0x3F9D];
	s0 =	simm.s32 @p1 $0x1  }
0x15: {  	[smem:$0x3FBA] =	sst s0;
	s0 =	simm.s32 @!p2 $0x0  }
0x16: {  	s3 =	sld [smem:$0x3FDB];
	s0 =	simm.s32 @p2 $0x1  }
0x17: {  	s4 =	simm.s32 $0x1BF5;
	[smem:$0x3FBC] =	sst s0  }
0x18: {  	s0 =	sld [smem:$0x3F9F];
	_ =	swait.ge [sflag:s4], $0x0  }
0x19: {  	s7 =	sld [smem:$0x3FA0]  }
0x1a: {  	s8 =	sadd.s32 $0xFFFFE003, lr  }
0x1b: {  	s9 =	sadd.s32 $0xFFFFFEF7, lr;
	s5 =	simm.s32 $0xFFFFFFFF;
	p2 =	slt.u32 s8, $0xFFFFF086  }
0x1c: {  	p1 =	slt.u32 s9, $0xF7A;
	s5 =	simm.s32 @!p2 $0x0  }
0x1d: {  	s5 =	simm.s32 @p1 $0x1;
	p0 =	seq.s32 s7, s2  }
0x1e: {  	s7 =	smul.u32 @!p0 $0xF7A, s2;
	p2 =	seq.s32 @!p0 s5, $0x0  }
0x1f: {  	s9 =	smul.u32 $0xF7A, s1;
	s8 =	simm.s32 @!p0 $0x1BF5;
	p2 =	por !p2, p0  }
0x20: {  	[sflag:s8] =	ssyncset.s32 @!p0 $0xFFFFF086;
	s6 =	sadd.s32 @!p0 s3, s7;
	s7 =	simm.s32 @!p0 $0x108  }
0x21: {  	s3 =	sadd.s32 s3, s9;
	s6 =	sadd.s32 @!p0 $0x88, s6;
	s7 =	simm.s32 @p2 $0x1082  }
0x22: {  	[simem:s7], [sflag:s8] =	dma.local @!p0 [hbm:s6], $0xF7A  }
0x23: {  	s9 =	sor.u32 $0xD0000000, s2;
	s6 =	simm.s32 $0x108;
	_ =	swait.ge @!p0 [sflag:s8], $0x0  }
0x24: {  	s3 =	sadd.s32 $0x88, s3;
	s6 =	simm.s32 @!p1 $0x1082;
	[sflag:s4] =	ssyncset.s32 $0xFFFFF086  }
0x25: {  	[simem:s6], [sflag:s4] =	dma.local [hbm:s3], $0xF7A  }
0x26: {  	[smem:$0x3FA0] =	sst s1;
	(tag) =	ssettag s2;
	_ =	strace s9  }
0x27: {  	s1 =	sld [smem:$0x3FB0]  }
0x28: {  	s2 =	sld [smem:$0x3FB1]  }
0x29: {  	s4 =	sld [smem:$0x3FB3]  }
0x2a: {  	p0 =	seq.s32 s5, $0x0;
	s5 =	sld [smem:$0x3FB4]  }
0x2b: {  	s6 =	sld [smem:$0x3FB5]  }
0x2c: {  	s7 =	sld [smem:$0x3FB6]  }
0x2d: {  	s3 =	simm.s32 $0x108;
	s8 =	sld [smem:$0x3FB7]  }
0x2e: {  	s3 =	simm.s32 @!p0 $0x1082;
	s9 =	sld [smem:$0x3FB8]  }
0x2f: {  	lr =	sadd.s32 s0, s3;
	s0 =	sld [smem:$0x3FAF]  }
0x30: {  	s3 =	sld [smem:$0x3FB2]  }
0x31: {  	[smem:$0x3FBB] =	sst s10  }
0x32: {  	s10 =	sld [smem:$0x3FB9];
	_ =	sdelay $0x3  }
0x33: {  	p0 =	seq.s32 s10, $0x1;
	s10 =	sld [smem:$0x3FBB];
	_ =	sdelay $0x3  }
0x34: {  	[smem:$0x3FBB] =	sst s10  }
0x35: {  	s10 =	sld [smem:$0x3FBA];
	_ =	sdelay $0x3  }
0x36: {  	p1 =	seq.s32 s10, $0x1;
	s10 =	sld [smem:$0x3FBB];
	_ =	sdelay $0x3  }
0x37: {  	[smem:$0x3FBB] =	sst s10  }
0x38: {  	s10 =	sld [smem:$0x3FBC]  }
0x39: {  	_ = 	snop;
	(pc) =	sbr.ind lr, $3  }
0x3a: {  	_ = 	snop  }
0x3b: {  	_ = 	snop  }
0x3c: {  	p2 =	seq.s32 s10, $0x1;
	s10 =	sld [smem:$0x3FBB]  }
0x3d: {  	_ =	shalt  }
0x3e: {  	_ =	shalt  }
0x3f: {  	_ =	shalt  }
0x40: {  	_ =	shalt  }
0x41: {  	_ =	shalt  }
0x42: {  	_ =	shalt  }
0x43: {  	_ =	shalt  }
0x44: {  	_ =	shalt  }
0x45: {  	_ =	shalt  }
0x46: {  	_ =	shalt  }
0x47: {  	_ =	shalt  }
0x48: {  	_ =	shalt  }
0x49: {  	_ =	shalt  }
0x4a: {  	_ =	shalt  }
0x4b: {  	_ =	shalt  }
0x4c: {  	_ =	shalt  }
0x4d: {  	_ =	shalt  }
0x4e: {  	_ =	shalt  }
0x4f: {  	_ =	shalt  }
0x50: {  	_ =	shalt  }
0x51: {  	_ =	shalt  }
0x52: {  	_ =	shalt  }
0x53: {  	_ =	shalt  }
0x54: {  	_ =	shalt  }
0x55: {  	_ =	shalt  }
0x56: {  	_ =	shalt  }
0x57: {  	_ =	shalt  }
0x58: {  	_ =	shalt  }
0x59: {  	_ =	shalt  }
0x5a: {  	_ =	shalt  }
0x5b: {  	_ =	shalt  }
0x5c: {  	_ =	shalt  }
0x5d: {  	_ =	shalt  }
0x5e: {  	_ =	shalt  }
0x5f: {  	_ =	shalt  }
0x60: {  	_ =	shalt  }
0x61: {  	_ =	shalt  }
0x62: {  	_ =	shalt  }
0x63: {  	_ =	shalt  }
0x64: {  	_ =	shalt  }
0x65: {  	_ =	shalt  }
0x66: {  	_ =	shalt  }
0x67: {  	_ =	shalt  }
0x68: {  	_ =	shalt  }
0x69: {  	_ =	shalt  }
0x6a: {  	_ =	shalt  }
0x6b: {  	_ =	shalt  }
0x6c: {  	_ =	shalt  }
0x6d: {  	_ =	shalt  }
0x6e: {  	_ =	shalt  }
0x6f: {  	_ =	shalt  }
0x70: {  	_ =	shalt  }
0x71: {  	_ =	shalt  }
0x72: {  	_ =	shalt  }
0x73: {  	_ =	shalt  }
0x74: {  	_ =	shalt  }
0x75: {  	_ =	shalt  }
0x76: {  	_ =	shalt  }
0x77: {  	_ =	shalt  }
0x78: {  	_ =	shalt  }
0x79: {  	_ =	shalt  }
0x7a: {  	_ =	shalt  }
0x7b: {  	_ =	shalt  }
0x7c: {  	_ =	shalt  }
0x7d: {  	_ =	shalt  }
0x7e: {  	_ =	shalt  }
0x7f: {  	_ =	shalt  }
0x80: {  	_ =	shalt  }
0x81: {  	_ =	shalt  }
0x82: {  	_ =	shalt  }
0x83: {  	_ =	shalt  }
0x84: {  	_ =	shalt  }
0x85: {  	_ =	shalt  }
0x86: {  	_ =	shalt  }
0x87: {  	_ =	shalt  }
.Lfunc_end0:
.L_simem_size_0:
called_computation_lowered:
.L_overlay_start_0:
0x88: {  	s2 =	sld [smem:$0x3FD9]  }
0x89: {  	s3 =	sld [smem:$0x3FFE];
	_ =	sdelay $0x1  }
0x8a: {  	s1 =	srdreg.scid  }
0x8b: {  	s0 =	sand.u32 $0x1, s1  }
0x8c: {  	s17 =	sshll.u32 s0, $0xA;
	s2 =	sadd.s32 s3, s2  }
0x8d: {  	s2 =	sadd.s32 s2, s17  }
0x8e: {  	[smem:$0x3FC7] =	sst s2  }
0x8f: {  	_ = 	snop  }
0x90: {  	s2 =	sld [smem:$0x3FD0];
	(tm) =	ssettm $0x1  }
0x91: {  	s18 =	sld [smem:$0x3FFB];
	_ =	sdelay $0x3  }
0x92: {  	_ =	strace s18  }
0x93: {  	s3 =	sld [smem:$0x3FFC];
	_ =	sdelay $0x3  }
0x94: {  	_ =	strace s3  }
0x95: {  	s3 =	sld [smem:$0x3FFD];
	_ =	sdelay $0x3  }
0x96: {  	_ =	strace s3  }
0x97: {  	_ =	strace $0x8FFFFFFF  }
0x98: {  	s19 =	sld [smem:$0x3FDB];
	_ =	sdelay $0x1  }
0x99: {  	s4 =	simm.s32 $_scs_section_size  }
0x9a: {  	s5 =	simm.s32 $_size__tile_overlayer_lowered;
	s6 =	simm.s32 $_tile_overlayer_lowered  }
0x9b: {  	s22 =	simm.s32 $0x1BFF;
	s21 =	sshll.u32 s6, $0x1;
	s3 =	sadd.s32 s4, s19  }
0x9c: {  	s7 =	simm.s32 $0x0;
	s20 =	sshll.u32 s5, $0x1;
	s5 =	sadd.s32 s21, s3  }
0x9d: {  	[timem:s7], [sflag:s22] =	dma.local [hbm:s5], s20  }
0x9e: {  	_ =	swait.ge [sflag:s22], s20  }
0x9f: {  	s4 =	ssub.s32 $0x0, s20;
	[sflag:s22] =	ssyncset.done $0x0  }
0xa0: {  	[sflag:s22] =	ssyncadd.s32 s4;
	_ =	sdelay $0x1  }
0xa1: {  	s23 =	simm.s32 $0x1B8B  }
0xa2: {  	_ =	swait.ge [sflag:s23], $0x1  }
0xa3: {  	[sflag:s23] =	ssyncset.done $0x0  }
0xa4: {  	s25 =	simm.s32 $0x1B8E;
	s24 =	sld [smem:$0x3FFE];
	[sflag:s23] =	ssyncadd.s32 $0xFFFFFFFF  }
0xa5: {  	s26 =	simm.s32 $execute0_lowered;
	[smem:$0x3FD2] =	sst s25  }
0xa6: {  	s5 =	sshll.u32 s26, $0x1;
	_ =	strace $0x80000046;
	[dreg:$0x1] =	wrdreg $0xFFFFFFFF  }
0xa7: {  	s28 =	simm.s32 $_size_execute0_lowered;
	s3 =	sadd.s32 s3, s5;
	[dreg:$0x0] =	wrdreg $0x0  }
0xa8: {  	s5 =	sshll.u32 s28, $0x1;
	[dreg:$0x2] =	wrdreg s3  }
0xa9: {  	[dreg:$0x3] =	wrdreg s5  }
0xaa: {  	[dreg:$0x4] =	wrdreg $0xC0  }
0xab: {  	_ =	task [dreg:s7], $0x5FFFF  }
0xac: {  	[dreg:$0x1] =	wrdreg $0xFFFFFFFF  }
0xad: {  	[dreg:$0x0] =	wrdreg $0x60  }
0xae: {  	[dreg:$0x2] =	wrdreg s2  }
0xaf: {  	[dreg:$0x3] =	wrdreg s24  }
0xb0: {  	[dreg:$0x4] =	wrdreg $0x9  }
0xb1: {  	_ =	task.clear_ibuf [dreg:s7], $0x5FFFF;
	_ =	strace $0x90000046  }
0xb2: {  	s29 =	simm.s32 $0x9;
	_ =	strace $0x80000048  }
0xb3: {  	_ =	swait.ge [sflag:s29], $0x1  }
0xb4: {  	[sflag:s29] =	ssyncadd.s32 $0xFFFFFFFF  }
0xb5: {  	_ =	strace $0x90000048  }
0xb6: {  	_ =	sfence  }
0xb7: {  	s30 =	sld [smem:$0x0];
	_ =	sdelay $0x2  }
0xb8: {  	s31 =	sshll.u32 s1, $0xD;
	s1 =	sshrl.u32 s1, $0x2  }
0xb9: {  	s3 =	sand.u32 $0x4000, s31;
	s1 =	sadd.s32 s1, s30  }
0xba: {  	s0 =	sor.u32 s3, s0;
	s1 =	sshll.u32 s1, $0x11  }
0xbb: {  	s0 =	sor.u32 s1, s0  }
0xbc: {  	s0 =	sadd.s32 $0x8F2B, s0  }
0xbd: {  	[sflag:s0] =	ssyncadd.remote.s32 $0x1  }
0xbe: {  	_ =	sfence.sel $0xFFFF  }
0xbf: {  	[dreg:$0x0] =	wrdreg $0xFFFFFFFF;
	(pc) =	sbr.abs _section_cstart, $3  }
0xc0: {  	[dreg:$0x1] =	wrdreg $0xFFFFFFFF  }
0xc1: {  	_ =	task.clear_ibuf [dreg:s7], $0x2FFFF;
	_ =	strace $0x9FFFFFFF  }
0xc2: {  	(tm) =	ssettm $0x7FFFFFFF  }
0xc3: {  	_ =	shalt  }
tec
execute0_lowered:
.L_overlay_start_1:
0x0: {  	(tag) =	ssettag $0x1  }
0x1: {  	s1 =	rddreg [dreg:$0x0]  }
0x2: {  	s5 =	rddreg [dreg:$0x1];
	s3 =	srdreg.scid  }
0x3: {  	s0 =	rddreg [dreg:$0x2];
	s2 =	simm.s32 $0x0;
	s8 =	simm.s32 $0x40  }
.Ltmp0:
0x4: {  	s9 =	simm.s32 $0x180;
	s4 =	sand.u32 $0x1, s3;
	(pc) =	sbr.rel .LBB2_1-.Ltmp0, $4  }
0x5: {  	s10 =	simm.s32 $0x2;
	s11 =	simm.s32 $0x1;
	s6 =	ssub.s32 $0x2, s4  }
0x6: {  	s12 =	simm.s32 $0x0;
	[smem:$0x7FF] =	sst s2;
	s7 =	sshrl.u32 s6, $0x1  }
0x7: {  	s3 =	stileid.u32;
	s5 =	sadd.s32 $0x400, s5;
	s7 =	ssub.s32 s6, s7  }
0x8: {  	v0 =	vimm.s32 $0x1;
	v1 =	vimm.s32 $0x0;
	_ =	strace $0x80000047;
	s6 =	sshll.u32 s3, $0x1;
	s7 =	smax.u32 s7, $0x1  }
.LBB2_13:
0x9: {  	s12 =	sadd.s32 $0x1, s12  }
0xa: {  	p0 =	sne.s32 s12, s7  }
.Ltmp1:
0xb: {  	_ = 	snop;
	(pc) =	sbr.rel @!p0 .LBB2_14-.Ltmp1, $1  }
0xc: {  	_ =	sdelay $0x3  }
.LBB2_1:
.Ltmp2:
0xd: {  	(pc) =	sbr.rel .LBB2_2-.Ltmp2, $2  }
0xe: {  	_ =	sdelay $0x2  }
0xf: {  	s13 =	simm.s32 $0x0  }
.LBB2_12:
0x10: {  	s13 =	sadd.s32 $0x1, s13  }
0x11: {  	p0 =	sne.s32 s13, $0x7  }
.Ltmp3:
0x12: {  	_ = 	snop;
	(pc) =	sbr.rel @!p0 .LBB2_13-.Ltmp3, $1  }
0x13: {  	_ =	sdelay $0x3  }
.LBB2_2:
0x14: {  	s14 =	sshll.u32 s13, $0x5  }
0x15: {  	s14 =	sor.u32 s6, s14  }
0x16: {  	p0 =	sgt.u32 s14, $0xD7  }
.Ltmp4:
0x17: {  	_ = 	snop;
	(pc) =	sbr.rel @p0 .LBB2_12-.Ltmp4, $1  }
0x18: {  	_ =	sdelay $0x3  }
0x19: {  	s15 =	smul.u32 $0xAB, s14;
	_ =	sdelay $0x1  }
0x1a: {  	s15 =	sshrl.u32 s15, $0xA  }
0x1b: {  	s15 =	sand.u32 $0x3F, s15  }
0x1c: {  	s16 =	smul.u32 $0x3FFFFFA, s15  }
0x1d: {  	s30 =	sor.u32 s4, s14  }
0x1e: {  	s15 =	smul.u32 $0x36000, s15;
	s14 =	sadd.s32 s16, s30  }
0x1f: {  	s14 =	sshll.u32 s14, $0x6  }
0x20: {  	s14 =	sadd.s32 s15, s14  }
0x21: {  	s14 =	sshrl.u32 s14, $0x3  }
0x22: {  	s15 =	simm.s32 $0x0;
	s31 =	sadd.s32 s1, s14  }
0x23: {  	[tilespmem:s15], [sflag:$0x2] =	stream.strided.gather [hbm4b:s31+s8], $0x9000, s9, s8, $0x38;
	[tilespmem:$0x9000] =	vst v63  }
0x24: {  	_ =	swait.ge [sflag:s10], $0x9000  }
0x25: {  	[sflag:s10] =	ssyncset.done $0x0  }
0x26: {  	s16 =	simm.s32 $0x0;
	[sflag:s10] =	ssyncadd.s32 $0xFFFF7000  }
0x27: {  	v2 =	vld [tilespmem:s16+$0x0];
	_ =	sdelay $0x1  }
0x28: {  	v3 =	vld [tilespmem:s16+$0x10]  }
0x29: {  	v4 =	vld [tilespmem:s16+$0x20];
	_ =	sdelay $0x1  }
0x2a: {  	v5 =	vld [tilespmem:s16+$0x30];
	v7 =	vshra.s32 v2, $0x1F  }
0x2b: {  	v6 =	vld [tilespmem:s16+$0x40];
	v7 =	vand.u32 $0x7FFFFFFF, v7  }
0x2c: {  	v10 =	vshra.s32 v3, $0x1F;
	v2 =	vxor.u32 v2, v7  }
0x2d: {  	v8 =	vld [tilespmem:s16+$0x50];
	v10 =	vand.u32 $0x7FFFFFFF, v10;
	[tilespmem:s16+$0x0] =	vst v2;
	v2 =	vshra.s32 v4, $0x1F  }
0x2e: {  	v9 =	vld [tilespmem:s16+$0x60];
	v3 =	vxor.u32 v3, v10;
	v2 =	vand.u32 $0x7FFFFFFF, v2  }
0x2f: {  	[tilespmem:s16+$0x10] =	vst v3;
	v3 =	vshra.s32 v5, $0x1F;
	v2 =	vxor.u32 v4, v2  }
0x30: {  	v7 =	vld [tilespmem:s16+$0x70];
	v3 =	vand.u32 $0x7FFFFFFF, v3;
	[tilespmem:s16+$0x20] =	vst v2;
	v2 =	vshra.s32 v6, $0x1F  }
0x31: {  	v10 =	vld [tilespmem:s16+$0x80];
	v3 =	vxor.u32 v5, v3;
	v2 =	vand.u32 $0x7FFFFFFF, v2  }
0x32: {  	[tilespmem:s16+$0x30] =	vst v3;
	v3 =	vshra.s32 v8, $0x1F;
	v2 =	vxor.u32 v6, v2  }
0x33: {  	v4 =	vld [tilespmem:s16+$0x90];
	v3 =	vand.u32 $0x7FFFFFFF, v3;
	[tilespmem:s16+$0x40] =	vst v2;
	v2 =	vshra.s32 v9, $0x1F  }
0x34: {  	v5 =	vld [tilespmem:s16+$0xA0];
	v3 =	vxor.u32 v8, v3;
	v2 =	vand.u32 $0x7FFFFFFF, v2  }
0x35: {  	[tilespmem:s16+$0x50] =	vst v3;
	v3 =	vshra.s32 v7, $0x1F;
	v2 =	vxor.u32 v9, v2  }
0x36: {  	v6 =	vld [tilespmem:s16+$0xB0];
	v3 =	vand.u32 $0x7FFFFFFF, v3;
	[tilespmem:s16+$0x60] =	vst v2;
	v2 =	vshra.s32 v10, $0x1F  }
0x37: {  	v8 =	vld [tilespmem:s16+$0xC0];
	v3 =	vxor.u32 v7, v3;
	v2 =	vand.u32 $0x7FFFFFFF, v2  }
0x38: {  	[tilespmem:s16+$0x70] =	vst v3;
	v3 =	vshra.s32 v4, $0x1F;
	v2 =	vxor.u32 v10, v2  }
0x39: {  	v9 =	vld [tilespmem:s16+$0xD0];
	v3 =	vand.u32 $0x7FFFFFFF, v3;
	[tilespmem:s16+$0x80] =	vst v2;
	v2 =	vshra.s32 v5, $0x1F  }
0x3a: {  	v7 =	vld [tilespmem:s16+$0xE0];
	v3 =	vxor.u32 v4, v3;
	v2 =	vand.u32 $0x7FFFFFFF, v2  }
0x3b: {  	[tilespmem:s16+$0x90] =	vst v3;
	v3 =	vshra.s32 v6, $0x1F;
	v2 =	vxor.u32 v5, v2  }
0x3c: {  	v10 =	vld [tilespmem:s16+$0xF0];
	v3 =	vand.u32 $0x7FFFFFFF, v3;
	[tilespmem:s16+$0xA0] =	vst v2;
	v2 =	vshra.s32 v8, $0x1F  }
0x3d: {  	v4 =	vld [tilespmem:s16+$0x100];
	v3 =	vxor.u32 v6, v3;
	v2 =	vand.u32 $0x7FFFFFFF, v2  }
0x3e: {  	[tilespmem:s16+$0xB0] =	vst v3;
	v3 =	vshra.s32 v9, $0x1F;
	v2 =	vxor.u32 v8, v2  }
0x3f: {  	v5 =	vld [tilespmem:s16+$0x110];
	v3 =	vand.u32 $0x7FFFFFFF, v3;
	[tilespmem:s16+$0xC0] =	vst v2;
	v2 =	vshra.s32 v7, $0x1F  }
0x40: {  	v6 =	vld [tilespmem:s16+$0x120];
	v3 =	vxor.u32 v9, v3;
	v2 =	vand.u32 $0x7FFFFFFF, v2  }
0x41: {  	[tilespmem:s16+$0xD0] =	vst v3;
	v3 =	vshra.s32 v10, $0x1F;
	v2 =	vxor.u32 v7, v2  }
0x42: {  	v8 =	vld [tilespmem:s16+$0x130];
	v3 =	vand.u32 $0x7FFFFFFF, v3;
	[tilespmem:s16+$0xE0] =	vst v2;
	v2 =	vshra.s32 v4, $0x1F  }
0x43: {  	v9 =	vld [tilespmem:s16+$0x140];
	v3 =	vxor.u32 v10, v3;
	v2 =	vand.u32 $0x7FFFFFFF, v2  }
0x44: {  	[tilespmem:s16+$0xF0] =	vst v3;
	v3 =	vshra.s32 v5, $0x1F;
	v2 =	vxor.u32 v4, v2  }
0x45: {  	v7 =	vld [tilespmem:s16+$0x150];
	v3 =	vand.u32 $0x7FFFFFFF, v3;
	[tilespmem:s16+$0x100] =	vst v2;
	v2 =	vshra.s32 v6, $0x1F  }
0x46: {  	v10 =	vld [tilespmem:s16+$0x160];
	v3 =	vxor.u32 v5, v3;
	v2 =	vand.u32 $0x7FFFFFFF, v2  }
0x47: {  	[tilespmem:s16+$0x110] =	vst v3;
	v3 =	vshra.s32 v8, $0x1F;
	v2 =	vxor.u32 v6, v2  }
0x48: {  	v4 =	vld [tilespmem:s16+$0x170];
	v3 =	vand.u32 $0x7FFFFFFF, v3;
	[tilespmem:s16+$0x120] =	vst v2;
	v2 =	vshra.s32 v9, $0x1F  }
0x49: {  	v5 =	vld [tilespmem:s16+$0x180];
	v3 =	vxor.u32 v8, v3;
	v2 =	vand.u32 $0x7FFFFFFF, v2  }
0x4a: {  	[tilespmem:s16+$0x130] =	vst v3;
	v3 =	vshra.s32 v7, $0x1F;
	v2 =	vxor.u32 v9, v2  }
0x4b: {  	v6 =	vld [tilespmem:s16+$0x190];
	v3 =	vand.u32 $0x7FFFFFFF, v3;
	[tilespmem:s16+$0x140] =	vst v2;
	v2 =	vshra.s32 v10, $0x1F  }
0x4c: {  	v8 =	vld [tilespmem:s16+$0x1A0];
	v3 =	vxor.u32 v7, v3;
	v2 =	vand.u32 $0x7FFFFFFF, v2  }
0x4d: {  	[tilespmem:s16+$0x150] =	vst v3;
	v3 =	vshra.s32 v4, $0x1F;
	v2 =	vxor.u32 v10, v2  }
0x4e: {  	v9 =	vld [tilespmem:s16+$0x1B0];
	v3 =	vand.u32 $0x7FFFFFFF, v3;
	[tilespmem:s16+$0x160] =	vst v2;
	v2 =	vshra.s32 v5, $0x1F  }
0x4f: {  	v7 =	vld [tilespmem:s16+$0x1C0];
	v3 =	vxor.u32 v4, v3;
	v2 =	vand.u32 $0x7FFFFFFF, v2  }
0x50: {  	[tilespmem:s16+$0x170] =	vst v3;
	v3 =	vshra.s32 v6, $0x1F;
	v2 =	vxor.u32 v5, v2  }
0x51: {  	v10 =	vld [tilespmem:s16+$0x1D0];
	v3 =	vand.u32 $0x7FFFFFFF, v3;
	[tilespmem:s16+$0x180] =	vst v2;
	v2 =	vshra.s32 v8, $0x1F  }
0x52: {  	v4 =	vld [tilespmem:s16+$0x1E0];
	v3 =	vxor.u32 v6, v3;
	v2 =	vand.u32 $0x7FFFFFFF, v2  }
0x53: {  	[tilespmem:s16+$0x190] =	vst v3;
	v3 =	vshra.s32 v9, $0x1F;
	v2 =	vxor.u32 v8, v2  }
0x54: {  	v5 =	vld [tilespmem:s16+$0x1F0];
	v3 =	vand.u32 $0x7FFFFFFF, v3;
	[tilespmem:s16+$0x1A0] =	vst v2;
	v2 =	vshra.s32 v7, $0x1F  }
0x55: {  	v6 =	vld [tilespmem:s16+$0x200];
	v3 =	vxor.u32 v9, v3;
	v2 =	vand.u32 $0x7FFFFFFF, v2  }
0x56: {  	[tilespmem:s16+$0x1B0] =	vst v3;
	v3 =	vshra.s32 v10, $0x1F;
	v2 =	vxor.u32 v7, v2  }
0x57: {  	v8 =	vld [tilespmem:s16+$0x210];
	v3 =	vand.u32 $0x7FFFFFFF, v3;
	[tilespmem:s16+$0x1C0] =	vst v2;
	v2 =	vshra.s32 v4, $0x1F  }
0x58: {  	v9 =	vld [tilespmem:s16+$0x220];
	v3 =	vxor.u32 v10, v3;
	v2 =	vand.u32 $0x7FFFFFFF, v2  }
0x59: {  	[tilespmem:s16+$0x1D0] =	vst v3;
	v3 =	vshra.s32 v5, $0x1F;
	v2 =	vxor.u32 v4, v2  }
0x5a: {  	v7 =	vld [tilespmem:s16+$0x230];
	v3 =	vand.u32 $0x7FFFFFFF, v3;
	[tilespmem:s16+$0x1E0] =	vst v2;
	v2 =	vshra.s32 v6, $0x1F  }
0x5b: {  	v10 =	vld [tilespmem:s16+$0x240];
	v3 =	vxor.u32 v5, v3;
	v2 =	vand.u32 $0x7FFFFFFF, v2  }
0x5c: {  	[tilespmem:s16+$0x1F0] =	vst v3;
	v3 =	vshra.s32 v8, $0x1F;
	v2 =	vxor.u32 v6, v2  }
0x5d: {  	v4 =	vld [tilespmem:s16+$0x250];
	v3 =	vand.u32 $0x7FFFFFFF, v3;
	[tilespmem:s16+$0x200] =	vst v2;
	v2 =	vshra.s32 v9, $0x1F  }
0x5e: {  	v5 =	vld [tilespmem:s16+$0x260];
	v3 =	vxor.u32 v8, v3;
	v2 =	vand.u32 $0x7FFFFFFF, v2  }
0x5f: {  	[tilespmem:s16+$0x210] =	vst v3;
	v3 =	vshra.s32 v7, $0x1F;
	v2 =	vxor.u32 v9, v2  }
0x60: {  	v6 =	vld [tilespmem:s16+$0x270];
	v3 =	vand.u32 $0x7FFFFFFF, v3;
	[tilespmem:s16+$0x220] =	vst v2;
	v2 =	vshra.s32 v10, $0x1F  }
0x61: {  	v8 =	vld [tilespmem:s16+$0x280];
	v3 =	vxor.u32 v7, v3;
	v2 =	vand.u32 $0x7FFFFFFF, v2  }
0x62: {  	[tilespmem:s16+$0x230] =	vst v3;
	v3 =	vshra.s32 v4, $0x1F;
	v2 =	vxor.u32 v10, v2  }
0x63: {  	v9 =	vld [tilespmem:s16+$0x290];
	v3 =	vand.u32 $0x7FFFFFFF, v3;
	[tilespmem:s16+$0x240] =	vst v2;
	v2 =	vshra.s32 v5, $0x1F  }
0x64: {  	v7 =	vld [tilespmem:s16+$0x2A0];
	v3 =	vxor.u32 v4, v3;
	v2 =	vand.u32 $0x7FFFFFFF, v2  }
0x65: {  	[tilespmem:s16+$0x250] =	vst v3;
	v3 =	vshra.s32 v6, $0x1F;
	v2 =	vxor.u32 v5, v2  }
0x66: {  	v10 =	vld [tilespmem:s16+$0x2B0];
	v3 =	vand.u32 $0x7FFFFFFF, v3;
	[tilespmem:s16+$0x260] =	vst v2;
	v2 =	vshra.s32 v8, $0x1F  }
0x67: {  	v4 =	vld [tilespmem:s16+$0x2C0];
	v3 =	vxor.u32 v6, v3;
	v2 =	vand.u32 $0x7FFFFFFF, v2  }
0x68: {  	[tilespmem:s16+$0x270] =	vst v3;
	v3 =	vshra.s32 v9, $0x1F;
	v2 =	vxor.u32 v8, v2  }
0x69: {  	v5 =	vld [tilespmem:s16+$0x2D0];
	v3 =	vand.u32 $0x7FFFFFFF, v3;
	[tilespmem:s16+$0x280] =	vst v2;
	v2 =	vshra.s32 v7, $0x1F  }
0x6a: {  	v6 =	vld [tilespmem:s16+$0x2E0];
	v3 =	vxor.u32 v9, v3;
	v2 =	vand.u32 $0x7FFFFFFF, v2  }
0x6b: {  	[tilespmem:s16+$0x290] =	vst v3;
	v3 =	vshra.s32 v10, $0x1F;
	v2 =	vxor.u32 v7, v2  }
0x6c: {  	v8 =	vld [tilespmem:s16+$0x2F0];
	v3 =	vand.u32 $0x7FFFFFFF, v3;
	[tilespmem:s16+$0x2A0] =	vst v2;
	v2 =	vshra.s32 v4, $0x1F  }
0x6d: {  	v9 =	vld [tilespmem:s16+$0x300];
	v3 =	vxor.u32 v10, v3;
	v2 =	vand.u32 $0x7FFFFFFF, v2  }
0x6e: {  	[tilespmem:s16+$0x2B0] =	vst v3;
	v3 =	vshra.s32 v5, $0x1F;
	v2 =	vxor.u32 v4, v2  }
0x6f: {  	v7 =	vld [tilespmem:s16+$0x310];
	v3 =	vand.u32 $0x7FFFFFFF, v3;
	[tilespmem:s16+$0x2C0] =	vst v2;
	v2 =	vshra.s32 v6, $0x1F  }
0x70: {  	v10 =	vld [tilespmem:s16+$0x320];
	v3 =	vxor.u32 v5, v3;
	v2 =	vand.u32 $0x7FFFFFFF, v2  }
0x71: {  	[tilespmem:s16+$0x2D0] =	vst v3;
	v3 =	vshra.s32 v8, $0x1F;
	v2 =	vxor.u32 v6, v2  }
0x72: {  	v4 =	vld [tilespmem:s16+$0x330];
	v3 =	vand.u32 $0x7FFFFFFF, v3;
	[tilespmem:s16+$0x2E0] =	vst v2;
	v2 =	vshra.s32 v9, $0x1F  }
0x73: {  	v5 =	vld [tilespmem:s16+$0x340];
	v3 =	vxor.u32 v8, v3;
	v2 =	vand.u32 $0x7FFFFFFF, v2  }
0x74: {  	[tilespmem:s16+$0x2F0] =	vst v3;
	v3 =	vshra.s32 v7, $0x1F;
	v2 =	vxor.u32 v9, v2  }
0x75: {  	v6 =	vld [tilespmem:s16+$0x350];
	v3 =	vand.u32 $0x7FFFFFFF, v3;
	[tilespmem:s16+$0x300] =	vst v2;
	v2 =	vshra.s32 v10, $0x1F  }
0x76: {  	v8 =	vld [tilespmem:s16+$0x360];
	v7 =	vxor.u32 v7, v3;
	v2 =	vand.u32 $0x7FFFFFFF, v2  }
0x77: {  	v9 =	vld [tilespmem:s16+$0x370];
	[tilespmem:s16+$0x310] =	vst v7;
	v7 =	vshra.s32 v4, $0x1F;
	v10 =	vxor.u32 v10, v2  }
0x78: {  	v3 =	vld [tilespmem:s16+$0x380];
	v7 =	vand.u32 $0x7FFFFFFF, v7;
	[tilespmem:s16+$0x320] =	vst v10;
	v10 =	vshra.s32 v5, $0x1F  }
0x79: {  	v2 =	vld [tilespmem:s16+$0x390];
	v7 =	vxor.u32 v4, v7;
	v10 =	vand.u32 $0x7FFFFFFF, v10  }
0x7a: {  	v4 =	vld [tilespmem:s16+$0x3A0];
	[tilespmem:s16+$0x330] =	vst v7;
	v7 =	vshra.s32 v6, $0x1F;
	v10 =	vxor.u32 v5, v10  }
0x7b: {  	v7 =	vand.u32 $0x7FFFFFFF, v7;
	v5 =	vld [tilespmem:s16+$0x3B0];
	[tilespmem:s16+$0x340] =	vst v10;
	v10 =	vshra.s32 v8, $0x1F  }
0x7c: {  	v11 =	vshra.s32 v9, $0x1F;
	v7 =	vxor.u32 v6, v7;
	v6 =	vld [tilespmem:s16+$0x3C0];
	v10 =	vand.u32 $0x7FFFFFFF, v10  }
0x7d: {  	[tilespmem:s16+$0x350] =	vst v7;
	v7 =	vld [tilespmem:s16+$0x3D0];
	v8 =	vxor.u32 v8, v10;
	v10 =	vand.u32 $0x7FFFFFFF, v11;
	v11 =	vshra.s32 v3, $0x1F  }
0x7e: {  	s17 =	simm.s32 $0x1000;
	[tilespmem:s16+$0x360] =	vst v8;
	v9 =	vxor.u32 v9, v10;
	v10 =	vand.u32 $0x7FFFFFFF, v11;
	v11 =	vshra.s32 v2, $0x1F;
	v8 =	vld [tilespmem:s16+$0x3E0]  }
.LBB2_4:
0x7f: {  	p0 =	sne.s32 s17, $0x23000;
	[tilespmem:s16+$0x370] =	vst v9;
	v3 =	vxor.u32 v3, v10;
	v9 =	vand.u32 $0x7FFFFFFF, v11;
	v10 =	vshra.s32 v4, $0x1F;
	v11 =	vld [tilespmem:s16+$0x3F0]  }
0x80: {  	s18 =	sshra.s32 s17, $0x2;
	[tilespmem:s16+$0x380] =	vst v3;
	v2 =	vxor.u32 v2, v9;
	v3 =	vand.u32 $0x7FFFFFFF, v10;
	v9 =	vshra.s32 v5, $0x1F  }
0x81: {  	v10 =	vld [tilespmem:s18+$0x0];
	[tilespmem:s16+$0x390] =	vst v2;
	v2 =	vxor.u32 v4, v3;
	v3 =	vand.u32 $0x7FFFFFFF, v9;
	v4 =	vshra.s32 v6, $0x1F  }
0x82: {  	v9 =	vld [tilespmem:s18+$0x10];
	[tilespmem:s16+$0x3A0] =	vst v2;
	v2 =	vxor.u32 v5, v3;
	v3 =	vand.u32 $0x7FFFFFFF, v4;
	v4 =	vshra.s32 v7, $0x1F  }
0x83: {  	v5 =	vld [tilespmem:s18+$0x20];
	[tilespmem:s16+$0x3B0] =	vst v2;
	v2 =	vxor.u32 v6, v3;
	v3 =	vand.u32 $0x7FFFFFFF, v4;
	v4 =	vshra.s32 v8, $0x1F  }
0x84: {  	v6 =	vld [tilespmem:s18+$0x30];
	[tilespmem:s16+$0x3C0] =	vst v2;
	v2 =	vxor.u32 v7, v3;
	v3 =	vand.u32 $0x7FFFFFFF, v4;
	v4 =	vshra.s32 v11, $0x1F  }
0x85: {  	v7 =	vld [tilespmem:s18+$0x40];
	[tilespmem:s16+$0x3D0] =	vst v2;
	v2 =	vxor.u32 v8, v3;
	v3 =	vand.u32 $0x7FFFFFFF, v4  }
0x86: {  	v4 =	vshra.s32 v10, $0x1F;
	v8 =	vld [tilespmem:s18+$0x50];
	[tilespmem:s16+$0x3E0] =	vst v2;
	v2 =	vxor.u32 v11, v3  }
0x87: {  	v3 =	vand.u32 $0x7FFFFFFF, v4;
	v4 =	vshra.s32 v9, $0x1F;
	v11 =	vld [tilespmem:s18+$0x60];
	[tilespmem:s16+$0x3F0] =	vst v2;
	s16 =	smov.u32 s18  }
0x88: {  	v2 =	vxor.u32 v10, v3;
	v3 =	vand.u32 $0x7FFFFFFF, v4;
	v4 =	vshra.s32 v5, $0x1F;
	v10 =	vld [tilespmem:s16+$0x70]  }
0x89: {  	[tilespmem:s16+$0x0] =	vst v2;
	v2 =	vxor.u32 v9, v3;
	v3 =	vand.u32 $0x7FFFFFFF, v4;
	v4 =	vshra.s32 v6, $0x1F;
	v9 =	vld [tilespmem:s16+$0x80]  }
0x8a: {  	[tilespmem:s16+$0x10] =	vst v2;
	v2 =	vxor.u32 v5, v3;
	v3 =	vand.u32 $0x7FFFFFFF, v4;
	v4 =	vshra.s32 v7, $0x1F;
	v5 =	vld [tilespmem:s16+$0x90]  }
0x8b: {  	[tilespmem:s16+$0x20] =	vst v2;
	v2 =	vxor.u32 v6, v3;
	v3 =	vand.u32 $0x7FFFFFFF, v4;
	v4 =	vshra.s32 v8, $0x1F;
	v6 =	vld [tilespmem:s16+$0xA0]  }
0x8c: {  	[tilespmem:s16+$0x30] =	vst v2;
	v2 =	vxor.u32 v7, v3;
	v3 =	vand.u32 $0x7FFFFFFF, v4;
	v4 =	vshra.s32 v11, $0x1F;
	v7 =	vld [tilespmem:s16+$0xB0]  }
0x8d: {  	[tilespmem:s16+$0x40] =	vst v2;
	v2 =	vxor.u32 v8, v3;
	v3 =	vand.u32 $0x7FFFFFFF, v4;
	v4 =	vshra.s32 v10, $0x1F;
	v8 =	vld [tilespmem:s16+$0xC0]  }
0x8e: {  	[tilespmem:s16+$0x50] =	vst v2;
	v2 =	vxor.u32 v11, v3;
	v3 =	vand.u32 $0x7FFFFFFF, v4;
	v4 =	vshra.s32 v9, $0x1F;
	v11 =	vld [tilespmem:s16+$0xD0]  }
0x8f: {  	[tilespmem:s16+$0x60] =	vst v2;
	v2 =	vxor.u32 v10, v3;
	v3 =	vand.u32 $0x7FFFFFFF, v4;
	v4 =	vshra.s32 v5, $0x1F;
	v10 =	vld [tilespmem:s16+$0xE0]  }
0x90: {  	[tilespmem:s16+$0x70] =	vst v2;
	v2 =	vxor.u32 v9, v3;
	v3 =	vand.u32 $0x7FFFFFFF, v4;
	v4 =	vshra.s32 v6, $0x1F;
	v9 =	vld [tilespmem:s16+$0xF0]  }
0x91: {  	[tilespmem:s16+$0x80] =	vst v2;
	v2 =	vxor.u32 v5, v3;
	v3 =	vand.u32 $0x7FFFFFFF, v4;
	v4 =	vshra.s32 v7, $0x1F;
	v5 =	vld [tilespmem:s16+$0x100]  }
0x92: {  	[tilespmem:s16+$0x90] =	vst v2;
	v2 =	vxor.u32 v6, v3;
	v3 =	vand.u32 $0x7FFFFFFF, v4;
	v4 =	vshra.s32 v8, $0x1F;
	v6 =	vld [tilespmem:s16+$0x110]  }
0x93: {  	[tilespmem:s16+$0xA0] =	vst v2;
	v2 =	vxor.u32 v7, v3;
	v3 =	vand.u32 $0x7FFFFFFF, v4;
	v4 =	vshra.s32 v11, $0x1F;
	v7 =	vld [tilespmem:s16+$0x120]  }
0x94: {  	[tilespmem:s16+$0xB0] =	vst v2;
	v2 =	vxor.u32 v8, v3;
	v3 =	vand.u32 $0x7FFFFFFF, v4;
	v4 =	vshra.s32 v10, $0x1F;
	v8 =	vld [tilespmem:s16+$0x130]  }
0x95: {  	[tilespmem:s16+$0xC0] =	vst v2;
	v2 =	vxor.u32 v11, v3;
	v3 =	vand.u32 $0x7FFFFFFF, v4;
	v4 =	vshra.s32 v9, $0x1F;
	v11 =	vld [tilespmem:s16+$0x140]  }
0x96: {  	[tilespmem:s16+$0xD0] =	vst v2;
	v2 =	vxor.u32 v10, v3;
	v3 =	vand.u32 $0x7FFFFFFF, v4;
	v4 =	vshra.s32 v5, $0x1F;
	v10 =	vld [tilespmem:s16+$0x150]  }
0x97: {  	[tilespmem:s16+$0xE0] =	vst v2;
	v2 =	vxor.u32 v9, v3;
	v3 =	vand.u32 $0x7FFFFFFF, v4;
	v4 =	vshra.s32 v6, $0x1F;
	v9 =	vld [tilespmem:s16+$0x160]  }
0x98: {  	[tilespmem:s16+$0xF0] =	vst v2;
	v2 =	vxor.u32 v5, v3;
	v3 =	vand.u32 $0x7FFFFFFF, v4;
	v4 =	vshra.s32 v7, $0x1F;
	v5 =	vld [tilespmem:s16+$0x170]  }
0x99: {  	[tilespmem:s16+$0x100] =	vst v2;
	v2 =	vxor.u32 v6, v3;
	v3 =	vand.u32 $0x7FFFFFFF, v4;
	v4 =	vshra.s32 v8, $0x1F;
	v6 =	vld [tilespmem:s16+$0x180]  }
0x9a: {  	[tilespmem:s16+$0x110] =	vst v2;
	v2 =	vxor.u32 v7, v3;
	v3 =	vand.u32 $0x7FFFFFFF, v4;
	v4 =	vshra.s32 v11, $0x1F;
	v7 =	vld [tilespmem:s16+$0x190]  }
0x9b: {  	[tilespmem:s16+$0x120] =	vst v2;
	v2 =	vxor.u32 v8, v3;
	v3 =	vand.u32 $0x7FFFFFFF, v4;
	v4 =	vshra.s32 v10, $0x1F;
	v8 =	vld [tilespmem:s16+$0x1A0]  }
0x9c: {  	[tilespmem:s16+$0x130] =	vst v2;
	v2 =	vxor.u32 v11, v3;
	v3 =	vand.u32 $0x7FFFFFFF, v4;
	v4 =	vshra.s32 v9, $0x1F;
	v11 =	vld [tilespmem:s16+$0x1B0]  }
0x9d: {  	[tilespmem:s16+$0x140] =	vst v2;
	v2 =	vxor.u32 v10, v3;
	v3 =	vand.u32 $0x7FFFFFFF, v4;
	v4 =	vshra.s32 v5, $0x1F;
	v10 =	vld [tilespmem:s16+$0x1C0]  }
0x9e: {  	[tilespmem:s16+$0x150] =	vst v2;
	v2 =	vxor.u32 v9, v3;
	v3 =	vand.u32 $0x7FFFFFFF, v4;
	v4 =	vshra.s32 v6, $0x1F;
	v9 =	vld [tilespmem:s16+$0x1D0]  }
0x9f: {  	[tilespmem:s16+$0x160] =	vst v2;
	v2 =	vxor.u32 v5, v3;
	v3 =	vand.u32 $0x7FFFFFFF, v4;
	v4 =	vshra.s32 v7, $0x1F;
	v5 =	vld [tilespmem:s16+$0x1E0]  }
0xa0: {  	[tilespmem:s16+$0x170] =	vst v2;
	v2 =	vxor.u32 v6, v3;
	v3 =	vand.u32 $0x7FFFFFFF, v4;
	v4 =	vshra.s32 v8, $0x1F;
	v6 =	vld [tilespmem:s16+$0x1F0]  }
0xa1: {  	[tilespmem:s16+$0x180] =	vst v2;
	v2 =	vxor.u32 v7, v3;
	v3 =	vand.u32 $0x7FFFFFFF, v4;
	v4 =	vshra.s32 v11, $0x1F;
	v7 =	vld [tilespmem:s16+$0x200]  }
0xa2: {  	[tilespmem:s16+$0x190] =	vst v2;
	v2 =	vxor.u32 v8, v3;
	v3 =	vand.u32 $0x7FFFFFFF, v4;
	v4 =	vshra.s32 v10, $0x1F;
	v8 =	vld [tilespmem:s16+$0x210]  }
0xa3: {  	[tilespmem:s16+$0x1A0] =	vst v2;
	v2 =	vxor.u32 v11, v3;
	v3 =	vand.u32 $0x7FFFFFFF, v4;
	v4 =	vshra.s32 v9, $0x1F;
	v11 =	vld [tilespmem:s16+$0x220]  }
0xa4: {  	[tilespmem:s16+$0x1B0] =	vst v2;
	v2 =	vxor.u32 v10, v3;
	v3 =	vand.u32 $0x7FFFFFFF, v4;
	v4 =	vshra.s32 v5, $0x1F;
	v10 =	vld [tilespmem:s16+$0x230]  }
0xa5: {  	[tilespmem:s16+$0x1C0] =	vst v2;
	v2 =	vxor.u32 v9, v3;
	v3 =	vand.u32 $0x7FFFFFFF, v4;
	v4 =	vshra.s32 v6, $0x1F;
	v9 =	vld [tilespmem:s16+$0x240]  }
0xa6: {  	[tilespmem:s16+$0x1D0] =	vst v2;
	v2 =	vxor.u32 v5, v3;
	v3 =	vand.u32 $0x7FFFFFFF, v4;
	v4 =	vshra.s32 v7, $0x1F;
	v5 =	vld [tilespmem:s16+$0x250]  }
0xa7: {  	[tilespmem:s16+$0x1E0] =	vst v2;
	v2 =	vxor.u32 v6, v3;
	v3 =	vand.u32 $0x7FFFFFFF, v4;
	v4 =	vshra.s32 v8, $0x1F;
	v6 =	vld [tilespmem:s16+$0x260]  }
0xa8: {  	[tilespmem:s16+$0x1F0] =	vst v2;
	v2 =	vxor.u32 v7, v3;
	v3 =	vand.u32 $0x7FFFFFFF, v4;
	v4 =	vshra.s32 v11, $0x1F;
	v7 =	vld [tilespmem:s16+$0x270]  }
0xa9: {  	[tilespmem:s16+$0x200] =	vst v2;
	v2 =	vxor.u32 v8, v3;
	v3 =	vand.u32 $0x7FFFFFFF, v4;
	v4 =	vshra.s32 v10, $0x1F;
	v8 =	vld [tilespmem:s16+$0x280]  }
0xaa: {  	[tilespmem:s16+$0x210] =	vst v2;
	v2 =	vxor.u32 v11, v3;
	v3 =	vand.u32 $0x7FFFFFFF, v4;
	v4 =	vshra.s32 v9, $0x1F;
	v11 =	vld [tilespmem:s16+$0x290]  }
0xab: {  	[tilespmem:s16+$0x220] =	vst v2;
	v2 =	vxor.u32 v10, v3;
	v3 =	vand.u32 $0x7FFFFFFF, v4;
	v4 =	vshra.s32 v5, $0x1F;
	v10 =	vld [tilespmem:s16+$0x2A0]  }
0xac: {  	[tilespmem:s16+$0x230] =	vst v2;
	v2 =	vxor.u32 v9, v3;
	v3 =	vand.u32 $0x7FFFFFFF, v4;
	v4 =	vshra.s32 v6, $0x1F;
	v9 =	vld [tilespmem:s16+$0x2B0]  }
0xad: {  	[tilespmem:s16+$0x240] =	vst v2;
	v2 =	vxor.u32 v5, v3;
	v3 =	vand.u32 $0x7FFFFFFF, v4;
	v4 =	vshra.s32 v7, $0x1F;
	v5 =	vld [tilespmem:s16+$0x2C0]  }
0xae: {  	[tilespmem:s16+$0x250] =	vst v2;
	v2 =	vxor.u32 v6, v3;
	v3 =	vand.u32 $0x7FFFFFFF, v4;
	v4 =	vshra.s32 v8, $0x1F;
	v6 =	vld [tilespmem:s16+$0x2D0]  }
0xaf: {  	[tilespmem:s16+$0x260] =	vst v2;
	v2 =	vxor.u32 v7, v3;
	v3 =	vand.u32 $0x7FFFFFFF, v4;
	v4 =	vshra.s32 v11, $0x1F;
	v7 =	vld [tilespmem:s16+$0x2E0]  }
0xb0: {  	[tilespmem:s16+$0x270] =	vst v2;
	v2 =	vxor.u32 v8, v3;
	v3 =	vand.u32 $0x7FFFFFFF, v4;
	v4 =	vshra.s32 v10, $0x1F;
	v8 =	vld [tilespmem:s16+$0x2F0]  }
0xb1: {  	[tilespmem:s16+$0x280] =	vst v2;
	v2 =	vxor.u32 v11, v3;
	v3 =	vand.u32 $0x7FFFFFFF, v4;
	v4 =	vshra.s32 v9, $0x1F;
	v11 =	vld [tilespmem:s16+$0x300]  }
0xb2: {  	[tilespmem:s16+$0x290] =	vst v2;
	v2 =	vxor.u32 v10, v3;
	v3 =	vand.u32 $0x7FFFFFFF, v4;
	v4 =	vshra.s32 v5, $0x1F;
	v10 =	vld [tilespmem:s16+$0x310]  }
0xb3: {  	[tilespmem:s16+$0x2A0] =	vst v2;
	v2 =	vxor.u32 v9, v3;
	v3 =	vand.u32 $0x7FFFFFFF, v4;
	v4 =	vshra.s32 v6, $0x1F;
	v9 =	vld [tilespmem:s16+$0x320]  }
0xb4: {  	[tilespmem:s16+$0x2B0] =	vst v2;
	v2 =	vxor.u32 v5, v3;
	v3 =	vand.u32 $0x7FFFFFFF, v4;
	v4 =	vshra.s32 v7, $0x1F;
	v5 =	vld [tilespmem:s16+$0x330]  }
0xb5: {  	[tilespmem:s16+$0x2C0] =	vst v2;
	v2 =	vxor.u32 v6, v3;
	v3 =	vand.u32 $0x7FFFFFFF, v4;
	v4 =	vshra.s32 v8, $0x1F;
	v6 =	vld [tilespmem:s16+$0x340]  }
0xb6: {  	[tilespmem:s16+$0x2D0] =	vst v2;
	v2 =	vxor.u32 v7, v3;
	v3 =	vand.u32 $0x7FFFFFFF, v4;
	v4 =	vshra.s32 v11, $0x1F;
	v7 =	vld [tilespmem:s16+$0x350]  }
0xb7: {  	[tilespmem:s16+$0x2E0] =	vst v2;
	v2 =	vxor.u32 v8, v3;
	v3 =	vand.u32 $0x7FFFFFFF, v4;
	v4 =	vshra.s32 v10, $0x1F;
	v8 =	vld [tilespmem:s16+$0x360]  }
0xb8: {  	[tilespmem:s16+$0x2F0] =	vst v2;
	v2 =	vxor.u32 v11, v3;
	v3 =	vand.u32 $0x7FFFFFFF, v4;
	v4 =	vshra.s32 v9, $0x1F;
	v11 =	vld [tilespmem:s16+$0x370]  }
0xb9: {  	[tilespmem:s16+$0x300] =	vst v2;
	v2 =	vxor.u32 v10, v3;
	v4 =	vand.u32 $0x7FFFFFFF, v4;
	v10 =	vshra.s32 v5, $0x1F;
	v3 =	vld [tilespmem:s16+$0x380]  }
0xba: {  	[tilespmem:s16+$0x310] =	vst v2;
	v4 =	vxor.u32 v9, v4;
	v9 =	vand.u32 $0x7FFFFFFF, v10;
	v10 =	vshra.s32 v6, $0x1F;
	v2 =	vld [tilespmem:s16+$0x390]  }
.Ltmp5:
0xbb: {  	[tilespmem:s16+$0x320] =	vst v4;
	v5 =	vxor.u32 v5, v9;
	v9 =	vand.u32 $0x7FFFFFFF, v10;
	v10 =	vshra.s32 v7, $0x1F;
	v4 =	vld [tilespmem:s16+$0x3A0];
	(pc) =	sbr.rel @p0 .LBB2_4-.Ltmp5, $4  }
0xbc: {  	[tilespmem:s16+$0x330] =	vst v5;
	v6 =	vxor.u32 v6, v9;
	v9 =	vand.u32 $0x7FFFFFFF, v10;
	v10 =	vshra.s32 v8, $0x1F;
	v5 =	vld [tilespmem:s16+$0x3B0]  }
0xbd: {  	[tilespmem:s16+$0x340] =	vst v6;
	v7 =	vxor.u32 v7, v9;
	v9 =	vand.u32 $0x7FFFFFFF, v10;
	v10 =	vshra.s32 v11, $0x1F;
	v6 =	vld [tilespmem:s16+$0x3C0]  }
0xbe: {  	[tilespmem:s16+$0x350] =	vst v7;
	v8 =	vxor.u32 v8, v9;
	v9 =	vand.u32 $0x7FFFFFFF, v10;
	v10 =	vshra.s32 v3, $0x1F;
	v7 =	vld [tilespmem:s16+$0x3D0]  }
0xbf: {  	s17 =	sadd.s32 $0x1000, s17;
	[tilespmem:s16+$0x360] =	vst v8;
	v9 =	vxor.u32 v11, v9;
	v10 =	vand.u32 $0x7FFFFFFF, v10;
	v11 =	vshra.s32 v2, $0x1F;
	v8 =	vld [tilespmem:s16+$0x3E0]  }
0xc0: {  	[tilespmem:s16+$0x370] =	vst v9;
	v3 =	vxor.u32 v3, v10;
	v60 =	vand.u32 $0x7FFFFFFF, v11;
	v61 =	vshra.s32 v4, $0x1F;
	v62 =	vld [tilespmem:s16+$0x3F0]  }
0xc1: {  	[tilespmem:s16+$0x380] =	vst v3;
	v2 =	vxor.u32 v2, v60;
	v3 =	vand.u32 $0x7FFFFFFF, v61;
	v63 =	vshra.s32 v5, $0x1F  }
0xc2: {  	[tilespmem:s16+$0x390] =	vst v2;
	v2 =	vxor.u32 v4, v3;
	v3 =	vand.u32 $0x7FFFFFFF, v63;
	v4 =	vshra.s32 v6, $0x1F  }
0xc3: {  	[tilespmem:s16+$0x3A0] =	vst v2;
	v2 =	vxor.u32 v5, v3;
	v3 =	vand.u32 $0x7FFFFFFF, v4;
	v4 =	vshra.s32 v7, $0x1F  }
0xc4: {  	[tilespmem:s16+$0x3B0] =	vst v2;
	v2 =	vxor.u32 v6, v3;
	v3 =	vand.u32 $0x7FFFFFFF, v4;
	v4 =	vshra.s32 v8, $0x1F  }
0xc5: {  	[tilespmem:s16+$0x3C0] =	vst v2;
	v2 =	vxor.u32 v7, v3;
	v3 =	vand.u32 $0x7FFFFFFF, v4;
	v4 =	vshra.s32 v62, $0x1F  }
0xc6: {  	[tilespmem:s16+$0x3D0] =	vst v2;
	v2 =	vxor.u32 v8, v3;
	v3 =	vand.u32 $0x7FFFFFFF, v4  }
0xc7: {  	v5 =	vimm.s32 $0x0;
	v6 =	vimm.s32 $0x0;
	[tilespmem:s16+$0x3E0] =	vst v2;
	v2 =	vxor.u32 v62, v3  }
0xc8: {  	v4 =	vimm.s32 $0x0;
	v3 =	vimm.s32 $0x0;
	[tilespmem:s16+$0x3F0] =	vst v2;
	v2 =	vimm.s32 $0x0  }
.LBB2_6:
0xc9: {  	s16 =	simm.s32 $0x0  }
0xca: {  	v16 =	vld [tilespmem:s16+$0x280]  }
0xcb: {  	v17 =	vld [tilespmem:s16+$0x240]  }
0xcc: {  	v18 =	vld [tilespmem:s16+$0x1F0]  }
0xcd: {  	v19 =	vld [tilespmem:s16+$0x1C0]  }
0xce: {  	v20 =	vld [tilespmem:s16+$0x200]  }
0xcf: {  	v21 =	vld [tilespmem:s16+$0x180]  }
0xd0: {  	v22 =	vld [tilespmem:s16+$0x380]  }
0xd1: {  	v15 =	vld [tilespmem:s16+$0x140]  }
0xd2: {  	v23 =	vld [tilespmem:s16+$0x100]  }
0xd3: {  	v24 =	vld [tilespmem:s16+$0xC0]  }
0xd4: {  	v25 =	vld [tilespmem:s16+$0x1B0]  }
0xd5: {  	s17 =	sxor.u32 $0x1F, s15;
	v26 =	vld [tilespmem:s16+$0x80]  }
0xd6: {  	v7 =	vshll.u32 v0, s17;
	v27 =	vld [tilespmem:s16+$0x40]  }
0xd7: {  	v34 =	vld [tilespmem:s16+$0x2C0];
	v9 =	vbroadcast v7, $0x0  }
0xd8: {  	v36 =	vld [tilespmem:s16+$0x3C0]  }
0xd9: {  	v62 =	vld [tilespmem:s16+$0xA0];
	v10 =	vor.u32 v5, v9;
	v8 =	vor.u32 v4, v9;
	v7 =	vor.u32 v9, v3  }
0xda: {  	v50 =	vld [tilespmem:s16+$0x10];
	v9 =	vor.u32 v2, v9;
	v13 =	vxor.u32 $0x80000000, v10;
	v14 =	vxor.u32 $0x80000000, v7  }
0xdb: {  	v31 =	vld [tilespmem:s16+$0x370];
	v11 =	vxor.u32 $0x80000000, v8;
	v12 =	vxor.u32 $0x80000000, v9;
	vm0 =	vge.s32 v25, v14  }
0xdc: {  	v28 =	vld [tilespmem:s16+$0x2A0];
	vm1 =	vge.s32 v26, v13;
	vm2 =	vge.s32 v27, v13;
	vm3 =	vge.s32 v24, v13  }
0xdd: {  	v57 =	vld [tilespmem:s16+$0x130];
	vm4 =	vge.s32 v15, v13;
	vm14 =	vge.s32 v21, v13;
	vm15 =	vge.s32 v22, v13  }
0xde: {  	v59 =	vld [tilespmem:s16+$0x330];
	vm6 =	vge.s32 v17, v13;
	vm7 =	vge.s32 v16, v13;
	vm12 =	vge.s32 v34, v13  }
0xdf: {  	v30 =	vld [tilespmem:s16+$0x0];
	vm13 =	vge.s32 v36, v13;
	vm9 =	vge.s32 v62, v12;
	vm10 =	vge.s32 v50, v11  }
0xe0: {  	v32 =	vld [tilespmem:s16+$0xF0];
	vm11 =	vge.s32 v31, v14;
	v24 =	vsel vm2, $0x1, v1;
	v27 =	vsel vm3, $0x1, v1  }
0xe1: {  	v25 =	vld [tilespmem:s16+$0x30];
	vm2 =	vge.s32 v28, v12;
	vm3 =	vge.s32 v23, v13;
	v33 =	vsel vm4, $0x1, v1  }
0xe2: {  	v26 =	vld [tilespmem:s16+$0xB0];
	v28 =	vsel vm14, $0x1, v1;
	v23 =	vsel vm6, $0x1, v1;
	v17 =	vsel vm15, $0x1, v1  }
0xe3: {  	v46 =	vld [tilespmem:s16+$0x1E0];
	vm15 =	vge.s32 v57, v14;
	v43 =	vsel vm0, $0x1, v1;
	vm0 =	vge.s32 v59, v14  }
0xe4: {  	v37 =	vld [tilespmem:s16+$0x170];
	v62 =	vsel vm9, $0x1, v1;
	v15 =	vsel vm2, $0x1, v1;
	vm2 =	vge.s32 v30, v13  }
0xe5: {  	v58 =	vld [tilespmem:s16+$0x230];
	v52 =	vsel vm11, $0x1, v1;
	v44 =	vsel vm15, $0x1, v1;
	v21 =	vsel vm2, $0x1, v1  }
0xe6: {  	v30 =	vld [tilespmem:s16+$0x70];
	v16 =	vadd.s32 v21, v6;
	vm2 =	vge.s32 v25, v14;
	v25 =	vsel vm1, $0x1, v1  }
0xe7: {  	v39 =	vld [tilespmem:s16+$0x270];
	vm1 =	vge.s32 v19, v13;
	vm5 =	vge.s32 v26, v14;
	v24 =	vadd.s32 v24, v16  }
0xe8: {  	v40 =	vld [tilespmem:s16+$0x2B0];
	v16 =	vsel vm13, $0x1, v1;
	vm13 =	vge.s32 v46, v12;
	v35 =	vsel vm2, $0x1, v1  }
0xe9: {  	v61 =	vld [tilespmem:s16+$0x3B0];
	v22 =	vsel vm1, $0x1, v1;
	vm1 =	vge.s32 v18, v14;
	vm2 =	vge.s32 v32, v14  }
0xea: {  	v19 =	vld [tilespmem:s16+$0x300];
	v38 =	vsel vm5, $0x1, v1;
	v18 =	vsel vm7, $0x1, v1;
	v24 =	vadd.s32 v25, v24  }
0xeb: {  	v55 =	vld [tilespmem:s16+$0x50];
	v26 =	vsel vm1, $0x1, v1;
	vm1 =	vge.s32 v20, v13;
	vm8 =	vge.s32 v30, v14  }
0xec: {  	v20 =	vld [tilespmem:s16+$0x340];
	v30 =	vsel vm3, $0x1, v1;
	v35 =	vadd.s32 v35, v6;
	v63 =	vsel vm2, $0x1, v1  }
0xed: {  	v60 =	vld [tilespmem:s16+$0x2F0];
	v24 =	vadd.s32 v27, v24;
	v25 =	vsel vm1, $0x1, v1;
	vm1 =	vge.s32 v58, v14  }
0xee: {  	v56 =	vld [tilespmem:s16+$0x90];
	vm2 =	vge.s32 v61, v14;
	v24 =	vadd.s32 v30, v24;
	v45 =	vsel vm1, $0x1, v1  }
0xef: {  	v61 =	vld [tilespmem:s16+$0x150];
	vm1 =	vge.s32 v40, v14;
	vm3 =	vge.s32 v19, v13;
	v19 =	vsel vm12, $0x1, v1  }
0xf0: {  	v41 =	vld [tilespmem:s16+$0x20];
	v57 =	vsel vm1, $0x1, v1;
	vm1 =	vge.s32 v55, v11;
	v21 =	vsel vm3, $0x1, v1  }
0xf1: {  	v30 =	vld [tilespmem:s16+$0x110];
	vm3 =	vge.s32 v37, v14;
	v32 =	vsel vm1, $0x1, v1;
	vm14 =	vge.s32 v20, v13  }
0xf2: {  	v47 =	vld [tilespmem:s16+$0x1D0];
	v20 =	vsel vm8, $0x1, v1;
	v42 =	vsel vm3, $0x1, v1;
	vm3 =	vge.s32 v39, v14  }
0xf3: {  	v49 =	vld [tilespmem:s16+$0xE0];
	vm8 =	vge.s32 v60, v14;
	v60 =	vsel vm0, $0x1, v1;
	vm0 =	vge.s32 v56, v11  }
0xf4: {  	vm12 =	vge.s32 v61, v11;
	v56 =	vsel vm10, $0x1, v1;
	v35 =	vadd.s32 v20, v35  }
0xf5: {  	v55 =	vld [tilespmem:s16+$0x190];
	v20 =	vsel vm14, $0x1, v1;
	v51 =	vsel vm3, $0x1, v1;
	vm3 =	vge.s32 v41, v12  }
0xf6: {  	v29 =	vld [tilespmem:s16+$0x60];
	v58 =	vsel vm8, $0x1, v1;
	vm1 =	vge.s32 v30, v11;
	v41 =	vsel vm0, $0x1, v1  }
0xf7: {  	v48 =	vld [tilespmem:s16+$0x3F0];
	vm0 =	vge.s32 v47, v11;
	v35 =	vadd.s32 v38, v35;
	v31 =	vsel vm3, $0x1, v1  }
0xf8: {  	v54 =	vld [tilespmem:s16+$0x220];
	vm3 =	vge.s32 v49, v12;
	v38 =	vadd.s32 v56, v6;
	v35 =	vadd.s32 v63, v35  }
0xf9: {  	v59 =	vld [tilespmem:s16+$0x120];
	v31 =	vadd.s32 v31, v6;
	v39 =	vadd.s32 v32, v38;
	v35 =	vadd.s32 v44, v35  }
0xfa: {  	v27 =	vld [tilespmem:s16+$0xD0];
	v32 =	vsel vm1, $0x1, v1;
	vm15 =	vge.s32 v55, v11;
	v35 =	vadd.s32 v42, v35  }
0xfb: {  	v46 =	vld [tilespmem:s16+$0x350];
	v34 =	vsel vm15, $0x1, v1;
	v35 =	vadd.s32 v43, v35;
	v43 =	vadd.s32 v33, v24  }
0xfc: {  	v63 =	vld [tilespmem:s16+$0x1A0];
	v24 =	vsel vm2, $0x1, v1;
	vm2 =	vge.s32 v29, v12;
	v33 =	vsel vm0, $0x1, v1  }
0xfd: {  	v40 =	vld [tilespmem:s16+$0x290];
	v26 =	vadd.s32 v26, v35;
	v53 =	vsel vm2, $0x1, v1;
	vm2 =	vge.s32 v48, v14  }
0xfe: {  	v29 =	vld [tilespmem:s16+$0x160];
	v50 =	vadd.s32 v28, v43;
	v26 =	vadd.s32 v45, v26;
	v61 =	vadd.s32 v53, v31  }
0xff: {  	v49 =	vld [tilespmem:s16+$0x2D0];
	v36 =	vadd.s32 v51, v26;
	v26 =	vsel vm2, $0x1, v1;
	vm2 =	vge.s32 v27, v11  }
0x100: {  	v48 =	vld [tilespmem:s16+$0x260];
	v37 =	vadd.s32 v62, v61;
	v30 =	vsel vm2, $0x1, v1;
	v27 =	vadd.s32 v57, v36  }
0x101: {  	v62 =	vld [tilespmem:s16+$0x2E0];
	v57 =	vsel vm3, $0x1, v1;
	vm2 =	vge.s32 v59, v12;
	vm3 =	vge.s32 v63, v12  }
0x102: {  	v51 =	vld [tilespmem:s16+$0x320];
	v27 =	vadd.s32 v58, v27;
	v59 =	vsel vm2, $0x1, v1;
	vm2 =	vge.s32 v54, v12  }
0x103: {  	v58 =	vld [tilespmem:s16+$0x210];
	vm14 =	vge.s32 v29, v12;
	v31 =	vsel vm3, $0x1, v1;
	v29 =	vsel vm12, $0x1, v1  }
0x104: {  	v36 =	vadd.s32 v57, v37;
	v37 =	vsel vm13, $0x1, v1;
	v27 =	vadd.s32 v60, v27;
	v60 =	vld [tilespmem:s16+$0x250]  }
0x105: {  	v47 =	vld [tilespmem:s16+$0x360];
	v63 =	vsel vm14, $0x1, v1;
	v35 =	vadd.s32 v59, v36;
	v36 =	vsel vm2, $0x1, v1  }
0x106: {  	v44 =	vld [tilespmem:s16+$0x3A0];
	vm0 =	vge.s32 v48, v12;
	v27 =	vadd.s32 v52, v27;
	v45 =	vadd.s32 v63, v35  }
0x107: {  	v42 =	vld [tilespmem:s16+$0x310];
	v43 =	vsel vm0, $0x1, v1;
	vm0 =	vge.s32 v49, v11;
	vm2 =	vge.s32 v62, v12  }
0x108: {  	v48 =	vld [tilespmem:s16+$0x3E0];
	v35 =	vsel vm2, $0x1, v1;
	vm2 =	vge.s32 v51, v12;
	vm3 =	vge.s32 v58, v11  }
0x109: {  	s17 =	simm.s32 $0x1000;
	v49 =	vld [tilespmem:s16+$0x390];
	v38 =	vsel vm2, $0x1, v1;
	vm1 =	vge.s32 v60, v11;
	v28 =	vsel vm3, $0x1, v1  }
.LBB2_7:
0x10a: {  	p0 =	sne.s32 s17, $0x23000;
	v22 =	vadd.s32 v22, v50;
	vm2 =	vge.s32 v40, v11;
	vm3 =	vge.s32 v47, v12;
	v40 =	vld [tilespmem:s16+$0x3D0];
	s16 =	sshra.s32 s17, $0x2;
	s17 =	sadd.s32 $0x1000, s17  }
0x10b: {  	v47 =	vld [tilespmem:s16+$0x280];
	v22 =	vadd.s32 v25, v22;
	v25 =	vsel vm1, $0x1, v1;
	v50 =	vsel vm3, $0x1, v1  }
0x10c: {  	v39 =	vadd.s32 v41, v39;
	v41 =	vsel vm2, $0x1, v1;
	v51 =	vld [tilespmem:s16+$0x240];
	vm1 =	vge.s32 v46, v11  }
0x10d: {  	vm2 =	vge.s32 v42, v11;
	v22 =	vadd.s32 v23, v22;
	v46 =	vld [tilespmem:s16+$0x1F0];
	vm3 =	vge.s32 v48, v12  }
0x10e: {  	v31 =	vadd.s32 v31, v45;
	v42 =	vsel vm2, $0x1, v1;
	v23 =	vld [tilespmem:s16+$0x1C0];
	vm2 =	vge.s32 v49, v11  }
0x10f: {  	v31 =	vadd.s32 v37, v31;
	vm4 =	vge.s32 v44, v12;
	v37 =	vsel vm3, $0x1, v1;
	v45 =	vld [tilespmem:s16+$0x200]  }
0x110: {  	v30 =	vadd.s32 v30, v39;
	v31 =	vadd.s32 v36, v31;
	v36 =	vsel vm4, $0x1, v1;
	v44 =	vld [tilespmem:s16+$0x180]  }
0x111: {  	v30 =	vadd.s32 v32, v30;
	v32 =	vsel vm0, $0x1, v1;
	v31 =	vadd.s32 v43, v31;
	v39 =	vld [tilespmem:s16+$0x380]  }
0x112: {  	v29 =	vadd.s32 v29, v30;
	v18 =	vadd.s32 v18, v22;
	v15 =	vadd.s32 v15, v31;
	v43 =	vld [tilespmem:s16+$0x140]  }
0x113: {  	v29 =	vadd.s32 v34, v29;
	v18 =	vadd.s32 v19, v18;
	v15 =	vadd.s32 v35, v15;
	v22 =	vld [tilespmem:s16+$0x100]  }
0x114: {  	v29 =	vadd.s32 v33, v29;
	v18 =	vadd.s32 v21, v18;
	v15 =	vadd.s32 v38, v15;
	v19 =	vld [tilespmem:s16+$0xC0]  }
0x115: {  	v28 =	vadd.s32 v28, v29;
	v18 =	vadd.s32 v20, v18;
	v15 =	vadd.s32 v50, v15;
	v21 =	vld [tilespmem:s16+$0x1B0]  }
0x116: {  	v25 =	vadd.s32 v25, v28;
	v17 =	vadd.s32 v17, v18;
	v15 =	vadd.s32 v36, v15;
	v20 =	vld [tilespmem:s16+$0x80]  }
0x117: {  	v24 =	vadd.s32 v24, v27;
	v25 =	vadd.s32 v41, v25;
	v27 =	vadd.s32 v37, v15;
	v18 =	vld [tilespmem:s16+$0x40]  }
0x118: {  	v30 =	vadd.s32 v26, v24;
	v16 =	vadd.s32 v16, v17;
	v25 =	vadd.s32 v32, v25;
	v15 =	vld [tilespmem:s16+$0x2A0]  }
0x119: {  	v24 =	vsel vm1, $0x1, v1;
	v17 =	vadd.s32 v42, v25;
	v25 =	vsel vm2, $0x1, v1;
	v26 =	vld [tilespmem:s16+$0x60]  }
0x11a: {  	vm1 =	vge.s32 v40, v11;
	v17 =	vadd.s32 v24, v17;
	v28 =	vld [tilespmem:s16+$0x0];
	vm0 =	vge.s32 v21, v14  }
0x11b: {  	v17 =	vadd.s32 v25, v17;
	vm2 =	vge.s32 v20, v13;
	v24 =	vld [tilespmem:s16+$0x370];
	v20 =	vsel vm1, $0x1, v1  }
0x11c: {  	vm3 =	vge.s32 v19, v13;
	v21 =	vld [tilespmem:s16+$0x30];
	vm1 =	vge.s32 v18, v13;
	v29 =	vadd.s32 v20, v17  }
0x11d: {  	v31 =	vsel vm3, $0x1, v1;
	v17 =	vsel vm1, $0x1, v1;
	v18 =	vld [tilespmem:s16+$0xB0];
	vm1 =	vge.s32 v15, v12  }
0x11e: {  	vm4 =	vge.s32 v43, v13;
	vm3 =	vge.s32 v22, v13;
	v19 =	vld [tilespmem:s16+$0xF0];
	v15 =	vsel vm1, $0x1, v1  }
0x11f: {  	v32 =	vsel vm4, $0x1, v1;
	vm4 =	vge.s32 v44, v13;
	vm1 =	vge.s32 v28, v13;
	v20 =	vld [tilespmem:s16+$0x70]  }
0x120: {  	v28 =	vsel vm4, $0x1, v1;
	vm4 =	vge.s32 v39, v13;
	v25 =	vsel vm1, $0x1, v1;
	v33 =	vld [tilespmem:s16+$0x2C0]  }
0x121: {  	v34 =	vsel vm2, $0x1, v1;
	vm2 =	vge.s32 v23, v13;
	vm1 =	vge.s32 v21, v14;
	v21 =	vld [tilespmem:s16+$0x300]  }
0x122: {  	v22 =	vsel vm2, $0x1, v1;
	v35 =	vsel vm1, $0x1, v1;
	vm1 =	vge.s32 v46, v14;
	v36 =	vld [tilespmem:s16+$0x3C0]  }
0x123: {  	vm2 =	vge.s32 v45, v13;
	vm5 =	vge.s32 v18, v14;
	v37 =	vsel vm1, $0x1, v1;
	v38 =	vld [tilespmem:s16+$0x340]  }
0x124: {  	vm7 =	vge.s32 v47, v13;
	vm6 =	vge.s32 v51, v13;
	vm1 =	vge.s32 v19, v14;
	v39 =	vld [tilespmem:s16+$0x130]  }
0x125: {  	v23 =	vsel vm6, $0x1, v1;
	v16 =	vadd.s32 v25, v16;
	v25 =	vld [tilespmem:s16+$0x170];
	vm6 =	vge.s32 v33, v13  }
0x126: {  	vm8 =	vge.s32 v20, v14;
	v33 =	vsel vm3, $0x1, v1;
	v40 =	vld [tilespmem:s16+$0x230];
	vm3 =	vge.s32 v21, v13  }
0x127: {  	v18 =	vsel vm7, $0x1, v1;
	v41 =	vsel vm5, $0x1, v1;
	v42 =	vld [tilespmem:s16+$0x270];
	vm5 =	vge.s32 v36, v13  }
0x128: {  	v36 =	vadd.s32 v17, v16;
	v17 =	vsel vm4, $0x1, v1;
	v43 =	vld [tilespmem:s16+$0x330];
	v16 =	vsel vm5, $0x1, v1  }
0x129: {  	v20 =	vadd.s32 v35, v30;
	v19 =	vsel vm6, $0x1, v1;
	vm4 =	vge.s32 v38, v13;
	v30 =	vld [tilespmem:s16+$0x2B0]  }
0x12a: {  	v35 =	vsel vm8, $0x1, v1;
	v21 =	vsel vm3, $0x1, v1;
	vm5 =	vge.s32 v39, v14;
	v38 =	vld [tilespmem:s16+$0x2F0]  }
0x12b: {  	v35 =	vadd.s32 v35, v20;
	v20 =	vsel vm4, $0x1, v1;
	vm3 =	vge.s32 v25, v14;
	v39 =	vld [tilespmem:s16+$0x3B0]  }
0x12c: {  	v34 =	vadd.s32 v34, v36;
	v36 =	vsel vm3, $0x1, v1;
	v44 =	vld [tilespmem:s16+$0x20];
	vm3 =	vge.s32 v42, v14  }
0x12d: {  	v45 =	vsel vm0, $0x1, v1;
	v25 =	vsel vm2, $0x1, v1;
	v42 =	vld [tilespmem:s16+$0xA0];
	vm0 =	vge.s32 v43, v14  }
0x12e: {  	v46 =	vsel vm5, $0x1, v1;
	v43 =	vsel vm1, $0x1, v1;
	vm1 =	vge.s32 v40, v14;
	v40 =	vld [tilespmem:s16+$0x3F0]  }
0x12f: {  	v35 =	vadd.s32 v41, v35;
	v47 =	vsel vm1, $0x1, v1;
	vm1 =	vge.s32 v30, v14;
	v41 =	vld [tilespmem:s16+$0xE0]  }
0x130: {  	v35 =	vadd.s32 v43, v35;
	v43 =	vsel vm3, $0x1, v1;
	v30 =	vld [tilespmem:s16+$0x10];
	vm3 =	vge.s32 v39, v14  }
0x131: {  	v35 =	vadd.s32 v46, v35;
	vm2 =	vge.s32 v38, v14;
	vm4 =	vge.s32 v44, v12;
	v39 =	vld [tilespmem:s16+$0x50]  }
0x132: {  	v35 =	vadd.s32 v36, v35;
	v36 =	vsel vm1, $0x1, v1;
	v38 =	vld [tilespmem:s16+$0x90];
	vm5 =	vge.s32 v42, v12  }
0x133: {  	v31 =	vadd.s32 v31, v34;
	v35 =	vadd.s32 v45, v35;
	v42 =	vsel vm2, $0x1, v1;
	v34 =	vld [tilespmem:s16+$0xD0]  }
0x134: {  	v31 =	vadd.s32 v33, v31;
	v35 =	vadd.s32 v37, v35;
	v37 =	vsel vm0, $0x1, v1;
	v33 =	vld [tilespmem:s16+$0x120]  }
0x135: {  	v48 =	vadd.s32 v32, v31;
	v31 =	vadd.s32 v47, v35;
	vm2 =	vge.s32 v30, v11;
	v30 =	vld [tilespmem:s16+$0x110]  }
0x136: {  	vm6 =	vge.s32 v24, v14;
	v24 =	vsel vm3, $0x1, v1;
	vm1 =	vge.s32 v39, v11;
	v32 =	vld [tilespmem:s16+$0x150]  }
0x137: {  	vm3 =	vge.s32 v26, v12;
	v35 =	vsel vm4, $0x1, v1;
	vm0 =	vge.s32 v38, v11;
	v38 =	vld [tilespmem:s16+$0x160]  }
0x138: {  	v46 =	vsel vm6, $0x1, v1;
	v44 =	vsel vm5, $0x1, v1;
	v39 =	vsel vm1, $0x1, v1;
	v45 =	vld [tilespmem:s16+$0x1A0]  }
0x139: {  	v47 =	vsel vm3, $0x1, v1;
	vm3 =	vge.s32 v40, v14;
	v35 =	vadd.s32 v35, v27;
	v27 =	vld [tilespmem:s16+$0x1E0]  }
0x13a: {  	v31 =	vadd.s32 v43, v31;
	v26 =	vsel vm3, $0x1, v1;
	vm1 =	vge.s32 v30, v11;
	v40 =	vld [tilespmem:s16+$0x220]  }
0x13b: {  	vm4 =	vge.s32 v41, v12;
	vm3 =	vge.s32 v34, v11;
	vm5 =	vge.s32 v32, v11;
	v34 =	vld [tilespmem:s16+$0x190]  }
0x13c: {  	v31 =	vadd.s32 v36, v31;
	v30 =	vsel vm3, $0x1, v1;
	v32 =	vsel vm2, $0x1, v1;
	v43 =	vld [tilespmem:s16+$0x1D0]  }
0x13d: {  	v36 =	vsel vm4, $0x1, v1;
	v31 =	vadd.s32 v42, v31;
	vm2 =	vge.s32 v33, v12;
	v49 =	vld [tilespmem:s16+$0x260]  }
0x13e: {  	vm3 =	vge.s32 v45, v12;
	vm4 =	vge.s32 v27, v12;
	v33 =	vld [tilespmem:s16+$0x210];
	v27 =	vadd.s32 v37, v31  }
0x13f: {  	v37 =	vsel vm2, $0x1, v1;
	vm2 =	vge.s32 v40, v12;
	v45 =	vld [tilespmem:s16+$0x250];
	v27 =	vadd.s32 v46, v27  }
0x140: {  	v35 =	vadd.s32 v47, v35;
	vm6 =	vge.s32 v38, v12;
	v31 =	vsel vm3, $0x1, v1;
	v40 =	vld [tilespmem:s16+$0x290]  }
0x141: {  	v35 =	vadd.s32 v44, v35;
	v32 =	vadd.s32 v32, v29;
	v29 =	vsel vm5, $0x1, v1;
	v38 =	vld [tilespmem:s16+$0x2E0]  }
0x142: {  	v35 =	vadd.s32 v36, v35;
	v39 =	vadd.s32 v39, v32;
	v44 =	vsel vm6, $0x1, v1;
	v51 =	vld [tilespmem:s16+$0x2D0]  }
0x143: {  	v41 =	vsel vm0, $0x1, v1;
	v32 =	vsel vm1, $0x1, v1;
	v35 =	vadd.s32 v37, v35;
	v52 =	vld [tilespmem:s16+$0x320]  }
0x144: {  	v37 =	vsel vm4, $0x1, v1;
	vm0 =	vge.s32 v43, v11;
	vm3 =	vge.s32 v33, v11;
	v42 =	vld [tilespmem:s16+$0x310]  }
.Ltmp6:
0x145: {  	vm4 =	vge.s32 v34, v11;
	v36 =	vsel vm2, $0x1, v1;
	vm1 =	vge.s32 v45, v11;
	v47 =	vld [tilespmem:s16+$0x360];
	(pc) =	sbr.rel @p0 .LBB2_7-.Ltmp6, $4  }
0x146: {  	v34 =	vsel vm4, $0x1, v1;
	v45 =	vadd.s32 v44, v35;
	vm2 =	vge.s32 v38, v12;
	v44 =	vld [tilespmem:s16+$0x3A0]  }
0x147: {  	v33 =	vsel vm0, $0x1, v1;
	vm0 =	vge.s32 v49, v12;
	v35 =	vsel vm2, $0x1, v1;
	v46 =	vld [tilespmem:s16+$0x350]  }
0x148: {  	v50 =	vadd.s32 v28, v48;
	v43 =	vsel vm0, $0x1, v1;
	vm2 =	vge.s32 v52, v12;
	v48 =	vld [tilespmem:s16+$0x3E0]  }
0x149: {  	v28 =	vsel vm3, $0x1, v1;
	vm0 =	vge.s32 v51, v11;
	v38 =	vsel vm2, $0x1, v1;
	v49 =	vld [tilespmem:s16+$0x390]  }
0x14a: {  	v13 =	vadd.s32 v22, v50  }
0x14b: {  	vm2 =	vge.s32 v40, v11;
	vm3 =	vge.s32 v47, v12;
	v14 =	vsel vm1, $0x1, v1  }
0x14c: {  	v47 =	vadd.s32 v41, v39;
	vm8 =	vge.s32 v42, v11;
	v51 =	vadd.s32 v31, v45  }
0x14d: {  	v55 =	vsel vm0, $0x1, v1;
	v58 =	vadd.s32 v24, v27;
	v13 =	vadd.s32 v25, v13  }
0x14e: {  	v63 =	vsel vm3, $0x1, v1;
	v50 =	vsel vm2, $0x1, v1;
	v52 =	vsel vm8, $0x1, v1  }
0x14f: {  	vm4 =	vge.s32 v44, v12;
	v25 =	vadd.s32 v30, v47;
	vm15 =	vge.s32 v46, v11  }
0x150: {  	v13 =	vadd.s32 v23, v13;
	v23 =	vadd.s32 v37, v51;
	v54 =	vsel vm4, $0x1, v1  }
0x151: {  	v57 =	vld [tilespmem:s16+$0x3D0];
	v25 =	vadd.s32 v32, v25;
	vm9 =	vge.s32 v48, v12;
	v23 =	vadd.s32 v36, v23  }
0x152: {  	v25 =	vadd.s32 v29, v25;
	v13 =	vadd.s32 v18, v13;
	v59 =	vsel vm15, $0x1, v1  }
0x153: {  	vm10 =	vge.s32 v49, v11;
	v53 =	vsel vm9, $0x1, v1;
	v56 =	vadd.s32 v34, v25  }
0x154: {  	v23 =	vadd.s32 v43, v23;
	v13 =	vadd.s32 v19, v13;
	v18 =	vadd.s32 v33, v56  }
0x155: {  	v15 =	vadd.s32 v15, v23;
	v13 =	vadd.s32 v21, v13;
	v18 =	vadd.s32 v28, v18  }
0x156: {  	v60 =	vsel vm10, $0x1, v1;
	vm11 =	vge.s32 v57, v11;
	v14 =	vadd.s32 v14, v18  }
0x157: {  	v15 =	vadd.s32 v35, v15;
	v13 =	vadd.s32 v20, v13;
	v14 =	vadd.s32 v50, v14  }
0x158: {  	s15 =	sadd.s32 $0x1, s15;
	v62 =	vsel vm11, $0x1, v1;
	v15 =	vadd.s32 v38, v15;
	v14 =	vadd.s32 v55, v14  }
0x159: {  	p0 =	sne.s32 s15, $0x20;
	v13 =	vadd.s32 v17, v13;
	v15 =	vadd.s32 v63, v15;
	v14 =	vadd.s32 v52, v14  }
.Ltmp7:
0x15a: {  	v13 =	vadd.s32 v16, v13;
	v63 =	vadd.s32 v26, v58;
	v14 =	vadd.s32 v59, v14;
	(pc) =	sbr.rel @p0 .LBB2_6-.Ltmp7, $4  }
0x15b: {  	v15 =	vadd.s32 v54, v15;
	vm12 =	vgt.s32 v13, $0x7F;
	v61 =	vadd.s32 v60, v14  }
0x15c: {  	vm15 =	vgt.s32 v63, $0x7F;
	v12 =	vadd.s32 v53, v15;
	v11 =	vadd.s32 v62, v61  }
0x15d: {  	v5 =	vsel vm12, v10, v5;
	vm14 =	vgt.s32 v12, $0x7F;
	vm13 =	vgt.s32 v11, $0x7F  }
0x15e: {  	v3 =	vsel vm15, v7, v3;
	v2 =	vsel vm14, v9, v2;
	v4 =	vsel vm13, v8, v4  }
0x15f: {  	s15 =	simm.s32 $0x0  }
0x160: {  	v6 =	vld [tilespmem:s15+$0x0]  }
0x161: {  	v9 =	vld [tilespmem:s15+$0x30]  }
0x162: {  	v26 =	vld [tilespmem:s15+$0xD0]  }
0x163: {  	v27 =	vld [tilespmem:s15+$0xE0]  }
0x164: {  	v28 =	vld [tilespmem:s15+$0xF0]  }
0x165: {  	v29 =	vld [tilespmem:s15+$0x100]  }
0x166: {  	v30 =	vld [tilespmem:s15+$0x110]  }
0x167: {  	v31 =	vld [tilespmem:s15+$0x120]  }
0x168: {  	v20 =	vld [tilespmem:s15+$0x140]  }
0x169: {  	v21 =	vld [tilespmem:s15+$0x150]  }
0x16a: {  	v18 =	vld [tilespmem:s15+$0x160]  }
0x16b: {  	v5 =	vxor.u32 $0x80000000, v5;
	v4 =	vxor.u32 $0x80000000, v4;
	v15 =	vld [tilespmem:s15+$0x170]  }
0x16c: {  	v2 =	vxor.u32 $0x80000000, v2;
	v3 =	vxor.u32 $0x80000000, v3;
	v16 =	vld [tilespmem:s15+$0x180];
	v11 =	vshra.s32 v6, $0x1F  }
0x16d: {  	v7 =	vld [tilespmem:s15+$0x10];
	vm0 =	vlt.s32 v6, v5;
	vm1 =	vlt.s32 v9, v3;
	v53 =	vshra.s32 v26, $0x1F  }
0x16e: {  	v56 =	vshra.s32 v27, $0x1F;
	v57 =	vshra.s32 v28, $0x1F;
	v59 =	vshra.s32 v29, $0x1F  }
0x16f: {  	v8 =	vld [tilespmem:s15+$0x20];
	v61 =	vshra.s32 v30, $0x1F;
	v63 =	vshra.s32 v31, $0x1F;
	v40 =	vshra.s32 v20, $0x1F  }
0x170: {  	v43 =	vshra.s32 v21, $0x1F;
	v46 =	vshra.s32 v18, $0x1F;
	v48 =	vshra.s32 v15, $0x1F  }
0x171: {  	v49 =	vshra.s32 v16, $0x1F;
	v11 =	vand.u32 $0x7FFFFFFF, v11;
	v58 =	vand.u32 $0x7FFFFFFF, v57  }
0x172: {  	v10 =	vld [tilespmem:s15+$0x40];
	v42 =	vand.u32 $0x7FFFFFFF, v40;
	v11 =	vxor.u32 v6, v11;
	v6 =	vshra.s32 v7, $0x1F  }
0x173: {  	v12 =	vld [tilespmem:s15+$0x50];
	v45 =	vand.u32 $0x7FFFFFFF, v43;
	v33 =	vsel vm0, $0x0, v11;
	v6 =	vand.u32 $0x7FFFFFFF, v6  }
0x174: {  	v14 =	vld [tilespmem:s15+$0x60];
	vm0 =	vlt.s32 v7, v4;
	v6 =	vxor.u32 v7, v6;
	v7 =	vshra.s32 v8, $0x1F  }
0x175: {  	v34 =	vsel vm0, $0x0, v6;
	v6 =	vand.u32 $0x7FFFFFFF, v7;
	v7 =	vshra.s32 v9, $0x1F  }
0x176: {  	vm0 =	vlt.s32 v8, v2;
	v6 =	vxor.u32 v8, v6;
	v7 =	vand.u32 $0x7FFFFFFF, v7  }
0x177: {  	v17 =	vld [tilespmem:s15+$0x70];
	v8 =	vshra.s32 v10, $0x1F;
	v7 =	vxor.u32 v9, v7;
	v35 =	vsel vm0, $0x0, v6  }
0x178: {  	v6 =	vand.u32 $0x7FFFFFFF, v8;
	vm0 =	vlt.s32 v10, v5;
	v36 =	vsel vm1, $0x0, v7  }
0x179: {  	v19 =	vld [tilespmem:s15+$0x80];
	v6 =	vxor.u32 v10, v6;
	v7 =	vshra.s32 v12, $0x1F;
	vm1 =	vlt.s32 v14, v2  }
0x17a: {  	v22 =	vld [tilespmem:s15+$0x90];
	v37 =	vsel vm0, $0x0, v6;
	v6 =	vand.u32 $0x7FFFFFFF, v7;
	v7 =	vshra.s32 v14, $0x1F  }
0x17b: {  	v23 =	vld [tilespmem:s15+$0xA0];
	vm0 =	vlt.s32 v12, v4;
	v9 =	vxor.u32 v12, v6;
	v6 =	vand.u32 $0x7FFFFFFF, v7  }
0x17c: {  	[tilespmem:s15+$0x30] =	vst v36;
	v36 =	vand.u32 $0x7FFFFFFF, v63;
	v12 =	vshra.s32 v17, $0x1F;
	v7 =	vxor.u32 v14, v6  }
0x17d: {  	v38 =	vsel vm0, $0x0, v9;
	v9 =	vand.u32 $0x7FFFFFFF, v12;
	vm0 =	vlt.s32 v17, v3  }
0x17e: {  	v24 =	vld [tilespmem:s15+$0xB0];
	v12 =	vshra.s32 v19, $0x1F;
	v39 =	vsel vm1, $0x0, v7;
	v9 =	vxor.u32 v17, v9  }
0x17f: {  	v25 =	vld [tilespmem:s15+$0xC0];
	v51 =	vsel vm0, $0x0, v9;
	v9 =	vand.u32 $0x7FFFFFFF, v12;
	v12 =	vshra.s32 v22, $0x1F  }
0x180: {  	v32 =	vld [tilespmem:s15+$0x130];
	vm1 =	vlt.s32 v22, v4;
	v17 =	vshra.s32 v23, $0x1F;
	v12 =	vand.u32 $0x7FFFFFFF, v12  }
0x181: {  	vm0 =	vlt.s32 v19, v5;
	v14 =	vxor.u32 v19, v9;
	v12 =	vxor.u32 v22, v12  }
0x182: {  	v19 =	vsel vm0, $0x0, v14;
	v22 =	vsel vm1, $0x0, v12;
	v12 =	vand.u32 $0x7FFFFFFF, v17  }
0x183: {  	vm0 =	vlt.s32 v23, v2;
	v17 =	vshra.s32 v24, $0x1F;
	v14 =	vxor.u32 v23, v12  }
0x184: {  	[tilespmem:s15+$0x40] =	vst v37;
	v23 =	vsel vm0, $0x0, v14;
	v14 =	vand.u32 $0x7FFFFFFF, v17;
	v17 =	vshra.s32 v25, $0x1F  }
0x185: {  	v37 =	vxor.u32 v31, v36;
	[tilespmem:s15+$0x50] =	vst v38;
	v38 =	vshra.s32 v32, $0x1F;
	v17 =	vand.u32 $0x7FFFFFFF, v17  }
0x186: {  	vm1 =	vlt.s32 v25, v5;
	vm0 =	vlt.s32 v24, v3;
	v17 =	vxor.u32 v25, v17  }
0x187: {  	v52 =	vxor.u32 v24, v14;
	v55 =	vsel vm1, $0x0, v17;
	v17 =	vand.u32 $0x7FFFFFFF, v53  }
0x188: {  	v54 =	vsel vm0, $0x0, v52;
	vm0 =	vlt.s32 v26, v4;
	v24 =	vxor.u32 v26, v17  }
0x189: {  	vm1 =	vlt.s32 v28, v3;
	v26 =	vand.u32 $0x7FFFFFFF, v56;
	v24 =	vsel vm0, $0x0, v24  }
0x18a: {  	v26 =	vxor.u32 v27, v26;
	vm0 =	vlt.s32 v27, v2;
	v27 =	vxor.u32 v28, v58  }
0x18b: {  	v28 =	vand.u32 $0x7FFFFFFF, v59;
	v26 =	vsel vm0, $0x0, v26;
	v27 =	vsel vm1, $0x0, v27  }
0x18c: {  	v28 =	vxor.u32 v29, v28;
	vm0 =	vlt.s32 v29, v5;
	v29 =	vand.u32 $0x7FFFFFFF, v61  }
0x18d: {  	[tilespmem:s15+$0x20] =	vst v35;
	vm1 =	vlt.s32 v31, v2;
	v28 =	vsel vm0, $0x0, v28;
	v35 =	vxor.u32 v30, v29  }
0x18e: {  	vm0 =	vlt.s32 v30, v4;
	v25 =	vsel vm1, $0x0, v37;
	v29 =	vand.u32 $0x7FFFFFFF, v38  }
0x18f: {  	[tilespmem:s15+$0xA0] =	vst v23;
	v23 =	vsel vm0, $0x0, v35;
	v29 =	vxor.u32 v32, v29;
	vm0 =	vlt.s32 v32, v3  }
0x190: {  	v13 =	vld [tilespmem:s15+$0x190];
	vm1 =	vlt.s32 v21, v4;
	v41 =	vsel vm0, $0x0, v29;
	v29 =	vxor.u32 v20, v42  }
0x191: {  	v11 =	vld [tilespmem:s15+$0x1B0];
	vm0 =	vlt.s32 v20, v5;
	v20 =	vxor.u32 v21, v45;
	v21 =	vand.u32 $0x7FFFFFFF, v46  }
0x192: {  	v10 =	vld [tilespmem:s15+$0x1A0];
	v29 =	vsel vm0, $0x0, v29;
	v21 =	vxor.u32 v18, v21;
	vm0 =	vlt.s32 v18, v2  }
0x193: {  	v20 =	vsel vm1, $0x0, v20;
	v18 =	vand.u32 $0x7FFFFFFF, v48;
	v21 =	vsel vm0, $0x0, v21  }
0x194: {  	v18 =	vxor.u32 v15, v18;
	vm0 =	vlt.s32 v15, v3;
	v15 =	vand.u32 $0x7FFFFFFF, v49  }
0x195: {  	v8 =	vld [tilespmem:s15+$0x1C0];
	vm1 =	vlt.s32 v16, v5;
	v15 =	vxor.u32 v16, v15;
	v16 =	vshra.s32 v13, $0x1F  }
0x196: {  	v7 =	vld [tilespmem:s15+$0x1E0];
	v52 =	vshra.s32 v11, $0x1F;
	v18 =	vsel vm0, $0x0, v18;
	v16 =	vand.u32 $0x7FFFFFFF, v16  }
0x197: {  	v6 =	vld [tilespmem:s15+$0x1D0];
	vm0 =	vlt.s32 v13, v4;
	v16 =	vxor.u32 v13, v16;
	v13 =	vshra.s32 v10, $0x1F  }
0x198: {  	v15 =	vsel vm1, $0x0, v15;
	v16 =	vsel vm0, $0x0, v16;
	v13 =	vand.u32 $0x7FFFFFFF, v13  }
0x199: {  	vm0 =	vlt.s32 v10, v2;
	v13 =	vxor.u32 v10, v13;
	v10 =	vand.u32 $0x7FFFFFFF, v52  }
0x19a: {  	v9 =	vld [tilespmem:s15+$0x1F0];
	vm1 =	vlt.s32 v11, v3;
	v10 =	vxor.u32 v11, v10;
	v11 =	vshra.s32 v8, $0x1F  }
0x19b: {  	v14 =	vld [tilespmem:s15+$0x210];
	[tilespmem:s15+$0xC0] =	vst v55;
	v55 =	vshra.s32 v7, $0x1F;
	v13 =	vsel vm0, $0x0, v13;
	v11 =	vand.u32 $0x7FFFFFFF, v11  }
0x19c: {  	v12 =	vld [tilespmem:s15+$0x200];
	vm0 =	vlt.s32 v8, v5;
	v11 =	vxor.u32 v8, v11;
	v8 =	vshra.s32 v6, $0x1F  }
0x19d: {  	v10 =	vsel vm1, $0x0, v10;
	v11 =	vsel vm0, $0x0, v11;
	v8 =	vand.u32 $0x7FFFFFFF, v8  }
0x19e: {  	vm0 =	vlt.s32 v6, v4;
	v8 =	vxor.u32 v6, v8;
	v6 =	vand.u32 $0x7FFFFFFF, v55  }
0x19f: {  	[tilespmem:s15+$0x0] =	vst v33;
	v17 =	vld [tilespmem:s15+$0x220];
	vm1 =	vlt.s32 v7, v2;
	v6 =	vxor.u32 v7, v6;
	v7 =	vshra.s32 v9, $0x1F  }
0x1a0: {  	v62 =	vld [tilespmem:s15+$0x240];
	[tilespmem:s15+$0x190] =	vst v16;
	v16 =	vshra.s32 v14, $0x1F;
	v8 =	vsel vm0, $0x0, v8;
	v7 =	vand.u32 $0x7FFFFFFF, v7  }
0x1a1: {  	v60 =	vld [tilespmem:s15+$0x230];
	[tilespmem:s15+$0x10] =	vst v34;
	vm0 =	vlt.s32 v9, v3;
	v7 =	vxor.u32 v9, v7;
	v9 =	vshra.s32 v12, $0x1F  }
0x1a2: {  	[tilespmem:s15+$0x60] =	vst v39;
	v6 =	vsel vm1, $0x0, v6;
	v7 =	vsel vm0, $0x0, v7;
	v9 =	vand.u32 $0x7FFFFFFF, v9  }
0x1a3: {  	v39 =	vld [tilespmem:s15+$0x250];
	[tilespmem:s15+$0x70] =	vst v51;
	vm0 =	vlt.s32 v12, v5;
	v9 =	vxor.u32 v12, v9;
	v12 =	vand.u32 $0x7FFFFFFF, v16  }
0x1a4: {  	[tilespmem:s15+$0x80] =	vst v19;
	vm1 =	vlt.s32 v14, v4;
	v12 =	vxor.u32 v14, v12;
	v14 =	vshra.s32 v17, $0x1F  }
0x1a5: {  	v44 =	vld [tilespmem:s15+$0x260];
	[tilespmem:s15+$0x1B0] =	vst v10;
	v16 =	vshra.s32 v62, $0x1F;
	v10 =	vsel vm1, $0x0, v12;
	v12 =	vand.u32 $0x7FFFFFFF, v14  }
0x1a6: {  	v47 =	vld [tilespmem:s15+$0x270];
	[tilespmem:s15+$0x1C0] =	vst v11;
	v9 =	vsel vm0, $0x0, v9;
	v11 =	vxor.u32 v17, v12;
	v12 =	vshra.s32 v60, $0x1F  }
0x1a7: {  	[tilespmem:s15+$0x90] =	vst v22;
	v53 =	vld [tilespmem:s15+$0x2A0];
	vm0 =	vlt.s32 v17, v2;
	vm1 =	vlt.s32 v62, v5;
	v12 =	vand.u32 $0x7FFFFFFF, v12  }
0x1a8: {  	[tilespmem:s15+$0x1D0] =	vst v8;
	v17 =	vshra.s32 v39, $0x1F;
	v8 =	vxor.u32 v60, v12;
	v12 =	vand.u32 $0x7FFFFFFF, v16  }
0x1a9: {  	v50 =	vld [tilespmem:s15+$0x280];
	[tilespmem:s15+$0xB0] =	vst v54;
	v11 =	vsel vm0, $0x0, v11;
	vm0 =	vlt.s32 v60, v3;
	v12 =	vxor.u32 v62, v12  }
0x1aa: {  	[tilespmem:s15+$0x1E0] =	vst v6;
	v6 =	vsel vm0, $0x0, v8;
	v8 =	vsel vm1, $0x0, v12;
	v12 =	vand.u32 $0x7FFFFFFF, v17  }
0x1ab: {  	v57 =	vshra.s32 v47, $0x1F;
	v51 =	vld [tilespmem:s15+$0x290];
	[tilespmem:s15+$0x1F0] =	vst v7;
	v7 =	vxor.u32 v39, v12;
	v12 =	vshra.s32 v44, $0x1F  }
0x1ac: {  	[tilespmem:s15+$0xD0] =	vst v24;
	v60 =	vshra.s32 v53, $0x1F;
	vm0 =	vlt.s32 v39, v4;
	v12 =	vand.u32 $0x7FFFFFFF, v12  }
0x1ad: {  	[tilespmem:s15+$0x200] =	vst v9;
	v7 =	vsel vm0, $0x0, v7;
	v9 =	vxor.u32 v44, v12;
	v12 =	vand.u32 $0x7FFFFFFF, v57  }
0x1ae: {  	v54 =	vld [tilespmem:s15+$0x2B0];
	[tilespmem:s15+$0x210] =	vst v10;
	vm0 =	vlt.s32 v44, v2;
	v10 =	vxor.u32 v47, v12;
	v12 =	vshra.s32 v50, $0x1F  }
0x1af: {  	[tilespmem:s15+$0x180] =	vst v15;
	vm1 =	vlt.s32 v47, v3;
	v9 =	vsel vm0, $0x0, v9;
	v12 =	vand.u32 $0x7FFFFFFF, v12  }
0x1b0: {  	v56 =	vld [tilespmem:s15+$0x2C0];
	[tilespmem:s15+$0x220] =	vst v11;
	vm0 =	vlt.s32 v50, v5;
	v11 =	vxor.u32 v50, v12;
	v12 =	vshra.s32 v51, $0x1F  }
0x1b1: {  	v15 =	vld [tilespmem:s15+$0x2D0];
	[tilespmem:s15+$0x1A0] =	vst v13;
	v10 =	vsel vm1, $0x0, v10;
	vm1 =	vlt.s32 v53, v2;
	v12 =	vand.u32 $0x7FFFFFFF, v12  }
0x1b2: {  	[tilespmem:s15+$0x230] =	vst v6;
	v11 =	vsel vm0, $0x0, v11;
	v6 =	vxor.u32 v51, v12;
	v12 =	vand.u32 $0x7FFFFFFF, v60  }
0x1b3: {  	v13 =	vld [tilespmem:s15+$0x2E0];
	[tilespmem:s15+$0x240] =	vst v8;
	vm0 =	vlt.s32 v51, v4;
	v8 =	vxor.u32 v53, v12;
	v12 =	vshra.s32 v54, $0x1F  }
0x1b4: {  	[tilespmem:s15+$0xE0] =	vst v26;
	v6 =	vsel vm0, $0x0, v6;
	vm0 =	vlt.s32 v54, v3;
	v12 =	vand.u32 $0x7FFFFFFF, v12  }
0x1b5: {  	v14 =	vld [tilespmem:s15+$0x2F0];
	[tilespmem:s15+$0x250] =	vst v7;
	v8 =	vsel vm1, $0x0, v8;
	v7 =	vxor.u32 v54, v12;
	v12 =	vshra.s32 v56, $0x1F  }
0x1b6: {  	v16 =	vld [tilespmem:s15+$0x300];
	[tilespmem:s15+$0x260] =	vst v9;
	vm1 =	vlt.s32 v15, v4;
	v9 =	vand.u32 $0x7FFFFFFF, v12;
	v12 =	vshra.s32 v15, $0x1F  }
0x1b7: {  	[tilespmem:s15+$0xF0] =	vst v27;
	v7 =	vsel vm0, $0x0, v7;
	vm0 =	vlt.s32 v56, v5;
	v12 =	vand.u32 $0x7FFFFFFF, v12  }
0x1b8: {  	v58 =	vld [tilespmem:s15+$0x320];
	[tilespmem:s15+$0x270] =	vst v10;
	v9 =	vxor.u32 v56, v9;
	v10 =	vxor.u32 v15, v12;
	v12 =	vshra.s32 v13, $0x1F  }
0x1b9: {  	[tilespmem:s15+$0x100] =	vst v28;
	v17 =	vld [tilespmem:s15+$0x310];
	v9 =	vsel vm0, $0x0, v9;
	vm0 =	vlt.s32 v13, v2;
	v12 =	vand.u32 $0x7FFFFFFF, v12  }
0x1ba: {  	[tilespmem:s15+$0x280] =	vst v11;
	v15 =	vld [tilespmem:s15+$0x360];
	v10 =	vsel vm1, $0x0, v10;
	v11 =	vxor.u32 v13, v12;
	v12 =	vshra.s32 v14, $0x1F  }
0x1bb: {  	v59 =	vld [tilespmem:s15+$0x330];
	[tilespmem:s15+$0x290] =	vst v6;
	v6 =	vsel vm0, $0x0, v11;
	v11 =	vand.u32 $0x7FFFFFFF, v12;
	v12 =	vshra.s32 v16, $0x1F  }
0x1bc: {  	[tilespmem:s15+$0x120] =	vst v25;
	vm1 =	vlt.s32 v16, v5;
	vm0 =	vlt.s32 v14, v3;
	v12 =	vand.u32 $0x7FFFFFFF, v12  }
0x1bd: {  	[tilespmem:s15+$0x2A0] =	vst v8;
	v11 =	vxor.u32 v14, v11;
	v14 =	vshra.s32 v58, $0x1F;
	v8 =	vxor.u32 v16, v12  }
0x1be: {  	v61 =	vld [tilespmem:s15+$0x340];
	[tilespmem:s15+$0x2B0] =	vst v7;
	v12 =	vshra.s32 v17, $0x1F;
	v7 =	vsel vm0, $0x0, v11;
	vm0 =	vlt.s32 v17, v4  }
0x1bf: {  	v8 =	vsel vm1, $0x0, v8;
	v11 =	vand.u32 $0x7FFFFFFF, v12;
	[tilespmem:s15+$0x2F0] =	vst v7;
	v7 =	vshra.s32 v15, $0x1F  }
0x1c0: {  	[tilespmem:s15+$0x110] =	vst v23;
	v62 =	vld [tilespmem:s15+$0x350];
	vm1 =	vlt.s32 v59, v3;
	v11 =	vxor.u32 v17, v11;
	v7 =	vand.u32 $0x7FFFFFFF, v7  }
0x1c1: {  	[tilespmem:s15+$0x2C0] =	vst v9;
	v9 =	vsel vm0, $0x0, v11;
	v11 =	vand.u32 $0x7FFFFFFF, v14;
	v14 =	vshra.s32 v59, $0x1F  }
0x1c2: {  	[tilespmem:s15+$0x130] =	vst v41;
	v13 =	vld [tilespmem:s15+$0x370];
	vm0 =	vlt.s32 v58, v2;
	v7 =	vxor.u32 v15, v7;
	v14 =	vand.u32 $0x7FFFFFFF, v14  }
0x1c3: {  	[tilespmem:s15+$0x2D0] =	vst v10;
	v11 =	vxor.u32 v58, v11;
	v10 =	vxor.u32 v59, v14;
	v14 =	vshra.s32 v61, $0x1F  }
0x1c4: {  	[tilespmem:s15+$0x2E0] =	vst v6;
	v12 =	vld [tilespmem:s15+$0x380];
	v11 =	vsel vm0, $0x0, v11;
	vm0 =	vlt.s32 v61, v5;
	v6 =	vand.u32 $0x7FFFFFFF, v14  }
0x1c5: {  	[tilespmem:s15+$0x140] =	vst v29;
	v16 =	vld [tilespmem:s15+$0x390];
	v17 =	vsel vm1, $0x0, v10;
	v10 =	vshra.s32 v62, $0x1F;
	v6 =	vxor.u32 v61, v6  }
0x1c6: {  	[tilespmem:s15+$0x150] =	vst v20;
	vm1 =	vlt.s32 v15, v2;
	v14 =	vsel vm0, $0x0, v6;
	v6 =	vand.u32 $0x7FFFFFFF, v10  }
0x1c7: {  	v63 =	vld [tilespmem:s15+$0x3A0];
	[tilespmem:s15+$0x300] =	vst v8;
	v15 =	vshra.s32 v13, $0x1F;
	vm0 =	vlt.s32 v62, v4;
	v8 =	vxor.u32 v62, v6  }
0x1c8: {  	[tilespmem:s15+$0x310] =	vst v9;
	v10 =	vsel vm1, $0x0, v7;
	v9 =	vsel vm0, $0x0, v8;
	v8 =	vand.u32 $0x7FFFFFFF, v15  }
0x1c9: {  	[tilespmem:s15+$0x160] =	vst v21;
	v6 =	vld [tilespmem:s15+$0x3B0];
	vm0 =	vlt.s32 v13, v3;
	v8 =	vxor.u32 v13, v8;
	v13 =	vshra.s32 v12, $0x1F  }
0x1ca: {  	[tilespmem:s15+$0x320] =	vst v11;
	v7 =	vld [tilespmem:s15+$0x3C0];
	v11 =	vsel vm0, $0x0, v8;
	v8 =	vand.u32 $0x7FFFFFFF, v13;
	v13 =	vshra.s32 v16, $0x1F  }
0x1cb: {  	[tilespmem:s15+$0x170] =	vst v18;
	vm0 =	vlt.s32 v12, v5;
	v15 =	vxor.u32 v12, v8;
	v12 =	vand.u32 $0x7FFFFFFF, v13  }
0x1cc: {  	[tilespmem:s15+$0x330] =	vst v17;
	vm1 =	vlt.s32 v16, v4;
	v8 =	vld [tilespmem:s15+$0x3D0];
	v12 =	vxor.u32 v16, v12;
	v16 =	vshra.s32 v63, $0x1F  }
0x1cd: {  	[tilespmem:s15+$0x340] =	vst v14;
	v13 =	vsel vm0, $0x0, v15;
	vm0 =	vlt.s32 v63, v2;
	v14 =	vand.u32 $0x7FFFFFFF, v16  }
0x1ce: {  	s16 =	simm.s32 $0x1000;
	[tilespmem:s15+$0x350] =	vst v9;
	v9 =	vld [tilespmem:s15+$0x3E0];
	v15 =	vshra.s32 v6, $0x1F;
	v12 =	vsel vm1, $0x0, v12;
	v14 =	vxor.u32 v63, v14  }
.LBB2_10:
0x1cf: {  	p0 =	sne.s32 s16, $0x23000;
	[tilespmem:s15+$0x360] =	vst v10;
	v10 =	vsel vm0, $0x0, v14;
	v14 =	vand.u32 $0x7FFFFFFF, v15;
	v15 =	vshra.s32 v7, $0x1F;
	v16 =	vld [tilespmem:s15+$0x3F0]  }
0x1d0: {  	vm0 =	vlt.s32 v6, v3;
	[tilespmem:s15+$0x370] =	vst v11;
	v11 =	vxor.u32 v6, v14;
	v6 =	vand.u32 $0x7FFFFFFF, v15  }
0x1d1: {  	s17 =	sshra.s32 s16, $0x2;
	vm1 =	vlt.s32 v7, v5;
	[tilespmem:s15+$0x380] =	vst v13;
	v6 =	vxor.u32 v7, v6;
	v7 =	vshra.s32 v8, $0x1F  }
0x1d2: {  	v11 =	vsel vm0, $0x0, v11;
	v13 =	vld [tilespmem:s17+$0x0];
	[tilespmem:s15+$0x390] =	vst v12;
	v6 =	vsel vm1, $0x0, v6;
	v7 =	vand.u32 $0x7FFFFFFF, v7  }
0x1d3: {  	vm0 =	vlt.s32 v8, v4;
	[tilespmem:s15+$0x3A0] =	vst v10;
	v7 =	vxor.u32 v8, v7;
	v8 =	vshra.s32 v9, $0x1F  }
0x1d4: {  	v10 =	vld [tilespmem:s17+$0x10];
	[tilespmem:s15+$0x3B0] =	vst v11;
	v7 =	vsel vm0, $0x0, v7;
	v8 =	vand.u32 $0x7FFFFFFF, v8;
	v11 =	vshra.s32 v16, $0x1F  }
0x1d5: {  	vm0 =	vlt.s32 v9, v2;
	[tilespmem:s15+$0x3C0] =	vst v6;
	v6 =	vxor.u32 v9, v8;
	v8 =	vand.u32 $0x7FFFFFFF, v11  }
0x1d6: {  	v9 =	vld [tilespmem:s17+$0x20];
	[tilespmem:s15+$0x3D0] =	vst v7;
	v6 =	vsel vm0, $0x0, v6;
	v7 =	vxor.u32 v16, v8;
	vm0 =	vlt.s32 v16, v3  }
0x1d7: {  	v8 =	vshra.s32 v13, $0x1F;
	v11 =	vld [tilespmem:s17+$0x30];
	[tilespmem:s15+$0x3E0] =	vst v6;
	v6 =	vsel vm0, $0x0, v7  }
0x1d8: {  	v7 =	vand.u32 $0x7FFFFFFF, v8;
	[tilespmem:s15+$0x3F0] =	vst v6;
	s15 =	smov.u32 s17  }
0x1d9: {  	vm0 =	vlt.s32 v13, v5;
	v6 =	vxor.u32 v13, v7;
	v7 =	vshra.s32 v10, $0x1F;
	v12 =	vld [tilespmem:s15+$0x40]  }
0x1da: {  	v6 =	vsel vm0, $0x0, v6;
	v7 =	vand.u32 $0x7FFFFFFF, v7  }
0x1db: {  	vm0 =	vlt.s32 v10, v4;
	v7 =	vxor.u32 v10, v7;
	v8 =	vshra.s32 v9, $0x1F;
	v13 =	vld [tilespmem:s15+$0x50]  }
0x1dc: {  	v7 =	vsel vm0, $0x0, v7;
	v8 =	vand.u32 $0x7FFFFFFF, v8;
	v10 =	vshra.s32 v11, $0x1F;
	v14 =	vld [tilespmem:s15+$0x60]  }
0x1dd: {  	vm0 =	vlt.s32 v9, v2;
	v8 =	vxor.u32 v9, v8;
	v9 =	vand.u32 $0x7FFFFFFF, v10  }
0x1de: {  	vm1 =	vlt.s32 v11, v3;
	v9 =	vxor.u32 v11, v9;
	v11 =	vshra.s32 v12, $0x1F;
	v15 =	vld [tilespmem:s15+$0x70]  }
0x1df: {  	v10 =	vsel vm0, $0x0, v8;
	v8 =	vsel vm1, $0x0, v9;
	v9 =	vand.u32 $0x7FFFFFFF, v11  }
0x1e0: {  	vm0 =	vlt.s32 v12, v5;
	v9 =	vxor.u32 v12, v9;
	v11 =	vshra.s32 v13, $0x1F;
	v16 =	vld [tilespmem:s15+$0x80]  }
0x1e1: {  	v9 =	vsel vm0, $0x0, v9;
	v11 =	vand.u32 $0x7FFFFFFF, v11;
	v12 =	vshra.s32 v14, $0x1F;
	v17 =	vld [tilespmem:s15+$0x90]  }
0x1e2: {  	vm0 =	vlt.s32 v13, v4;
	v11 =	vxor.u32 v13, v11;
	v12 =	vand.u32 $0x7FFFFFFF, v12  }
0x1e3: {  	vm1 =	vlt.s32 v14, v2;
	v12 =	vxor.u32 v14, v12;
	v14 =	vshra.s32 v15, $0x1F;
	v18 =	vld [tilespmem:s15+$0xA0]  }
0x1e4: {  	v13 =	vsel vm0, $0x0, v11;
	v11 =	vsel vm1, $0x0, v12;
	v12 =	vand.u32 $0x7FFFFFFF, v14  }
0x1e5: {  	vm0 =	vlt.s32 v15, v3;
	v12 =	vxor.u32 v15, v12;
	v14 =	vshra.s32 v16, $0x1F;
	v19 =	vld [tilespmem:s15+$0xB0]  }
0x1e6: {  	v12 =	vsel vm0, $0x0, v12;
	v14 =	vand.u32 $0x7FFFFFFF, v14;
	v15 =	vshra.s32 v17, $0x1F;
	v20 =	vld [tilespmem:s15+$0xC0]  }
0x1e7: {  	vm0 =	vlt.s32 v16, v5;
	v14 =	vxor.u32 v16, v14;
	v15 =	vand.u32 $0x7FFFFFFF, v15  }
0x1e8: {  	vm1 =	vlt.s32 v17, v4;
	v15 =	vxor.u32 v17, v15;
	v17 =	vshra.s32 v18, $0x1F;
	v21 =	vld [tilespmem:s15+$0xD0]  }
0x1e9: {  	v16 =	vsel vm0, $0x0, v14;
	v14 =	vsel vm1, $0x0, v15;
	v15 =	vand.u32 $0x7FFFFFFF, v17  }
0x1ea: {  	vm0 =	vlt.s32 v18, v2;
	v15 =	vxor.u32 v18, v15;
	v17 =	vshra.s32 v19, $0x1F;
	v22 =	vld [tilespmem:s15+$0xE0]  }
0x1eb: {  	v15 =	vsel vm0, $0x0, v15;
	v17 =	vand.u32 $0x7FFFFFFF, v17;
	v18 =	vshra.s32 v20, $0x1F;
	v23 =	vld [tilespmem:s15+$0xF0]  }
0x1ec: {  	vm0 =	vlt.s32 v19, v3;
	v17 =	vxor.u32 v19, v17;
	v18 =	vand.u32 $0x7FFFFFFF, v18  }
0x1ed: {  	vm1 =	vlt.s32 v20, v5;
	v18 =	vxor.u32 v20, v18;
	v20 =	vshra.s32 v21, $0x1F;
	v24 =	vld [tilespmem:s15+$0x100]  }
0x1ee: {  	v19 =	vsel vm0, $0x0, v17;
	v17 =	vsel vm1, $0x0, v18;
	v18 =	vand.u32 $0x7FFFFFFF, v20  }
0x1ef: {  	vm0 =	vlt.s32 v21, v4;
	v18 =	vxor.u32 v21, v18;
	v20 =	vshra.s32 v22, $0x1F;
	v25 =	vld [tilespmem:s15+$0x110]  }
0x1f0: {  	v18 =	vsel vm0, $0x0, v18;
	v20 =	vand.u32 $0x7FFFFFFF, v20;
	v21 =	vshra.s32 v23, $0x1F;
	v26 =	vld [tilespmem:s15+$0x120]  }
0x1f1: {  	vm0 =	vlt.s32 v22, v2;
	v20 =	vxor.u32 v22, v20;
	v21 =	vand.u32 $0x7FFFFFFF, v21  }
0x1f2: {  	vm1 =	vlt.s32 v23, v3;
	v21 =	vxor.u32 v23, v21;
	v23 =	vshra.s32 v24, $0x1F;
	v27 =	vld [tilespmem:s15+$0x130]  }
0x1f3: {  	v22 =	vsel vm0, $0x0, v20;
	v20 =	vsel vm1, $0x0, v21;
	v21 =	vand.u32 $0x7FFFFFFF, v23  }
0x1f4: {  	vm0 =	vlt.s32 v24, v5;
	v21 =	vxor.u32 v24, v21;
	v23 =	vshra.s32 v25, $0x1F;
	v28 =	vld [tilespmem:s15+$0x140]  }
0x1f5: {  	v21 =	vsel vm0, $0x0, v21;
	v23 =	vand.u32 $0x7FFFFFFF, v23;
	v24 =	vshra.s32 v26, $0x1F;
	v29 =	vld [tilespmem:s15+$0x150]  }
0x1f6: {  	vm0 =	vlt.s32 v25, v4;
	v23 =	vxor.u32 v25, v23;
	v24 =	vand.u32 $0x7FFFFFFF, v24  }
0x1f7: {  	vm1 =	vlt.s32 v26, v2;
	v24 =	vxor.u32 v26, v24;
	v26 =	vshra.s32 v27, $0x1F;
	v30 =	vld [tilespmem:s15+$0x160]  }
0x1f8: {  	v25 =	vsel vm0, $0x0, v23;
	v23 =	vsel vm1, $0x0, v24;
	v24 =	vand.u32 $0x7FFFFFFF, v26  }
0x1f9: {  	vm0 =	vlt.s32 v27, v3;
	v24 =	vxor.u32 v27, v24;
	v26 =	vshra.s32 v28, $0x1F;
	v31 =	vld [tilespmem:s15+$0x170]  }
0x1fa: {  	v24 =	vsel vm0, $0x0, v24;
	v26 =	vand.u32 $0x7FFFFFFF, v26;
	v27 =	vshra.s32 v29, $0x1F;
	v32 =	vld [tilespmem:s15+$0x180]  }
0x1fb: {  	vm0 =	vlt.s32 v28, v5;
	v26 =	vxor.u32 v28, v26;
	v27 =	vand.u32 $0x7FFFFFFF, v27  }
0x1fc: {  	vm1 =	vlt.s32 v29, v4;
	v27 =	vxor.u32 v29, v27;
	v29 =	vshra.s32 v30, $0x1F;
	v33 =	vld [tilespmem:s15+$0x190]  }
0x1fd: {  	v28 =	vsel vm0, $0x0, v26;
	v26 =	vsel vm1, $0x0, v27;
	v27 =	vand.u32 $0x7FFFFFFF, v29  }
0x1fe: {  	vm0 =	vlt.s32 v30, v2;
	v27 =	vxor.u32 v30, v27;
	v29 =	vshra.s32 v31, $0x1F;
	v34 =	vld [tilespmem:s15+$0x1A0]  }
0x1ff: {  	v27 =	vsel vm0, $0x0, v27;
	v29 =	vand.u32 $0x7FFFFFFF, v29;
	v30 =	vshra.s32 v32, $0x1F;
	v35 =	vld [tilespmem:s15+$0x1B0]  }
0x200: {  	vm0 =	vlt.s32 v31, v3;
	v29 =	vxor.u32 v31, v29;
	v30 =	vand.u32 $0x7FFFFFFF, v30  }
0x201: {  	vm1 =	vlt.s32 v32, v5;
	v30 =	vxor.u32 v32, v30;
	v32 =	vshra.s32 v33, $0x1F;
	v36 =	vld [tilespmem:s15+$0x1C0]  }
0x202: {  	v31 =	vsel vm0, $0x0, v29;
	v29 =	vsel vm1, $0x0, v30;
	v30 =	vand.u32 $0x7FFFFFFF, v32  }
0x203: {  	vm0 =	vlt.s32 v33, v4;
	v30 =	vxor.u32 v33, v30;
	v32 =	vshra.s32 v34, $0x1F;
	v33 =	vld [tilespmem:s15+$0x1D0]  }
0x204: {  	v30 =	vsel vm0, $0x0, v30;
	v32 =	vand.u32 $0x7FFFFFFF, v32;
	v37 =	vshra.s32 v35, $0x1F;
	v38 =	vld [tilespmem:s15+$0x1E0]  }
0x205: {  	vm0 =	vlt.s32 v34, v2;
	[tilespmem:s15+$0x0] =	vst v6;
	v6 =	vxor.u32 v34, v32;
	v32 =	vand.u32 $0x7FFFFFFF, v37  }
0x206: {  	vm1 =	vlt.s32 v35, v3;
	[tilespmem:s15+$0x10] =	vst v7;
	v32 =	vxor.u32 v35, v32;
	v34 =	vshra.s32 v36, $0x1F;
	v35 =	vld [tilespmem:s15+$0x1F0]  }
0x207: {  	v7 =	vsel vm0, $0x0, v6;
	[tilespmem:s15+$0x20] =	vst v10;
	v6 =	vsel vm1, $0x0, v32;
	v10 =	vand.u32 $0x7FFFFFFF, v34  }
0x208: {  	vm0 =	vlt.s32 v36, v5;
	[tilespmem:s15+$0x30] =	vst v8;
	v8 =	vxor.u32 v36, v10;
	v10 =	vshra.s32 v33, $0x1F;
	v32 =	vld [tilespmem:s15+$0x200]  }
0x209: {  	[tilespmem:s15+$0x40] =	vst v9;
	v8 =	vsel vm0, $0x0, v8;
	v9 =	vand.u32 $0x7FFFFFFF, v10;
	v10 =	vshra.s32 v38, $0x1F;
	v34 =	vld [tilespmem:s15+$0x210]  }
0x20a: {  	vm0 =	vlt.s32 v33, v4;
	[tilespmem:s15+$0x50] =	vst v13;
	v9 =	vxor.u32 v33, v9;
	v10 =	vand.u32 $0x7FFFFFFF, v10  }
0x20b: {  	vm1 =	vlt.s32 v38, v2;
	[tilespmem:s15+$0x60] =	vst v11;
	v10 =	vxor.u32 v38, v10;
	v11 =	vshra.s32 v35, $0x1F;
	v13 =	vld [tilespmem:s15+$0x220]  }
0x20c: {  	v9 =	vsel vm0, $0x0, v9;
	[tilespmem:s15+$0x70] =	vst v12;
	v10 =	vsel vm1, $0x0, v10;
	v11 =	vand.u32 $0x7FFFFFFF, v11  }
0x20d: {  	vm0 =	vlt.s32 v35, v3;
	[tilespmem:s15+$0x80] =	vst v16;
	v11 =	vxor.u32 v35, v11;
	v12 =	vshra.s32 v32, $0x1F;
	v16 =	vld [tilespmem:s15+$0x230]  }
0x20e: {  	[tilespmem:s15+$0x90] =	vst v14;
	v11 =	vsel vm0, $0x0, v11;
	v12 =	vand.u32 $0x7FFFFFFF, v12;
	v14 =	vshra.s32 v34, $0x1F;
	v33 =	vld [tilespmem:s15+$0x240]  }
0x20f: {  	vm0 =	vlt.s32 v32, v5;
	[tilespmem:s15+$0xA0] =	vst v15;
	v12 =	vxor.u32 v32, v12;
	v14 =	vand.u32 $0x7FFFFFFF, v14  }
0x210: {  	vm1 =	vlt.s32 v34, v4;
	[tilespmem:s15+$0xB0] =	vst v19;
	v14 =	vxor.u32 v34, v14;
	v15 =	vshra.s32 v13, $0x1F;
	v19 =	vld [tilespmem:s15+$0x250]  }
0x211: {  	v12 =	vsel vm0, $0x0, v12;
	[tilespmem:s15+$0xC0] =	vst v17;
	v14 =	vsel vm1, $0x0, v14;
	v15 =	vand.u32 $0x7FFFFFFF, v15  }
0x212: {  	vm0 =	vlt.s32 v13, v2;
	[tilespmem:s15+$0xD0] =	vst v18;
	v15 =	vxor.u32 v13, v15;
	v13 =	vshra.s32 v16, $0x1F;
	v17 =	vld [tilespmem:s15+$0x260]  }
0x213: {  	[tilespmem:s15+$0xE0] =	vst v22;
	v15 =	vsel vm0, $0x0, v15;
	v13 =	vand.u32 $0x7FFFFFFF, v13;
	v18 =	vshra.s32 v33, $0x1F;
	v22 =	vld [tilespmem:s15+$0x270]  }
0x214: {  	vm0 =	vlt.s32 v16, v3;
	[tilespmem:s15+$0xF0] =	vst v20;
	v13 =	vxor.u32 v16, v13;
	v16 =	vand.u32 $0x7FFFFFFF, v18  }
0x215: {  	vm1 =	vlt.s32 v33, v5;
	[tilespmem:s15+$0x100] =	vst v21;
	v16 =	vxor.u32 v33, v16;
	v18 =	vshra.s32 v19, $0x1F;
	v20 =	vld [tilespmem:s15+$0x280]  }
0x216: {  	v13 =	vsel vm0, $0x0, v13;
	[tilespmem:s15+$0x110] =	vst v25;
	v16 =	vsel vm1, $0x0, v16;
	v18 =	vand.u32 $0x7FFFFFFF, v18  }
0x217: {  	vm0 =	vlt.s32 v19, v4;
	[tilespmem:s15+$0x120] =	vst v23;
	v18 =	vxor.u32 v19, v18;
	v19 =	vshra.s32 v17, $0x1F;
	v21 =	vld [tilespmem:s15+$0x290]  }
0x218: {  	[tilespmem:s15+$0x130] =	vst v24;
	v18 =	vsel vm0, $0x0, v18;
	v19 =	vand.u32 $0x7FFFFFFF, v19;
	v23 =	vshra.s32 v22, $0x1F;
	v24 =	vld [tilespmem:s15+$0x2A0]  }
0x219: {  	vm0 =	vlt.s32 v17, v2;
	[tilespmem:s15+$0x140] =	vst v28;
	v19 =	vxor.u32 v17, v19;
	v17 =	vand.u32 $0x7FFFFFFF, v23  }
0x21a: {  	vm1 =	vlt.s32 v22, v3;
	[tilespmem:s15+$0x150] =	vst v26;
	v17 =	vxor.u32 v22, v17;
	v22 =	vshra.s32 v20, $0x1F;
	v23 =	vld [tilespmem:s15+$0x2B0]  }
0x21b: {  	v19 =	vsel vm0, $0x0, v19;
	[tilespmem:s15+$0x160] =	vst v27;
	v17 =	vsel vm1, $0x0, v17;
	v22 =	vand.u32 $0x7FFFFFFF, v22  }
0x21c: {  	vm0 =	vlt.s32 v20, v5;
	[tilespmem:s15+$0x170] =	vst v31;
	v22 =	vxor.u32 v20, v22;
	v20 =	vshra.s32 v21, $0x1F;
	v25 =	vld [tilespmem:s15+$0x2C0]  }
0x21d: {  	[tilespmem:s15+$0x180] =	vst v29;
	v22 =	vsel vm0, $0x0, v22;
	v20 =	vand.u32 $0x7FFFFFFF, v20;
	v26 =	vshra.s32 v24, $0x1F;
	v27 =	vld [tilespmem:s15+$0x2D0]  }
0x21e: {  	vm0 =	vlt.s32 v21, v4;
	[tilespmem:s15+$0x190] =	vst v30;
	v20 =	vxor.u32 v21, v20;
	v21 =	vand.u32 $0x7FFFFFFF, v26  }
0x21f: {  	vm1 =	vlt.s32 v24, v2;
	[tilespmem:s15+$0x1A0] =	vst v7;
	v7 =	vxor.u32 v24, v21;
	v21 =	vshra.s32 v23, $0x1F;
	v24 =	vld [tilespmem:s15+$0x2E0]  }
0x220: {  	[tilespmem:s15+$0x1B0] =	vst v6;
	v6 =	vsel vm0, $0x0, v20;
	v7 =	vsel vm1, $0x0, v7;
	v20 =	vand.u32 $0x7FFFFFFF, v21  }
0x221: {  	vm0 =	vlt.s32 v23, v3;
	[tilespmem:s15+$0x1C0] =	vst v8;
	v8 =	vxor.u32 v23, v20;
	v20 =	vshra.s32 v25, $0x1F;
	v21 =	vld [tilespmem:s15+$0x2F0]  }
0x222: {  	[tilespmem:s15+$0x1D0] =	vst v9;
	v8 =	vsel vm0, $0x0, v8;
	v9 =	vand.u32 $0x7FFFFFFF, v20;
	v20 =	vshra.s32 v27, $0x1F;
	v23 =	vld [tilespmem:s15+$0x300]  }
0x223: {  	vm0 =	vlt.s32 v25, v5;
	[tilespmem:s15+$0x1E0] =	vst v10;
	v9 =	vxor.u32 v25, v9;
	v10 =	vand.u32 $0x7FFFFFFF, v20  }
0x224: {  	vm1 =	vlt.s32 v27, v4;
	[tilespmem:s15+$0x1F0] =	vst v11;
	v10 =	vxor.u32 v27, v10;
	v11 =	vshra.s32 v24, $0x1F;
	v20 =	vld [tilespmem:s15+$0x310]  }
0x225: {  	v9 =	vsel vm0, $0x0, v9;
	[tilespmem:s15+$0x200] =	vst v12;
	v10 =	vsel vm1, $0x0, v10;
	v11 =	vand.u32 $0x7FFFFFFF, v11  }
0x226: {  	vm0 =	vlt.s32 v24, v2;
	[tilespmem:s15+$0x210] =	vst v14;
	v11 =	vxor.u32 v24, v11;
	v12 =	vshra.s32 v21, $0x1F;
	v14 =	vld [tilespmem:s15+$0x320]  }
0x227: {  	[tilespmem:s15+$0x220] =	vst v15;
	v11 =	vsel vm0, $0x0, v11;
	v12 =	vand.u32 $0x7FFFFFFF, v12;
	v15 =	vshra.s32 v23, $0x1F;
	v24 =	vld [tilespmem:s15+$0x330]  }
0x228: {  	vm0 =	vlt.s32 v21, v3;
	[tilespmem:s15+$0x230] =	vst v13;
	v12 =	vxor.u32 v21, v12;
	v13 =	vand.u32 $0x7FFFFFFF, v15  }
0x229: {  	vm1 =	vlt.s32 v23, v5;
	[tilespmem:s15+$0x240] =	vst v16;
	v13 =	vxor.u32 v23, v13;
	v15 =	vshra.s32 v20, $0x1F;
	v16 =	vld [tilespmem:s15+$0x340]  }
0x22a: {  	v12 =	vsel vm0, $0x0, v12;
	[tilespmem:s15+$0x250] =	vst v18;
	v13 =	vsel vm1, $0x0, v13;
	v15 =	vand.u32 $0x7FFFFFFF, v15  }
0x22b: {  	vm0 =	vlt.s32 v20, v4;
	[tilespmem:s15+$0x260] =	vst v19;
	v15 =	vxor.u32 v20, v15;
	v18 =	vshra.s32 v14, $0x1F;
	v19 =	vld [tilespmem:s15+$0x350]  }
0x22c: {  	[tilespmem:s15+$0x270] =	vst v17;
	v15 =	vsel vm0, $0x0, v15;
	v17 =	vand.u32 $0x7FFFFFFF, v18;
	v18 =	vshra.s32 v24, $0x1F;
	v20 =	vld [tilespmem:s15+$0x360]  }
0x22d: {  	vm0 =	vlt.s32 v14, v2;
	[tilespmem:s15+$0x280] =	vst v22;
	v17 =	vxor.u32 v14, v17;
	v14 =	vand.u32 $0x7FFFFFFF, v18  }
0x22e: {  	vm1 =	vlt.s32 v24, v3;
	[tilespmem:s15+$0x290] =	vst v6;
	v6 =	vxor.u32 v24, v14;
	v14 =	vshra.s32 v16, $0x1F;
	v18 =	vld [tilespmem:s15+$0x370]  }
0x22f: {  	v17 =	vsel vm0, $0x0, v17;
	[tilespmem:s15+$0x2A0] =	vst v7;
	v21 =	vsel vm1, $0x0, v6;
	v6 =	vand.u32 $0x7FFFFFFF, v14  }
0x230: {  	vm0 =	vlt.s32 v16, v5;
	[tilespmem:s15+$0x2B0] =	vst v8;
	v6 =	vxor.u32 v16, v6;
	v7 =	vshra.s32 v19, $0x1F;
	v8 =	vld [tilespmem:s15+$0x380]  }
0x231: {  	[tilespmem:s15+$0x2C0] =	vst v9;
	v9 =	vsel vm0, $0x0, v6;
	v6 =	vand.u32 $0x7FFFFFFF, v7;
	v7 =	vshra.s32 v20, $0x1F;
	v14 =	vld [tilespmem:s15+$0x390]  }
0x232: {  	vm0 =	vlt.s32 v19, v4;
	[tilespmem:s15+$0x2D0] =	vst v10;
	v6 =	vxor.u32 v19, v6;
	v7 =	vand.u32 $0x7FFFFFFF, v7  }
0x233: {  	vm1 =	vlt.s32 v20, v2;
	[tilespmem:s15+$0x2E0] =	vst v11;
	v7 =	vxor.u32 v20, v7;
	v11 =	vshra.s32 v18, $0x1F;
	v16 =	vld [tilespmem:s15+$0x3A0]  }
0x234: {  	v19 =	vsel vm0, $0x0, v6;
	[tilespmem:s15+$0x2F0] =	vst v12;
	v10 =	vsel vm1, $0x0, v7;
	v6 =	vand.u32 $0x7FFFFFFF, v11  }
0x235: {  	vm0 =	vlt.s32 v18, v3;
	[tilespmem:s15+$0x300] =	vst v13;
	v7 =	vxor.u32 v18, v6;
	v12 =	vshra.s32 v8, $0x1F;
	v6 =	vld [tilespmem:s15+$0x3B0]  }
.Ltmp8:
0x236: {  	[tilespmem:s15+$0x310] =	vst v15;
	v11 =	vsel vm0, $0x0, v7;
	v12 =	vand.u32 $0x7FFFFFFF, v12;
	v13 =	vshra.s32 v14, $0x1F;
	v7 =	vld [tilespmem:s15+$0x3C0];
	(pc) =	sbr.rel @p0 .LBB2_10-.Ltmp8, $4  }
0x237: {  	vm0 =	vlt.s32 v8, v5;
	[tilespmem:s15+$0x320] =	vst v17;
	v12 =	vxor.u32 v8, v12;
	v8 =	vand.u32 $0x7FFFFFFF, v13  }
0x238: {  	vm1 =	vlt.s32 v14, v4;
	[tilespmem:s15+$0x330] =	vst v21;
	v15 =	vxor.u32 v14, v8;
	v14 =	vshra.s32 v16, $0x1F;
	v8 =	vld [tilespmem:s15+$0x3D0]  }
0x239: {  	v13 =	vsel vm0, $0x0, v12;
	[tilespmem:s15+$0x340] =	vst v9;
	v12 =	vsel vm1, $0x0, v15;
	v9 =	vand.u32 $0x7FFFFFFF, v14  }
0x23a: {  	s16 =	sadd.s32 $0x1000, s16;
	vm0 =	vlt.s32 v16, v2;
	[tilespmem:s15+$0x350] =	vst v19;
	v14 =	vxor.u32 v16, v9;
	v15 =	vshra.s32 v6, $0x1F;
	v9 =	vld [tilespmem:s15+$0x3E0]  }
0x23b: {  	[tilespmem:s15+$0x360] =	vst v10;
	v55 =	vsel vm0, $0x0, v14;
	v56 =	vand.u32 $0x7FFFFFFF, v15;
	v57 =	vshra.s32 v7, $0x1F;
	v16 =	vld [tilespmem:s15+$0x3F0]  }
0x23c: {  	[tilespmem:s15+$0x370] =	vst v11;
	vm12 =	vlt.s32 v6, v3;
	vm1 =	vlt.s32 v7, v5;
	v59 =	vand.u32 $0x7FFFFFFF, v57  }
0x23d: {  	[tilespmem:s15+$0x380] =	vst v13;
	v58 =	vxor.u32 v6, v56;
	v6 =	vxor.u32 v7, v59;
	v60 =	vshra.s32 v8, $0x1F  }
0x23e: {  	[tilespmem:s15+$0x390] =	vst v12;
	v61 =	vsel vm12, $0x0, v58;
	vm13 =	vlt.s32 v8, v4;
	v5 =	vand.u32 $0x7FFFFFFF, v60  }
0x23f: {  	[tilespmem:s15+$0x3A0] =	vst v55;
	v6 =	vsel vm1, $0x0, v6;
	v5 =	vxor.u32 v8, v5;
	v62 =	vshra.s32 v9, $0x1F  }
0x240: {  	[tilespmem:s15+$0x3B0] =	vst v61;
	vm14 =	vlt.s32 v9, v2;
	v4 =	vand.u32 $0x7FFFFFFF, v62;
	v63 =	vshra.s32 v16, $0x1F  }
0x241: {  	[tilespmem:s15+$0x3C0] =	vst v6;
	v5 =	vsel vm13, $0x0, v5;
	v4 =	vxor.u32 v9, v4;
	v2 =	vand.u32 $0x7FFFFFFF, v63  }
0x242: {  	vm15 =	vlt.s32 v16, v3;
	[tilespmem:s15+$0x3D0] =	vst v5;
	v4 =	vsel vm14, $0x0, v4;
	v2 =	vxor.u32 v16, v2  }
0x243: {  	[tilespmem:s15+$0x3E0] =	vst v4;
	v2 =	vsel vm15, $0x0, v2  }
.Ltmp9:
0x244: {  	s14 =	sadd.s32 s5, s14;
	[tilespmem:s15+$0x3F0] =	vst v2;
	(pc) =	sbr.rel .LBB2_12-.Ltmp9, $4  }
0x245: {  	[hbm4b:s14+s8] =	stream.strided.scatter [tilespmem:s2], [sflag:$0x1], $0x9000, s9, s8, $0x38;
	[tilespmem:$0x9000] =	vst v63  }
0x246: {  	_ =	swait.ge [sflag:s11], $0x9000  }
0x247: {  	[sflag:s11] =	ssyncset.done $0x0  }
0x248: {  	[sflag:s11] =	ssyncadd.s32 $0xFFFF7000  }
.LBB2_14:
0x249: {  	_ =	sfence.sel $0x180000  }
0x24a: {  	[bflag:$0x0] =	sbarrier.arrive $0xFFFF  }
0x24b: {  	p0 =	sne.s32 s3, $0x0;
	_ =	strace $0x90000047  }
0x24c: {  	s0 =	sadd.s32 @!p0 $0x100000, s0;
	[bflag:$0x2] =	sbarrier.arrive $0xFFFF  }
0x24d: {  	[sflag:s0] =	ssyncadd.tile.s32 @!p0 $0x1;
	_ =	shalt  }
.Lfunc_end2:
_tile_overlayer_lowered:
.L_overlay_start_2:
0x24e: {  	(tag) =	ssettag $0x2  }
0x24f: {  	s0 =	rddreg [dreg:$0x0];
	s2 =	stileid.u32  }
0x250: {  	s1 =	rddreg [dreg:$0x1];
	p0 =	sne.s32 s2, $0x0  }
0x251: {  	s3 =	rddreg [dreg:$0x2];
	[bflag:$0x3] =	sbarrier.arrive $0xFFFF;
	s2 =	simm.s32 @!p0 $0x1C01  }
0x252: {  	[timem:s3], [sflag:s2] =	dma.local @!p0 [hbm:s0], s1  }
0x253: {  	s0 =	simm.s32 @!p0 $0x1  }
0x254: {  	_ =	swait.ge @!p0 [sflag:s0], s1  }
0x255: {  	s1 =	ssub.s32 @!p0 $0x0, s1;
	[sflag:s0] =	ssyncset.done @!p0 $0x0  }
0x256: {  	[sflag:s0] =	ssyncadd.s32 @!p0 s1  }
0x257: {  	[bflag:$0x3] =	sbarrier.arrive $0xFFFF  }
0x258: {  	_ =	shalt  }

</sc_bundles>
